<compile_context>
chip_gen: v7x
topology: tpu7x:2x2x1
jax: 0.10.2.dev20260603
libtpu: 0.0.44.dev20260713+nightly
codegen_flags: <defaults>
</compile_context>

<pallas_src>
import functools

import jax
import jax.numpy as jnp
from jax import lax
from jax.experimental import pallas as pl
from jax.experimental.pallas import tpu as pltpu
from jax.experimental.pallas import tpu_sc as plsc

EMB = 64
PITCH = 128
B = 16384
K = 20
NC = 2
NS = 16
NW = NC * NS
PER_W = B // NW
CHUNK = 16
NCHUNK = PER_W // CHUNK
VN_PER_CHUNK = CHUNK * K



TBW = 2048


def _xpose_body(x_ref, o_ref):
    o_ref[:, 0:EMB] = jnp.transpose(x_ref[...])


def _to_row_major(table):
    xt = table.T
    n = (xt.shape[1] + TBW - 1) // TBW
    return pl.pallas_call(
        _xpose_body,
        grid=(n,),
        in_specs=[pl.BlockSpec((EMB, TBW), lambda i: (0, i))],
        out_specs=pl.BlockSpec((TBW, PITCH), lambda i: (i, 0)),
        out_shape=jax.ShapeDtypeStruct((xt.shape[1], PITCH), jnp.float32),
    )(xt)


def _neg_logsig(y):
    t = jnp.exp(-jnp.abs(y))
    s = t / (t + 2.0)
    s2 = s * s
    p = s2 * (1.0 / 9.0) + (1.0 / 7.0)
    p = s2 * p + (1.0 / 5.0)
    p = s2 * p + (1.0 / 3.0)
    p = s2 * p + 1.0
    r = s * p
    return jnp.maximum(y, 0.0) + (r + r)


def _sc_body(u_hbm, vp_hbm, vn_hbm, in_tab, out_tab, out_hbm,
             idx_u, idx_vp, idx_vn, u_rows, vp_rows, vn_rows, out_stage,
             sem0, sem1):
    wid = lax.axis_index("s") * NC + lax.axis_index("c")
    base = wid * PER_W

    pltpu.sync_copy(u_hbm.at[pl.ds(base, PER_W)], idx_u)
    pltpu.sync_copy(vp_hbm.at[pl.ds(base, PER_W)], idx_vp)
    pltpu.sync_copy(vn_hbm.at[pl.ds(base * K, PER_W * K)], idx_vn)

    sems = (sem0, sem1)

    def gather_descs(c, slot):
        sem = sems[slot]
        ds = [
            (in_tab.at[idx_u.at[pl.ds(c * CHUNK, CHUNK)]],
             u_rows.at[slot], sem),
            (out_tab.at[idx_vp.at[pl.ds(c * CHUNK, CHUNK)]],
             vp_rows.at[slot], sem),
        ]
        for off, num in ((0, 128), (128, 128), (256, 64)):
            ds.append(
                (out_tab.at[idx_vn.at[pl.ds(c * VN_PER_CHUNK + off, num)]],
                 vn_rows.at[slot, pl.ds(off, num)], sem))
        return ds

    def start(c, slot):
        for src, dst, sem in gather_descs(c, slot):
            pltpu.async_copy(src, dst, sem)

    def drain(c, slot):
        for src, dst, sem in gather_descs(c, slot):
            pltpu.make_async_copy(src, dst, sem).wait()

    e = lax.iota(jnp.int32, 16)
    e20 = e * K

    def dot_pass(uref, vrefs_rows):
        zero = jnp.zeros((16,), jnp.float32)

        @plsc.parallel_loop(0, EMB, unroll=4,
                            carry=(zero,) * len(vrefs_rows))
        def accs(d, accs):
            cold = jnp.full((16,), d, jnp.int32)
            u_d = plsc.load_gather(uref, [e, cold])
            new = []
            for a, (ref, rowv) in zip(accs, vrefs_rows):
                v_d = plsc.load_gather(ref, [rowv, cold])
                new.append(a + u_d * v_d)
            return tuple(new)

        return accs

    def compute(slot, tot):
        ur = u_rows.at[slot]
        vpr = vp_rows.at[slot]
        vnr = vn_rows.at[slot]
        accs1 = dot_pass(ur, [(vpr, e)] + [(vnr, e20 + k)
                                           for k in range(10)])
        accs2 = dot_pass(ur, [(vnr, e20 + k) for k in range(10, 20)])
        tot = tot + _neg_logsig(-accs1[0])
        for a in accs1[1:]:
            tot = tot + _neg_logsig(a)
        for a in accs2:
            tot = tot + _neg_logsig(a)
        return tot

    start(0, 0)

    def outer(t, tot):
        c0 = 2 * t
        drain(c0, 0)
        start(c0 + 1, 1)
        tot = compute(0, tot)
        drain(c0 + 1, 1)

        @pl.when(c0 + 2 < NCHUNK)
        def _():
            start(c0 + 2, 0)

        tot = compute(1, tot)
        return tot

    tot = lax.fori_loop(0, NCHUNK // 2, outer, jnp.zeros((16,), jnp.float32))
    out_stage[...] = tot
    pltpu.sync_copy(out_stage, out_hbm.at[wid])


_mesh = plsc.VectorSubcoreMesh(core_axis_name="c", subcore_axis_name="s")

_partial_loss = functools.partial(
    pl.kernel,
    mesh=_mesh,
    compiler_params=pltpu.CompilerParams(needs_layout_passes=False,
                                         use_tc_tiling_on_sc=False),
    out_type=jax.ShapeDtypeStruct((NW, 16), jnp.float32),
    scratch_types=[
        pltpu.VMEM((PER_W,), jnp.int32),
        pltpu.VMEM((PER_W,), jnp.int32),
        pltpu.VMEM((PER_W * K,), jnp.int32),
        pltpu.VMEM((2, CHUNK, PITCH), jnp.float32),
        pltpu.VMEM((2, CHUNK, PITCH), jnp.float32),
        pltpu.VMEM((2, VN_PER_CHUNK, PITCH), jnp.float32),
        pltpu.VMEM((16,), jnp.float32),
        pltpu.SemaphoreType.DMA,
        pltpu.SemaphoreType.DMA,
    ],
)(_sc_body)


def kernel(u, v_pos, v_neg, input_embeddings, output_embeddings):
    u_f = u.reshape(B).astype(jnp.int32)
    vp_f = v_pos.reshape(B).astype(jnp.int32)
    vn_f = v_neg.reshape(B * K).astype(jnp.int32)
    inp = _to_row_major(input_embeddings)
    outp = _to_row_major(output_embeddings)
    parts = _partial_loss(u_f, vp_f, vn_f, inp, outp)
    return jnp.sum(parts)

# --- scband reference (transcript-rebuilt; emitter-appended) ---
"""Pipeline reference for scband-word2-vec-skip-gram-24945170055963 (READ-ONLY COPY).

The authoritative reference and input builder live on the scoring server;
editing this copy changes nothing except your own understanding.
"""

import jax, jax.numpy as jnp
import numpy as np

EMBEDDING_SIZE = 64
N_INPUTS = 1000000
N_OUTPUTS = 1000000
BATCH = 16384
N_NEG = 20


def setup_inputs(seed: int = 0) -> dict:
    key = jax.random.key(seed)
    k_u, k_vp, k_vn, k_in, k_out = jax.random.split(key, 5)
    u = jax.random.randint(k_u, (BATCH, 1), 0, N_INPUTS, dtype=jnp.int64 if jax.config.jax_enable_x64 else jnp.int32)
    v_pos = jax.random.randint(k_vp, (BATCH, 1), 0, N_OUTPUTS, dtype=u.dtype)
    v_neg = jax.random.randint(k_vn, (BATCH, N_NEG), 0, N_OUTPUTS, dtype=u.dtype)
    initrange = 0.5 / EMBEDDING_SIZE
    input_embeddings = jax.random.uniform(k_in, (N_INPUTS, EMBEDDING_SIZE), dtype=jnp.float32, minval=-initrange, maxval=initrange)
    output_embeddings = jax.random.normal(k_out, (N_OUTPUTS, EMBEDDING_SIZE), dtype=jnp.float32) * 0.01
    return {
        'u': u,
        'v_pos': v_pos,
        'v_neg': v_neg,
        'input_embeddings': input_embeddings,
        'output_embeddings': output_embeddings,
    }


def reference(u, v_pos, v_neg, input_embeddings, output_embeddings):
    # embedding lookups (gather)
    u_emb = jnp.take(input_embeddings, u, axis=0)        # [B, 1, d]
    vp_emb = jnp.take(output_embeddings, v_pos, axis=0)  # [B, 1, d]
    vn_emb = jnp.take(output_embeddings, v_neg, axis=0)  # [B, K, d]
    pos_score = jnp.sum(u_emb * vp_emb, axis=-1)         # [B, 1]
    pos_score = jax.nn.log_sigmoid(pos_score)
    neg_score = jnp.sum(u_emb * vn_emb, axis=-1)         # [B, K] via broadcast of [B,1,d]
    neg_score = jax.nn.log_sigmoid(-1.0 * neg_score)
    return -1.0 * (jnp.sum(pos_score) + jnp.sum(neg_score))

if __name__ == "__main__":
    import jax
    _d = setup_inputs()
    print(jax.jit(kernel)(*tuple(_d.values())))

</pallas_src>

<mosaic_0001>
#map = affine_map<(d0, d1) -> (0)>
#map1 = affine_map<(d0, d1) -> (0, 0)>
module attributes {stable_mosaic.version = 14 : i64} {
  func.func @_sc_body(%arg0: i32, %arg1: i32, %arg2: memref<16384xi32, #tpu.memory_space<hbm>>, %arg3: memref<16384xi32, #tpu.memory_space<hbm>>, %arg4: memref<327680xi32, #tpu.memory_space<hbm>>, %arg5: memref<1000000x128xf32, #tpu.memory_space<hbm>>, %arg6: memref<1000000x128xf32, #tpu.memory_space<hbm>>, %arg7: memref<32x16xf32, #tpu.memory_space<hbm>>, %arg8: memref<512xi32, #tpu.memory_space<vmem>>, %arg9: memref<512xi32, #tpu.memory_space<vmem>>, %arg10: memref<10240xi32, #tpu.memory_space<vmem>>, %arg11: memref<2x16x128xf32, #tpu.memory_space<vmem>>, %arg12: memref<2x16x128xf32, #tpu.memory_space<vmem>>, %arg13: memref<2x320x128xf32, #tpu.memory_space<vmem>>, %arg14: memref<16xf32, #tpu.memory_space<vmem>>, %arg15: memref<!tpu.dma_semaphore, #tpu.memory_space<semaphore_mem>>, %arg16: memref<!tpu.dma_semaphore, #tpu.memory_space<semaphore_mem>>) attributes {dimension_semantics = [#tpu.dimension_semantics<core_parallel>, #tpu.dimension_semantics<subcore_parallel>], iteration_bounds = array<i64: 2, 16>, scalar_prefetch = 0 : i64, scratch_operands = 9 : i64, tpu.core_type = #tpu.core_type<sc_vector_subcore>, window_params = [{transform_indices = #map}, {transform_indices = #map}, {transform_indices = #map}, {transform_indices = #map1}, {transform_indices = #map1}, {transform_indices = #map1}]} {
    %mul3A = arith.constant 2 : i32
    %mul3A_0 = arith.muli %arg1, %mul3A : i32
    %add3A = arith.addi %mul3A_0, %arg0 : i32
    %mul3A_1 = arith.constant 512 : i32
    %mul3A_2 = arith.muli %add3A, %mul3A_1 : i32
    "tpu.region"() ({
      %run_scoped3A = tpu.sem_alloc : memref<!tpu.dma_semaphore, #tpu.memory_space<semaphore_mem>>
      %dma_start3A_64 = tpu.memref_slice %arg2[%mul3A_2] : memref<16384xi32, #tpu.memory_space<hbm>> -> memref<512xi32, #tpu.memory_space<hbm>>
      %dma_start3A_65 = tpu.memref_slice %arg2[%mul3A_2] : memref<16384xi32, #tpu.memory_space<hbm>> -> memref<512xi32, #tpu.memory_space<hbm>>
      tpu.enqueue_dma source(%dma_start3A_65 : memref<512xi32, #tpu.memory_space<hbm>>) target(%arg8 : memref<512xi32, #tpu.memory_space<vmem>>) target_semaphore(%run_scoped3A : memref<!tpu.dma_semaphore, #tpu.memory_space<semaphore_mem>>)
      %dma_wait3A = tpu.memref_slice %arg2[%mul3A_2] : memref<16384xi32, #tpu.memory_space<hbm>> -> memref<512xi32, #tpu.memory_space<hbm>>
      %dma_wait3A_66 = tpu.memref_slice %arg2[%mul3A_2] : memref<16384xi32, #tpu.memory_space<hbm>> -> memref<512xi32, #tpu.memory_space<hbm>>
      tpu.wait_dma2 semaphore(%run_scoped3A : memref<!tpu.dma_semaphore, #tpu.memory_space<semaphore_mem>>) src(%dma_wait3A_66 : memref<512xi32, #tpu.memory_space<hbm>>) dst(%arg8 : memref<512xi32, #tpu.memory_space<vmem>>)
      tpu.yield
    }) : () -> ()
    "tpu.region"() ({
      %run_scoped3A = tpu.sem_alloc : memref<!tpu.dma_semaphore, #tpu.memory_space<semaphore_mem>>
      %dma_start3A_64 = tpu.memref_slice %arg3[%mul3A_2] : memref<16384xi32, #tpu.memory_space<hbm>> -> memref<512xi32, #tpu.memory_space<hbm>>
      %dma_start3A_65 = tpu.memref_slice %arg3[%mul3A_2] : memref<16384xi32, #tpu.memory_space<hbm>> -> memref<512xi32, #tpu.memory_space<hbm>>
      tpu.enqueue_dma source(%dma_start3A_65 : memref<512xi32, #tpu.memory_space<hbm>>) target(%arg9 : memref<512xi32, #tpu.memory_space<vmem>>) target_semaphore(%run_scoped3A : memref<!tpu.dma_semaphore, #tpu.memory_space<semaphore_mem>>)
      %dma_wait3A = tpu.memref_slice %arg3[%mul3A_2] : memref<16384xi32, #tpu.memory_space<hbm>> -> memref<512xi32, #tpu.memory_space<hbm>>
      %dma_wait3A_66 = tpu.memref_slice %arg3[%mul3A_2] : memref<16384xi32, #tpu.memory_space<hbm>> -> memref<512xi32, #tpu.memory_space<hbm>>
      tpu.wait_dma2 semaphore(%run_scoped3A : memref<!tpu.dma_semaphore, #tpu.memory_space<semaphore_mem>>) src(%dma_wait3A_66 : memref<512xi32, #tpu.memory_space<hbm>>) dst(%arg9 : memref<512xi32, #tpu.memory_space<vmem>>)
      tpu.yield
    }) : () -> ()
    %mul3A_3 = arith.constant 20 : i32
    %mul3A_4 = arith.muli %mul3A_2, %mul3A_3 : i32
    "tpu.region"() ({
      %run_scoped3A = tpu.sem_alloc : memref<!tpu.dma_semaphore, #tpu.memory_space<semaphore_mem>>
      %dma_start3A_64 = tpu.memref_slice %arg4[%mul3A_4] : memref<327680xi32, #tpu.memory_space<hbm>> -> memref<10240xi32, #tpu.memory_space<hbm>>
      %dma_start3A_65 = tpu.memref_slice %arg4[%mul3A_4] : memref<327680xi32, #tpu.memory_space<hbm>> -> memref<10240xi32, #tpu.memory_space<hbm>>
      tpu.enqueue_dma source(%dma_start3A_65 : memref<10240xi32, #tpu.memory_space<hbm>>) target(%arg10 : memref<10240xi32, #tpu.memory_space<vmem>>) target_semaphore(%run_scoped3A : memref<!tpu.dma_semaphore, #tpu.memory_space<semaphore_mem>>)
      %dma_wait3A = tpu.memref_slice %arg4[%mul3A_4] : memref<327680xi32, #tpu.memory_space<hbm>> -> memref<10240xi32, #tpu.memory_space<hbm>>
      %dma_wait3A_66 = tpu.memref_slice %arg4[%mul3A_4] : memref<327680xi32, #tpu.memory_space<hbm>> -> memref<10240xi32, #tpu.memory_space<hbm>>
      tpu.wait_dma2 semaphore(%run_scoped3A : memref<!tpu.dma_semaphore, #tpu.memory_space<semaphore_mem>>) src(%dma_wait3A_66 : memref<10240xi32, #tpu.memory_space<hbm>>) dst(%arg10 : memref<10240xi32, #tpu.memory_space<vmem>>)
      tpu.yield
    }) : () -> ()
    %iota3A = tpu.iota {dimensions = array<i32: 0>} : vector<16xi32>
    %mul3A_5 = arith.constant 20 : i32
    %mul3A_6 = vector.broadcast %mul3A_5 : i32 to vector<16xi32>
    %mul3A_7 = arith.muli %iota3A, %mul3A_6 : vector<16xi32>
    %dma_start3A = arith.constant 0 : i32
    %dma_start3A_8 = arith.constant 0 : i32
    %dma_start3A_9 = arith.constant 0 : i32
    %dma_start3A_10 = tpu.memref_slice %arg11[%dma_start3A, %dma_start3A_8, %dma_start3A_9] : memref<2x16x128xf32, #tpu.memory_space<vmem>> -> memref<1x16x128xf32, #tpu.memory_space<vmem>>
    %dma_start3A_11 = tpu.memref_squeeze %dma_start3A_10 : memref<1x16x128xf32, #tpu.memory_space<vmem>> -> memref<16x128xf32, #tpu.memory_space<vmem>>
    %dma_start3A_12 = arith.constant 0 : i32
    %dma_start3A_13 = tpu.memref_slice %arg8[%dma_start3A_12] : memref<512xi32, #tpu.memory_space<vmem>> -> memref<16xi32, #tpu.memory_space<vmem>>
    %dma_start3A_14 = arith.constant 0 : i32
    %dma_start3A_15 = arith.constant 0 : i32
    %dma_start3A_16 = tpu.memref_slice %arg5[%dma_start3A_14, %dma_start3A_15] : memref<1000000x128xf32, #tpu.memory_space<hbm>> -> memref<1000000x128xf32, #tpu.memory_space<hbm>>
    tpu.enqueue_indirect_dma source(%dma_start3A_16 : memref<1000000x128xf32, #tpu.memory_space<hbm>>) target(%dma_start3A_11 : memref<16x128xf32, #tpu.memory_space<vmem>>) offsets(%dma_start3A_13 : memref<16xi32, #tpu.memory_space<vmem>>) semaphore(%arg15 : memref<!tpu.dma_semaphore, #tpu.memory_space<semaphore_mem>>)
    %dma_start3A_17 = arith.constant 0 : i32
    %dma_start3A_18 = arith.constant 0 : i32
    %dma_start3A_19 = arith.constant 0 : i32
    %dma_start3A_20 = tpu.memref_slice %arg12[%dma_start3A_17, %dma_start3A_18, %dma_start3A_19] : memref<2x16x128xf32, #tpu.memory_space<vmem>> -> memref<1x16x128xf32, #tpu.memory_space<vmem>>
    %dma_start3A_21 = tpu.memref_squeeze %dma_start3A_20 : memref<1x16x128xf32, #tpu.memory_space<vmem>> -> memref<16x128xf32, #tpu.memory_space<vmem>>
    %dma_start3A_22 = arith.constant 0 : i32
    %dma_start3A_23 = tpu.memref_slice %arg9[%dma_start3A_22] : memref<512xi32, #tpu.memory_space<vmem>> -> memref<16xi32, #tpu.memory_space<vmem>>
    %dma_start3A_24 = arith.constant 0 : i32
    %dma_start3A_25 = arith.constant 0 : i32
    %dma_start3A_26 = tpu.memref_slice %arg6[%dma_start3A_24, %dma_start3A_25] : memref<1000000x128xf32, #tpu.memory_space<hbm>> -> memref<1000000x128xf32, #tpu.memory_space<hbm>>
    tpu.enqueue_indirect_dma source(%dma_start3A_26 : memref<1000000x128xf32, #tpu.memory_space<hbm>>) target(%dma_start3A_21 : memref<16x128xf32, #tpu.memory_space<vmem>>) offsets(%dma_start3A_23 : memref<16xi32, #tpu.memory_space<vmem>>) semaphore(%arg15 : memref<!tpu.dma_semaphore, #tpu.memory_space<semaphore_mem>>)
    %dma_start3A_27 = arith.constant 0 : i32
    %dma_start3A_28 = arith.constant 0 : i32
    %dma_start3A_29 = arith.constant 0 : i32
    %dma_start3A_30 = tpu.memref_slice %arg13[%dma_start3A_27, %dma_start3A_28, %dma_start3A_29] : memref<2x320x128xf32, #tpu.memory_space<vmem>> -> memref<1x128x128xf32, #tpu.memory_space<vmem>>
    %dma_start3A_31 = tpu.memref_squeeze %dma_start3A_30 : memref<1x128x128xf32, #tpu.memory_space<vmem>> -> memref<128x128xf32, #tpu.memory_space<vmem>>
    %dma_start3A_32 = arith.constant 0 : i32
    %dma_start3A_33 = tpu.memref_slice %arg10[%dma_start3A_32] : memref<10240xi32, #tpu.memory_space<vmem>> -> memref<128xi32, #tpu.memory_space<vmem>>
    %dma_start3A_34 = arith.constant 0 : i32
    %dma_start3A_35 = arith.constant 0 : i32
    %dma_start3A_36 = tpu.memref_slice %arg6[%dma_start3A_34, %dma_start3A_35] : memref<1000000x128xf32, #tpu.memory_space<hbm>> -> memref<1000000x128xf32, #tpu.memory_space<hbm>>
    tpu.enqueue_indirect_dma source(%dma_start3A_36 : memref<1000000x128xf32, #tpu.memory_space<hbm>>) target(%dma_start3A_31 : memref<128x128xf32, #tpu.memory_space<vmem>>) offsets(%dma_start3A_33 : memref<128xi32, #tpu.memory_space<vmem>>) semaphore(%arg15 : memref<!tpu.dma_semaphore, #tpu.memory_space<semaphore_mem>>)
    %dma_start3A_37 = arith.constant 0 : i32
    %dma_start3A_38 = arith.constant 128 : i32
    %dma_start3A_39 = arith.constant 0 : i32
    %dma_start3A_40 = tpu.memref_slice %arg13[%dma_start3A_37, %dma_start3A_38, %dma_start3A_39] : memref<2x320x128xf32, #tpu.memory_space<vmem>> -> memref<1x128x128xf32, #tpu.memory_space<vmem>>
    %dma_start3A_41 = tpu.memref_squeeze %dma_start3A_40 : memref<1x128x128xf32, #tpu.memory_space<vmem>> -> memref<128x128xf32, #tpu.memory_space<vmem>>
    %dma_start3A_42 = arith.constant 128 : i32
    %dma_start3A_43 = tpu.memref_slice %arg10[%dma_start3A_42] : memref<10240xi32, #tpu.memory_space<vmem>> -> memref<128xi32, #tpu.memory_space<vmem>>
    %dma_start3A_44 = arith.constant 0 : i32
    %dma_start3A_45 = arith.constant 0 : i32
    %dma_start3A_46 = tpu.memref_slice %arg6[%dma_start3A_44, %dma_start3A_45] : memref<1000000x128xf32, #tpu.memory_space<hbm>> -> memref<1000000x128xf32, #tpu.memory_space<hbm>>
    tpu.enqueue_indirect_dma source(%dma_start3A_46 : memref<1000000x128xf32, #tpu.memory_space<hbm>>) target(%dma_start3A_41 : memref<128x128xf32, #tpu.memory_space<vmem>>) offsets(%dma_start3A_43 : memref<128xi32, #tpu.memory_space<vmem>>) semaphore(%arg15 : memref<!tpu.dma_semaphore, #tpu.memory_space<semaphore_mem>>)
    %dma_start3A_47 = arith.constant 0 : i32
    %dma_start3A_48 = arith.constant 256 : i32
    %dma_start3A_49 = arith.constant 0 : i32
    %dma_start3A_50 = tpu.memref_slice %arg13[%dma_start3A_47, %dma_start3A_48, %dma_start3A_49] : memref<2x320x128xf32, #tpu.memory_space<vmem>> -> memref<1x64x128xf32, #tpu.memory_space<vmem>>
    %dma_start3A_51 = tpu.memref_squeeze %dma_start3A_50 : memref<1x64x128xf32, #tpu.memory_space<vmem>> -> memref<64x128xf32, #tpu.memory_space<vmem>>
    %dma_start3A_52 = arith.constant 256 : i32
    %dma_start3A_53 = tpu.memref_slice %arg10[%dma_start3A_52] : memref<10240xi32, #tpu.memory_space<vmem>> -> memref<64xi32, #tpu.memory_space<vmem>>
    %dma_start3A_54 = arith.constant 0 : i32
    %dma_start3A_55 = arith.constant 0 : i32
    %dma_start3A_56 = tpu.memref_slice %arg6[%dma_start3A_54, %dma_start3A_55] : memref<1000000x128xf32, #tpu.memory_space<hbm>> -> memref<1000000x128xf32, #tpu.memory_space<hbm>>
    tpu.enqueue_indirect_dma source(%dma_start3A_56 : memref<1000000x128xf32, #tpu.memory_space<hbm>>) target(%dma_start3A_51 : memref<64x128xf32, #tpu.memory_space<vmem>>) offsets(%dma_start3A_53 : memref<64xi32, #tpu.memory_space<vmem>>) semaphore(%arg15 : memref<!tpu.dma_semaphore, #tpu.memory_space<semaphore_mem>>)
    %broadcast_in_dim3A = arith.constant 0.000000e+00 : f32
    %broadcast_in_dim3A_57 = vector.broadcast %broadcast_in_dim3A : f32 to vector<16xf32>
    %scan3A = arith.constant 0 : i32
    %scan3A_58 = arith.constant 16 : i32
    %scan3A_59 = arith.addi %scan3A, %scan3A_58 : i32
    %scan3A_60 = arith.constant 1 : i32
    %scan3A_61 = scf.for %scan3A_64 = %scan3A to %scan3A_59 step %scan3A_60 iter_args(%scan3A_65 = %broadcast_in_dim3A_57) -> (vector<16xf32>)  : i32 {
      %mul3A_66 = arith.constant 2 : i32
      %mul3A_67 = arith.muli %mul3A_66, %scan3A_64 : i32
      %mul3A_68 = arith.constant 16 : i32
      %mul3A_69 = arith.muli %mul3A_67, %mul3A_68 : i32
      %mul3A_70 = arith.constant 16 : i32
      %mul3A_71 = arith.muli %mul3A_67, %mul3A_70 : i32
      %mul3A_72 = arith.constant 320 : i32
      %mul3A_73 = arith.muli %mul3A_67, %mul3A_72 : i32
      %add3A_74 = arith.constant 0 : i32
      %add3A_75 = arith.addi %mul3A_73, %add3A_74 : i32
      %mul3A_76 = arith.constant 320 : i32
      %mul3A_77 = arith.muli %mul3A_67, %mul3A_76 : i32
      %add3A_78 = arith.constant 128 : i32
      %add3A_79 = arith.addi %mul3A_77, %add3A_78 : i32
      %mul3A_80 = arith.constant 320 : i32
      %mul3A_81 = arith.muli %mul3A_67, %mul3A_80 : i32
      %add3A_82 = arith.constant 256 : i32
      %add3A_83 = arith.addi %mul3A_81, %add3A_82 : i32
      %dma_wait3A = arith.constant 0 : i32
      %dma_wait3A_84 = arith.constant 0 : i32
      %dma_wait3A_85 = arith.constant 0 : i32
      %dma_wait3A_86 = tpu.memref_slice %arg11[%dma_wait3A, %dma_wait3A_84, %dma_wait3A_85] : memref<2x16x128xf32, #tpu.memory_space<vmem>> -> memref<1x16x128xf32, #tpu.memory_space<vmem>>
      %dma_wait3A_87 = tpu.memref_squeeze %dma_wait3A_86 : memref<1x16x128xf32, #tpu.memory_space<vmem>> -> memref<16x128xf32, #tpu.memory_space<vmem>>
      %dma_wait3A_88 = tpu.memref_slice %arg8[%mul3A_69] : memref<512xi32, #tpu.memory_space<vmem>> -> memref<16xi32, #tpu.memory_space<vmem>>
      %dma_wait3A_89 = arith.constant 0 : i32
      %dma_wait3A_90 = arith.constant 0 : i32
      %dma_wait3A_91 = tpu.memref_slice %arg5[%dma_wait3A_89, %dma_wait3A_90] : memref<1000000x128xf32, #tpu.memory_space<hbm>> -> memref<1000000x128xf32, #tpu.memory_space<hbm>>
      tpu.wait_indirect_dma semaphore(%arg15 : memref<!tpu.dma_semaphore, #tpu.memory_space<semaphore_mem>>) src(%dma_wait3A_91 : memref<1000000x128xf32, #tpu.memory_space<hbm>>) dst(%dma_wait3A_87 : memref<16x128xf32, #tpu.memory_space<vmem>>)
      %dma_wait3A_92 = arith.constant 0 : i32
      %dma_wait3A_93 = arith.constant 0 : i32
      %dma_wait3A_94 = arith.constant 0 : i32
      %dma_wait3A_95 = tpu.memref_slice %arg12[%dma_wait3A_92, %dma_wait3A_93, %dma_wait3A_94] : memref<2x16x128xf32, #tpu.memory_space<vmem>> -> memref<1x16x128xf32, #tpu.memory_space<vmem>>
      %dma_wait3A_96 = tpu.memref_squeeze %dma_wait3A_95 : memref<1x16x128xf32, #tpu.memory_space<vmem>> -> memref<16x128xf32, #tpu.memory_space<vmem>>
      %dma_wait3A_97 = tpu.memref_slice %arg9[%mul3A_71] : memref<512xi32, #tpu.memory_space<vmem>> -> memref<16xi32, #tpu.memory_space<vmem>>
      %dma_wait3A_98 = arith.constant 0 : i32
      %dma_wait3A_99 = arith.constant 0 : i32
      %dma_wait3A_100 = tpu.memref_slice %arg6[%dma_wait3A_98, %dma_wait3A_99] : memref<1000000x128xf32, #tpu.memory_space<hbm>> -> memref<1000000x128xf32, #tpu.memory_space<hbm>>
      tpu.wait_indirect_dma semaphore(%arg15 : memref<!tpu.dma_semaphore, #tpu.memory_space<semaphore_mem>>) src(%dma_wait3A_100 : memref<1000000x128xf32, #tpu.memory_space<hbm>>) dst(%dma_wait3A_96 : memref<16x128xf32, #tpu.memory_space<vmem>>)
      %dma_wait3A_101 = arith.constant 0 : i32
      %dma_wait3A_102 = arith.constant 0 : i32
      %dma_wait3A_103 = arith.constant 0 : i32
      %dma_wait3A_104 = tpu.memref_slice %arg13[%dma_wait3A_101, %dma_wait3A_102, %dma_wait3A_103] : memref<2x320x128xf32, #tpu.memory_space<vmem>> -> memref<1x128x128xf32, #tpu.memory_space<vmem>>
      %dma_wait3A_105 = tpu.memref_squeeze %dma_wait3A_104 : memref<1x128x128xf32, #tpu.memory_space<vmem>> -> memref<128x128xf32, #tpu.memory_space<vmem>>
      %dma_wait3A_106 = tpu.memref_slice %arg10[%add3A_75] : memref<10240xi32, #tpu.memory_space<vmem>> -> memref<128xi32, #tpu.memory_space<vmem>>
      %dma_wait3A_107 = arith.constant 0 : i32
      %dma_wait3A_108 = arith.constant 0 : i32
      %dma_wait3A_109 = tpu.memref_slice %arg6[%dma_wait3A_107, %dma_wait3A_108] : memref<1000000x128xf32, #tpu.memory_space<hbm>> -> memref<1000000x128xf32, #tpu.memory_space<hbm>>
      tpu.wait_indirect_dma semaphore(%arg15 : memref<!tpu.dma_semaphore, #tpu.memory_space<semaphore_mem>>) src(%dma_wait3A_109 : memref<1000000x128xf32, #tpu.memory_space<hbm>>) dst(%dma_wait3A_105 : memref<128x128xf32, #tpu.memory_space<vmem>>)
      %dma_wait3A_110 = arith.constant 0 : i32
      %dma_wait3A_111 = arith.constant 128 : i32
      %dma_wait3A_112 = arith.constant 0 : i32
      %dma_wait3A_113 = tpu.memref_slice %arg13[%dma_wait3A_110, %dma_wait3A_111, %dma_wait3A_112] : memref<2x320x128xf32, #tpu.memory_space<vmem>> -> memref<1x128x128xf32, #tpu.memory_space<vmem>>
      %dma_wait3A_114 = tpu.memref_squeeze %dma_wait3A_113 : memref<1x128x128xf32, #tpu.memory_space<vmem>> -> memref<128x128xf32, #tpu.memory_space<vmem>>
      %dma_wait3A_115 = tpu.memref_slice %arg10[%add3A_79] : memref<10240xi32, #tpu.memory_space<vmem>> -> memref<128xi32, #tpu.memory_space<vmem>>
      %dma_wait3A_116 = arith.constant 0 : i32
      %dma_wait3A_117 = arith.constant 0 : i32
      %dma_wait3A_118 = tpu.memref_slice %arg6[%dma_wait3A_116, %dma_wait3A_117] : memref<1000000x128xf32, #tpu.memory_space<hbm>> -> memref<1000000x128xf32, #tpu.memory_space<hbm>>
      tpu.wait_indirect_dma semaphore(%arg15 : memref<!tpu.dma_semaphore, #tpu.memory_space<semaphore_mem>>) src(%dma_wait3A_118 : memref<1000000x128xf32, #tpu.memory_space<hbm>>) dst(%dma_wait3A_114 : memref<128x128xf32, #tpu.memory_space<vmem>>)
      %dma_wait3A_119 = arith.constant 0 : i32
      %dma_wait3A_120 = arith.constant 256 : i32
      %dma_wait3A_121 = arith.constant 0 : i32
      %dma_wait3A_122 = tpu.memref_slice %arg13[%dma_wait3A_119, %dma_wait3A_120, %dma_wait3A_121] : memref<2x320x128xf32, #tpu.memory_space<vmem>> -> memref<1x64x128xf32, #tpu.memory_space<vmem>>
      %dma_wait3A_123 = tpu.memref_squeeze %dma_wait3A_122 : memref<1x64x128xf32, #tpu.memory_space<vmem>> -> memref<64x128xf32, #tpu.memory_space<vmem>>
      %dma_wait3A_124 = tpu.memref_slice %arg10[%add3A_83] : memref<10240xi32, #tpu.memory_space<vmem>> -> memref<64xi32, #tpu.memory_space<vmem>>
      %dma_wait3A_125 = arith.constant 0 : i32
      %dma_wait3A_126 = arith.constant 0 : i32
      %dma_wait3A_127 = tpu.memref_slice %arg6[%dma_wait3A_125, %dma_wait3A_126] : memref<1000000x128xf32, #tpu.memory_space<hbm>> -> memref<1000000x128xf32, #tpu.memory_space<hbm>>
      tpu.wait_indirect_dma semaphore(%arg15 : memref<!tpu.dma_semaphore, #tpu.memory_space<semaphore_mem>>) src(%dma_wait3A_127 : memref<1000000x128xf32, #tpu.memory_space<hbm>>) dst(%dma_wait3A_123 : memref<64x128xf32, #tpu.memory_space<vmem>>)
      %add3A_128 = arith.constant 1 : i32
      %add3A_129 = arith.addi %mul3A_67, %add3A_128 : i32
      %mul3A_130 = arith.constant 16 : i32
      %mul3A_131 = arith.muli %add3A_129, %mul3A_130 : i32
      %mul3A_132 = arith.constant 16 : i32
      %mul3A_133 = arith.muli %add3A_129, %mul3A_132 : i32
      %mul3A_134 = arith.constant 320 : i32
      %mul3A_135 = arith.muli %add3A_129, %mul3A_134 : i32
      %add3A_136 = arith.constant 0 : i32
      %add3A_137 = arith.addi %mul3A_135, %add3A_136 : i32
      %mul3A_138 = arith.constant 320 : i32
      %mul3A_139 = arith.muli %add3A_129, %mul3A_138 : i32
      %add3A_140 = arith.constant 128 : i32
      %add3A_141 = arith.addi %mul3A_139, %add3A_140 : i32
      %mul3A_142 = arith.constant 320 : i32
      %mul3A_143 = arith.muli %add3A_129, %mul3A_142 : i32
      %add3A_144 = arith.constant 256 : i32
      %add3A_145 = arith.addi %mul3A_143, %add3A_144 : i32
      %dma_start3A_146 = arith.constant 1 : i32
      %dma_start3A_147 = arith.constant 0 : i32
      %dma_start3A_148 = arith.constant 0 : i32
      %dma_start3A_149 = tpu.memref_slice %arg11[%dma_start3A_146, %dma_start3A_147, %dma_start3A_148] : memref<2x16x128xf32, #tpu.memory_space<vmem>> -> memref<1x16x128xf32, #tpu.memory_space<vmem>>
      %dma_start3A_150 = tpu.memref_squeeze %dma_start3A_149 : memref<1x16x128xf32, #tpu.memory_space<vmem>> -> memref<16x128xf32, #tpu.memory_space<vmem>>
      %dma_start3A_151 = tpu.memref_slice %arg8[%mul3A_131] : memref<512xi32, #tpu.memory_space<vmem>> -> memref<16xi32, #tpu.memory_space<vmem>>
      %dma_start3A_152 = arith.constant 0 : i32
      %dma_start3A_153 = arith.constant 0 : i32
      %dma_start3A_154 = tpu.memref_slice %arg5[%dma_start3A_152, %dma_start3A_153] : memref<1000000x128xf32, #tpu.memory_space<hbm>> -> memref<1000000x128xf32, #tpu.memory_space<hbm>>
      tpu.enqueue_indirect_dma source(%dma_start3A_154 : memref<1000000x128xf32, #tpu.memory_space<hbm>>) target(%dma_start3A_150 : memref<16x128xf32, #tpu.memory_space<vmem>>) offsets(%dma_start3A_151 : memref<16xi32, #tpu.memory_space<vmem>>) semaphore(%arg16 : memref<!tpu.dma_semaphore, #tpu.memory_space<semaphore_mem>>)
      %dma_start3A_155 = arith.constant 1 : i32
      %dma_start3A_156 = arith.constant 0 : i32
      %dma_start3A_157 = arith.constant 0 : i32
      %dma_start3A_158 = tpu.memref_slice %arg12[%dma_start3A_155, %dma_start3A_156, %dma_start3A_157] : memref<2x16x128xf32, #tpu.memory_space<vmem>> -> memref<1x16x128xf32, #tpu.memory_space<vmem>>
      %dma_start3A_159 = tpu.memref_squeeze %dma_start3A_158 : memref<1x16x128xf32, #tpu.memory_space<vmem>> -> memref<16x128xf32, #tpu.memory_space<vmem>>
      %dma_start3A_160 = tpu.memref_slice %arg9[%mul3A_133] : memref<512xi32, #tpu.memory_space<vmem>> -> memref<16xi32, #tpu.memory_space<vmem>>
      %dma_start3A_161 = arith.constant 0 : i32
      %dma_start3A_162 = arith.constant 0 : i32
      %dma_start3A_163 = tpu.memref_slice %arg6[%dma_start3A_161, %dma_start3A_162] : memref<1000000x128xf32, #tpu.memory_space<hbm>> -> memref<1000000x128xf32, #tpu.memory_space<hbm>>
      tpu.enqueue_indirect_dma source(%dma_start3A_163 : memref<1000000x128xf32, #tpu.memory_space<hbm>>) target(%dma_start3A_159 : memref<16x128xf32, #tpu.memory_space<vmem>>) offsets(%dma_start3A_160 : memref<16xi32, #tpu.memory_space<vmem>>) semaphore(%arg16 : memref<!tpu.dma_semaphore, #tpu.memory_space<semaphore_mem>>)
      %dma_start3A_164 = arith.constant 1 : i32
      %dma_start3A_165 = arith.constant 0 : i32
      %dma_start3A_166 = arith.constant 0 : i32
      %dma_start3A_167 = tpu.memref_slice %arg13[%dma_start3A_164, %dma_start3A_165, %dma_start3A_166] : memref<2x320x128xf32, #tpu.memory_space<vmem>> -> memref<1x128x128xf32, #tpu.memory_space<vmem>>
      %dma_start3A_168 = tpu.memref_squeeze %dma_start3A_167 : memref<1x128x128xf32, #tpu.memory_space<vmem>> -> memref<128x128xf32, #tpu.memory_space<vmem>>
      %dma_start3A_169 = tpu.memref_slice %arg10[%add3A_137] : memref<10240xi32, #tpu.memory_space<vmem>> -> memref<128xi32, #tpu.memory_space<vmem>>
      %dma_start3A_170 = arith.constant 0 : i32
      %dma_start3A_171 = arith.constant 0 : i32
      %dma_start3A_172 = tpu.memref_slice %arg6[%dma_start3A_170, %dma_start3A_171] : memref<1000000x128xf32, #tpu.memory_space<hbm>> -> memref<1000000x128xf32, #tpu.memory_space<hbm>>
      tpu.enqueue_indirect_dma source(%dma_start3A_172 : memref<1000000x128xf32, #tpu.memory_space<hbm>>) target(%dma_start3A_168 : memref<128x128xf32, #tpu.memory_space<vmem>>) offsets(%dma_start3A_169 : memref<128xi32, #tpu.memory_space<vmem>>) semaphore(%arg16 : memref<!tpu.dma_semaphore, #tpu.memory_space<semaphore_mem>>)
      %dma_start3A_173 = arith.constant 1 : i32
      %dma_start3A_174 = arith.constant 128 : i32
      %dma_start3A_175 = arith.constant 0 : i32
      %dma_start3A_176 = tpu.memref_slice %arg13[%dma_start3A_173, %dma_start3A_174, %dma_start3A_175] : memref<2x320x128xf32, #tpu.memory_space<vmem>> -> memref<1x128x128xf32, #tpu.memory_space<vmem>>
      %dma_start3A_177 = tpu.memref_squeeze %dma_start3A_176 : memref<1x128x128xf32, #tpu.memory_space<vmem>> -> memref<128x128xf32, #tpu.memory_space<vmem>>
      %dma_start3A_178 = tpu.memref_slice %arg10[%add3A_141] : memref<10240xi32, #tpu.memory_space<vmem>> -> memref<128xi32, #tpu.memory_space<vmem>>
      %dma_start3A_179 = arith.constant 0 : i32
      %dma_start3A_180 = arith.constant 0 : i32
      %dma_start3A_181 = tpu.memref_slice %arg6[%dma_start3A_179, %dma_start3A_180] : memref<1000000x128xf32, #tpu.memory_space<hbm>> -> memref<1000000x128xf32, #tpu.memory_space<hbm>>
      tpu.enqueue_indirect_dma source(%dma_start3A_181 : memref<1000000x128xf32, #tpu.memory_space<hbm>>) target(%dma_start3A_177 : memref<128x128xf32, #tpu.memory_space<vmem>>) offsets(%dma_start3A_178 : memref<128xi32, #tpu.memory_space<vmem>>) semaphore(%arg16 : memref<!tpu.dma_semaphore, #tpu.memory_space<semaphore_mem>>)
      %dma_start3A_182 = arith.constant 1 : i32
      %dma_start3A_183 = arith.constant 256 : i32
      %dma_start3A_184 = arith.constant 0 : i32
      %dma_start3A_185 = tpu.memref_slice %arg13[%dma_start3A_182, %dma_start3A_183, %dma_start3A_184] : memref<2x320x128xf32, #tpu.memory_space<vmem>> -> memref<1x64x128xf32, #tpu.memory_space<vmem>>
      %dma_start3A_186 = tpu.memref_squeeze %dma_start3A_185 : memref<1x64x128xf32, #tpu.memory_space<vmem>> -> memref<64x128xf32, #tpu.memory_space<vmem>>
      %dma_start3A_187 = tpu.memref_slice %arg10[%add3A_145] : memref<10240xi32, #tpu.memory_space<vmem>> -> memref<64xi32, #tpu.memory_space<vmem>>
      %dma_start3A_188 = arith.constant 0 : i32
      %dma_start3A_189 = arith.constant 0 : i32
      %dma_start3A_190 = tpu.memref_slice %arg6[%dma_start3A_188, %dma_start3A_189] : memref<1000000x128xf32, #tpu.memory_space<hbm>> -> memref<1000000x128xf32, #tpu.memory_space<hbm>>
      tpu.enqueue_indirect_dma source(%dma_start3A_190 : memref<1000000x128xf32, #tpu.memory_space<hbm>>) target(%dma_start3A_186 : memref<64x128xf32, #tpu.memory_space<vmem>>) offsets(%dma_start3A_187 : memref<64xi32, #tpu.memory_space<vmem>>) semaphore(%arg16 : memref<!tpu.dma_semaphore, #tpu.memory_space<semaphore_mem>>)
      %add3A_191 = arith.constant 0 : i32
      %add3A_192 = vector.broadcast %add3A_191 : i32 to vector<16xi32>
      %add3A_193 = arith.addi %mul3A_7, %add3A_192 : vector<16xi32>
      %add3A_194 = arith.constant 1 : i32
      %add3A_195 = vector.broadcast %add3A_194 : i32 to vector<16xi32>
      %add3A_196 = arith.addi %mul3A_7, %add3A_195 : vector<16xi32>
      %add3A_197 = arith.constant 2 : i32
      %add3A_198 = vector.broadcast %add3A_197 : i32 to vector<16xi32>
      %add3A_199 = arith.addi %mul3A_7, %add3A_198 : vector<16xi32>
      %add3A_200 = arith.constant 3 : i32
      %add3A_201 = vector.broadcast %add3A_200 : i32 to vector<16xi32>
      %add3A_202 = arith.addi %mul3A_7, %add3A_201 : vector<16xi32>
      %add3A_203 = arith.constant 4 : i32
      %add3A_204 = vector.broadcast %add3A_203 : i32 to vector<16xi32>
      %add3A_205 = arith.addi %mul3A_7, %add3A_204 : vector<16xi32>
      %add3A_206 = arith.constant 5 : i32
      %add3A_207 = vector.broadcast %add3A_206 : i32 to vector<16xi32>
      %add3A_208 = arith.addi %mul3A_7, %add3A_207 : vector<16xi32>
      %add3A_209 = arith.constant 6 : i32
      %add3A_210 = vector.broadcast %add3A_209 : i32 to vector<16xi32>
      %add3A_211 = arith.addi %mul3A_7, %add3A_210 : vector<16xi32>
      %add3A_212 = arith.constant 7 : i32
      %add3A_213 = vector.broadcast %add3A_212 : i32 to vector<16xi32>
      %add3A_214 = arith.addi %mul3A_7, %add3A_213 : vector<16xi32>
      %add3A_215 = arith.constant 8 : i32
      %add3A_216 = vector.broadcast %add3A_215 : i32 to vector<16xi32>
      %add3A_217 = arith.addi %mul3A_7, %add3A_216 : vector<16xi32>
      %add3A_218 = arith.constant 9 : i32
      %add3A_219 = vector.broadcast %add3A_218 : i32 to vector<16xi32>
      %add3A_220 = arith.addi %mul3A_7, %add3A_219 : vector<16xi32>
      %broadcast_in_dim3A_221 = arith.constant 0.000000e+00 : f32
      %broadcast_in_dim3A_222 = vector.broadcast %broadcast_in_dim3A_221 : f32 to vector<16xf32>
      %parallel_loop3A = arith.constant 0 : i32
      %parallel_loop3A_223 = arith.constant 64 : i32
      %parallel_loop3A_224 = arith.constant 1 : i32
      %parallel_loop3A_225 = arith.constant 0 : i32
      %parallel_loop3A_226 = arith.constant 0 : i32
      %parallel_loop3A_227 = arith.constant 0 : i32
      %parallel_loop3A_228:11 = scf.for %parallel_loop3A_1882 = %parallel_loop3A to %parallel_loop3A_223 step %parallel_loop3A_224 iter_args(%parallel_loop3A_1883 = %broadcast_in_dim3A_222, %parallel_loop3A_1884 = %broadcast_in_dim3A_222, %parallel_loop3A_1885 = %broadcast_in_dim3A_222, %parallel_loop3A_1886 = %broadcast_in_dim3A_222, %parallel_loop3A_1887 = %broadcast_in_dim3A_222, %parallel_loop3A_1888 = %broadcast_in_dim3A_222, %parallel_loop3A_1889 = %broadcast_in_dim3A_222, %parallel_loop3A_1890 = %broadcast_in_dim3A_222, %parallel_loop3A_1891 = %broadcast_in_dim3A_222, %parallel_loop3A_1892 = %broadcast_in_dim3A_222, %parallel_loop3A_1893 = %broadcast_in_dim3A_222) -> (vector<16xf32>, vector<16xf32>, vector<16xf32>, vector<16xf32>, vector<16xf32>, vector<16xf32>, vector<16xf32>, vector<16xf32>, vector<16xf32>, vector<16xf32>, vector<16xf32>)  : i32 {
        %parallel_loop3A_1894 = vector.broadcast %parallel_loop3A_1882 : i32 to vector<16xi32>
        %parallel_loop3A_1895 = arith.constant 0 : i32
        %parallel_loop3A_1896 = arith.constant 0 : i32
        %parallel_loop3A_1897 = tpu.memref_slice %arg11[%parallel_loop3A_225, %parallel_loop3A_1895, %parallel_loop3A_1896] : memref<2x16x128xf32, #tpu.memory_space<vmem>> -> memref<1x16x128xf32, #tpu.memory_space<vmem>>
        %parallel_loop3A_1898 = tpu.memref_squeeze %parallel_loop3A_1897 : memref<1x16x128xf32, #tpu.memory_space<vmem>> -> memref<16x128xf32, #tpu.memory_space<vmem>>
        %parallel_loop3A_1899 = tpu.vector_load_idx %parallel_loop3A_1898[%iota3A, %parallel_loop3A_1894] : memref<16x128xf32, #tpu.memory_space<vmem>>[vector<16xi32>, vector<16xi32>], vector<16xf32>,
        %parallel_loop3A_1900 = arith.constant 0 : i32
        %parallel_loop3A_1901 = arith.constant 0 : i32
        %parallel_loop3A_1902 = tpu.memref_slice %arg12[%parallel_loop3A_226, %parallel_loop3A_1900, %parallel_loop3A_1901] : memref<2x16x128xf32, #tpu.memory_space<vmem>> -> memref<1x16x128xf32, #tpu.memory_space<vmem>>
        %parallel_loop3A_1903 = tpu.memref_squeeze %parallel_loop3A_1902 : memref<1x16x128xf32, #tpu.memory_space<vmem>> -> memref<16x128xf32, #tpu.memory_space<vmem>>
        %parallel_loop3A_1904 = tpu.vector_load_idx %parallel_loop3A_1903[%iota3A, %parallel_loop3A_1894] : memref<16x128xf32, #tpu.memory_space<vmem>>[vector<16xi32>, vector<16xi32>], vector<16xf32>,
        %parallel_loop3A_1905 = arith.mulf %parallel_loop3A_1899, %parallel_loop3A_1904 : vector<16xf32>
        %parallel_loop3A_1906 = arith.addf %parallel_loop3A_1883, %parallel_loop3A_1905 : vector<16xf32>
        %parallel_loop3A_1907 = arith.constant 0 : i32
        %parallel_loop3A_1908 = arith.constant 0 : i32
        %parallel_loop3A_1909 = tpu.memref_slice %arg13[%parallel_loop3A_227, %parallel_loop3A_1907, %parallel_loop3A_1908] : memref<2x320x128xf32, #tpu.memory_space<vmem>> -> memref<1x320x128xf32, #tpu.memory_space<vmem>>
        %parallel_loop3A_1910 = tpu.memref_squeeze %parallel_loop3A_1909 : memref<1x320x128xf32, #tpu.memory_space<vmem>> -> memref<320x128xf32, #tpu.memory_space<vmem>>
        %parallel_loop3A_1911 = tpu.vector_load_idx %parallel_loop3A_1910[%add3A_193, %parallel_loop3A_1894] : memref<320x128xf32, #tpu.memory_space<vmem>>[vector<16xi32>, vector<16xi32>], vector<16xf32>,
        %parallel_loop3A_1912 = arith.mulf %parallel_loop3A_1899, %parallel_loop3A_1911 : vector<16xf32>
        %parallel_loop3A_1913 = arith.addf %parallel_loop3A_1884, %parallel_loop3A_1912 : vector<16xf32>
        %parallel_loop3A_1914 = arith.constant 0 : i32
        %parallel_loop3A_1915 = arith.constant 0 : i32
        %parallel_loop3A_1916 = tpu.memref_slice %arg13[%parallel_loop3A_227, %parallel_loop3A_1914, %parallel_loop3A_1915] : memref<2x320x128xf32, #tpu.memory_space<vmem>> -> memref<1x320x128xf32, #tpu.memory_space<vmem>>
        %parallel_loop3A_1917 = tpu.memref_squeeze %parallel_loop3A_1916 : memref<1x320x128xf32, #tpu.memory_space<vmem>> -> memref<320x128xf32, #tpu.memory_space<vmem>>
        %parallel_loop3A_1918 = tpu.vector_load_idx %parallel_loop3A_1917[%add3A_196, %parallel_loop3A_1894] : memref<320x128xf32, #tpu.memory_space<vmem>>[vector<16xi32>, vector<16xi32>], vector<16xf32>,
        %parallel_loop3A_1919 = arith.mulf %parallel_loop3A_1899, %parallel_loop3A_1918 : vector<16xf32>
        %parallel_loop3A_1920 = arith.addf %parallel_loop3A_1885, %parallel_loop3A_1919 : vector<16xf32>
        %parallel_loop3A_1921 = arith.constant 0 : i32
        %parallel_loop3A_1922 = arith.constant 0 : i32
        %parallel_loop3A_1923 = tpu.memref_slice %arg13[%parallel_loop3A_227, %parallel_loop3A_1921, %parallel_loop3A_1922] : memref<2x320x128xf32, #tpu.memory_space<vmem>> -> memref<1x320x128xf32, #tpu.memory_space<vmem>>
        %parallel_loop3A_1924 = tpu.memref_squeeze %parallel_loop3A_1923 : memref<1x320x128xf32, #tpu.memory_space<vmem>> -> memref<320x128xf32, #tpu.memory_space<vmem>>
        %parallel_loop3A_1925 = tpu.vector_load_idx %parallel_loop3A_1924[%add3A_199, %parallel_loop3A_1894] : memref<320x128xf32, #tpu.memory_space<vmem>>[vector<16xi32>, vector<16xi32>], vector<16xf32>,
        %parallel_loop3A_1926 = arith.mulf %parallel_loop3A_1899, %parallel_loop3A_1925 : vector<16xf32>
        %parallel_loop3A_1927 = arith.addf %parallel_loop3A_1886, %parallel_loop3A_1926 : vector<16xf32>
        %parallel_loop3A_1928 = arith.constant 0 : i32
        %parallel_loop3A_1929 = arith.constant 0 : i32
        %parallel_loop3A_1930 = tpu.memref_slice %arg13[%parallel_loop3A_227, %parallel_loop3A_1928, %parallel_loop3A_1929] : memref<2x320x128xf32, #tpu.memory_space<vmem>> -> memref<1x320x128xf32, #tpu.memory_space<vmem>>
        %parallel_loop3A_1931 = tpu.memref_squeeze %parallel_loop3A_1930 : memref<1x320x128xf32, #tpu.memory_space<vmem>> -> memref<320x128xf32, #tpu.memory_space<vmem>>
        %parallel_loop3A_1932 = tpu.vector_load_idx %parallel_loop3A_1931[%add3A_202, %parallel_loop3A_1894] : memref<320x128xf32, #tpu.memory_space<vmem>>[vector<16xi32>, vector<16xi32>], vector<16xf32>,
        %parallel_loop3A_1933 = arith.mulf %parallel_loop3A_1899, %parallel_loop3A_1932 : vector<16xf32>
        %parallel_loop3A_1934 = arith.addf %parallel_loop3A_1887, %parallel_loop3A_1933 : vector<16xf32>
        %parallel_loop3A_1935 = arith.constant 0 : i32
        %parallel_loop3A_1936 = arith.constant 0 : i32
        %parallel_loop3A_1937 = tpu.memref_slice %arg13[%parallel_loop3A_227, %parallel_loop3A_1935, %parallel_loop3A_1936] : memref<2x320x128xf32, #tpu.memory_space<vmem>> -> memref<1x320x128xf32, #tpu.memory_space<vmem>>
        %parallel_loop3A_1938 = tpu.memref_squeeze %parallel_loop3A_1937 : memref<1x320x128xf32, #tpu.memory_space<vmem>> -> memref<320x128xf32, #tpu.memory_space<vmem>>
        %parallel_loop3A_1939 = tpu.vector_load_idx %parallel_loop3A_1938[%add3A_205, %parallel_loop3A_1894] : memref<320x128xf32, #tpu.memory_space<vmem>>[vector<16xi32>, vector<16xi32>], vector<16xf32>,
        %parallel_loop3A_1940 = arith.mulf %parallel_loop3A_1899, %parallel_loop3A_1939 : vector<16xf32>
        %parallel_loop3A_1941 = arith.addf %parallel_loop3A_1888, %parallel_loop3A_1940 : vector<16xf32>
        %parallel_loop3A_1942 = arith.constant 0 : i32
        %parallel_loop3A_1943 = arith.constant 0 : i32
        %parallel_loop3A_1944 = tpu.memref_slice %arg13[%parallel_loop3A_227, %parallel_loop3A_1942, %parallel_loop3A_1943] : memref<2x320x128xf32, #tpu.memory_space<vmem>> -> memref<1x320x128xf32, #tpu.memory_space<vmem>>
        %parallel_loop3A_1945 = tpu.memref_squeeze %parallel_loop3A_1944 : memref<1x320x128xf32, #tpu.memory_space<vmem>> -> memref<320x128xf32, #tpu.memory_space<vmem>>
        %parallel_loop3A_1946 = tpu.vector_load_idx %parallel_loop3A_1945[%add3A_208, %parallel_loop3A_1894] : memref<320x128xf32, #tpu.memory_space<vmem>>[vector<16xi32>, vector<16xi32>], vector<16xf32>,
        %parallel_loop3A_1947 = arith.mulf %parallel_loop3A_1899, %parallel_loop3A_1946 : vector<16xf32>
        %parallel_loop3A_1948 = arith.addf %parallel_loop3A_1889, %parallel_loop3A_1947 : vector<16xf32>
        %parallel_loop3A_1949 = arith.constant 0 : i32
        %parallel_loop3A_1950 = arith.constant 0 : i32
        %parallel_loop3A_1951 = tpu.memref_slice %arg13[%parallel_loop3A_227, %parallel_loop3A_1949, %parallel_loop3A_1950] : memref<2x320x128xf32, #tpu.memory_space<vmem>> -> memref<1x320x128xf32, #tpu.memory_space<vmem>>
        %parallel_loop3A_1952 = tpu.memref_squeeze %parallel_loop3A_1951 : memref<1x320x128xf32, #tpu.memory_space<vmem>> -> memref<320x128xf32, #tpu.memory_space<vmem>>
        %parallel_loop3A_1953 = tpu.vector_load_idx %parallel_loop3A_1952[%add3A_211, %parallel_loop3A_1894] : memref<320x128xf32, #tpu.memory_space<vmem>>[vector<16xi32>, vector<16xi32>], vector<16xf32>,
        %parallel_loop3A_1954 = arith.mulf %parallel_loop3A_1899, %parallel_loop3A_1953 : vector<16xf32>
        %parallel_loop3A_1955 = arith.addf %parallel_loop3A_1890, %parallel_loop3A_1954 : vector<16xf32>
        %parallel_loop3A_1956 = arith.constant 0 : i32
        %parallel_loop3A_1957 = arith.constant 0 : i32
        %parallel_loop3A_1958 = tpu.memref_slice %arg13[%parallel_loop3A_227, %parallel_loop3A_1956, %parallel_loop3A_1957] : memref<2x320x128xf32, #tpu.memory_space<vmem>> -> memref<1x320x128xf32, #tpu.memory_space<vmem>>
        %parallel_loop3A_1959 = tpu.memref_squeeze %parallel_loop3A_1958 : memref<1x320x128xf32, #tpu.memory_space<vmem>> -> memref<320x128xf32, #tpu.memory_space<vmem>>
        %parallel_loop3A_1960 = tpu.vector_load_idx %parallel_loop3A_1959[%add3A_214, %parallel_loop3A_1894] : memref<320x128xf32, #tpu.memory_space<vmem>>[vector<16xi32>, vector<16xi32>], vector<16xf32>,
        %parallel_loop3A_1961 = arith.mulf %parallel_loop3A_1899, %parallel_loop3A_1960 : vector<16xf32>
        %parallel_loop3A_1962 = arith.addf %parallel_loop3A_1891, %parallel_loop3A_1961 : vector<16xf32>
        %parallel_loop3A_1963 = arith.constant 0 : i32
        %parallel_loop3A_1964 = arith.constant 0 : i32
        %parallel_loop3A_1965 = tpu.memref_slice %arg13[%parallel_loop3A_227, %parallel_loop3A_1963, %parallel_loop3A_1964] : memref<2x320x128xf32, #tpu.memory_space<vmem>> -> memref<1x320x128xf32, #tpu.memory_space<vmem>>
        %parallel_loop3A_1966 = tpu.memref_squeeze %parallel_loop3A_1965 : memref<1x320x128xf32, #tpu.memory_space<vmem>> -> memref<320x128xf32, #tpu.memory_space<vmem>>
        %parallel_loop3A_1967 = tpu.vector_load_idx %parallel_loop3A_1966[%add3A_217, %parallel_loop3A_1894] : memref<320x128xf32, #tpu.memory_space<vmem>>[vector<16xi32>, vector<16xi32>], vector<16xf32>,
        %parallel_loop3A_1968 = arith.mulf %parallel_loop3A_1899, %parallel_loop3A_1967 : vector<16xf32>
        %parallel_loop3A_1969 = arith.addf %parallel_loop3A_1892, %parallel_loop3A_1968 : vector<16xf32>
        %parallel_loop3A_1970 = arith.constant 0 : i32
        %parallel_loop3A_1971 = arith.constant 0 : i32
        %parallel_loop3A_1972 = tpu.memref_slice %arg13[%parallel_loop3A_227, %parallel_loop3A_1970, %parallel_loop3A_1971] : memref<2x320x128xf32, #tpu.memory_space<vmem>> -> memref<1x320x128xf32, #tpu.memory_space<vmem>>
        %parallel_loop3A_1973 = tpu.memref_squeeze %parallel_loop3A_1972 : memref<1x320x128xf32, #tpu.memory_space<vmem>> -> memref<320x128xf32, #tpu.memory_space<vmem>>
        %parallel_loop3A_1974 = tpu.vector_load_idx %parallel_loop3A_1973[%add3A_220, %parallel_loop3A_1894] : memref<320x128xf32, #tpu.memory_space<vmem>>[vector<16xi32>, vector<16xi32>], vector<16xf32>,
        %parallel_loop3A_1975 = arith.mulf %parallel_loop3A_1899, %parallel_loop3A_1974 : vector<16xf32>
        %parallel_loop3A_1976 = arith.addf %parallel_loop3A_1893, %parallel_loop3A_1975 : vector<16xf32>
        scf.yield %parallel_loop3A_1906, %parallel_loop3A_1913, %parallel_loop3A_1920, %parallel_loop3A_1927, %parallel_loop3A_1934, %parallel_loop3A_1941, %parallel_loop3A_1948, %parallel_loop3A_1955, %parallel_loop3A_1962, %parallel_loop3A_1969, %parallel_loop3A_1976 : vector<16xf32>, vector<16xf32>, vector<16xf32>, vector<16xf32>, vector<16xf32>, vector<16xf32>, vector<16xf32>, vector<16xf32>, vector<16xf32>, vector<16xf32>, vector<16xf32>
      } {sc.loop_unroll_factor = 4 : i64, sc.parallel_access}
      %add3A_229 = arith.constant 10 : i32
      %add3A_230 = vector.broadcast %add3A_229 : i32 to vector<16xi32>
      %add3A_231 = arith.addi %mul3A_7, %add3A_230 : vector<16xi32>
      %add3A_232 = arith.constant 11 : i32
      %add3A_233 = vector.broadcast %add3A_232 : i32 to vector<16xi32>
      %add3A_234 = arith.addi %mul3A_7, %add3A_233 : vector<16xi32>
      %add3A_235 = arith.constant 12 : i32
      %add3A_236 = vector.broadcast %add3A_235 : i32 to vector<16xi32>
      %add3A_237 = arith.addi %mul3A_7, %add3A_236 : vector<16xi32>
      %add3A_238 = arith.constant 13 : i32
      %add3A_239 = vector.broadcast %add3A_238 : i32 to vector<16xi32>
      %add3A_240 = arith.addi %mul3A_7, %add3A_239 : vector<16xi32>
      %add3A_241 = arith.constant 14 : i32
      %add3A_242 = vector.broadcast %add3A_241 : i32 to vector<16xi32>
      %add3A_243 = arith.addi %mul3A_7, %add3A_242 : vector<16xi32>
      %add3A_244 = arith.constant 15 : i32
      %add3A_245 = vector.broadcast %add3A_244 : i32 to vector<16xi32>
      %add3A_246 = arith.addi %mul3A_7, %add3A_245 : vector<16xi32>
      %add3A_247 = arith.constant 16 : i32
      %add3A_248 = vector.broadcast %add3A_247 : i32 to vector<16xi32>
      %add3A_249 = arith.addi %mul3A_7, %add3A_248 : vector<16xi32>
      %add3A_250 = arith.constant 17 : i32
      %add3A_251 = vector.broadcast %add3A_250 : i32 to vector<16xi32>
      %add3A_252 = arith.addi %mul3A_7, %add3A_251 : vector<16xi32>
      %add3A_253 = arith.constant 18 : i32
      %add3A_254 = vector.broadcast %add3A_253 : i32 to vector<16xi32>
      %add3A_255 = arith.addi %mul3A_7, %add3A_254 : vector<16xi32>
      %add3A_256 = arith.constant 19 : i32
      %add3A_257 = vector.broadcast %add3A_256 : i32 to vector<16xi32>
      %add3A_258 = arith.addi %mul3A_7, %add3A_257 : vector<16xi32>
      %broadcast_in_dim3A_259 = arith.constant 0.000000e+00 : f32
      %broadcast_in_dim3A_260 = vector.broadcast %broadcast_in_dim3A_259 : f32 to vector<16xf32>
      %parallel_loop3A_261 = arith.constant 0 : i32
      %parallel_loop3A_262 = arith.constant 64 : i32
      %parallel_loop3A_263 = arith.constant 1 : i32
      %parallel_loop3A_264 = arith.constant 0 : i32
      %parallel_loop3A_265 = arith.constant 0 : i32
      %parallel_loop3A_266:10 = scf.for %parallel_loop3A_1882 = %parallel_loop3A_261 to %parallel_loop3A_262 step %parallel_loop3A_263 iter_args(%parallel_loop3A_1883 = %broadcast_in_dim3A_260, %parallel_loop3A_1884 = %broadcast_in_dim3A_260, %parallel_loop3A_1885 = %broadcast_in_dim3A_260, %parallel_loop3A_1886 = %broadcast_in_dim3A_260, %parallel_loop3A_1887 = %broadcast_in_dim3A_260, %parallel_loop3A_1888 = %broadcast_in_dim3A_260, %parallel_loop3A_1889 = %broadcast_in_dim3A_260, %parallel_loop3A_1890 = %broadcast_in_dim3A_260, %parallel_loop3A_1891 = %broadcast_in_dim3A_260, %parallel_loop3A_1892 = %broadcast_in_dim3A_260) -> (vector<16xf32>, vector<16xf32>, vector<16xf32>, vector<16xf32>, vector<16xf32>, vector<16xf32>, vector<16xf32>, vector<16xf32>, vector<16xf32>, vector<16xf32>)  : i32 {
        %parallel_loop3A_1893 = vector.broadcast %parallel_loop3A_1882 : i32 to vector<16xi32>
        %parallel_loop3A_1894 = arith.constant 0 : i32
        %parallel_loop3A_1895 = arith.constant 0 : i32
        %parallel_loop3A_1896 = tpu.memref_slice %arg11[%parallel_loop3A_264, %parallel_loop3A_1894, %parallel_loop3A_1895] : memref<2x16x128xf32, #tpu.memory_space<vmem>> -> memref<1x16x128xf32, #tpu.memory_space<vmem>>
        %parallel_loop3A_1897 = tpu.memref_squeeze %parallel_loop3A_1896 : memref<1x16x128xf32, #tpu.memory_space<vmem>> -> memref<16x128xf32, #tpu.memory_space<vmem>>
        %parallel_loop3A_1898 = tpu.vector_load_idx %parallel_loop3A_1897[%iota3A, %parallel_loop3A_1893] : memref<16x128xf32, #tpu.memory_space<vmem>>[vector<16xi32>, vector<16xi32>], vector<16xf32>,
        %parallel_loop3A_1899 = arith.constant 0 : i32
        %parallel_loop3A_1900 = arith.constant 0 : i32
        %parallel_loop3A_1901 = tpu.memref_slice %arg13[%parallel_loop3A_265, %parallel_loop3A_1899, %parallel_loop3A_1900] : memref<2x320x128xf32, #tpu.memory_space<vmem>> -> memref<1x320x128xf32, #tpu.memory_space<vmem>>
        %parallel_loop3A_1902 = tpu.memref_squeeze %parallel_loop3A_1901 : memref<1x320x128xf32, #tpu.memory_space<vmem>> -> memref<320x128xf32, #tpu.memory_space<vmem>>
        %parallel_loop3A_1903 = tpu.vector_load_idx %parallel_loop3A_1902[%add3A_231, %parallel_loop3A_1893] : memref<320x128xf32, #tpu.memory_space<vmem>>[vector<16xi32>, vector<16xi32>], vector<16xf32>,
        %parallel_loop3A_1904 = arith.mulf %parallel_loop3A_1898, %parallel_loop3A_1903 : vector<16xf32>
        %parallel_loop3A_1905 = arith.addf %parallel_loop3A_1883, %parallel_loop3A_1904 : vector<16xf32>
        %parallel_loop3A_1906 = arith.constant 0 : i32
        %parallel_loop3A_1907 = arith.constant 0 : i32
        %parallel_loop3A_1908 = tpu.memref_slice %arg13[%parallel_loop3A_265, %parallel_loop3A_1906, %parallel_loop3A_1907] : memref<2x320x128xf32, #tpu.memory_space<vmem>> -> memref<1x320x128xf32, #tpu.memory_space<vmem>>
        %parallel_loop3A_1909 = tpu.memref_squeeze %parallel_loop3A_1908 : memref<1x320x128xf32, #tpu.memory_space<vmem>> -> memref<320x128xf32, #tpu.memory_space<vmem>>
        %parallel_loop3A_1910 = tpu.vector_load_idx %parallel_loop3A_1909[%add3A_234, %parallel_loop3A_1893] : memref<320x128xf32, #tpu.memory_space<vmem>>[vector<16xi32>, vector<16xi32>], vector<16xf32>,
        %parallel_loop3A_1911 = arith.mulf %parallel_loop3A_1898, %parallel_loop3A_1910 : vector<16xf32>
        %parallel_loop3A_1912 = arith.addf %parallel_loop3A_1884, %parallel_loop3A_1911 : vector<16xf32>
        %parallel_loop3A_1913 = arith.constant 0 : i32
        %parallel_loop3A_1914 = arith.constant 0 : i32
        %parallel_loop3A_1915 = tpu.memref_slice %arg13[%parallel_loop3A_265, %parallel_loop3A_1913, %parallel_loop3A_1914] : memref<2x320x128xf32, #tpu.memory_space<vmem>> -> memref<1x320x128xf32, #tpu.memory_space<vmem>>
        %parallel_loop3A_1916 = tpu.memref_squeeze %parallel_loop3A_1915 : memref<1x320x128xf32, #tpu.memory_space<vmem>> -> memref<320x128xf32, #tpu.memory_space<vmem>>
        %parallel_loop3A_1917 = tpu.vector_load_idx %parallel_loop3A_1916[%add3A_237, %parallel_loop3A_1893] : memref<320x128xf32, #tpu.memory_space<vmem>>[vector<16xi32>, vector<16xi32>], vector<16xf32>,
        %parallel_loop3A_1918 = arith.mulf %parallel_loop3A_1898, %parallel_loop3A_1917 : vector<16xf32>
        %parallel_loop3A_1919 = arith.addf %parallel_loop3A_1885, %parallel_loop3A_1918 : vector<16xf32>
        %parallel_loop3A_1920 = arith.constant 0 : i32
        %parallel_loop3A_1921 = arith.constant 0 : i32
        %parallel_loop3A_1922 = tpu.memref_slice %arg13[%parallel_loop3A_265, %parallel_loop3A_1920, %parallel_loop3A_1921] : memref<2x320x128xf32, #tpu.memory_space<vmem>> -> memref<1x320x128xf32, #tpu.memory_space<vmem>>
        %parallel_loop3A_1923 = tpu.memref_squeeze %parallel_loop3A_1922 : memref<1x320x128xf32, #tpu.memory_space<vmem>> -> memref<320x128xf32, #tpu.memory_space<vmem>>
        %parallel_loop3A_1924 = tpu.vector_load_idx %parallel_loop3A_1923[%add3A_240, %parallel_loop3A_1893] : memref<320x128xf32, #tpu.memory_space<vmem>>[vector<16xi32>, vector<16xi32>], vector<16xf32>,
        %parallel_loop3A_1925 = arith.mulf %parallel_loop3A_1898, %parallel_loop3A_1924 : vector<16xf32>
        %parallel_loop3A_1926 = arith.addf %parallel_loop3A_1886, %parallel_loop3A_1925 : vector<16xf32>
        %parallel_loop3A_1927 = arith.constant 0 : i32
        %parallel_loop3A_1928 = arith.constant 0 : i32
        %parallel_loop3A_1929 = tpu.memref_slice %arg13[%parallel_loop3A_265, %parallel_loop3A_1927, %parallel_loop3A_1928] : memref<2x320x128xf32, #tpu.memory_space<vmem>> -> memref<1x320x128xf32, #tpu.memory_space<vmem>>
        %parallel_loop3A_1930 = tpu.memref_squeeze %parallel_loop3A_1929 : memref<1x320x128xf32, #tpu.memory_space<vmem>> -> memref<320x128xf32, #tpu.memory_space<vmem>>
        %parallel_loop3A_1931 = tpu.vector_load_idx %parallel_loop3A_1930[%add3A_243, %parallel_loop3A_1893] : memref<320x128xf32, #tpu.memory_space<vmem>>[vector<16xi32>, vector<16xi32>], vector<16xf32>,
        %parallel_loop3A_1932 = arith.mulf %parallel_loop3A_1898, %parallel_loop3A_1931 : vector<16xf32>
        %parallel_loop3A_1933 = arith.addf %parallel_loop3A_1887, %parallel_loop3A_1932 : vector<16xf32>
        %parallel_loop3A_1934 = arith.constant 0 : i32
        %parallel_loop3A_1935 = arith.constant 0 : i32
        %parallel_loop3A_1936 = tpu.memref_slice %arg13[%parallel_loop3A_265, %parallel_loop3A_1934, %parallel_loop3A_1935] : memref<2x320x128xf32, #tpu.memory_space<vmem>> -> memref<1x320x128xf32, #tpu.memory_space<vmem>>
        %parallel_loop3A_1937 = tpu.memref_squeeze %parallel_loop3A_1936 : memref<1x320x128xf32, #tpu.memory_space<vmem>> -> memref<320x128xf32, #tpu.memory_space<vmem>>
        %parallel_loop3A_1938 = tpu.vector_load_idx %parallel_loop3A_1937[%add3A_246, %parallel_loop3A_1893] : memref<320x128xf32, #tpu.memory_space<vmem>>[vector<16xi32>, vector<16xi32>], vector<16xf32>,
        %parallel_loop3A_1939 = arith.mulf %parallel_loop3A_1898, %parallel_loop3A_1938 : vector<16xf32>
        %parallel_loop3A_1940 = arith.addf %parallel_loop3A_1888, %parallel_loop3A_1939 : vector<16xf32>
        %parallel_loop3A_1941 = arith.constant 0 : i32
        %parallel_loop3A_1942 = arith.constant 0 : i32
        %parallel_loop3A_1943 = tpu.memref_slice %arg13[%parallel_loop3A_265, %parallel_loop3A_1941, %parallel_loop3A_1942] : memref<2x320x128xf32, #tpu.memory_space<vmem>> -> memref<1x320x128xf32, #tpu.memory_space<vmem>>
        %parallel_loop3A_1944 = tpu.memref_squeeze %parallel_loop3A_1943 : memref<1x320x128xf32, #tpu.memory_space<vmem>> -> memref<320x128xf32, #tpu.memory_space<vmem>>
        %parallel_loop3A_1945 = tpu.vector_load_idx %parallel_loop3A_1944[%add3A_249, %parallel_loop3A_1893] : memref<320x128xf32, #tpu.memory_space<vmem>>[vector<16xi32>, vector<16xi32>], vector<16xf32>,
        %parallel_loop3A_1946 = arith.mulf %parallel_loop3A_1898, %parallel_loop3A_1945 : vector<16xf32>
        %parallel_loop3A_1947 = arith.addf %parallel_loop3A_1889, %parallel_loop3A_1946 : vector<16xf32>
        %parallel_loop3A_1948 = arith.constant 0 : i32
        %parallel_loop3A_1949 = arith.constant 0 : i32
        %parallel_loop3A_1950 = tpu.memref_slice %arg13[%parallel_loop3A_265, %parallel_loop3A_1948, %parallel_loop3A_1949] : memref<2x320x128xf32, #tpu.memory_space<vmem>> -> memref<1x320x128xf32, #tpu.memory_space<vmem>>
        %parallel_loop3A_1951 = tpu.memref_squeeze %parallel_loop3A_1950 : memref<1x320x128xf32, #tpu.memory_space<vmem>> -> memref<320x128xf32, #tpu.memory_space<vmem>>
        %parallel_loop3A_1952 = tpu.vector_load_idx %parallel_loop3A_1951[%add3A_252, %parallel_loop3A_1893] : memref<320x128xf32, #tpu.memory_space<vmem>>[vector<16xi32>, vector<16xi32>], vector<16xf32>,
        %parallel_loop3A_1953 = arith.mulf %parallel_loop3A_1898, %parallel_loop3A_1952 : vector<16xf32>
        %parallel_loop3A_1954 = arith.addf %parallel_loop3A_1890, %parallel_loop3A_1953 : vector<16xf32>
        %parallel_loop3A_1955 = arith.constant 0 : i32
        %parallel_loop3A_1956 = arith.constant 0 : i32
        %parallel_loop3A_1957 = tpu.memref_slice %arg13[%parallel_loop3A_265, %parallel_loop3A_1955, %parallel_loop3A_1956] : memref<2x320x128xf32, #tpu.memory_space<vmem>> -> memref<1x320x128xf32, #tpu.memory_space<vmem>>
        %parallel_loop3A_1958 = tpu.memref_squeeze %parallel_loop3A_1957 : memref<1x320x128xf32, #tpu.memory_space<vmem>> -> memref<320x128xf32, #tpu.memory_space<vmem>>
        %parallel_loop3A_1959 = tpu.vector_load_idx %parallel_loop3A_1958[%add3A_255, %parallel_loop3A_1893] : memref<320x128xf32, #tpu.memory_space<vmem>>[vector<16xi32>, vector<16xi32>], vector<16xf32>,
        %parallel_loop3A_1960 = arith.mulf %parallel_loop3A_1898, %parallel_loop3A_1959 : vector<16xf32>
        %parallel_loop3A_1961 = arith.addf %parallel_loop3A_1891, %parallel_loop3A_1960 : vector<16xf32>
        %parallel_loop3A_1962 = arith.constant 0 : i32
        %parallel_loop3A_1963 = arith.constant 0 : i32
        %parallel_loop3A_1964 = tpu.memref_slice %arg13[%parallel_loop3A_265, %parallel_loop3A_1962, %parallel_loop3A_1963] : memref<2x320x128xf32, #tpu.memory_space<vmem>> -> memref<1x320x128xf32, #tpu.memory_space<vmem>>
        %parallel_loop3A_1965 = tpu.memref_squeeze %parallel_loop3A_1964 : memref<1x320x128xf32, #tpu.memory_space<vmem>> -> memref<320x128xf32, #tpu.memory_space<vmem>>
        %parallel_loop3A_1966 = tpu.vector_load_idx %parallel_loop3A_1965[%add3A_258, %parallel_loop3A_1893] : memref<320x128xf32, #tpu.memory_space<vmem>>[vector<16xi32>, vector<16xi32>], vector<16xf32>,
        %parallel_loop3A_1967 = arith.mulf %parallel_loop3A_1898, %parallel_loop3A_1966 : vector<16xf32>
        %parallel_loop3A_1968 = arith.addf %parallel_loop3A_1892, %parallel_loop3A_1967 : vector<16xf32>
        scf.yield %parallel_loop3A_1905, %parallel_loop3A_1912, %parallel_loop3A_1919, %parallel_loop3A_1926, %parallel_loop3A_1933, %parallel_loop3A_1940, %parallel_loop3A_1947, %parallel_loop3A_1954, %parallel_loop3A_1961, %parallel_loop3A_1968 : vector<16xf32>, vector<16xf32>, vector<16xf32>, vector<16xf32>, vector<16xf32>, vector<16xf32>, vector<16xf32>, vector<16xf32>, vector<16xf32>, vector<16xf32>
      } {sc.loop_unroll_factor = 4 : i64, sc.parallel_access}
      %neg3A = arith.constant 0.000000e+00 : f32
      %neg3A_267 = vector.broadcast %neg3A : f32 to vector<16xf32>
      %neg3A_268 = arith.subf %neg3A_267, %parallel_loop3A_228#0 : vector<16xf32>
      %abs3A = math.absf %neg3A_268 : vector<16xf32>
      %neg3A_269 = arith.constant 0.000000e+00 : f32
      %neg3A_270 = vector.broadcast %neg3A_269 : f32 to vector<16xf32>
      %neg3A_271 = arith.subf %neg3A_270, %abs3A : vector<16xf32>
      %exp3A = math.exp %neg3A_271 : vector<16xf32>
      %add3A_272 = arith.constant 2.000000e+00 : f32
      %add3A_273 = vector.broadcast %add3A_272 : f32 to vector<16xf32>
      %add3A_274 = arith.addf %exp3A, %add3A_273 : vector<16xf32>
      %div3A = arith.divf %exp3A, %add3A_274 : vector<16xf32>
      %mul3A_275 = arith.mulf %div3A, %div3A : vector<16xf32>
      %mul3A_276 = arith.constant 0.111111112 : f32
      %mul3A_277 = vector.broadcast %mul3A_276 : f32 to vector<16xf32>
      %mul3A_278 = arith.mulf %mul3A_275, %mul3A_277 : vector<16xf32>
      %add3A_279 = arith.constant 0.142857149 : f32
      %add3A_280 = vector.broadcast %add3A_279 : f32 to vector<16xf32>
      %add3A_281 = arith.addf %mul3A_278, %add3A_280 : vector<16xf32>
      %mul3A_282 = arith.mulf %mul3A_275, %add3A_281 : vector<16xf32>
      %add3A_283 = arith.constant 2.000000e-01 : f32
      %add3A_284 = vector.broadcast %add3A_283 : f32 to vector<16xf32>
      %add3A_285 = arith.addf %mul3A_282, %add3A_284 : vector<16xf32>
      %mul3A_286 = arith.mulf %mul3A_275, %add3A_285 : vector<16xf32>
      %add3A_287 = arith.constant 0.333333343 : f32
      %add3A_288 = vector.broadcast %add3A_287 : f32 to vector<16xf32>
      %add3A_289 = arith.addf %mul3A_286, %add3A_288 : vector<16xf32>
      %mul3A_290 = arith.mulf %mul3A_275, %add3A_289 : vector<16xf32>
      %add3A_291 = arith.constant 1.000000e+00 : f32
      %add3A_292 = vector.broadcast %add3A_291 : f32 to vector<16xf32>
      %add3A_293 = arith.addf %mul3A_290, %add3A_292 : vector<16xf32>
      %mul3A_294 = arith.mulf %div3A, %add3A_293 : vector<16xf32>
      %max3A = arith.constant 0.000000e+00 : f32
      %max3A_295 = vector.broadcast %max3A : f32 to vector<16xf32>
      %max3A_296 = arith.maximumf %neg3A_268, %max3A_295 : vector<16xf32>
      %add3A_297 = arith.addf %mul3A_294, %mul3A_294 : vector<16xf32>
      %add3A_298 = arith.addf %max3A_296, %add3A_297 : vector<16xf32>
      %add3A_299 = arith.addf %scan3A_65, %add3A_298 : vector<16xf32>
      %abs3A_300 = math.absf %parallel_loop3A_228#1 : vector<16xf32>
      %neg3A_301 = arith.constant 0.000000e+00 : f32
      %neg3A_302 = vector.broadcast %neg3A_301 : f32 to vector<16xf32>
      %neg3A_303 = arith.subf %neg3A_302, %abs3A_300 : vector<16xf32>
      %exp3A_304 = math.exp %neg3A_303 : vector<16xf32>
      %add3A_305 = arith.constant 2.000000e+00 : f32
      %add3A_306 = vector.broadcast %add3A_305 : f32 to vector<16xf32>
      %add3A_307 = arith.addf %exp3A_304, %add3A_306 : vector<16xf32>
      %div3A_308 = arith.divf %exp3A_304, %add3A_307 : vector<16xf32>
      %mul3A_309 = arith.mulf %div3A_308, %div3A_308 : vector<16xf32>
      %mul3A_310 = arith.constant 0.111111112 : f32
      %mul3A_311 = vector.broadcast %mul3A_310 : f32 to vector<16xf32>
      %mul3A_312 = arith.mulf %mul3A_309, %mul3A_311 : vector<16xf32>
      %add3A_313 = arith.constant 0.142857149 : f32
      %add3A_314 = vector.broadcast %add3A_313 : f32 to vector<16xf32>
      %add3A_315 = arith.addf %mul3A_312, %add3A_314 : vector<16xf32>
      %mul3A_316 = arith.mulf %mul3A_309, %add3A_315 : vector<16xf32>
      %add3A_317 = arith.constant 2.000000e-01 : f32
      %add3A_318 = vector.broadcast %add3A_317 : f32 to vector<16xf32>
      %add3A_319 = arith.addf %mul3A_316, %add3A_318 : vector<16xf32>
      %mul3A_320 = arith.mulf %mul3A_309, %add3A_319 : vector<16xf32>
      %add3A_321 = arith.constant 0.333333343 : f32
      %add3A_322 = vector.broadcast %add3A_321 : f32 to vector<16xf32>
      %add3A_323 = arith.addf %mul3A_320, %add3A_322 : vector<16xf32>
      %mul3A_324 = arith.mulf %mul3A_309, %add3A_323 : vector<16xf32>
      %add3A_325 = arith.constant 1.000000e+00 : f32
      %add3A_326 = vector.broadcast %add3A_325 : f32 to vector<16xf32>
      %add3A_327 = arith.addf %mul3A_324, %add3A_326 : vector<16xf32>
      %mul3A_328 = arith.mulf %div3A_308, %add3A_327 : vector<16xf32>
      %max3A_329 = arith.constant 0.000000e+00 : f32
      %max3A_330 = vector.broadcast %max3A_329 : f32 to vector<16xf32>
      %max3A_331 = arith.maximumf %parallel_loop3A_228#1, %max3A_330 : vector<16xf32>
      %add3A_332 = arith.addf %mul3A_328, %mul3A_328 : vector<16xf32>
      %add3A_333 = arith.addf %max3A_331, %add3A_332 : vector<16xf32>
      %add3A_334 = arith.addf %add3A_299, %add3A_333 : vector<16xf32>
      %abs3A_335 = math.absf %parallel_loop3A_228#2 : vector<16xf32>
      %neg3A_336 = arith.constant 0.000000e+00 : f32
      %neg3A_337 = vector.broadcast %neg3A_336 : f32 to vector<16xf32>
      %neg3A_338 = arith.subf %neg3A_337, %abs3A_335 : vector<16xf32>
      %exp3A_339 = math.exp %neg3A_338 : vector<16xf32>
      %add3A_340 = arith.constant 2.000000e+00 : f32
      %add3A_341 = vector.broadcast %add3A_340 : f32 to vector<16xf32>
      %add3A_342 = arith.addf %exp3A_339, %add3A_341 : vector<16xf32>
      %div3A_343 = arith.divf %exp3A_339, %add3A_342 : vector<16xf32>
      %mul3A_344 = arith.mulf %div3A_343, %div3A_343 : vector<16xf32>
      %mul3A_345 = arith.constant 0.111111112 : f32
      %mul3A_346 = vector.broadcast %mul3A_345 : f32 to vector<16xf32>
      %mul3A_347 = arith.mulf %mul3A_344, %mul3A_346 : vector<16xf32>
      %add3A_348 = arith.constant 0.142857149 : f32
      %add3A_349 = vector.broadcast %add3A_348 : f32 to vector<16xf32>
      %add3A_350 = arith.addf %mul3A_347, %add3A_349 : vector<16xf32>
      %mul3A_351 = arith.mulf %mul3A_344, %add3A_350 : vector<16xf32>
      %add3A_352 = arith.constant 2.000000e-01 : f32
      %add3A_353 = vector.broadcast %add3A_352 : f32 to vector<16xf32>
      %add3A_354 = arith.addf %mul3A_351, %add3A_353 : vector<16xf32>
      %mul3A_355 = arith.mulf %mul3A_344, %add3A_354 : vector<16xf32>
      %add3A_356 = arith.constant 0.333333343 : f32
      %add3A_357 = vector.broadcast %add3A_356 : f32 to vector<16xf32>
      %add3A_358 = arith.addf %mul3A_355, %add3A_357 : vector<16xf32>
      %mul3A_359 = arith.mulf %mul3A_344, %add3A_358 : vector<16xf32>
      %add3A_360 = arith.constant 1.000000e+00 : f32
      %add3A_361 = vector.broadcast %add3A_360 : f32 to vector<16xf32>
      %add3A_362 = arith.addf %mul3A_359, %add3A_361 : vector<16xf32>
      %mul3A_363 = arith.mulf %div3A_343, %add3A_362 : vector<16xf32>
      %max3A_364 = arith.constant 0.000000e+00 : f32
      %max3A_365 = vector.broadcast %max3A_364 : f32 to vector<16xf32>
      %max3A_366 = arith.maximumf %parallel_loop3A_228#2, %max3A_365 : vector<16xf32>
      %add3A_367 = arith.addf %mul3A_363, %mul3A_363 : vector<16xf32>
      %add3A_368 = arith.addf %max3A_366, %add3A_367 : vector<16xf32>
      %add3A_369 = arith.addf %add3A_334, %add3A_368 : vector<16xf32>
      %abs3A_370 = math.absf %parallel_loop3A_228#3 : vector<16xf32>
      %neg3A_371 = arith.constant 0.000000e+00 : f32
      %neg3A_372 = vector.broadcast %neg3A_371 : f32 to vector<16xf32>
      %neg3A_373 = arith.subf %neg3A_372, %abs3A_370 : vector<16xf32>
      %exp3A_374 = math.exp %neg3A_373 : vector<16xf32>
      %add3A_375 = arith.constant 2.000000e+00 : f32
      %add3A_376 = vector.broadcast %add3A_375 : f32 to vector<16xf32>
      %add3A_377 = arith.addf %exp3A_374, %add3A_376 : vector<16xf32>
      %div3A_378 = arith.divf %exp3A_374, %add3A_377 : vector<16xf32>
      %mul3A_379 = arith.mulf %div3A_378, %div3A_378 : vector<16xf32>
      %mul3A_380 = arith.constant 0.111111112 : f32
      %mul3A_381 = vector.broadcast %mul3A_380 : f32 to vector<16xf32>
      %mul3A_382 = arith.mulf %mul3A_379, %mul3A_381 : vector<16xf32>
      %add3A_383 = arith.constant 0.142857149 : f32
      %add3A_384 = vector.broadcast %add3A_383 : f32 to vector<16xf32>
      %add3A_385 = arith.addf %mul3A_382, %add3A_384 : vector<16xf32>
      %mul3A_386 = arith.mulf %mul3A_379, %add3A_385 : vector<16xf32>
      %add3A_387 = arith.constant 2.000000e-01 : f32
      %add3A_388 = vector.broadcast %add3A_387 : f32 to vector<16xf32>
      %add3A_389 = arith.addf %mul3A_386, %add3A_388 : vector<16xf32>
      %mul3A_390 = arith.mulf %mul3A_379, %add3A_389 : vector<16xf32>
      %add3A_391 = arith.constant 0.333333343 : f32
      %add3A_392 = vector.broadcast %add3A_391 : f32 to vector<16xf32>
      %add3A_393 = arith.addf %mul3A_390, %add3A_392 : vector<16xf32>
      %mul3A_394 = arith.mulf %mul3A_379, %add3A_393 : vector<16xf32>
      %add3A_395 = arith.constant 1.000000e+00 : f32
      %add3A_396 = vector.broadcast %add3A_395 : f32 to vector<16xf32>
      %add3A_397 = arith.addf %mul3A_394, %add3A_396 : vector<16xf32>
      %mul3A_398 = arith.mulf %div3A_378, %add3A_397 : vector<16xf32>
      %max3A_399 = arith.constant 0.000000e+00 : f32
      %max3A_400 = vector.broadcast %max3A_399 : f32 to vector<16xf32>
      %max3A_401 = arith.maximumf %parallel_loop3A_228#3, %max3A_400 : vector<16xf32>
      %add3A_402 = arith.addf %mul3A_398, %mul3A_398 : vector<16xf32>
      %add3A_403 = arith.addf %max3A_401, %add3A_402 : vector<16xf32>
      %add3A_404 = arith.addf %add3A_369, %add3A_403 : vector<16xf32>
      %abs3A_405 = math.absf %parallel_loop3A_228#4 : vector<16xf32>
      %neg3A_406 = arith.constant 0.000000e+00 : f32
      %neg3A_407 = vector.broadcast %neg3A_406 : f32 to vector<16xf32>
      %neg3A_408 = arith.subf %neg3A_407, %abs3A_405 : vector<16xf32>
      %exp3A_409 = math.exp %neg3A_408 : vector<16xf32>
      %add3A_410 = arith.constant 2.000000e+00 : f32
      %add3A_411 = vector.broadcast %add3A_410 : f32 to vector<16xf32>
      %add3A_412 = arith.addf %exp3A_409, %add3A_411 : vector<16xf32>
      %div3A_413 = arith.divf %exp3A_409, %add3A_412 : vector<16xf32>
      %mul3A_414 = arith.mulf %div3A_413, %div3A_413 : vector<16xf32>
      %mul3A_415 = arith.constant 0.111111112 : f32
      %mul3A_416 = vector.broadcast %mul3A_415 : f32 to vector<16xf32>
      %mul3A_417 = arith.mulf %mul3A_414, %mul3A_416 : vector<16xf32>
      %add3A_418 = arith.constant 0.142857149 : f32
      %add3A_419 = vector.broadcast %add3A_418 : f32 to vector<16xf32>
      %add3A_420 = arith.addf %mul3A_417, %add3A_419 : vector<16xf32>
      %mul3A_421 = arith.mulf %mul3A_414, %add3A_420 : vector<16xf32>
      %add3A_422 = arith.constant 2.000000e-01 : f32
      %add3A_423 = vector.broadcast %add3A_422 : f32 to vector<16xf32>
      %add3A_424 = arith.addf %mul3A_421, %add3A_423 : vector<16xf32>
      %mul3A_425 = arith.mulf %mul3A_414, %add3A_424 : vector<16xf32>
      %add3A_426 = arith.constant 0.333333343 : f32
      %add3A_427 = vector.broadcast %add3A_426 : f32 to vector<16xf32>
      %add3A_428 = arith.addf %mul3A_425, %add3A_427 : vector<16xf32>
      %mul3A_429 = arith.mulf %mul3A_414, %add3A_428 : vector<16xf32>
      %add3A_430 = arith.constant 1.000000e+00 : f32
      %add3A_431 = vector.broadcast %add3A_430 : f32 to vector<16xf32>
      %add3A_432 = arith.addf %mul3A_429, %add3A_431 : vector<16xf32>
      %mul3A_433 = arith.mulf %div3A_413, %add3A_432 : vector<16xf32>
      %max3A_434 = arith.constant 0.000000e+00 : f32
      %max3A_435 = vector.broadcast %max3A_434 : f32 to vector<16xf32>
      %max3A_436 = arith.maximumf %parallel_loop3A_228#4, %max3A_435 : vector<16xf32>
      %add3A_437 = arith.addf %mul3A_433, %mul3A_433 : vector<16xf32>
      %add3A_438 = arith.addf %max3A_436, %add3A_437 : vector<16xf32>
      %add3A_439 = arith.addf %add3A_404, %add3A_438 : vector<16xf32>
      %abs3A_440 = math.absf %parallel_loop3A_228#5 : vector<16xf32>
      %neg3A_441 = arith.constant 0.000000e+00 : f32
      %neg3A_442 = vector.broadcast %neg3A_441 : f32 to vector<16xf32>
      %neg3A_443 = arith.subf %neg3A_442, %abs3A_440 : vector<16xf32>
      %exp3A_444 = math.exp %neg3A_443 : vector<16xf32>
      %add3A_445 = arith.constant 2.000000e+00 : f32
      %add3A_446 = vector.broadcast %add3A_445 : f32 to vector<16xf32>
      %add3A_447 = arith.addf %exp3A_444, %add3A_446 : vector<16xf32>
      %div3A_448 = arith.divf %exp3A_444, %add3A_447 : vector<16xf32>
      %mul3A_449 = arith.mulf %div3A_448, %div3A_448 : vector<16xf32>
      %mul3A_450 = arith.constant 0.111111112 : f32
      %mul3A_451 = vector.broadcast %mul3A_450 : f32 to vector<16xf32>
      %mul3A_452 = arith.mulf %mul3A_449, %mul3A_451 : vector<16xf32>
      %add3A_453 = arith.constant 0.142857149 : f32
      %add3A_454 = vector.broadcast %add3A_453 : f32 to vector<16xf32>
      %add3A_455 = arith.addf %mul3A_452, %add3A_454 : vector<16xf32>
      %mul3A_456 = arith.mulf %mul3A_449, %add3A_455 : vector<16xf32>
      %add3A_457 = arith.constant 2.000000e-01 : f32
      %add3A_458 = vector.broadcast %add3A_457 : f32 to vector<16xf32>
      %add3A_459 = arith.addf %mul3A_456, %add3A_458 : vector<16xf32>
      %mul3A_460 = arith.mulf %mul3A_449, %add3A_459 : vector<16xf32>
      %add3A_461 = arith.constant 0.333333343 : f32
      %add3A_462 = vector.broadcast %add3A_461 : f32 to vector<16xf32>
      %add3A_463 = arith.addf %mul3A_460, %add3A_462 : vector<16xf32>
      %mul3A_464 = arith.mulf %mul3A_449, %add3A_463 : vector<16xf32>
      %add3A_465 = arith.constant 1.000000e+00 : f32
      %add3A_466 = vector.broadcast %add3A_465 : f32 to vector<16xf32>
      %add3A_467 = arith.addf %mul3A_464, %add3A_466 : vector<16xf32>
      %mul3A_468 = arith.mulf %div3A_448, %add3A_467 : vector<16xf32>
      %max3A_469 = arith.constant 0.000000e+00 : f32
      %max3A_470 = vector.broadcast %max3A_469 : f32 to vector<16xf32>
      %max3A_471 = arith.maximumf %parallel_loop3A_228#5, %max3A_470 : vector<16xf32>
      %add3A_472 = arith.addf %mul3A_468, %mul3A_468 : vector<16xf32>
      %add3A_473 = arith.addf %max3A_471, %add3A_472 : vector<16xf32>
      %add3A_474 = arith.addf %add3A_439, %add3A_473 : vector<16xf32>
      %abs3A_475 = math.absf %parallel_loop3A_228#6 : vector<16xf32>
      %neg3A_476 = arith.constant 0.000000e+00 : f32
      %neg3A_477 = vector.broadcast %neg3A_476 : f32 to vector<16xf32>
      %neg3A_478 = arith.subf %neg3A_477, %abs3A_475 : vector<16xf32>
      %exp3A_479 = math.exp %neg3A_478 : vector<16xf32>
      %add3A_480 = arith.constant 2.000000e+00 : f32
      %add3A_481 = vector.broadcast %add3A_480 : f32 to vector<16xf32>
      %add3A_482 = arith.addf %exp3A_479, %add3A_481 : vector<16xf32>
      %div3A_483 = arith.divf %exp3A_479, %add3A_482 : vector<16xf32>
      %mul3A_484 = arith.mulf %div3A_483, %div3A_483 : vector<16xf32>
      %mul3A_485 = arith.constant 0.111111112 : f32
      %mul3A_486 = vector.broadcast %mul3A_485 : f32 to vector<16xf32>
      %mul3A_487 = arith.mulf %mul3A_484, %mul3A_486 : vector<16xf32>
      %add3A_488 = arith.constant 0.142857149 : f32
      %add3A_489 = vector.broadcast %add3A_488 : f32 to vector<16xf32>
      %add3A_490 = arith.addf %mul3A_487, %add3A_489 : vector<16xf32>
      %mul3A_491 = arith.mulf %mul3A_484, %add3A_490 : vector<16xf32>
      %add3A_492 = arith.constant 2.000000e-01 : f32
      %add3A_493 = vector.broadcast %add3A_492 : f32 to vector<16xf32>
      %add3A_494 = arith.addf %mul3A_491, %add3A_493 : vector<16xf32>
      %mul3A_495 = arith.mulf %mul3A_484, %add3A_494 : vector<16xf32>
      %add3A_496 = arith.constant 0.333333343 : f32
      %add3A_497 = vector.broadcast %add3A_496 : f32 to vector<16xf32>
      %add3A_498 = arith.addf %mul3A_495, %add3A_497 : vector<16xf32>
      %mul3A_499 = arith.mulf %mul3A_484, %add3A_498 : vector<16xf32>
      %add3A_500 = arith.constant 1.000000e+00 : f32
      %add3A_501 = vector.broadcast %add3A_500 : f32 to vector<16xf32>
      %add3A_502 = arith.addf %mul3A_499, %add3A_501 : vector<16xf32>
      %mul3A_503 = arith.mulf %div3A_483, %add3A_502 : vector<16xf32>
      %max3A_504 = arith.constant 0.000000e+00 : f32
      %max3A_505 = vector.broadcast %max3A_504 : f32 to vector<16xf32>
      %max3A_506 = arith.maximumf %parallel_loop3A_228#6, %max3A_505 : vector<16xf32>
      %add3A_507 = arith.addf %mul3A_503, %mul3A_503 : vector<16xf32>
      %add3A_508 = arith.addf %max3A_506, %add3A_507 : vector<16xf32>
      %add3A_509 = arith.addf %add3A_474, %add3A_508 : vector<16xf32>
      %abs3A_510 = math.absf %parallel_loop3A_228#7 : vector<16xf32>
      %neg3A_511 = arith.constant 0.000000e+00 : f32
      %neg3A_512 = vector.broadcast %neg3A_511 : f32 to vector<16xf32>
      %neg3A_513 = arith.subf %neg3A_512, %abs3A_510 : vector<16xf32>
      %exp3A_514 = math.exp %neg3A_513 : vector<16xf32>
      %add3A_515 = arith.constant 2.000000e+00 : f32
      %add3A_516 = vector.broadcast %add3A_515 : f32 to vector<16xf32>
      %add3A_517 = arith.addf %exp3A_514, %add3A_516 : vector<16xf32>
      %div3A_518 = arith.divf %exp3A_514, %add3A_517 : vector<16xf32>
      %mul3A_519 = arith.mulf %div3A_518, %div3A_518 : vector<16xf32>
      %mul3A_520 = arith.constant 0.111111112 : f32
      %mul3A_521 = vector.broadcast %mul3A_520 : f32 to vector<16xf32>
      %mul3A_522 = arith.mulf %mul3A_519, %mul3A_521 : vector<16xf32>
      %add3A_523 = arith.constant 0.142857149 : f32
      %add3A_524 = vector.broadcast %add3A_523 : f32 to vector<16xf32>
      %add3A_525 = arith.addf %mul3A_522, %add3A_524 : vector<16xf32>
      %mul3A_526 = arith.mulf %mul3A_519, %add3A_525 : vector<16xf32>
      %add3A_527 = arith.constant 2.000000e-01 : f32
      %add3A_528 = vector.broadcast %add3A_527 : f32 to vector<16xf32>
      %add3A_529 = arith.addf %mul3A_526, %add3A_528 : vector<16xf32>
      %mul3A_530 = arith.mulf %mul3A_519, %add3A_529 : vector<16xf32>
      %add3A_531 = arith.constant 0.333333343 : f32
      %add3A_532 = vector.broadcast %add3A_531 : f32 to vector<16xf32>
      %add3A_533 = arith.addf %mul3A_530, %add3A_532 : vector<16xf32>
      %mul3A_534 = arith.mulf %mul3A_519, %add3A_533 : vector<16xf32>
      %add3A_535 = arith.constant 1.000000e+00 : f32
      %add3A_536 = vector.broadcast %add3A_535 : f32 to vector<16xf32>
      %add3A_537 = arith.addf %mul3A_534, %add3A_536 : vector<16xf32>
      %mul3A_538 = arith.mulf %div3A_518, %add3A_537 : vector<16xf32>
      %max3A_539 = arith.constant 0.000000e+00 : f32
      %max3A_540 = vector.broadcast %max3A_539 : f32 to vector<16xf32>
      %max3A_541 = arith.maximumf %parallel_loop3A_228#7, %max3A_540 : vector<16xf32>
      %add3A_542 = arith.addf %mul3A_538, %mul3A_538 : vector<16xf32>
      %add3A_543 = arith.addf %max3A_541, %add3A_542 : vector<16xf32>
      %add3A_544 = arith.addf %add3A_509, %add3A_543 : vector<16xf32>
      %abs3A_545 = math.absf %parallel_loop3A_228#8 : vector<16xf32>
      %neg3A_546 = arith.constant 0.000000e+00 : f32
      %neg3A_547 = vector.broadcast %neg3A_546 : f32 to vector<16xf32>
      %neg3A_548 = arith.subf %neg3A_547, %abs3A_545 : vector<16xf32>
      %exp3A_549 = math.exp %neg3A_548 : vector<16xf32>
      %add3A_550 = arith.constant 2.000000e+00 : f32
      %add3A_551 = vector.broadcast %add3A_550 : f32 to vector<16xf32>
      %add3A_552 = arith.addf %exp3A_549, %add3A_551 : vector<16xf32>
      %div3A_553 = arith.divf %exp3A_549, %add3A_552 : vector<16xf32>
      %mul3A_554 = arith.mulf %div3A_553, %div3A_553 : vector<16xf32>
      %mul3A_555 = arith.constant 0.111111112 : f32
      %mul3A_556 = vector.broadcast %mul3A_555 : f32 to vector<16xf32>
      %mul3A_557 = arith.mulf %mul3A_554, %mul3A_556 : vector<16xf32>
      %add3A_558 = arith.constant 0.142857149 : f32
      %add3A_559 = vector.broadcast %add3A_558 : f32 to vector<16xf32>
      %add3A_560 = arith.addf %mul3A_557, %add3A_559 : vector<16xf32>
      %mul3A_561 = arith.mulf %mul3A_554, %add3A_560 : vector<16xf32>
      %add3A_562 = arith.constant 2.000000e-01 : f32
      %add3A_563 = vector.broadcast %add3A_562 : f32 to vector<16xf32>
      %add3A_564 = arith.addf %mul3A_561, %add3A_563 : vector<16xf32>
      %mul3A_565 = arith.mulf %mul3A_554, %add3A_564 : vector<16xf32>
      %add3A_566 = arith.constant 0.333333343 : f32
      %add3A_567 = vector.broadcast %add3A_566 : f32 to vector<16xf32>
      %add3A_568 = arith.addf %mul3A_565, %add3A_567 : vector<16xf32>
      %mul3A_569 = arith.mulf %mul3A_554, %add3A_568 : vector<16xf32>
      %add3A_570 = arith.constant 1.000000e+00 : f32
      %add3A_571 = vector.broadcast %add3A_570 : f32 to vector<16xf32>
      %add3A_572 = arith.addf %mul3A_569, %add3A_571 : vector<16xf32>
      %mul3A_573 = arith.mulf %div3A_553, %add3A_572 : vector<16xf32>
      %max3A_574 = arith.constant 0.000000e+00 : f32
      %max3A_575 = vector.broadcast %max3A_574 : f32 to vector<16xf32>
      %max3A_576 = arith.maximumf %parallel_loop3A_228#8, %max3A_575 : vector<16xf32>
      %add3A_577 = arith.addf %mul3A_573, %mul3A_573 : vector<16xf32>
      %add3A_578 = arith.addf %max3A_576, %add3A_577 : vector<16xf32>
      %add3A_579 = arith.addf %add3A_544, %add3A_578 : vector<16xf32>
      %abs3A_580 = math.absf %parallel_loop3A_228#9 : vector<16xf32>
      %neg3A_581 = arith.constant 0.000000e+00 : f32
      %neg3A_582 = vector.broadcast %neg3A_581 : f32 to vector<16xf32>
      %neg3A_583 = arith.subf %neg3A_582, %abs3A_580 : vector<16xf32>
      %exp3A_584 = math.exp %neg3A_583 : vector<16xf32>
      %add3A_585 = arith.constant 2.000000e+00 : f32
      %add3A_586 = vector.broadcast %add3A_585 : f32 to vector<16xf32>
      %add3A_587 = arith.addf %exp3A_584, %add3A_586 : vector<16xf32>
      %div3A_588 = arith.divf %exp3A_584, %add3A_587 : vector<16xf32>
      %mul3A_589 = arith.mulf %div3A_588, %div3A_588 : vector<16xf32>
      %mul3A_590 = arith.constant 0.111111112 : f32
      %mul3A_591 = vector.broadcast %mul3A_590 : f32 to vector<16xf32>
      %mul3A_592 = arith.mulf %mul3A_589, %mul3A_591 : vector<16xf32>
      %add3A_593 = arith.constant 0.142857149 : f32
      %add3A_594 = vector.broadcast %add3A_593 : f32 to vector<16xf32>
      %add3A_595 = arith.addf %mul3A_592, %add3A_594 : vector<16xf32>
      %mul3A_596 = arith.mulf %mul3A_589, %add3A_595 : vector<16xf32>
      %add3A_597 = arith.constant 2.000000e-01 : f32
      %add3A_598 = vector.broadcast %add3A_597 : f32 to vector<16xf32>
      %add3A_599 = arith.addf %mul3A_596, %add3A_598 : vector<16xf32>
      %mul3A_600 = arith.mulf %mul3A_589, %add3A_599 : vector<16xf32>
      %add3A_601 = arith.constant 0.333333343 : f32
      %add3A_602 = vector.broadcast %add3A_601 : f32 to vector<16xf32>
      %add3A_603 = arith.addf %mul3A_600, %add3A_602 : vector<16xf32>
      %mul3A_604 = arith.mulf %mul3A_589, %add3A_603 : vector<16xf32>
      %add3A_605 = arith.constant 1.000000e+00 : f32
      %add3A_606 = vector.broadcast %add3A_605 : f32 to vector<16xf32>
      %add3A_607 = arith.addf %mul3A_604, %add3A_606 : vector<16xf32>
      %mul3A_608 = arith.mulf %div3A_588, %add3A_607 : vector<16xf32>
      %max3A_609 = arith.constant 0.000000e+00 : f32
      %max3A_610 = vector.broadcast %max3A_609 : f32 to vector<16xf32>
      %max3A_611 = arith.maximumf %parallel_loop3A_228#9, %max3A_610 : vector<16xf32>
      %add3A_612 = arith.addf %mul3A_608, %mul3A_608 : vector<16xf32>
      %add3A_613 = arith.addf %max3A_611, %add3A_612 : vector<16xf32>
      %add3A_614 = arith.addf %add3A_579, %add3A_613 : vector<16xf32>
      %abs3A_615 = math.absf %parallel_loop3A_228#10 : vector<16xf32>
      %neg3A_616 = arith.constant 0.000000e+00 : f32
      %neg3A_617 = vector.broadcast %neg3A_616 : f32 to vector<16xf32>
      %neg3A_618 = arith.subf %neg3A_617, %abs3A_615 : vector<16xf32>
      %exp3A_619 = math.exp %neg3A_618 : vector<16xf32>
      %add3A_620 = arith.constant 2.000000e+00 : f32
      %add3A_621 = vector.broadcast %add3A_620 : f32 to vector<16xf32>
      %add3A_622 = arith.addf %exp3A_619, %add3A_621 : vector<16xf32>
      %div3A_623 = arith.divf %exp3A_619, %add3A_622 : vector<16xf32>
      %mul3A_624 = arith.mulf %div3A_623, %div3A_623 : vector<16xf32>
      %mul3A_625 = arith.constant 0.111111112 : f32
      %mul3A_626 = vector.broadcast %mul3A_625 : f32 to vector<16xf32>
      %mul3A_627 = arith.mulf %mul3A_624, %mul3A_626 : vector<16xf32>
      %add3A_628 = arith.constant 0.142857149 : f32
      %add3A_629 = vector.broadcast %add3A_628 : f32 to vector<16xf32>
      %add3A_630 = arith.addf %mul3A_627, %add3A_629 : vector<16xf32>
      %mul3A_631 = arith.mulf %mul3A_624, %add3A_630 : vector<16xf32>
      %add3A_632 = arith.constant 2.000000e-01 : f32
      %add3A_633 = vector.broadcast %add3A_632 : f32 to vector<16xf32>
      %add3A_634 = arith.addf %mul3A_631, %add3A_633 : vector<16xf32>
      %mul3A_635 = arith.mulf %mul3A_624, %add3A_634 : vector<16xf32>
      %add3A_636 = arith.constant 0.333333343 : f32
      %add3A_637 = vector.broadcast %add3A_636 : f32 to vector<16xf32>
      %add3A_638 = arith.addf %mul3A_635, %add3A_637 : vector<16xf32>
      %mul3A_639 = arith.mulf %mul3A_624, %add3A_638 : vector<16xf32>
      %add3A_640 = arith.constant 1.000000e+00 : f32
      %add3A_641 = vector.broadcast %add3A_640 : f32 to vector<16xf32>
      %add3A_642 = arith.addf %mul3A_639, %add3A_641 : vector<16xf32>
      %mul3A_643 = arith.mulf %div3A_623, %add3A_642 : vector<16xf32>
      %max3A_644 = arith.constant 0.000000e+00 : f32
      %max3A_645 = vector.broadcast %max3A_644 : f32 to vector<16xf32>
      %max3A_646 = arith.maximumf %parallel_loop3A_228#10, %max3A_645 : vector<16xf32>
      %add3A_647 = arith.addf %mul3A_643, %mul3A_643 : vector<16xf32>
      %add3A_648 = arith.addf %max3A_646, %add3A_647 : vector<16xf32>
      %add3A_649 = arith.addf %add3A_614, %add3A_648 : vector<16xf32>
      %abs3A_650 = math.absf %parallel_loop3A_266#0 : vector<16xf32>
      %neg3A_651 = arith.constant 0.000000e+00 : f32
      %neg3A_652 = vector.broadcast %neg3A_651 : f32 to vector<16xf32>
      %neg3A_653 = arith.subf %neg3A_652, %abs3A_650 : vector<16xf32>
      %exp3A_654 = math.exp %neg3A_653 : vector<16xf32>
      %add3A_655 = arith.constant 2.000000e+00 : f32
      %add3A_656 = vector.broadcast %add3A_655 : f32 to vector<16xf32>
      %add3A_657 = arith.addf %exp3A_654, %add3A_656 : vector<16xf32>
      %div3A_658 = arith.divf %exp3A_654, %add3A_657 : vector<16xf32>
      %mul3A_659 = arith.mulf %div3A_658, %div3A_658 : vector<16xf32>
      %mul3A_660 = arith.constant 0.111111112 : f32
      %mul3A_661 = vector.broadcast %mul3A_660 : f32 to vector<16xf32>
      %mul3A_662 = arith.mulf %mul3A_659, %mul3A_661 : vector<16xf32>
      %add3A_663 = arith.constant 0.142857149 : f32
      %add3A_664 = vector.broadcast %add3A_663 : f32 to vector<16xf32>
      %add3A_665 = arith.addf %mul3A_662, %add3A_664 : vector<16xf32>
      %mul3A_666 = arith.mulf %mul3A_659, %add3A_665 : vector<16xf32>
      %add3A_667 = arith.constant 2.000000e-01 : f32
      %add3A_668 = vector.broadcast %add3A_667 : f32 to vector<16xf32>
      %add3A_669 = arith.addf %mul3A_666, %add3A_668 : vector<16xf32>
      %mul3A_670 = arith.mulf %mul3A_659, %add3A_669 : vector<16xf32>
      %add3A_671 = arith.constant 0.333333343 : f32
      %add3A_672 = vector.broadcast %add3A_671 : f32 to vector<16xf32>
      %add3A_673 = arith.addf %mul3A_670, %add3A_672 : vector<16xf32>
      %mul3A_674 = arith.mulf %mul3A_659, %add3A_673 : vector<16xf32>
      %add3A_675 = arith.constant 1.000000e+00 : f32
      %add3A_676 = vector.broadcast %add3A_675 : f32 to vector<16xf32>
      %add3A_677 = arith.addf %mul3A_674, %add3A_676 : vector<16xf32>
      %mul3A_678 = arith.mulf %div3A_658, %add3A_677 : vector<16xf32>
      %max3A_679 = arith.constant 0.000000e+00 : f32
      %max3A_680 = vector.broadcast %max3A_679 : f32 to vector<16xf32>
      %max3A_681 = arith.maximumf %parallel_loop3A_266#0, %max3A_680 : vector<16xf32>
      %add3A_682 = arith.addf %mul3A_678, %mul3A_678 : vector<16xf32>
      %add3A_683 = arith.addf %max3A_681, %add3A_682 : vector<16xf32>
      %add3A_684 = arith.addf %add3A_649, %add3A_683 : vector<16xf32>
      %abs3A_685 = math.absf %parallel_loop3A_266#1 : vector<16xf32>
      %neg3A_686 = arith.constant 0.000000e+00 : f32
      %neg3A_687 = vector.broadcast %neg3A_686 : f32 to vector<16xf32>
      %neg3A_688 = arith.subf %neg3A_687, %abs3A_685 : vector<16xf32>
      %exp3A_689 = math.exp %neg3A_688 : vector<16xf32>
      %add3A_690 = arith.constant 2.000000e+00 : f32
      %add3A_691 = vector.broadcast %add3A_690 : f32 to vector<16xf32>
      %add3A_692 = arith.addf %exp3A_689, %add3A_691 : vector<16xf32>
      %div3A_693 = arith.divf %exp3A_689, %add3A_692 : vector<16xf32>
      %mul3A_694 = arith.mulf %div3A_693, %div3A_693 : vector<16xf32>
      %mul3A_695 = arith.constant 0.111111112 : f32
      %mul3A_696 = vector.broadcast %mul3A_695 : f32 to vector<16xf32>
      %mul3A_697 = arith.mulf %mul3A_694, %mul3A_696 : vector<16xf32>
      %add3A_698 = arith.constant 0.142857149 : f32
      %add3A_699 = vector.broadcast %add3A_698 : f32 to vector<16xf32>
      %add3A_700 = arith.addf %mul3A_697, %add3A_699 : vector<16xf32>
      %mul3A_701 = arith.mulf %mul3A_694, %add3A_700 : vector<16xf32>
      %add3A_702 = arith.constant 2.000000e-01 : f32
      %add3A_703 = vector.broadcast %add3A_702 : f32 to vector<16xf32>
      %add3A_704 = arith.addf %mul3A_701, %add3A_703 : vector<16xf32>
      %mul3A_705 = arith.mulf %mul3A_694, %add3A_704 : vector<16xf32>
      %add3A_706 = arith.constant 0.333333343 : f32
      %add3A_707 = vector.broadcast %add3A_706 : f32 to vector<16xf32>
      %add3A_708 = arith.addf %mul3A_705, %add3A_707 : vector<16xf32>
      %mul3A_709 = arith.mulf %mul3A_694, %add3A_708 : vector<16xf32>
      %add3A_710 = arith.constant 1.000000e+00 : f32
      %add3A_711 = vector.broadcast %add3A_710 : f32 to vector<16xf32>
      %add3A_712 = arith.addf %mul3A_709, %add3A_711 : vector<16xf32>
      %mul3A_713 = arith.mulf %div3A_693, %add3A_712 : vector<16xf32>
      %max3A_714 = arith.constant 0.000000e+00 : f32
      %max3A_715 = vector.broadcast %max3A_714 : f32 to vector<16xf32>
      %max3A_716 = arith.maximumf %parallel_loop3A_266#1, %max3A_715 : vector<16xf32>
      %add3A_717 = arith.addf %mul3A_713, %mul3A_713 : vector<16xf32>
      %add3A_718 = arith.addf %max3A_716, %add3A_717 : vector<16xf32>
      %add3A_719 = arith.addf %add3A_684, %add3A_718 : vector<16xf32>
      %abs3A_720 = math.absf %parallel_loop3A_266#2 : vector<16xf32>
      %neg3A_721 = arith.constant 0.000000e+00 : f32
      %neg3A_722 = vector.broadcast %neg3A_721 : f32 to vector<16xf32>
      %neg3A_723 = arith.subf %neg3A_722, %abs3A_720 : vector<16xf32>
      %exp3A_724 = math.exp %neg3A_723 : vector<16xf32>
      %add3A_725 = arith.constant 2.000000e+00 : f32
      %add3A_726 = vector.broadcast %add3A_725 : f32 to vector<16xf32>
      %add3A_727 = arith.addf %exp3A_724, %add3A_726 : vector<16xf32>
      %div3A_728 = arith.divf %exp3A_724, %add3A_727 : vector<16xf32>
      %mul3A_729 = arith.mulf %div3A_728, %div3A_728 : vector<16xf32>
      %mul3A_730 = arith.constant 0.111111112 : f32
      %mul3A_731 = vector.broadcast %mul3A_730 : f32 to vector<16xf32>
      %mul3A_732 = arith.mulf %mul3A_729, %mul3A_731 : vector<16xf32>
      %add3A_733 = arith.constant 0.142857149 : f32
      %add3A_734 = vector.broadcast %add3A_733 : f32 to vector<16xf32>
      %add3A_735 = arith.addf %mul3A_732, %add3A_734 : vector<16xf32>
      %mul3A_736 = arith.mulf %mul3A_729, %add3A_735 : vector<16xf32>
      %add3A_737 = arith.constant 2.000000e-01 : f32
      %add3A_738 = vector.broadcast %add3A_737 : f32 to vector<16xf32>
      %add3A_739 = arith.addf %mul3A_736, %add3A_738 : vector<16xf32>
      %mul3A_740 = arith.mulf %mul3A_729, %add3A_739 : vector<16xf32>
      %add3A_741 = arith.constant 0.333333343 : f32
      %add3A_742 = vector.broadcast %add3A_741 : f32 to vector<16xf32>
      %add3A_743 = arith.addf %mul3A_740, %add3A_742 : vector<16xf32>
      %mul3A_744 = arith.mulf %mul3A_729, %add3A_743 : vector<16xf32>
      %add3A_745 = arith.constant 1.000000e+00 : f32
      %add3A_746 = vector.broadcast %add3A_745 : f32 to vector<16xf32>
      %add3A_747 = arith.addf %mul3A_744, %add3A_746 : vector<16xf32>
      %mul3A_748 = arith.mulf %div3A_728, %add3A_747 : vector<16xf32>
      %max3A_749 = arith.constant 0.000000e+00 : f32
      %max3A_750 = vector.broadcast %max3A_749 : f32 to vector<16xf32>
      %max3A_751 = arith.maximumf %parallel_loop3A_266#2, %max3A_750 : vector<16xf32>
      %add3A_752 = arith.addf %mul3A_748, %mul3A_748 : vector<16xf32>
      %add3A_753 = arith.addf %max3A_751, %add3A_752 : vector<16xf32>
      %add3A_754 = arith.addf %add3A_719, %add3A_753 : vector<16xf32>
      %abs3A_755 = math.absf %parallel_loop3A_266#3 : vector<16xf32>
      %neg3A_756 = arith.constant 0.000000e+00 : f32
      %neg3A_757 = vector.broadcast %neg3A_756 : f32 to vector<16xf32>
      %neg3A_758 = arith.subf %neg3A_757, %abs3A_755 : vector<16xf32>
      %exp3A_759 = math.exp %neg3A_758 : vector<16xf32>
      %add3A_760 = arith.constant 2.000000e+00 : f32
      %add3A_761 = vector.broadcast %add3A_760 : f32 to vector<16xf32>
      %add3A_762 = arith.addf %exp3A_759, %add3A_761 : vector<16xf32>
      %div3A_763 = arith.divf %exp3A_759, %add3A_762 : vector<16xf32>
      %mul3A_764 = arith.mulf %div3A_763, %div3A_763 : vector<16xf32>
      %mul3A_765 = arith.constant 0.111111112 : f32
      %mul3A_766 = vector.broadcast %mul3A_765 : f32 to vector<16xf32>
      %mul3A_767 = arith.mulf %mul3A_764, %mul3A_766 : vector<16xf32>
      %add3A_768 = arith.constant 0.142857149 : f32
      %add3A_769 = vector.broadcast %add3A_768 : f32 to vector<16xf32>
      %add3A_770 = arith.addf %mul3A_767, %add3A_769 : vector<16xf32>
      %mul3A_771 = arith.mulf %mul3A_764, %add3A_770 : vector<16xf32>
      %add3A_772 = arith.constant 2.000000e-01 : f32
      %add3A_773 = vector.broadcast %add3A_772 : f32 to vector<16xf32>
      %add3A_774 = arith.addf %mul3A_771, %add3A_773 : vector<16xf32>
      %mul3A_775 = arith.mulf %mul3A_764, %add3A_774 : vector<16xf32>
      %add3A_776 = arith.constant 0.333333343 : f32
      %add3A_777 = vector.broadcast %add3A_776 : f32 to vector<16xf32>
      %add3A_778 = arith.addf %mul3A_775, %add3A_777 : vector<16xf32>
      %mul3A_779 = arith.mulf %mul3A_764, %add3A_778 : vector<16xf32>
      %add3A_780 = arith.constant 1.000000e+00 : f32
      %add3A_781 = vector.broadcast %add3A_780 : f32 to vector<16xf32>
      %add3A_782 = arith.addf %mul3A_779, %add3A_781 : vector<16xf32>
      %mul3A_783 = arith.mulf %div3A_763, %add3A_782 : vector<16xf32>
      %max3A_784 = arith.constant 0.000000e+00 : f32
      %max3A_785 = vector.broadcast %max3A_784 : f32 to vector<16xf32>
      %max3A_786 = arith.maximumf %parallel_loop3A_266#3, %max3A_785 : vector<16xf32>
      %add3A_787 = arith.addf %mul3A_783, %mul3A_783 : vector<16xf32>
      %add3A_788 = arith.addf %max3A_786, %add3A_787 : vector<16xf32>
      %add3A_789 = arith.addf %add3A_754, %add3A_788 : vector<16xf32>
      %abs3A_790 = math.absf %parallel_loop3A_266#4 : vector<16xf32>
      %neg3A_791 = arith.constant 0.000000e+00 : f32
      %neg3A_792 = vector.broadcast %neg3A_791 : f32 to vector<16xf32>
      %neg3A_793 = arith.subf %neg3A_792, %abs3A_790 : vector<16xf32>
      %exp3A_794 = math.exp %neg3A_793 : vector<16xf32>
      %add3A_795 = arith.constant 2.000000e+00 : f32
      %add3A_796 = vector.broadcast %add3A_795 : f32 to vector<16xf32>
      %add3A_797 = arith.addf %exp3A_794, %add3A_796 : vector<16xf32>
      %div3A_798 = arith.divf %exp3A_794, %add3A_797 : vector<16xf32>
      %mul3A_799 = arith.mulf %div3A_798, %div3A_798 : vector<16xf32>
      %mul3A_800 = arith.constant 0.111111112 : f32
      %mul3A_801 = vector.broadcast %mul3A_800 : f32 to vector<16xf32>
      %mul3A_802 = arith.mulf %mul3A_799, %mul3A_801 : vector<16xf32>
      %add3A_803 = arith.constant 0.142857149 : f32
      %add3A_804 = vector.broadcast %add3A_803 : f32 to vector<16xf32>
      %add3A_805 = arith.addf %mul3A_802, %add3A_804 : vector<16xf32>
      %mul3A_806 = arith.mulf %mul3A_799, %add3A_805 : vector<16xf32>
      %add3A_807 = arith.constant 2.000000e-01 : f32
      %add3A_808 = vector.broadcast %add3A_807 : f32 to vector<16xf32>
      %add3A_809 = arith.addf %mul3A_806, %add3A_808 : vector<16xf32>
      %mul3A_810 = arith.mulf %mul3A_799, %add3A_809 : vector<16xf32>
      %add3A_811 = arith.constant 0.333333343 : f32
      %add3A_812 = vector.broadcast %add3A_811 : f32 to vector<16xf32>
      %add3A_813 = arith.addf %mul3A_810, %add3A_812 : vector<16xf32>
      %mul3A_814 = arith.mulf %mul3A_799, %add3A_813 : vector<16xf32>
      %add3A_815 = arith.constant 1.000000e+00 : f32
      %add3A_816 = vector.broadcast %add3A_815 : f32 to vector<16xf32>
      %add3A_817 = arith.addf %mul3A_814, %add3A_816 : vector<16xf32>
      %mul3A_818 = arith.mulf %div3A_798, %add3A_817 : vector<16xf32>
      %max3A_819 = arith.constant 0.000000e+00 : f32
      %max3A_820 = vector.broadcast %max3A_819 : f32 to vector<16xf32>
      %max3A_821 = arith.maximumf %parallel_loop3A_266#4, %max3A_820 : vector<16xf32>
      %add3A_822 = arith.addf %mul3A_818, %mul3A_818 : vector<16xf32>
      %add3A_823 = arith.addf %max3A_821, %add3A_822 : vector<16xf32>
      %add3A_824 = arith.addf %add3A_789, %add3A_823 : vector<16xf32>
      %abs3A_825 = math.absf %parallel_loop3A_266#5 : vector<16xf32>
      %neg3A_826 = arith.constant 0.000000e+00 : f32
      %neg3A_827 = vector.broadcast %neg3A_826 : f32 to vector<16xf32>
      %neg3A_828 = arith.subf %neg3A_827, %abs3A_825 : vector<16xf32>
      %exp3A_829 = math.exp %neg3A_828 : vector<16xf32>
      %add3A_830 = arith.constant 2.000000e+00 : f32
      %add3A_831 = vector.broadcast %add3A_830 : f32 to vector<16xf32>
      %add3A_832 = arith.addf %exp3A_829, %add3A_831 : vector<16xf32>
      %div3A_833 = arith.divf %exp3A_829, %add3A_832 : vector<16xf32>
      %mul3A_834 = arith.mulf %div3A_833, %div3A_833 : vector<16xf32>
      %mul3A_835 = arith.constant 0.111111112 : f32
      %mul3A_836 = vector.broadcast %mul3A_835 : f32 to vector<16xf32>
      %mul3A_837 = arith.mulf %mul3A_834, %mul3A_836 : vector<16xf32>
      %add3A_838 = arith.constant 0.142857149 : f32
      %add3A_839 = vector.broadcast %add3A_838 : f32 to vector<16xf32>
      %add3A_840 = arith.addf %mul3A_837, %add3A_839 : vector<16xf32>
      %mul3A_841 = arith.mulf %mul3A_834, %add3A_840 : vector<16xf32>
      %add3A_842 = arith.constant 2.000000e-01 : f32
      %add3A_843 = vector.broadcast %add3A_842 : f32 to vector<16xf32>
      %add3A_844 = arith.addf %mul3A_841, %add3A_843 : vector<16xf32>
      %mul3A_845 = arith.mulf %mul3A_834, %add3A_844 : vector<16xf32>
      %add3A_846 = arith.constant 0.333333343 : f32
      %add3A_847 = vector.broadcast %add3A_846 : f32 to vector<16xf32>
      %add3A_848 = arith.addf %mul3A_845, %add3A_847 : vector<16xf32>
      %mul3A_849 = arith.mulf %mul3A_834, %add3A_848 : vector<16xf32>
      %add3A_850 = arith.constant 1.000000e+00 : f32
      %add3A_851 = vector.broadcast %add3A_850 : f32 to vector<16xf32>
      %add3A_852 = arith.addf %mul3A_849, %add3A_851 : vector<16xf32>
      %mul3A_853 = arith.mulf %div3A_833, %add3A_852 : vector<16xf32>
      %max3A_854 = arith.constant 0.000000e+00 : f32
      %max3A_855 = vector.broadcast %max3A_854 : f32 to vector<16xf32>
      %max3A_856 = arith.maximumf %parallel_loop3A_266#5, %max3A_855 : vector<16xf32>
      %add3A_857 = arith.addf %mul3A_853, %mul3A_853 : vector<16xf32>
      %add3A_858 = arith.addf %max3A_856, %add3A_857 : vector<16xf32>
      %add3A_859 = arith.addf %add3A_824, %add3A_858 : vector<16xf32>
      %abs3A_860 = math.absf %parallel_loop3A_266#6 : vector<16xf32>
      %neg3A_861 = arith.constant 0.000000e+00 : f32
      %neg3A_862 = vector.broadcast %neg3A_861 : f32 to vector<16xf32>
      %neg3A_863 = arith.subf %neg3A_862, %abs3A_860 : vector<16xf32>
      %exp3A_864 = math.exp %neg3A_863 : vector<16xf32>
      %add3A_865 = arith.constant 2.000000e+00 : f32
      %add3A_866 = vector.broadcast %add3A_865 : f32 to vector<16xf32>
      %add3A_867 = arith.addf %exp3A_864, %add3A_866 : vector<16xf32>
      %div3A_868 = arith.divf %exp3A_864, %add3A_867 : vector<16xf32>
      %mul3A_869 = arith.mulf %div3A_868, %div3A_868 : vector<16xf32>
      %mul3A_870 = arith.constant 0.111111112 : f32
      %mul3A_871 = vector.broadcast %mul3A_870 : f32 to vector<16xf32>
      %mul3A_872 = arith.mulf %mul3A_869, %mul3A_871 : vector<16xf32>
      %add3A_873 = arith.constant 0.142857149 : f32
      %add3A_874 = vector.broadcast %add3A_873 : f32 to vector<16xf32>
      %add3A_875 = arith.addf %mul3A_872, %add3A_874 : vector<16xf32>
      %mul3A_876 = arith.mulf %mul3A_869, %add3A_875 : vector<16xf32>
      %add3A_877 = arith.constant 2.000000e-01 : f32
      %add3A_878 = vector.broadcast %add3A_877 : f32 to vector<16xf32>
      %add3A_879 = arith.addf %mul3A_876, %add3A_878 : vector<16xf32>
      %mul3A_880 = arith.mulf %mul3A_869, %add3A_879 : vector<16xf32>
      %add3A_881 = arith.constant 0.333333343 : f32
      %add3A_882 = vector.broadcast %add3A_881 : f32 to vector<16xf32>
      %add3A_883 = arith.addf %mul3A_880, %add3A_882 : vector<16xf32>
      %mul3A_884 = arith.mulf %mul3A_869, %add3A_883 : vector<16xf32>
      %add3A_885 = arith.constant 1.000000e+00 : f32
      %add3A_886 = vector.broadcast %add3A_885 : f32 to vector<16xf32>
      %add3A_887 = arith.addf %mul3A_884, %add3A_886 : vector<16xf32>
      %mul3A_888 = arith.mulf %div3A_868, %add3A_887 : vector<16xf32>
      %max3A_889 = arith.constant 0.000000e+00 : f32
      %max3A_890 = vector.broadcast %max3A_889 : f32 to vector<16xf32>
      %max3A_891 = arith.maximumf %parallel_loop3A_266#6, %max3A_890 : vector<16xf32>
      %add3A_892 = arith.addf %mul3A_888, %mul3A_888 : vector<16xf32>
      %add3A_893 = arith.addf %max3A_891, %add3A_892 : vector<16xf32>
      %add3A_894 = arith.addf %add3A_859, %add3A_893 : vector<16xf32>
      %abs3A_895 = math.absf %parallel_loop3A_266#7 : vector<16xf32>
      %neg3A_896 = arith.constant 0.000000e+00 : f32
      %neg3A_897 = vector.broadcast %neg3A_896 : f32 to vector<16xf32>
      %neg3A_898 = arith.subf %neg3A_897, %abs3A_895 : vector<16xf32>
      %exp3A_899 = math.exp %neg3A_898 : vector<16xf32>
      %add3A_900 = arith.constant 2.000000e+00 : f32
      %add3A_901 = vector.broadcast %add3A_900 : f32 to vector<16xf32>
      %add3A_902 = arith.addf %exp3A_899, %add3A_901 : vector<16xf32>
      %div3A_903 = arith.divf %exp3A_899, %add3A_902 : vector<16xf32>
      %mul3A_904 = arith.mulf %div3A_903, %div3A_903 : vector<16xf32>
      %mul3A_905 = arith.constant 0.111111112 : f32
      %mul3A_906 = vector.broadcast %mul3A_905 : f32 to vector<16xf32>
      %mul3A_907 = arith.mulf %mul3A_904, %mul3A_906 : vector<16xf32>
      %add3A_908 = arith.constant 0.142857149 : f32
      %add3A_909 = vector.broadcast %add3A_908 : f32 to vector<16xf32>
      %add3A_910 = arith.addf %mul3A_907, %add3A_909 : vector<16xf32>
      %mul3A_911 = arith.mulf %mul3A_904, %add3A_910 : vector<16xf32>
      %add3A_912 = arith.constant 2.000000e-01 : f32
      %add3A_913 = vector.broadcast %add3A_912 : f32 to vector<16xf32>
      %add3A_914 = arith.addf %mul3A_911, %add3A_913 : vector<16xf32>
      %mul3A_915 = arith.mulf %mul3A_904, %add3A_914 : vector<16xf32>
      %add3A_916 = arith.constant 0.333333343 : f32
      %add3A_917 = vector.broadcast %add3A_916 : f32 to vector<16xf32>
      %add3A_918 = arith.addf %mul3A_915, %add3A_917 : vector<16xf32>
      %mul3A_919 = arith.mulf %mul3A_904, %add3A_918 : vector<16xf32>
      %add3A_920 = arith.constant 1.000000e+00 : f32
      %add3A_921 = vector.broadcast %add3A_920 : f32 to vector<16xf32>
      %add3A_922 = arith.addf %mul3A_919, %add3A_921 : vector<16xf32>
      %mul3A_923 = arith.mulf %div3A_903, %add3A_922 : vector<16xf32>
      %max3A_924 = arith.constant 0.000000e+00 : f32
      %max3A_925 = vector.broadcast %max3A_924 : f32 to vector<16xf32>
      %max3A_926 = arith.maximumf %parallel_loop3A_266#7, %max3A_925 : vector<16xf32>
      %add3A_927 = arith.addf %mul3A_923, %mul3A_923 : vector<16xf32>
      %add3A_928 = arith.addf %max3A_926, %add3A_927 : vector<16xf32>
      %add3A_929 = arith.addf %add3A_894, %add3A_928 : vector<16xf32>
      %abs3A_930 = math.absf %parallel_loop3A_266#8 : vector<16xf32>
      %neg3A_931 = arith.constant 0.000000e+00 : f32
      %neg3A_932 = vector.broadcast %neg3A_931 : f32 to vector<16xf32>
      %neg3A_933 = arith.subf %neg3A_932, %abs3A_930 : vector<16xf32>
      %exp3A_934 = math.exp %neg3A_933 : vector<16xf32>
      %add3A_935 = arith.constant 2.000000e+00 : f32
      %add3A_936 = vector.broadcast %add3A_935 : f32 to vector<16xf32>
      %add3A_937 = arith.addf %exp3A_934, %add3A_936 : vector<16xf32>
      %div3A_938 = arith.divf %exp3A_934, %add3A_937 : vector<16xf32>
      %mul3A_939 = arith.mulf %div3A_938, %div3A_938 : vector<16xf32>
      %mul3A_940 = arith.constant 0.111111112 : f32
      %mul3A_941 = vector.broadcast %mul3A_940 : f32 to vector<16xf32>
      %mul3A_942 = arith.mulf %mul3A_939, %mul3A_941 : vector<16xf32>
      %add3A_943 = arith.constant 0.142857149 : f32
      %add3A_944 = vector.broadcast %add3A_943 : f32 to vector<16xf32>
      %add3A_945 = arith.addf %mul3A_942, %add3A_944 : vector<16xf32>
      %mul3A_946 = arith.mulf %mul3A_939, %add3A_945 : vector<16xf32>
      %add3A_947 = arith.constant 2.000000e-01 : f32
      %add3A_948 = vector.broadcast %add3A_947 : f32 to vector<16xf32>
      %add3A_949 = arith.addf %mul3A_946, %add3A_948 : vector<16xf32>
      %mul3A_950 = arith.mulf %mul3A_939, %add3A_949 : vector<16xf32>
      %add3A_951 = arith.constant 0.333333343 : f32
      %add3A_952 = vector.broadcast %add3A_951 : f32 to vector<16xf32>
      %add3A_953 = arith.addf %mul3A_950, %add3A_952 : vector<16xf32>
      %mul3A_954 = arith.mulf %mul3A_939, %add3A_953 : vector<16xf32>
      %add3A_955 = arith.constant 1.000000e+00 : f32
      %add3A_956 = vector.broadcast %add3A_955 : f32 to vector<16xf32>
      %add3A_957 = arith.addf %mul3A_954, %add3A_956 : vector<16xf32>
      %mul3A_958 = arith.mulf %div3A_938, %add3A_957 : vector<16xf32>
      %max3A_959 = arith.constant 0.000000e+00 : f32
      %max3A_960 = vector.broadcast %max3A_959 : f32 to vector<16xf32>
      %max3A_961 = arith.maximumf %parallel_loop3A_266#8, %max3A_960 : vector<16xf32>
      %add3A_962 = arith.addf %mul3A_958, %mul3A_958 : vector<16xf32>
      %add3A_963 = arith.addf %max3A_961, %add3A_962 : vector<16xf32>
      %add3A_964 = arith.addf %add3A_929, %add3A_963 : vector<16xf32>
      %abs3A_965 = math.absf %parallel_loop3A_266#9 : vector<16xf32>
      %neg3A_966 = arith.constant 0.000000e+00 : f32
      %neg3A_967 = vector.broadcast %neg3A_966 : f32 to vector<16xf32>
      %neg3A_968 = arith.subf %neg3A_967, %abs3A_965 : vector<16xf32>
      %exp3A_969 = math.exp %neg3A_968 : vector<16xf32>
      %add3A_970 = arith.constant 2.000000e+00 : f32
      %add3A_971 = vector.broadcast %add3A_970 : f32 to vector<16xf32>
      %add3A_972 = arith.addf %exp3A_969, %add3A_971 : vector<16xf32>
      %div3A_973 = arith.divf %exp3A_969, %add3A_972 : vector<16xf32>
      %mul3A_974 = arith.mulf %div3A_973, %div3A_973 : vector<16xf32>
      %mul3A_975 = arith.constant 0.111111112 : f32
      %mul3A_976 = vector.broadcast %mul3A_975 : f32 to vector<16xf32>
      %mul3A_977 = arith.mulf %mul3A_974, %mul3A_976 : vector<16xf32>
      %add3A_978 = arith.constant 0.142857149 : f32
      %add3A_979 = vector.broadcast %add3A_978 : f32 to vector<16xf32>
      %add3A_980 = arith.addf %mul3A_977, %add3A_979 : vector<16xf32>
      %mul3A_981 = arith.mulf %mul3A_974, %add3A_980 : vector<16xf32>
      %add3A_982 = arith.constant 2.000000e-01 : f32
      %add3A_983 = vector.broadcast %add3A_982 : f32 to vector<16xf32>
      %add3A_984 = arith.addf %mul3A_981, %add3A_983 : vector<16xf32>
      %mul3A_985 = arith.mulf %mul3A_974, %add3A_984 : vector<16xf32>
      %add3A_986 = arith.constant 0.333333343 : f32
      %add3A_987 = vector.broadcast %add3A_986 : f32 to vector<16xf32>
      %add3A_988 = arith.addf %mul3A_985, %add3A_987 : vector<16xf32>
      %mul3A_989 = arith.mulf %mul3A_974, %add3A_988 : vector<16xf32>
      %add3A_990 = arith.constant 1.000000e+00 : f32
      %add3A_991 = vector.broadcast %add3A_990 : f32 to vector<16xf32>
      %add3A_992 = arith.addf %mul3A_989, %add3A_991 : vector<16xf32>
      %mul3A_993 = arith.mulf %div3A_973, %add3A_992 : vector<16xf32>
      %max3A_994 = arith.constant 0.000000e+00 : f32
      %max3A_995 = vector.broadcast %max3A_994 : f32 to vector<16xf32>
      %max3A_996 = arith.maximumf %parallel_loop3A_266#9, %max3A_995 : vector<16xf32>
      %add3A_997 = arith.addf %mul3A_993, %mul3A_993 : vector<16xf32>
      %add3A_998 = arith.addf %max3A_996, %add3A_997 : vector<16xf32>
      %add3A_999 = arith.addf %add3A_964, %add3A_998 : vector<16xf32>
      %add3A_1000 = arith.constant 1 : i32
      %add3A_1001 = arith.addi %mul3A_67, %add3A_1000 : i32
      %mul3A_1002 = arith.constant 16 : i32
      %mul3A_1003 = arith.muli %add3A_1001, %mul3A_1002 : i32
      %mul3A_1004 = arith.constant 16 : i32
      %mul3A_1005 = arith.muli %add3A_1001, %mul3A_1004 : i32
      %mul3A_1006 = arith.constant 320 : i32
      %mul3A_1007 = arith.muli %add3A_1001, %mul3A_1006 : i32
      %add3A_1008 = arith.constant 0 : i32
      %add3A_1009 = arith.addi %mul3A_1007, %add3A_1008 : i32
      %mul3A_1010 = arith.constant 320 : i32
      %mul3A_1011 = arith.muli %add3A_1001, %mul3A_1010 : i32
      %add3A_1012 = arith.constant 128 : i32
      %add3A_1013 = arith.addi %mul3A_1011, %add3A_1012 : i32
      %mul3A_1014 = arith.constant 320 : i32
      %mul3A_1015 = arith.muli %add3A_1001, %mul3A_1014 : i32
      %add3A_1016 = arith.constant 256 : i32
      %add3A_1017 = arith.addi %mul3A_1015, %add3A_1016 : i32
      %dma_wait3A_1018 = arith.constant 1 : i32
      %dma_wait3A_1019 = arith.constant 0 : i32
      %dma_wait3A_1020 = arith.constant 0 : i32
      %dma_wait3A_1021 = tpu.memref_slice %arg11[%dma_wait3A_1018, %dma_wait3A_1019, %dma_wait3A_1020] : memref<2x16x128xf32, #tpu.memory_space<vmem>> -> memref<1x16x128xf32, #tpu.memory_space<vmem>>
      %dma_wait3A_1022 = tpu.memref_squeeze %dma_wait3A_1021 : memref<1x16x128xf32, #tpu.memory_space<vmem>> -> memref<16x128xf32, #tpu.memory_space<vmem>>
      %dma_wait3A_1023 = tpu.memref_slice %arg8[%mul3A_1003] : memref<512xi32, #tpu.memory_space<vmem>> -> memref<16xi32, #tpu.memory_space<vmem>>
      %dma_wait3A_1024 = arith.constant 0 : i32
      %dma_wait3A_1025 = arith.constant 0 : i32
      %dma_wait3A_1026 = tpu.memref_slice %arg5[%dma_wait3A_1024, %dma_wait3A_1025] : memref<1000000x128xf32, #tpu.memory_space<hbm>> -> memref<1000000x128xf32, #tpu.memory_space<hbm>>
      tpu.wait_indirect_dma semaphore(%arg16 : memref<!tpu.dma_semaphore, #tpu.memory_space<semaphore_mem>>) src(%dma_wait3A_1026 : memref<1000000x128xf32, #tpu.memory_space<hbm>>) dst(%dma_wait3A_1022 : memref<16x128xf32, #tpu.memory_space<vmem>>)
      %dma_wait3A_1027 = arith.constant 1 : i32
      %dma_wait3A_1028 = arith.constant 0 : i32
      %dma_wait3A_1029 = arith.constant 0 : i32
      %dma_wait3A_1030 = tpu.memref_slice %arg12[%dma_wait3A_1027, %dma_wait3A_1028, %dma_wait3A_1029] : memref<2x16x128xf32, #tpu.memory_space<vmem>> -> memref<1x16x128xf32, #tpu.memory_space<vmem>>
      %dma_wait3A_1031 = tpu.memref_squeeze %dma_wait3A_1030 : memref<1x16x128xf32, #tpu.memory_space<vmem>> -> memref<16x128xf32, #tpu.memory_space<vmem>>
      %dma_wait3A_1032 = tpu.memref_slice %arg9[%mul3A_1005] : memref<512xi32, #tpu.memory_space<vmem>> -> memref<16xi32, #tpu.memory_space<vmem>>
      %dma_wait3A_1033 = arith.constant 0 : i32
      %dma_wait3A_1034 = arith.constant 0 : i32
      %dma_wait3A_1035 = tpu.memref_slice %arg6[%dma_wait3A_1033, %dma_wait3A_1034] : memref<1000000x128xf32, #tpu.memory_space<hbm>> -> memref<1000000x128xf32, #tpu.memory_space<hbm>>
      tpu.wait_indirect_dma semaphore(%arg16 : memref<!tpu.dma_semaphore, #tpu.memory_space<semaphore_mem>>) src(%dma_wait3A_1035 : memref<1000000x128xf32, #tpu.memory_space<hbm>>) dst(%dma_wait3A_1031 : memref<16x128xf32, #tpu.memory_space<vmem>>)
      %dma_wait3A_1036 = arith.constant 1 : i32
      %dma_wait3A_1037 = arith.constant 0 : i32
      %dma_wait3A_1038 = arith.constant 0 : i32
      %dma_wait3A_1039 = tpu.memref_slice %arg13[%dma_wait3A_1036, %dma_wait3A_1037, %dma_wait3A_1038] : memref<2x320x128xf32, #tpu.memory_space<vmem>> -> memref<1x128x128xf32, #tpu.memory_space<vmem>>
      %dma_wait3A_1040 = tpu.memref_squeeze %dma_wait3A_1039 : memref<1x128x128xf32, #tpu.memory_space<vmem>> -> memref<128x128xf32, #tpu.memory_space<vmem>>
      %dma_wait3A_1041 = tpu.memref_slice %arg10[%add3A_1009] : memref<10240xi32, #tpu.memory_space<vmem>> -> memref<128xi32, #tpu.memory_space<vmem>>
      %dma_wait3A_1042 = arith.constant 0 : i32
      %dma_wait3A_1043 = arith.constant 0 : i32
      %dma_wait3A_1044 = tpu.memref_slice %arg6[%dma_wait3A_1042, %dma_wait3A_1043] : memref<1000000x128xf32, #tpu.memory_space<hbm>> -> memref<1000000x128xf32, #tpu.memory_space<hbm>>
      tpu.wait_indirect_dma semaphore(%arg16 : memref<!tpu.dma_semaphore, #tpu.memory_space<semaphore_mem>>) src(%dma_wait3A_1044 : memref<1000000x128xf32, #tpu.memory_space<hbm>>) dst(%dma_wait3A_1040 : memref<128x128xf32, #tpu.memory_space<vmem>>)
      %dma_wait3A_1045 = arith.constant 1 : i32
      %dma_wait3A_1046 = arith.constant 128 : i32
      %dma_wait3A_1047 = arith.constant 0 : i32
      %dma_wait3A_1048 = tpu.memref_slice %arg13[%dma_wait3A_1045, %dma_wait3A_1046, %dma_wait3A_1047] : memref<2x320x128xf32, #tpu.memory_space<vmem>> -> memref<1x128x128xf32, #tpu.memory_space<vmem>>
      %dma_wait3A_1049 = tpu.memref_squeeze %dma_wait3A_1048 : memref<1x128x128xf32, #tpu.memory_space<vmem>> -> memref<128x128xf32, #tpu.memory_space<vmem>>
      %dma_wait3A_1050 = tpu.memref_slice %arg10[%add3A_1013] : memref<10240xi32, #tpu.memory_space<vmem>> -> memref<128xi32, #tpu.memory_space<vmem>>
      %dma_wait3A_1051 = arith.constant 0 : i32
      %dma_wait3A_1052 = arith.constant 0 : i32
      %dma_wait3A_1053 = tpu.memref_slice %arg6[%dma_wait3A_1051, %dma_wait3A_1052] : memref<1000000x128xf32, #tpu.memory_space<hbm>> -> memref<1000000x128xf32, #tpu.memory_space<hbm>>
      tpu.wait_indirect_dma semaphore(%arg16 : memref<!tpu.dma_semaphore, #tpu.memory_space<semaphore_mem>>) src(%dma_wait3A_1053 : memref<1000000x128xf32, #tpu.memory_space<hbm>>) dst(%dma_wait3A_1049 : memref<128x128xf32, #tpu.memory_space<vmem>>)
      %dma_wait3A_1054 = arith.constant 1 : i32
      %dma_wait3A_1055 = arith.constant 256 : i32
      %dma_wait3A_1056 = arith.constant 0 : i32
      %dma_wait3A_1057 = tpu.memref_slice %arg13[%dma_wait3A_1054, %dma_wait3A_1055, %dma_wait3A_1056] : memref<2x320x128xf32, #tpu.memory_space<vmem>> -> memref<1x64x128xf32, #tpu.memory_space<vmem>>
      %dma_wait3A_1058 = tpu.memref_squeeze %dma_wait3A_1057 : memref<1x64x128xf32, #tpu.memory_space<vmem>> -> memref<64x128xf32, #tpu.memory_space<vmem>>
      %dma_wait3A_1059 = tpu.memref_slice %arg10[%add3A_1017] : memref<10240xi32, #tpu.memory_space<vmem>> -> memref<64xi32, #tpu.memory_space<vmem>>
      %dma_wait3A_1060 = arith.constant 0 : i32
      %dma_wait3A_1061 = arith.constant 0 : i32
      %dma_wait3A_1062 = tpu.memref_slice %arg6[%dma_wait3A_1060, %dma_wait3A_1061] : memref<1000000x128xf32, #tpu.memory_space<hbm>> -> memref<1000000x128xf32, #tpu.memory_space<hbm>>
      tpu.wait_indirect_dma semaphore(%arg16 : memref<!tpu.dma_semaphore, #tpu.memory_space<semaphore_mem>>) src(%dma_wait3A_1062 : memref<1000000x128xf32, #tpu.memory_space<hbm>>) dst(%dma_wait3A_1058 : memref<64x128xf32, #tpu.memory_space<vmem>>)
      %add3A_1063 = arith.constant 2 : i32
      %add3A_1064 = arith.addi %mul3A_67, %add3A_1063 : i32
      %lt3A = arith.constant 32 : i32
      %lt3A_1065 = arith.cmpi slt, %add3A_1064, %lt3A : i32
      %convert_element_type3A = arith.extui %lt3A_1065 : i1 to i32
      %cond3A = arith.constant 0 : i32
      %cond3A_1066 = arith.cmpi ne, %convert_element_type3A, %cond3A : i32
      scf.if %cond3A_1066 {
        %add3A_1882 = arith.constant 2 : i32
        %add3A_1883 = arith.addi %mul3A_67, %add3A_1882 : i32
        %mul3A_1884 = arith.constant 16 : i32
        %mul3A_1885 = arith.muli %add3A_1883, %mul3A_1884 : i32
        %mul3A_1886 = arith.constant 16 : i32
        %mul3A_1887 = arith.muli %add3A_1883, %mul3A_1886 : i32
        %mul3A_1888 = arith.constant 320 : i32
        %mul3A_1889 = arith.muli %add3A_1883, %mul3A_1888 : i32
        %add3A_1890 = arith.constant 0 : i32
        %add3A_1891 = arith.addi %mul3A_1889, %add3A_1890 : i32
        %mul3A_1892 = arith.constant 320 : i32
        %mul3A_1893 = arith.muli %add3A_1883, %mul3A_1892 : i32
        %add3A_1894 = arith.constant 128 : i32
        %add3A_1895 = arith.addi %mul3A_1893, %add3A_1894 : i32
        %mul3A_1896 = arith.constant 320 : i32
        %mul3A_1897 = arith.muli %add3A_1883, %mul3A_1896 : i32
        %add3A_1898 = arith.constant 256 : i32
        %add3A_1899 = arith.addi %mul3A_1897, %add3A_1898 : i32
        %dma_start3A_1900 = arith.constant 0 : i32
        %dma_start3A_1901 = arith.constant 0 : i32
        %dma_start3A_1902 = arith.constant 0 : i32
        %dma_start3A_1903 = tpu.memref_slice %arg11[%dma_start3A_1900, %dma_start3A_1901, %dma_start3A_1902] : memref<2x16x128xf32, #tpu.memory_space<vmem>> -> memref<1x16x128xf32, #tpu.memory_space<vmem>>
        %dma_start3A_1904 = tpu.memref_squeeze %dma_start3A_1903 : memref<1x16x128xf32, #tpu.memory_space<vmem>> -> memref<16x128xf32, #tpu.memory_space<vmem>>
        %dma_start3A_1905 = tpu.memref_slice %arg8[%mul3A_1885] : memref<512xi32, #tpu.memory_space<vmem>> -> memref<16xi32, #tpu.memory_space<vmem>>
        %dma_start3A_1906 = arith.constant 0 : i32
        %dma_start3A_1907 = arith.constant 0 : i32
        %dma_start3A_1908 = tpu.memref_slice %arg5[%dma_start3A_1906, %dma_start3A_1907] : memref<1000000x128xf32, #tpu.memory_space<hbm>> -> memref<1000000x128xf32, #tpu.memory_space<hbm>>
        tpu.enqueue_indirect_dma source(%dma_start3A_1908 : memref<1000000x128xf32, #tpu.memory_space<hbm>>) target(%dma_start3A_1904 : memref<16x128xf32, #tpu.memory_space<vmem>>) offsets(%dma_start3A_1905 : memref<16xi32, #tpu.memory_space<vmem>>) semaphore(%arg15 : memref<!tpu.dma_semaphore, #tpu.memory_space<semaphore_mem>>)
        %dma_start3A_1909 = arith.constant 0 : i32
        %dma_start3A_1910 = arith.constant 0 : i32
        %dma_start3A_1911 = arith.constant 0 : i32
        %dma_start3A_1912 = tpu.memref_slice %arg12[%dma_start3A_1909, %dma_start3A_1910, %dma_start3A_1911] : memref<2x16x128xf32, #tpu.memory_space<vmem>> -> memref<1x16x128xf32, #tpu.memory_space<vmem>>
        %dma_start3A_1913 = tpu.memref_squeeze %dma_start3A_1912 : memref<1x16x128xf32, #tpu.memory_space<vmem>> -> memref<16x128xf32, #tpu.memory_space<vmem>>
        %dma_start3A_1914 = tpu.memref_slice %arg9[%mul3A_1887] : memref<512xi32, #tpu.memory_space<vmem>> -> memref<16xi32, #tpu.memory_space<vmem>>
        %dma_start3A_1915 = arith.constant 0 : i32
        %dma_start3A_1916 = arith.constant 0 : i32
        %dma_start3A_1917 = tpu.memref_slice %arg6[%dma_start3A_1915, %dma_start3A_1916] : memref<1000000x128xf32, #tpu.memory_space<hbm>> -> memref<1000000x128xf32, #tpu.memory_space<hbm>>
        tpu.enqueue_indirect_dma source(%dma_start3A_1917 : memref<1000000x128xf32, #tpu.memory_space<hbm>>) target(%dma_start3A_1913 : memref<16x128xf32, #tpu.memory_space<vmem>>) offsets(%dma_start3A_1914 : memref<16xi32, #tpu.memory_space<vmem>>) semaphore(%arg15 : memref<!tpu.dma_semaphore, #tpu.memory_space<semaphore_mem>>)
        %dma_start3A_1918 = arith.constant 0 : i32
        %dma_start3A_1919 = arith.constant 0 : i32
        %dma_start3A_1920 = arith.constant 0 : i32
        %dma_start3A_1921 = tpu.memref_slice %arg13[%dma_start3A_1918, %dma_start3A_1919, %dma_start3A_1920] : memref<2x320x128xf32, #tpu.memory_space<vmem>> -> memref<1x128x128xf32, #tpu.memory_space<vmem>>
        %dma_start3A_1922 = tpu.memref_squeeze %dma_start3A_1921 : memref<1x128x128xf32, #tpu.memory_space<vmem>> -> memref<128x128xf32, #tpu.memory_space<vmem>>
        %dma_start3A_1923 = tpu.memref_slice %arg10[%add3A_1891] : memref<10240xi32, #tpu.memory_space<vmem>> -> memref<128xi32, #tpu.memory_space<vmem>>
        %dma_start3A_1924 = arith.constant 0 : i32
        %dma_start3A_1925 = arith.constant 0 : i32
        %dma_start3A_1926 = tpu.memref_slice %arg6[%dma_start3A_1924, %dma_start3A_1925] : memref<1000000x128xf32, #tpu.memory_space<hbm>> -> memref<1000000x128xf32, #tpu.memory_space<hbm>>
        tpu.enqueue_indirect_dma source(%dma_start3A_1926 : memref<1000000x128xf32, #tpu.memory_space<hbm>>) target(%dma_start3A_1922 : memref<128x128xf32, #tpu.memory_space<vmem>>) offsets(%dma_start3A_1923 : memref<128xi32, #tpu.memory_space<vmem>>) semaphore(%arg15 : memref<!tpu.dma_semaphore, #tpu.memory_space<semaphore_mem>>)
        %dma_start3A_1927 = arith.constant 0 : i32
        %dma_start3A_1928 = arith.constant 128 : i32
        %dma_start3A_1929 = arith.constant 0 : i32
        %dma_start3A_1930 = tpu.memref_slice %arg13[%dma_start3A_1927, %dma_start3A_1928, %dma_start3A_1929] : memref<2x320x128xf32, #tpu.memory_space<vmem>> -> memref<1x128x128xf32, #tpu.memory_space<vmem>>
        %dma_start3A_1931 = tpu.memref_squeeze %dma_start3A_1930 : memref<1x128x128xf32, #tpu.memory_space<vmem>> -> memref<128x128xf32, #tpu.memory_space<vmem>>
        %dma_start3A_1932 = tpu.memref_slice %arg10[%add3A_1895] : memref<10240xi32, #tpu.memory_space<vmem>> -> memref<128xi32, #tpu.memory_space<vmem>>
        %dma_start3A_1933 = arith.constant 0 : i32
        %dma_start3A_1934 = arith.constant 0 : i32
        %dma_start3A_1935 = tpu.memref_slice %arg6[%dma_start3A_1933, %dma_start3A_1934] : memref<1000000x128xf32, #tpu.memory_space<hbm>> -> memref<1000000x128xf32, #tpu.memory_space<hbm>>
        tpu.enqueue_indirect_dma source(%dma_start3A_1935 : memref<1000000x128xf32, #tpu.memory_space<hbm>>) target(%dma_start3A_1931 : memref<128x128xf32, #tpu.memory_space<vmem>>) offsets(%dma_start3A_1932 : memref<128xi32, #tpu.memory_space<vmem>>) semaphore(%arg15 : memref<!tpu.dma_semaphore, #tpu.memory_space<semaphore_mem>>)
        %dma_start3A_1936 = arith.constant 0 : i32
        %dma_start3A_1937 = arith.constant 256 : i32
        %dma_start3A_1938 = arith.constant 0 : i32
        %dma_start3A_1939 = tpu.memref_slice %arg13[%dma_start3A_1936, %dma_start3A_1937, %dma_start3A_1938] : memref<2x320x128xf32, #tpu.memory_space<vmem>> -> memref<1x64x128xf32, #tpu.memory_space<vmem>>
        %dma_start3A_1940 = tpu.memref_squeeze %dma_start3A_1939 : memref<1x64x128xf32, #tpu.memory_space<vmem>> -> memref<64x128xf32, #tpu.memory_space<vmem>>
        %dma_start3A_1941 = tpu.memref_slice %arg10[%add3A_1899] : memref<10240xi32, #tpu.memory_space<vmem>> -> memref<64xi32, #tpu.memory_space<vmem>>
        %dma_start3A_1942 = arith.constant 0 : i32
        %dma_start3A_1943 = arith.constant 0 : i32
        %dma_start3A_1944 = tpu.memref_slice %arg6[%dma_start3A_1942, %dma_start3A_1943] : memref<1000000x128xf32, #tpu.memory_space<hbm>> -> memref<1000000x128xf32, #tpu.memory_space<hbm>>
        tpu.enqueue_indirect_dma source(%dma_start3A_1944 : memref<1000000x128xf32, #tpu.memory_space<hbm>>) target(%dma_start3A_1940 : memref<64x128xf32, #tpu.memory_space<vmem>>) offsets(%dma_start3A_1941 : memref<64xi32, #tpu.memory_space<vmem>>) semaphore(%arg15 : memref<!tpu.dma_semaphore, #tpu.memory_space<semaphore_mem>>)
      } else {
      }
      %add3A_1067 = arith.constant 0 : i32
      %add3A_1068 = vector.broadcast %add3A_1067 : i32 to vector<16xi32>
      %add3A_1069 = arith.addi %mul3A_7, %add3A_1068 : vector<16xi32>
      %add3A_1070 = arith.constant 1 : i32
      %add3A_1071 = vector.broadcast %add3A_1070 : i32 to vector<16xi32>
      %add3A_1072 = arith.addi %mul3A_7, %add3A_1071 : vector<16xi32>
      %add3A_1073 = arith.constant 2 : i32
      %add3A_1074 = vector.broadcast %add3A_1073 : i32 to vector<16xi32>
      %add3A_1075 = arith.addi %mul3A_7, %add3A_1074 : vector<16xi32>
      %add3A_1076 = arith.constant 3 : i32
      %add3A_1077 = vector.broadcast %add3A_1076 : i32 to vector<16xi32>
      %add3A_1078 = arith.addi %mul3A_7, %add3A_1077 : vector<16xi32>
      %add3A_1079 = arith.constant 4 : i32
      %add3A_1080 = vector.broadcast %add3A_1079 : i32 to vector<16xi32>
      %add3A_1081 = arith.addi %mul3A_7, %add3A_1080 : vector<16xi32>
      %add3A_1082 = arith.constant 5 : i32
      %add3A_1083 = vector.broadcast %add3A_1082 : i32 to vector<16xi32>
      %add3A_1084 = arith.addi %mul3A_7, %add3A_1083 : vector<16xi32>
      %add3A_1085 = arith.constant 6 : i32
      %add3A_1086 = vector.broadcast %add3A_1085 : i32 to vector<16xi32>
      %add3A_1087 = arith.addi %mul3A_7, %add3A_1086 : vector<16xi32>
      %add3A_1088 = arith.constant 7 : i32
      %add3A_1089 = vector.broadcast %add3A_1088 : i32 to vector<16xi32>
      %add3A_1090 = arith.addi %mul3A_7, %add3A_1089 : vector<16xi32>
      %add3A_1091 = arith.constant 8 : i32
      %add3A_1092 = vector.broadcast %add3A_1091 : i32 to vector<16xi32>
      %add3A_1093 = arith.addi %mul3A_7, %add3A_1092 : vector<16xi32>
      %add3A_1094 = arith.constant 9 : i32
      %add3A_1095 = vector.broadcast %add3A_1094 : i32 to vector<16xi32>
      %add3A_1096 = arith.addi %mul3A_7, %add3A_1095 : vector<16xi32>
      %broadcast_in_dim3A_1097 = arith.constant 0.000000e+00 : f32
      %broadcast_in_dim3A_1098 = vector.broadcast %broadcast_in_dim3A_1097 : f32 to vector<16xf32>
      %parallel_loop3A_1099 = arith.constant 0 : i32
      %parallel_loop3A_1100 = arith.constant 64 : i32
      %parallel_loop3A_1101 = arith.constant 1 : i32
      %parallel_loop3A_1102 = arith.constant 1 : i32
      %parallel_loop3A_1103 = arith.constant 1 : i32
      %parallel_loop3A_1104 = arith.constant 1 : i32
      %parallel_loop3A_1105:11 = scf.for %parallel_loop3A_1882 = %parallel_loop3A_1099 to %parallel_loop3A_1100 step %parallel_loop3A_1101 iter_args(%parallel_loop3A_1883 = %broadcast_in_dim3A_1098, %parallel_loop3A_1884 = %broadcast_in_dim3A_1098, %parallel_loop3A_1885 = %broadcast_in_dim3A_1098, %parallel_loop3A_1886 = %broadcast_in_dim3A_1098, %parallel_loop3A_1887 = %broadcast_in_dim3A_1098, %parallel_loop3A_1888 = %broadcast_in_dim3A_1098, %parallel_loop3A_1889 = %broadcast_in_dim3A_1098, %parallel_loop3A_1890 = %broadcast_in_dim3A_1098, %parallel_loop3A_1891 = %broadcast_in_dim3A_1098, %parallel_loop3A_1892 = %broadcast_in_dim3A_1098, %parallel_loop3A_1893 = %broadcast_in_dim3A_1098) -> (vector<16xf32>, vector<16xf32>, vector<16xf32>, vector<16xf32>, vector<16xf32>, vector<16xf32>, vector<16xf32>, vector<16xf32>, vector<16xf32>, vector<16xf32>, vector<16xf32>)  : i32 {
        %parallel_loop3A_1894 = vector.broadcast %parallel_loop3A_1882 : i32 to vector<16xi32>
        %parallel_loop3A_1895 = arith.constant 0 : i32
        %parallel_loop3A_1896 = arith.constant 0 : i32
        %parallel_loop3A_1897 = tpu.memref_slice %arg11[%parallel_loop3A_1102, %parallel_loop3A_1895, %parallel_loop3A_1896] : memref<2x16x128xf32, #tpu.memory_space<vmem>> -> memref<1x16x128xf32, #tpu.memory_space<vmem>>
        %parallel_loop3A_1898 = tpu.memref_squeeze %parallel_loop3A_1897 : memref<1x16x128xf32, #tpu.memory_space<vmem>> -> memref<16x128xf32, #tpu.memory_space<vmem>>
        %parallel_loop3A_1899 = tpu.vector_load_idx %parallel_loop3A_1898[%iota3A, %parallel_loop3A_1894] : memref<16x128xf32, #tpu.memory_space<vmem>>[vector<16xi32>, vector<16xi32>], vector<16xf32>,
        %parallel_loop3A_1900 = arith.constant 0 : i32
        %parallel_loop3A_1901 = arith.constant 0 : i32
        %parallel_loop3A_1902 = tpu.memref_slice %arg12[%parallel_loop3A_1103, %parallel_loop3A_1900, %parallel_loop3A_1901] : memref<2x16x128xf32, #tpu.memory_space<vmem>> -> memref<1x16x128xf32, #tpu.memory_space<vmem>>
        %parallel_loop3A_1903 = tpu.memref_squeeze %parallel_loop3A_1902 : memref<1x16x128xf32, #tpu.memory_space<vmem>> -> memref<16x128xf32, #tpu.memory_space<vmem>>
        %parallel_loop3A_1904 = tpu.vector_load_idx %parallel_loop3A_1903[%iota3A, %parallel_loop3A_1894] : memref<16x128xf32, #tpu.memory_space<vmem>>[vector<16xi32>, vector<16xi32>], vector<16xf32>,
        %parallel_loop3A_1905 = arith.mulf %parallel_loop3A_1899, %parallel_loop3A_1904 : vector<16xf32>
        %parallel_loop3A_1906 = arith.addf %parallel_loop3A_1883, %parallel_loop3A_1905 : vector<16xf32>
        %parallel_loop3A_1907 = arith.constant 0 : i32
        %parallel_loop3A_1908 = arith.constant 0 : i32
        %parallel_loop3A_1909 = tpu.memref_slice %arg13[%parallel_loop3A_1104, %parallel_loop3A_1907, %parallel_loop3A_1908] : memref<2x320x128xf32, #tpu.memory_space<vmem>> -> memref<1x320x128xf32, #tpu.memory_space<vmem>>
        %parallel_loop3A_1910 = tpu.memref_squeeze %parallel_loop3A_1909 : memref<1x320x128xf32, #tpu.memory_space<vmem>> -> memref<320x128xf32, #tpu.memory_space<vmem>>
        %parallel_loop3A_1911 = tpu.vector_load_idx %parallel_loop3A_1910[%add3A_1069, %parallel_loop3A_1894] : memref<320x128xf32, #tpu.memory_space<vmem>>[vector<16xi32>, vector<16xi32>], vector<16xf32>,
        %parallel_loop3A_1912 = arith.mulf %parallel_loop3A_1899, %parallel_loop3A_1911 : vector<16xf32>
        %parallel_loop3A_1913 = arith.addf %parallel_loop3A_1884, %parallel_loop3A_1912 : vector<16xf32>
        %parallel_loop3A_1914 = arith.constant 0 : i32
        %parallel_loop3A_1915 = arith.constant 0 : i32
        %parallel_loop3A_1916 = tpu.memref_slice %arg13[%parallel_loop3A_1104, %parallel_loop3A_1914, %parallel_loop3A_1915] : memref<2x320x128xf32, #tpu.memory_space<vmem>> -> memref<1x320x128xf32, #tpu.memory_space<vmem>>
        %parallel_loop3A_1917 = tpu.memref_squeeze %parallel_loop3A_1916 : memref<1x320x128xf32, #tpu.memory_space<vmem>> -> memref<320x128xf32, #tpu.memory_space<vmem>>
        %parallel_loop3A_1918 = tpu.vector_load_idx %parallel_loop3A_1917[%add3A_1072, %parallel_loop3A_1894] : memref<320x128xf32, #tpu.memory_space<vmem>>[vector<16xi32>, vector<16xi32>], vector<16xf32>,
        %parallel_loop3A_1919 = arith.mulf %parallel_loop3A_1899, %parallel_loop3A_1918 : vector<16xf32>
        %parallel_loop3A_1920 = arith.addf %parallel_loop3A_1885, %parallel_loop3A_1919 : vector<16xf32>
        %parallel_loop3A_1921 = arith.constant 0 : i32
        %parallel_loop3A_1922 = arith.constant 0 : i32
        %parallel_loop3A_1923 = tpu.memref_slice %arg13[%parallel_loop3A_1104, %parallel_loop3A_1921, %parallel_loop3A_1922] : memref<2x320x128xf32, #tpu.memory_space<vmem>> -> memref<1x320x128xf32, #tpu.memory_space<vmem>>
        %parallel_loop3A_1924 = tpu.memref_squeeze %parallel_loop3A_1923 : memref<1x320x128xf32, #tpu.memory_space<vmem>> -> memref<320x128xf32, #tpu.memory_space<vmem>>
        %parallel_loop3A_1925 = tpu.vector_load_idx %parallel_loop3A_1924[%add3A_1075, %parallel_loop3A_1894] : memref<320x128xf32, #tpu.memory_space<vmem>>[vector<16xi32>, vector<16xi32>], vector<16xf32>,
        %parallel_loop3A_1926 = arith.mulf %parallel_loop3A_1899, %parallel_loop3A_1925 : vector<16xf32>
        %parallel_loop3A_1927 = arith.addf %parallel_loop3A_1886, %parallel_loop3A_1926 : vector<16xf32>
        %parallel_loop3A_1928 = arith.constant 0 : i32
        %parallel_loop3A_1929 = arith.constant 0 : i32
        %parallel_loop3A_1930 = tpu.memref_slice %arg13[%parallel_loop3A_1104, %parallel_loop3A_1928, %parallel_loop3A_1929] : memref<2x320x128xf32, #tpu.memory_space<vmem>> -> memref<1x320x128xf32, #tpu.memory_space<vmem>>
        %parallel_loop3A_1931 = tpu.memref_squeeze %parallel_loop3A_1930 : memref<1x320x128xf32, #tpu.memory_space<vmem>> -> memref<320x128xf32, #tpu.memory_space<vmem>>
        %parallel_loop3A_1932 = tpu.vector_load_idx %parallel_loop3A_1931[%add3A_1078, %parallel_loop3A_1894] : memref<320x128xf32, #tpu.memory_space<vmem>>[vector<16xi32>, vector<16xi32>], vector<16xf32>,
        %parallel_loop3A_1933 = arith.mulf %parallel_loop3A_1899, %parallel_loop3A_1932 : vector<16xf32>
        %parallel_loop3A_1934 = arith.addf %parallel_loop3A_1887, %parallel_loop3A_1933 : vector<16xf32>
        %parallel_loop3A_1935 = arith.constant 0 : i32
        %parallel_loop3A_1936 = arith.constant 0 : i32
        %parallel_loop3A_1937 = tpu.memref_slice %arg13[%parallel_loop3A_1104, %parallel_loop3A_1935, %parallel_loop3A_1936] : memref<2x320x128xf32, #tpu.memory_space<vmem>> -> memref<1x320x128xf32, #tpu.memory_space<vmem>>
        %parallel_loop3A_1938 = tpu.memref_squeeze %parallel_loop3A_1937 : memref<1x320x128xf32, #tpu.memory_space<vmem>> -> memref<320x128xf32, #tpu.memory_space<vmem>>
        %parallel_loop3A_1939 = tpu.vector_load_idx %parallel_loop3A_1938[%add3A_1081, %parallel_loop3A_1894] : memref<320x128xf32, #tpu.memory_space<vmem>>[vector<16xi32>, vector<16xi32>], vector<16xf32>,
        %parallel_loop3A_1940 = arith.mulf %parallel_loop3A_1899, %parallel_loop3A_1939 : vector<16xf32>
        %parallel_loop3A_1941 = arith.addf %parallel_loop3A_1888, %parallel_loop3A_1940 : vector<16xf32>
        %parallel_loop3A_1942 = arith.constant 0 : i32
        %parallel_loop3A_1943 = arith.constant 0 : i32
        %parallel_loop3A_1944 = tpu.memref_slice %arg13[%parallel_loop3A_1104, %parallel_loop3A_1942, %parallel_loop3A_1943] : memref<2x320x128xf32, #tpu.memory_space<vmem>> -> memref<1x320x128xf32, #tpu.memory_space<vmem>>
        %parallel_loop3A_1945 = tpu.memref_squeeze %parallel_loop3A_1944 : memref<1x320x128xf32, #tpu.memory_space<vmem>> -> memref<320x128xf32, #tpu.memory_space<vmem>>
        %parallel_loop3A_1946 = tpu.vector_load_idx %parallel_loop3A_1945[%add3A_1084, %parallel_loop3A_1894] : memref<320x128xf32, #tpu.memory_space<vmem>>[vector<16xi32>, vector<16xi32>], vector<16xf32>,
        %parallel_loop3A_1947 = arith.mulf %parallel_loop3A_1899, %parallel_loop3A_1946 : vector<16xf32>
        %parallel_loop3A_1948 = arith.addf %parallel_loop3A_1889, %parallel_loop3A_1947 : vector<16xf32>
        %parallel_loop3A_1949 = arith.constant 0 : i32
        %parallel_loop3A_1950 = arith.constant 0 : i32
        %parallel_loop3A_1951 = tpu.memref_slice %arg13[%parallel_loop3A_1104, %parallel_loop3A_1949, %parallel_loop3A_1950] : memref<2x320x128xf32, #tpu.memory_space<vmem>> -> memref<1x320x128xf32, #tpu.memory_space<vmem>>
        %parallel_loop3A_1952 = tpu.memref_squeeze %parallel_loop3A_1951 : memref<1x320x128xf32, #tpu.memory_space<vmem>> -> memref<320x128xf32, #tpu.memory_space<vmem>>
        %parallel_loop3A_1953 = tpu.vector_load_idx %parallel_loop3A_1952[%add3A_1087, %parallel_loop3A_1894] : memref<320x128xf32, #tpu.memory_space<vmem>>[vector<16xi32>, vector<16xi32>], vector<16xf32>,
        %parallel_loop3A_1954 = arith.mulf %parallel_loop3A_1899, %parallel_loop3A_1953 : vector<16xf32>
        %parallel_loop3A_1955 = arith.addf %parallel_loop3A_1890, %parallel_loop3A_1954 : vector<16xf32>
        %parallel_loop3A_1956 = arith.constant 0 : i32
        %parallel_loop3A_1957 = arith.constant 0 : i32
        %parallel_loop3A_1958 = tpu.memref_slice %arg13[%parallel_loop3A_1104, %parallel_loop3A_1956, %parallel_loop3A_1957] : memref<2x320x128xf32, #tpu.memory_space<vmem>> -> memref<1x320x128xf32, #tpu.memory_space<vmem>>
        %parallel_loop3A_1959 = tpu.memref_squeeze %parallel_loop3A_1958 : memref<1x320x128xf32, #tpu.memory_space<vmem>> -> memref<320x128xf32, #tpu.memory_space<vmem>>
        %parallel_loop3A_1960 = tpu.vector_load_idx %parallel_loop3A_1959[%add3A_1090, %parallel_loop3A_1894] : memref<320x128xf32, #tpu.memory_space<vmem>>[vector<16xi32>, vector<16xi32>], vector<16xf32>,
        %parallel_loop3A_1961 = arith.mulf %parallel_loop3A_1899, %parallel_loop3A_1960 : vector<16xf32>
        %parallel_loop3A_1962 = arith.addf %parallel_loop3A_1891, %parallel_loop3A_1961 : vector<16xf32>
        %parallel_loop3A_1963 = arith.constant 0 : i32
        %parallel_loop3A_1964 = arith.constant 0 : i32
        %parallel_loop3A_1965 = tpu.memref_slice %arg13[%parallel_loop3A_1104, %parallel_loop3A_1963, %parallel_loop3A_1964] : memref<2x320x128xf32, #tpu.memory_space<vmem>> -> memref<1x320x128xf32, #tpu.memory_space<vmem>>
        %parallel_loop3A_1966 = tpu.memref_squeeze %parallel_loop3A_1965 : memref<1x320x128xf32, #tpu.memory_space<vmem>> -> memref<320x128xf32, #tpu.memory_space<vmem>>
        %parallel_loop3A_1967 = tpu.vector_load_idx %parallel_loop3A_1966[%add3A_1093, %parallel_loop3A_1894] : memref<320x128xf32, #tpu.memory_space<vmem>>[vector<16xi32>, vector<16xi32>], vector<16xf32>,
        %parallel_loop3A_1968 = arith.mulf %parallel_loop3A_1899, %parallel_loop3A_1967 : vector<16xf32>
        %parallel_loop3A_1969 = arith.addf %parallel_loop3A_1892, %parallel_loop3A_1968 : vector<16xf32>
        %parallel_loop3A_1970 = arith.constant 0 : i32
        %parallel_loop3A_1971 = arith.constant 0 : i32
        %parallel_loop3A_1972 = tpu.memref_slice %arg13[%parallel_loop3A_1104, %parallel_loop3A_1970, %parallel_loop3A_1971] : memref<2x320x128xf32, #tpu.memory_space<vmem>> -> memref<1x320x128xf32, #tpu.memory_space<vmem>>
        %parallel_loop3A_1973 = tpu.memref_squeeze %parallel_loop3A_1972 : memref<1x320x128xf32, #tpu.memory_space<vmem>> -> memref<320x128xf32, #tpu.memory_space<vmem>>
        %parallel_loop3A_1974 = tpu.vector_load_idx %parallel_loop3A_1973[%add3A_1096, %parallel_loop3A_1894] : memref<320x128xf32, #tpu.memory_space<vmem>>[vector<16xi32>, vector<16xi32>], vector<16xf32>,
        %parallel_loop3A_1975 = arith.mulf %parallel_loop3A_1899, %parallel_loop3A_1974 : vector<16xf32>
        %parallel_loop3A_1976 = arith.addf %parallel_loop3A_1893, %parallel_loop3A_1975 : vector<16xf32>
        scf.yield %parallel_loop3A_1906, %parallel_loop3A_1913, %parallel_loop3A_1920, %parallel_loop3A_1927, %parallel_loop3A_1934, %parallel_loop3A_1941, %parallel_loop3A_1948, %parallel_loop3A_1955, %parallel_loop3A_1962, %parallel_loop3A_1969, %parallel_loop3A_1976 : vector<16xf32>, vector<16xf32>, vector<16xf32>, vector<16xf32>, vector<16xf32>, vector<16xf32>, vector<16xf32>, vector<16xf32>, vector<16xf32>, vector<16xf32>, vector<16xf32>
      } {sc.loop_unroll_factor = 4 : i64, sc.parallel_access}
      %add3A_1106 = arith.constant 10 : i32
      %add3A_1107 = vector.broadcast %add3A_1106 : i32 to vector<16xi32>
      %add3A_1108 = arith.addi %mul3A_7, %add3A_1107 : vector<16xi32>
      %add3A_1109 = arith.constant 11 : i32
      %add3A_1110 = vector.broadcast %add3A_1109 : i32 to vector<16xi32>
      %add3A_1111 = arith.addi %mul3A_7, %add3A_1110 : vector<16xi32>
      %add3A_1112 = arith.constant 12 : i32
      %add3A_1113 = vector.broadcast %add3A_1112 : i32 to vector<16xi32>
      %add3A_1114 = arith.addi %mul3A_7, %add3A_1113 : vector<16xi32>
      %add3A_1115 = arith.constant 13 : i32
      %add3A_1116 = vector.broadcast %add3A_1115 : i32 to vector<16xi32>
      %add3A_1117 = arith.addi %mul3A_7, %add3A_1116 : vector<16xi32>
      %add3A_1118 = arith.constant 14 : i32
      %add3A_1119 = vector.broadcast %add3A_1118 : i32 to vector<16xi32>
      %add3A_1120 = arith.addi %mul3A_7, %add3A_1119 : vector<16xi32>
      %add3A_1121 = arith.constant 15 : i32
      %add3A_1122 = vector.broadcast %add3A_1121 : i32 to vector<16xi32>
      %add3A_1123 = arith.addi %mul3A_7, %add3A_1122 : vector<16xi32>
      %add3A_1124 = arith.constant 16 : i32
      %add3A_1125 = vector.broadcast %add3A_1124 : i32 to vector<16xi32>
      %add3A_1126 = arith.addi %mul3A_7, %add3A_1125 : vector<16xi32>
      %add3A_1127 = arith.constant 17 : i32
      %add3A_1128 = vector.broadcast %add3A_1127 : i32 to vector<16xi32>
      %add3A_1129 = arith.addi %mul3A_7, %add3A_1128 : vector<16xi32>
      %add3A_1130 = arith.constant 18 : i32
      %add3A_1131 = vector.broadcast %add3A_1130 : i32 to vector<16xi32>
      %add3A_1132 = arith.addi %mul3A_7, %add3A_1131 : vector<16xi32>
      %add3A_1133 = arith.constant 19 : i32
      %add3A_1134 = vector.broadcast %add3A_1133 : i32 to vector<16xi32>
      %add3A_1135 = arith.addi %mul3A_7, %add3A_1134 : vector<16xi32>
      %broadcast_in_dim3A_1136 = arith.constant 0.000000e+00 : f32
      %broadcast_in_dim3A_1137 = vector.broadcast %broadcast_in_dim3A_1136 : f32 to vector<16xf32>
      %parallel_loop3A_1138 = arith.constant 0 : i32
      %parallel_loop3A_1139 = arith.constant 64 : i32
      %parallel_loop3A_1140 = arith.constant 1 : i32
      %parallel_loop3A_1141 = arith.constant 1 : i32
      %parallel_loop3A_1142 = arith.constant 1 : i32
      %parallel_loop3A_1143:10 = scf.for %parallel_loop3A_1882 = %parallel_loop3A_1138 to %parallel_loop3A_1139 step %parallel_loop3A_1140 iter_args(%parallel_loop3A_1883 = %broadcast_in_dim3A_1137, %parallel_loop3A_1884 = %broadcast_in_dim3A_1137, %parallel_loop3A_1885 = %broadcast_in_dim3A_1137, %parallel_loop3A_1886 = %broadcast_in_dim3A_1137, %parallel_loop3A_1887 = %broadcast_in_dim3A_1137, %parallel_loop3A_1888 = %broadcast_in_dim3A_1137, %parallel_loop3A_1889 = %broadcast_in_dim3A_1137, %parallel_loop3A_1890 = %broadcast_in_dim3A_1137, %parallel_loop3A_1891 = %broadcast_in_dim3A_1137, %parallel_loop3A_1892 = %broadcast_in_dim3A_1137) -> (vector<16xf32>, vector<16xf32>, vector<16xf32>, vector<16xf32>, vector<16xf32>, vector<16xf32>, vector<16xf32>, vector<16xf32>, vector<16xf32>, vector<16xf32>)  : i32 {
        %parallel_loop3A_1893 = vector.broadcast %parallel_loop3A_1882 : i32 to vector<16xi32>
        %parallel_loop3A_1894 = arith.constant 0 : i32
        %parallel_loop3A_1895 = arith.constant 0 : i32
        %parallel_loop3A_1896 = tpu.memref_slice %arg11[%parallel_loop3A_1141, %parallel_loop3A_1894, %parallel_loop3A_1895] : memref<2x16x128xf32, #tpu.memory_space<vmem>> -> memref<1x16x128xf32, #tpu.memory_space<vmem>>
        %parallel_loop3A_1897 = tpu.memref_squeeze %parallel_loop3A_1896 : memref<1x16x128xf32, #tpu.memory_space<vmem>> -> memref<16x128xf32, #tpu.memory_space<vmem>>
        %parallel_loop3A_1898 = tpu.vector_load_idx %parallel_loop3A_1897[%iota3A, %parallel_loop3A_1893] : memref<16x128xf32, #tpu.memory_space<vmem>>[vector<16xi32>, vector<16xi32>], vector<16xf32>,
        %parallel_loop3A_1899 = arith.constant 0 : i32
        %parallel_loop3A_1900 = arith.constant 0 : i32
        %parallel_loop3A_1901 = tpu.memref_slice %arg13[%parallel_loop3A_1142, %parallel_loop3A_1899, %parallel_loop3A_1900] : memref<2x320x128xf32, #tpu.memory_space<vmem>> -> memref<1x320x128xf32, #tpu.memory_space<vmem>>
        %parallel_loop3A_1902 = tpu.memref_squeeze %parallel_loop3A_1901 : memref<1x320x128xf32, #tpu.memory_space<vmem>> -> memref<320x128xf32, #tpu.memory_space<vmem>>
        %parallel_loop3A_1903 = tpu.vector_load_idx %parallel_loop3A_1902[%add3A_1108, %parallel_loop3A_1893] : memref<320x128xf32, #tpu.memory_space<vmem>>[vector<16xi32>, vector<16xi32>], vector<16xf32>,
        %parallel_loop3A_1904 = arith.mulf %parallel_loop3A_1898, %parallel_loop3A_1903 : vector<16xf32>
        %parallel_loop3A_1905 = arith.addf %parallel_loop3A_1883, %parallel_loop3A_1904 : vector<16xf32>
        %parallel_loop3A_1906 = arith.constant 0 : i32
        %parallel_loop3A_1907 = arith.constant 0 : i32
        %parallel_loop3A_1908 = tpu.memref_slice %arg13[%parallel_loop3A_1142, %parallel_loop3A_1906, %parallel_loop3A_1907] : memref<2x320x128xf32, #tpu.memory_space<vmem>> -> memref<1x320x128xf32, #tpu.memory_space<vmem>>
        %parallel_loop3A_1909 = tpu.memref_squeeze %parallel_loop3A_1908 : memref<1x320x128xf32, #tpu.memory_space<vmem>> -> memref<320x128xf32, #tpu.memory_space<vmem>>
        %parallel_loop3A_1910 = tpu.vector_load_idx %parallel_loop3A_1909[%add3A_1111, %parallel_loop3A_1893] : memref<320x128xf32, #tpu.memory_space<vmem>>[vector<16xi32>, vector<16xi32>], vector<16xf32>,
        %parallel_loop3A_1911 = arith.mulf %parallel_loop3A_1898, %parallel_loop3A_1910 : vector<16xf32>
        %parallel_loop3A_1912 = arith.addf %parallel_loop3A_1884, %parallel_loop3A_1911 : vector<16xf32>
        %parallel_loop3A_1913 = arith.constant 0 : i32
        %parallel_loop3A_1914 = arith.constant 0 : i32
        %parallel_loop3A_1915 = tpu.memref_slice %arg13[%parallel_loop3A_1142, %parallel_loop3A_1913, %parallel_loop3A_1914] : memref<2x320x128xf32, #tpu.memory_space<vmem>> -> memref<1x320x128xf32, #tpu.memory_space<vmem>>
        %parallel_loop3A_1916 = tpu.memref_squeeze %parallel_loop3A_1915 : memref<1x320x128xf32, #tpu.memory_space<vmem>> -> memref<320x128xf32, #tpu.memory_space<vmem>>
        %parallel_loop3A_1917 = tpu.vector_load_idx %parallel_loop3A_1916[%add3A_1114, %parallel_loop3A_1893] : memref<320x128xf32, #tpu.memory_space<vmem>>[vector<16xi32>, vector<16xi32>], vector<16xf32>,
        %parallel_loop3A_1918 = arith.mulf %parallel_loop3A_1898, %parallel_loop3A_1917 : vector<16xf32>
        %parallel_loop3A_1919 = arith.addf %parallel_loop3A_1885, %parallel_loop3A_1918 : vector<16xf32>
        %parallel_loop3A_1920 = arith.constant 0 : i32
        %parallel_loop3A_1921 = arith.constant 0 : i32
        %parallel_loop3A_1922 = tpu.memref_slice %arg13[%parallel_loop3A_1142, %parallel_loop3A_1920, %parallel_loop3A_1921] : memref<2x320x128xf32, #tpu.memory_space<vmem>> -> memref<1x320x128xf32, #tpu.memory_space<vmem>>
        %parallel_loop3A_1923 = tpu.memref_squeeze %parallel_loop3A_1922 : memref<1x320x128xf32, #tpu.memory_space<vmem>> -> memref<320x128xf32, #tpu.memory_space<vmem>>
        %parallel_loop3A_1924 = tpu.vector_load_idx %parallel_loop3A_1923[%add3A_1117, %parallel_loop3A_1893] : memref<320x128xf32, #tpu.memory_space<vmem>>[vector<16xi32>, vector<16xi32>], vector<16xf32>,
        %parallel_loop3A_1925 = arith.mulf %parallel_loop3A_1898, %parallel_loop3A_1924 : vector<16xf32>
        %parallel_loop3A_1926 = arith.addf %parallel_loop3A_1886, %parallel_loop3A_1925 : vector<16xf32>
        %parallel_loop3A_1927 = arith.constant 0 : i32
        %parallel_loop3A_1928 = arith.constant 0 : i32
        %parallel_loop3A_1929 = tpu.memref_slice %arg13[%parallel_loop3A_1142, %parallel_loop3A_1927, %parallel_loop3A_1928] : memref<2x320x128xf32, #tpu.memory_space<vmem>> -> memref<1x320x128xf32, #tpu.memory_space<vmem>>
        %parallel_loop3A_1930 = tpu.memref_squeeze %parallel_loop3A_1929 : memref<1x320x128xf32, #tpu.memory_space<vmem>> -> memref<320x128xf32, #tpu.memory_space<vmem>>
        %parallel_loop3A_1931 = tpu.vector_load_idx %parallel_loop3A_1930[%add3A_1120, %parallel_loop3A_1893] : memref<320x128xf32, #tpu.memory_space<vmem>>[vector<16xi32>, vector<16xi32>], vector<16xf32>,
        %parallel_loop3A_1932 = arith.mulf %parallel_loop3A_1898, %parallel_loop3A_1931 : vector<16xf32>
        %parallel_loop3A_1933 = arith.addf %parallel_loop3A_1887, %parallel_loop3A_1932 : vector<16xf32>
        %parallel_loop3A_1934 = arith.constant 0 : i32
        %parallel_loop3A_1935 = arith.constant 0 : i32
        %parallel_loop3A_1936 = tpu.memref_slice %arg13[%parallel_loop3A_1142, %parallel_loop3A_1934, %parallel_loop3A_1935] : memref<2x320x128xf32, #tpu.memory_space<vmem>> -> memref<1x320x128xf32, #tpu.memory_space<vmem>>
        %parallel_loop3A_1937 = tpu.memref_squeeze %parallel_loop3A_1936 : memref<1x320x128xf32, #tpu.memory_space<vmem>> -> memref<320x128xf32, #tpu.memory_space<vmem>>
        %parallel_loop3A_1938 = tpu.vector_load_idx %parallel_loop3A_1937[%add3A_1123, %parallel_loop3A_1893] : memref<320x128xf32, #tpu.memory_space<vmem>>[vector<16xi32>, vector<16xi32>], vector<16xf32>,
        %parallel_loop3A_1939 = arith.mulf %parallel_loop3A_1898, %parallel_loop3A_1938 : vector<16xf32>
        %parallel_loop3A_1940 = arith.addf %parallel_loop3A_1888, %parallel_loop3A_1939 : vector<16xf32>
        %parallel_loop3A_1941 = arith.constant 0 : i32
        %parallel_loop3A_1942 = arith.constant 0 : i32
        %parallel_loop3A_1943 = tpu.memref_slice %arg13[%parallel_loop3A_1142, %parallel_loop3A_1941, %parallel_loop3A_1942] : memref<2x320x128xf32, #tpu.memory_space<vmem>> -> memref<1x320x128xf32, #tpu.memory_space<vmem>>
        %parallel_loop3A_1944 = tpu.memref_squeeze %parallel_loop3A_1943 : memref<1x320x128xf32, #tpu.memory_space<vmem>> -> memref<320x128xf32, #tpu.memory_space<vmem>>
        %parallel_loop3A_1945 = tpu.vector_load_idx %parallel_loop3A_1944[%add3A_1126, %parallel_loop3A_1893] : memref<320x128xf32, #tpu.memory_space<vmem>>[vector<16xi32>, vector<16xi32>], vector<16xf32>,
        %parallel_loop3A_1946 = arith.mulf %parallel_loop3A_1898, %parallel_loop3A_1945 : vector<16xf32>
        %parallel_loop3A_1947 = arith.addf %parallel_loop3A_1889, %parallel_loop3A_1946 : vector<16xf32>
        %parallel_loop3A_1948 = arith.constant 0 : i32
        %parallel_loop3A_1949 = arith.constant 0 : i32
        %parallel_loop3A_1950 = tpu.memref_slice %arg13[%parallel_loop3A_1142, %parallel_loop3A_1948, %parallel_loop3A_1949] : memref<2x320x128xf32, #tpu.memory_space<vmem>> -> memref<1x320x128xf32, #tpu.memory_space<vmem>>
        %parallel_loop3A_1951 = tpu.memref_squeeze %parallel_loop3A_1950 : memref<1x320x128xf32, #tpu.memory_space<vmem>> -> memref<320x128xf32, #tpu.memory_space<vmem>>
        %parallel_loop3A_1952 = tpu.vector_load_idx %parallel_loop3A_1951[%add3A_1129, %parallel_loop3A_1893] : memref<320x128xf32, #tpu.memory_space<vmem>>[vector<16xi32>, vector<16xi32>], vector<16xf32>,
        %parallel_loop3A_1953 = arith.mulf %parallel_loop3A_1898, %parallel_loop3A_1952 : vector<16xf32>
        %parallel_loop3A_1954 = arith.addf %parallel_loop3A_1890, %parallel_loop3A_1953 : vector<16xf32>
        %parallel_loop3A_1955 = arith.constant 0 : i32
        %parallel_loop3A_1956 = arith.constant 0 : i32
        %parallel_loop3A_1957 = tpu.memref_slice %arg13[%parallel_loop3A_1142, %parallel_loop3A_1955, %parallel_loop3A_1956] : memref<2x320x128xf32, #tpu.memory_space<vmem>> -> memref<1x320x128xf32, #tpu.memory_space<vmem>>
        %parallel_loop3A_1958 = tpu.memref_squeeze %parallel_loop3A_1957 : memref<1x320x128xf32, #tpu.memory_space<vmem>> -> memref<320x128xf32, #tpu.memory_space<vmem>>
        %parallel_loop3A_1959 = tpu.vector_load_idx %parallel_loop3A_1958[%add3A_1132, %parallel_loop3A_1893] : memref<320x128xf32, #tpu.memory_space<vmem>>[vector<16xi32>, vector<16xi32>], vector<16xf32>,
        %parallel_loop3A_1960 = arith.mulf %parallel_loop3A_1898, %parallel_loop3A_1959 : vector<16xf32>
        %parallel_loop3A_1961 = arith.addf %parallel_loop3A_1891, %parallel_loop3A_1960 : vector<16xf32>
        %parallel_loop3A_1962 = arith.constant 0 : i32
        %parallel_loop3A_1963 = arith.constant 0 : i32
        %parallel_loop3A_1964 = tpu.memref_slice %arg13[%parallel_loop3A_1142, %parallel_loop3A_1962, %parallel_loop3A_1963] : memref<2x320x128xf32, #tpu.memory_space<vmem>> -> memref<1x320x128xf32, #tpu.memory_space<vmem>>
        %parallel_loop3A_1965 = tpu.memref_squeeze %parallel_loop3A_1964 : memref<1x320x128xf32, #tpu.memory_space<vmem>> -> memref<320x128xf32, #tpu.memory_space<vmem>>
        %parallel_loop3A_1966 = tpu.vector_load_idx %parallel_loop3A_1965[%add3A_1135, %parallel_loop3A_1893] : memref<320x128xf32, #tpu.memory_space<vmem>>[vector<16xi32>, vector<16xi32>], vector<16xf32>,
        %parallel_loop3A_1967 = arith.mulf %parallel_loop3A_1898, %parallel_loop3A_1966 : vector<16xf32>
        %parallel_loop3A_1968 = arith.addf %parallel_loop3A_1892, %parallel_loop3A_1967 : vector<16xf32>
        scf.yield %parallel_loop3A_1905, %parallel_loop3A_1912, %parallel_loop3A_1919, %parallel_loop3A_1926, %parallel_loop3A_1933, %parallel_loop3A_1940, %parallel_loop3A_1947, %parallel_loop3A_1954, %parallel_loop3A_1961, %parallel_loop3A_1968 : vector<16xf32>, vector<16xf32>, vector<16xf32>, vector<16xf32>, vector<16xf32>, vector<16xf32>, vector<16xf32>, vector<16xf32>, vector<16xf32>, vector<16xf32>
      } {sc.loop_unroll_factor = 4 : i64, sc.parallel_access}
      %neg3A_1144 = arith.constant 0.000000e+00 : f32
      %neg3A_1145 = vector.broadcast %neg3A_1144 : f32 to vector<16xf32>
      %neg3A_1146 = arith.subf %neg3A_1145, %parallel_loop3A_1105#0 : vector<16xf32>
      %abs3A_1147 = math.absf %neg3A_1146 : vector<16xf32>
      %neg3A_1148 = arith.constant 0.000000e+00 : f32
      %neg3A_1149 = vector.broadcast %neg3A_1148 : f32 to vector<16xf32>
      %neg3A_1150 = arith.subf %neg3A_1149, %abs3A_1147 : vector<16xf32>
      %exp3A_1151 = math.exp %neg3A_1150 : vector<16xf32>
      %add3A_1152 = arith.constant 2.000000e+00 : f32
      %add3A_1153 = vector.broadcast %add3A_1152 : f32 to vector<16xf32>
      %add3A_1154 = arith.addf %exp3A_1151, %add3A_1153 : vector<16xf32>
      %div3A_1155 = arith.divf %exp3A_1151, %add3A_1154 : vector<16xf32>
      %mul3A_1156 = arith.mulf %div3A_1155, %div3A_1155 : vector<16xf32>
      %mul3A_1157 = arith.constant 0.111111112 : f32
      %mul3A_1158 = vector.broadcast %mul3A_1157 : f32 to vector<16xf32>
      %mul3A_1159 = arith.mulf %mul3A_1156, %mul3A_1158 : vector<16xf32>
      %add3A_1160 = arith.constant 0.142857149 : f32
      %add3A_1161 = vector.broadcast %add3A_1160 : f32 to vector<16xf32>
      %add3A_1162 = arith.addf %mul3A_1159, %add3A_1161 : vector<16xf32>
      %mul3A_1163 = arith.mulf %mul3A_1156, %add3A_1162 : vector<16xf32>
      %add3A_1164 = arith.constant 2.000000e-01 : f32
      %add3A_1165 = vector.broadcast %add3A_1164 : f32 to vector<16xf32>
      %add3A_1166 = arith.addf %mul3A_1163, %add3A_1165 : vector<16xf32>
      %mul3A_1167 = arith.mulf %mul3A_1156, %add3A_1166 : vector<16xf32>
      %add3A_1168 = arith.constant 0.333333343 : f32
      %add3A_1169 = vector.broadcast %add3A_1168 : f32 to vector<16xf32>
      %add3A_1170 = arith.addf %mul3A_1167, %add3A_1169 : vector<16xf32>
      %mul3A_1171 = arith.mulf %mul3A_1156, %add3A_1170 : vector<16xf32>
      %add3A_1172 = arith.constant 1.000000e+00 : f32
      %add3A_1173 = vector.broadcast %add3A_1172 : f32 to vector<16xf32>
      %add3A_1174 = arith.addf %mul3A_1171, %add3A_1173 : vector<16xf32>
      %mul3A_1175 = arith.mulf %div3A_1155, %add3A_1174 : vector<16xf32>
      %max3A_1176 = arith.constant 0.000000e+00 : f32
      %max3A_1177 = vector.broadcast %max3A_1176 : f32 to vector<16xf32>
      %max3A_1178 = arith.maximumf %neg3A_1146, %max3A_1177 : vector<16xf32>
      %add3A_1179 = arith.addf %mul3A_1175, %mul3A_1175 : vector<16xf32>
      %add3A_1180 = arith.addf %max3A_1178, %add3A_1179 : vector<16xf32>
      %add3A_1181 = arith.addf %add3A_999, %add3A_1180 : vector<16xf32>
      %abs3A_1182 = math.absf %parallel_loop3A_1105#1 : vector<16xf32>
      %neg3A_1183 = arith.constant 0.000000e+00 : f32
      %neg3A_1184 = vector.broadcast %neg3A_1183 : f32 to vector<16xf32>
      %neg3A_1185 = arith.subf %neg3A_1184, %abs3A_1182 : vector<16xf32>
      %exp3A_1186 = math.exp %neg3A_1185 : vector<16xf32>
      %add3A_1187 = arith.constant 2.000000e+00 : f32
      %add3A_1188 = vector.broadcast %add3A_1187 : f32 to vector<16xf32>
      %add3A_1189 = arith.addf %exp3A_1186, %add3A_1188 : vector<16xf32>
      %div3A_1190 = arith.divf %exp3A_1186, %add3A_1189 : vector<16xf32>
      %mul3A_1191 = arith.mulf %div3A_1190, %div3A_1190 : vector<16xf32>
      %mul3A_1192 = arith.constant 0.111111112 : f32
      %mul3A_1193 = vector.broadcast %mul3A_1192 : f32 to vector<16xf32>
      %mul3A_1194 = arith.mulf %mul3A_1191, %mul3A_1193 : vector<16xf32>
      %add3A_1195 = arith.constant 0.142857149 : f32
      %add3A_1196 = vector.broadcast %add3A_1195 : f32 to vector<16xf32>
      %add3A_1197 = arith.addf %mul3A_1194, %add3A_1196 : vector<16xf32>
      %mul3A_1198 = arith.mulf %mul3A_1191, %add3A_1197 : vector<16xf32>
      %add3A_1199 = arith.constant 2.000000e-01 : f32
      %add3A_1200 = vector.broadcast %add3A_1199 : f32 to vector<16xf32>
      %add3A_1201 = arith.addf %mul3A_1198, %add3A_1200 : vector<16xf32>
      %mul3A_1202 = arith.mulf %mul3A_1191, %add3A_1201 : vector<16xf32>
      %add3A_1203 = arith.constant 0.333333343 : f32
      %add3A_1204 = vector.broadcast %add3A_1203 : f32 to vector<16xf32>
      %add3A_1205 = arith.addf %mul3A_1202, %add3A_1204 : vector<16xf32>
      %mul3A_1206 = arith.mulf %mul3A_1191, %add3A_1205 : vector<16xf32>
      %add3A_1207 = arith.constant 1.000000e+00 : f32
      %add3A_1208 = vector.broadcast %add3A_1207 : f32 to vector<16xf32>
      %add3A_1209 = arith.addf %mul3A_1206, %add3A_1208 : vector<16xf32>
      %mul3A_1210 = arith.mulf %div3A_1190, %add3A_1209 : vector<16xf32>
      %max3A_1211 = arith.constant 0.000000e+00 : f32
      %max3A_1212 = vector.broadcast %max3A_1211 : f32 to vector<16xf32>
      %max3A_1213 = arith.maximumf %parallel_loop3A_1105#1, %max3A_1212 : vector<16xf32>
      %add3A_1214 = arith.addf %mul3A_1210, %mul3A_1210 : vector<16xf32>
      %add3A_1215 = arith.addf %max3A_1213, %add3A_1214 : vector<16xf32>
      %add3A_1216 = arith.addf %add3A_1181, %add3A_1215 : vector<16xf32>
      %abs3A_1217 = math.absf %parallel_loop3A_1105#2 : vector<16xf32>
      %neg3A_1218 = arith.constant 0.000000e+00 : f32
      %neg3A_1219 = vector.broadcast %neg3A_1218 : f32 to vector<16xf32>
      %neg3A_1220 = arith.subf %neg3A_1219, %abs3A_1217 : vector<16xf32>
      %exp3A_1221 = math.exp %neg3A_1220 : vector<16xf32>
      %add3A_1222 = arith.constant 2.000000e+00 : f32
      %add3A_1223 = vector.broadcast %add3A_1222 : f32 to vector<16xf32>
      %add3A_1224 = arith.addf %exp3A_1221, %add3A_1223 : vector<16xf32>
      %div3A_1225 = arith.divf %exp3A_1221, %add3A_1224 : vector<16xf32>
      %mul3A_1226 = arith.mulf %div3A_1225, %div3A_1225 : vector<16xf32>
      %mul3A_1227 = arith.constant 0.111111112 : f32
      %mul3A_1228 = vector.broadcast %mul3A_1227 : f32 to vector<16xf32>
      %mul3A_1229 = arith.mulf %mul3A_1226, %mul3A_1228 : vector<16xf32>
      %add3A_1230 = arith.constant 0.142857149 : f32
      %add3A_1231 = vector.broadcast %add3A_1230 : f32 to vector<16xf32>
      %add3A_1232 = arith.addf %mul3A_1229, %add3A_1231 : vector<16xf32>
      %mul3A_1233 = arith.mulf %mul3A_1226, %add3A_1232 : vector<16xf32>
      %add3A_1234 = arith.constant 2.000000e-01 : f32
      %add3A_1235 = vector.broadcast %add3A_1234 : f32 to vector<16xf32>
      %add3A_1236 = arith.addf %mul3A_1233, %add3A_1235 : vector<16xf32>
      %mul3A_1237 = arith.mulf %mul3A_1226, %add3A_1236 : vector<16xf32>
      %add3A_1238 = arith.constant 0.333333343 : f32
      %add3A_1239 = vector.broadcast %add3A_1238 : f32 to vector<16xf32>
      %add3A_1240 = arith.addf %mul3A_1237, %add3A_1239 : vector<16xf32>
      %mul3A_1241 = arith.mulf %mul3A_1226, %add3A_1240 : vector<16xf32>
      %add3A_1242 = arith.constant 1.000000e+00 : f32
      %add3A_1243 = vector.broadcast %add3A_1242 : f32 to vector<16xf32>
      %add3A_1244 = arith.addf %mul3A_1241, %add3A_1243 : vector<16xf32>
      %mul3A_1245 = arith.mulf %div3A_1225, %add3A_1244 : vector<16xf32>
      %max3A_1246 = arith.constant 0.000000e+00 : f32
      %max3A_1247 = vector.broadcast %max3A_1246 : f32 to vector<16xf32>
      %max3A_1248 = arith.maximumf %parallel_loop3A_1105#2, %max3A_1247 : vector<16xf32>
      %add3A_1249 = arith.addf %mul3A_1245, %mul3A_1245 : vector<16xf32>
      %add3A_1250 = arith.addf %max3A_1248, %add3A_1249 : vector<16xf32>
      %add3A_1251 = arith.addf %add3A_1216, %add3A_1250 : vector<16xf32>
      %abs3A_1252 = math.absf %parallel_loop3A_1105#3 : vector<16xf32>
      %neg3A_1253 = arith.constant 0.000000e+00 : f32
      %neg3A_1254 = vector.broadcast %neg3A_1253 : f32 to vector<16xf32>
      %neg3A_1255 = arith.subf %neg3A_1254, %abs3A_1252 : vector<16xf32>
      %exp3A_1256 = math.exp %neg3A_1255 : vector<16xf32>
      %add3A_1257 = arith.constant 2.000000e+00 : f32
      %add3A_1258 = vector.broadcast %add3A_1257 : f32 to vector<16xf32>
      %add3A_1259 = arith.addf %exp3A_1256, %add3A_1258 : vector<16xf32>
      %div3A_1260 = arith.divf %exp3A_1256, %add3A_1259 : vector<16xf32>
      %mul3A_1261 = arith.mulf %div3A_1260, %div3A_1260 : vector<16xf32>
      %mul3A_1262 = arith.constant 0.111111112 : f32
      %mul3A_1263 = vector.broadcast %mul3A_1262 : f32 to vector<16xf32>
      %mul3A_1264 = arith.mulf %mul3A_1261, %mul3A_1263 : vector<16xf32>
      %add3A_1265 = arith.constant 0.142857149 : f32
      %add3A_1266 = vector.broadcast %add3A_1265 : f32 to vector<16xf32>
      %add3A_1267 = arith.addf %mul3A_1264, %add3A_1266 : vector<16xf32>
      %mul3A_1268 = arith.mulf %mul3A_1261, %add3A_1267 : vector<16xf32>
      %add3A_1269 = arith.constant 2.000000e-01 : f32
      %add3A_1270 = vector.broadcast %add3A_1269 : f32 to vector<16xf32>
      %add3A_1271 = arith.addf %mul3A_1268, %add3A_1270 : vector<16xf32>
      %mul3A_1272 = arith.mulf %mul3A_1261, %add3A_1271 : vector<16xf32>
      %add3A_1273 = arith.constant 0.333333343 : f32
      %add3A_1274 = vector.broadcast %add3A_1273 : f32 to vector<16xf32>
      %add3A_1275 = arith.addf %mul3A_1272, %add3A_1274 : vector<16xf32>
      %mul3A_1276 = arith.mulf %mul3A_1261, %add3A_1275 : vector<16xf32>
      %add3A_1277 = arith.constant 1.000000e+00 : f32
      %add3A_1278 = vector.broadcast %add3A_1277 : f32 to vector<16xf32>
      %add3A_1279 = arith.addf %mul3A_1276, %add3A_1278 : vector<16xf32>
      %mul3A_1280 = arith.mulf %div3A_1260, %add3A_1279 : vector<16xf32>
      %max3A_1281 = arith.constant 0.000000e+00 : f32
      %max3A_1282 = vector.broadcast %max3A_1281 : f32 to vector<16xf32>
      %max3A_1283 = arith.maximumf %parallel_loop3A_1105#3, %max3A_1282 : vector<16xf32>
      %add3A_1284 = arith.addf %mul3A_1280, %mul3A_1280 : vector<16xf32>
      %add3A_1285 = arith.addf %max3A_1283, %add3A_1284 : vector<16xf32>
      %add3A_1286 = arith.addf %add3A_1251, %add3A_1285 : vector<16xf32>
      %abs3A_1287 = math.absf %parallel_loop3A_1105#4 : vector<16xf32>
      %neg3A_1288 = arith.constant 0.000000e+00 : f32
      %neg3A_1289 = vector.broadcast %neg3A_1288 : f32 to vector<16xf32>
      %neg3A_1290 = arith.subf %neg3A_1289, %abs3A_1287 : vector<16xf32>
      %exp3A_1291 = math.exp %neg3A_1290 : vector<16xf32>
      %add3A_1292 = arith.constant 2.000000e+00 : f32
      %add3A_1293 = vector.broadcast %add3A_1292 : f32 to vector<16xf32>
      %add3A_1294 = arith.addf %exp3A_1291, %add3A_1293 : vector<16xf32>
      %div3A_1295 = arith.divf %exp3A_1291, %add3A_1294 : vector<16xf32>
      %mul3A_1296 = arith.mulf %div3A_1295, %div3A_1295 : vector<16xf32>
      %mul3A_1297 = arith.constant 0.111111112 : f32
      %mul3A_1298 = vector.broadcast %mul3A_1297 : f32 to vector<16xf32>
      %mul3A_1299 = arith.mulf %mul3A_1296, %mul3A_1298 : vector<16xf32>
      %add3A_1300 = arith.constant 0.142857149 : f32
      %add3A_1301 = vector.broadcast %add3A_1300 : f32 to vector<16xf32>
      %add3A_1302 = arith.addf %mul3A_1299, %add3A_1301 : vector<16xf32>
      %mul3A_1303 = arith.mulf %mul3A_1296, %add3A_1302 : vector<16xf32>
      %add3A_1304 = arith.constant 2.000000e-01 : f32
      %add3A_1305 = vector.broadcast %add3A_1304 : f32 to vector<16xf32>
      %add3A_1306 = arith.addf %mul3A_1303, %add3A_1305 : vector<16xf32>
      %mul3A_1307 = arith.mulf %mul3A_1296, %add3A_1306 : vector<16xf32>
      %add3A_1308 = arith.constant 0.333333343 : f32
      %add3A_1309 = vector.broadcast %add3A_1308 : f32 to vector<16xf32>
      %add3A_1310 = arith.addf %mul3A_1307, %add3A_1309 : vector<16xf32>
      %mul3A_1311 = arith.mulf %mul3A_1296, %add3A_1310 : vector<16xf32>
      %add3A_1312 = arith.constant 1.000000e+00 : f32
      %add3A_1313 = vector.broadcast %add3A_1312 : f32 to vector<16xf32>
      %add3A_1314 = arith.addf %mul3A_1311, %add3A_1313 : vector<16xf32>
      %mul3A_1315 = arith.mulf %div3A_1295, %add3A_1314 : vector<16xf32>
      %max3A_1316 = arith.constant 0.000000e+00 : f32
      %max3A_1317 = vector.broadcast %max3A_1316 : f32 to vector<16xf32>
      %max3A_1318 = arith.maximumf %parallel_loop3A_1105#4, %max3A_1317 : vector<16xf32>
      %add3A_1319 = arith.addf %mul3A_1315, %mul3A_1315 : vector<16xf32>
      %add3A_1320 = arith.addf %max3A_1318, %add3A_1319 : vector<16xf32>
      %add3A_1321 = arith.addf %add3A_1286, %add3A_1320 : vector<16xf32>
      %abs3A_1322 = math.absf %parallel_loop3A_1105#5 : vector<16xf32>
      %neg3A_1323 = arith.constant 0.000000e+00 : f32
      %neg3A_1324 = vector.broadcast %neg3A_1323 : f32 to vector<16xf32>
      %neg3A_1325 = arith.subf %neg3A_1324, %abs3A_1322 : vector<16xf32>
      %exp3A_1326 = math.exp %neg3A_1325 : vector<16xf32>
      %add3A_1327 = arith.constant 2.000000e+00 : f32
      %add3A_1328 = vector.broadcast %add3A_1327 : f32 to vector<16xf32>
      %add3A_1329 = arith.addf %exp3A_1326, %add3A_1328 : vector<16xf32>
      %div3A_1330 = arith.divf %exp3A_1326, %add3A_1329 : vector<16xf32>
      %mul3A_1331 = arith.mulf %div3A_1330, %div3A_1330 : vector<16xf32>
      %mul3A_1332 = arith.constant 0.111111112 : f32
      %mul3A_1333 = vector.broadcast %mul3A_1332 : f32 to vector<16xf32>
      %mul3A_1334 = arith.mulf %mul3A_1331, %mul3A_1333 : vector<16xf32>
      %add3A_1335 = arith.constant 0.142857149 : f32
      %add3A_1336 = vector.broadcast %add3A_1335 : f32 to vector<16xf32>
      %add3A_1337 = arith.addf %mul3A_1334, %add3A_1336 : vector<16xf32>
      %mul3A_1338 = arith.mulf %mul3A_1331, %add3A_1337 : vector<16xf32>
      %add3A_1339 = arith.constant 2.000000e-01 : f32
      %add3A_1340 = vector.broadcast %add3A_1339 : f32 to vector<16xf32>
      %add3A_1341 = arith.addf %mul3A_1338, %add3A_1340 : vector<16xf32>
      %mul3A_1342 = arith.mulf %mul3A_1331, %add3A_1341 : vector<16xf32>
      %add3A_1343 = arith.constant 0.333333343 : f32
      %add3A_1344 = vector.broadcast %add3A_1343 : f32 to vector<16xf32>
      %add3A_1345 = arith.addf %mul3A_1342, %add3A_1344 : vector<16xf32>
      %mul3A_1346 = arith.mulf %mul3A_1331, %add3A_1345 : vector<16xf32>
      %add3A_1347 = arith.constant 1.000000e+00 : f32
      %add3A_1348 = vector.broadcast %add3A_1347 : f32 to vector<16xf32>
      %add3A_1349 = arith.addf %mul3A_1346, %add3A_1348 : vector<16xf32>
      %mul3A_1350 = arith.mulf %div3A_1330, %add3A_1349 : vector<16xf32>
      %max3A_1351 = arith.constant 0.000000e+00 : f32
      %max3A_1352 = vector.broadcast %max3A_1351 : f32 to vector<16xf32>
      %max3A_1353 = arith.maximumf %parallel_loop3A_1105#5, %max3A_1352 : vector<16xf32>
      %add3A_1354 = arith.addf %mul3A_1350, %mul3A_1350 : vector<16xf32>
      %add3A_1355 = arith.addf %max3A_1353, %add3A_1354 : vector<16xf32>
      %add3A_1356 = arith.addf %add3A_1321, %add3A_1355 : vector<16xf32>
      %abs3A_1357 = math.absf %parallel_loop3A_1105#6 : vector<16xf32>
      %neg3A_1358 = arith.constant 0.000000e+00 : f32
      %neg3A_1359 = vector.broadcast %neg3A_1358 : f32 to vector<16xf32>
      %neg3A_1360 = arith.subf %neg3A_1359, %abs3A_1357 : vector<16xf32>
      %exp3A_1361 = math.exp %neg3A_1360 : vector<16xf32>
      %add3A_1362 = arith.constant 2.000000e+00 : f32
      %add3A_1363 = vector.broadcast %add3A_1362 : f32 to vector<16xf32>
      %add3A_1364 = arith.addf %exp3A_1361, %add3A_1363 : vector<16xf32>
      %div3A_1365 = arith.divf %exp3A_1361, %add3A_1364 : vector<16xf32>
      %mul3A_1366 = arith.mulf %div3A_1365, %div3A_1365 : vector<16xf32>
      %mul3A_1367 = arith.constant 0.111111112 : f32
      %mul3A_1368 = vector.broadcast %mul3A_1367 : f32 to vector<16xf32>
      %mul3A_1369 = arith.mulf %mul3A_1366, %mul3A_1368 : vector<16xf32>
      %add3A_1370 = arith.constant 0.142857149 : f32
      %add3A_1371 = vector.broadcast %add3A_1370 : f32 to vector<16xf32>
      %add3A_1372 = arith.addf %mul3A_1369, %add3A_1371 : vector<16xf32>
      %mul3A_1373 = arith.mulf %mul3A_1366, %add3A_1372 : vector<16xf32>
      %add3A_1374 = arith.constant 2.000000e-01 : f32
      %add3A_1375 = vector.broadcast %add3A_1374 : f32 to vector<16xf32>
      %add3A_1376 = arith.addf %mul3A_1373, %add3A_1375 : vector<16xf32>
      %mul3A_1377 = arith.mulf %mul3A_1366, %add3A_1376 : vector<16xf32>
      %add3A_1378 = arith.constant 0.333333343 : f32
      %add3A_1379 = vector.broadcast %add3A_1378 : f32 to vector<16xf32>
      %add3A_1380 = arith.addf %mul3A_1377, %add3A_1379 : vector<16xf32>
      %mul3A_1381 = arith.mulf %mul3A_1366, %add3A_1380 : vector<16xf32>
      %add3A_1382 = arith.constant 1.000000e+00 : f32
      %add3A_1383 = vector.broadcast %add3A_1382 : f32 to vector<16xf32>
      %add3A_1384 = arith.addf %mul3A_1381, %add3A_1383 : vector<16xf32>
      %mul3A_1385 = arith.mulf %div3A_1365, %add3A_1384 : vector<16xf32>
      %max3A_1386 = arith.constant 0.000000e+00 : f32
      %max3A_1387 = vector.broadcast %max3A_1386 : f32 to vector<16xf32>
      %max3A_1388 = arith.maximumf %parallel_loop3A_1105#6, %max3A_1387 : vector<16xf32>
      %add3A_1389 = arith.addf %mul3A_1385, %mul3A_1385 : vector<16xf32>
      %add3A_1390 = arith.addf %max3A_1388, %add3A_1389 : vector<16xf32>
      %add3A_1391 = arith.addf %add3A_1356, %add3A_1390 : vector<16xf32>
      %abs3A_1392 = math.absf %parallel_loop3A_1105#7 : vector<16xf32>
      %neg3A_1393 = arith.constant 0.000000e+00 : f32
      %neg3A_1394 = vector.broadcast %neg3A_1393 : f32 to vector<16xf32>
      %neg3A_1395 = arith.subf %neg3A_1394, %abs3A_1392 : vector<16xf32>
      %exp3A_1396 = math.exp %neg3A_1395 : vector<16xf32>
      %add3A_1397 = arith.constant 2.000000e+00 : f32
      %add3A_1398 = vector.broadcast %add3A_1397 : f32 to vector<16xf32>
      %add3A_1399 = arith.addf %exp3A_1396, %add3A_1398 : vector<16xf32>
      %div3A_1400 = arith.divf %exp3A_1396, %add3A_1399 : vector<16xf32>
      %mul3A_1401 = arith.mulf %div3A_1400, %div3A_1400 : vector<16xf32>
      %mul3A_1402 = arith.constant 0.111111112 : f32
      %mul3A_1403 = vector.broadcast %mul3A_1402 : f32 to vector<16xf32>
      %mul3A_1404 = arith.mulf %mul3A_1401, %mul3A_1403 : vector<16xf32>
      %add3A_1405 = arith.constant 0.142857149 : f32
      %add3A_1406 = vector.broadcast %add3A_1405 : f32 to vector<16xf32>
      %add3A_1407 = arith.addf %mul3A_1404, %add3A_1406 : vector<16xf32>
      %mul3A_1408 = arith.mulf %mul3A_1401, %add3A_1407 : vector<16xf32>
      %add3A_1409 = arith.constant 2.000000e-01 : f32
      %add3A_1410 = vector.broadcast %add3A_1409 : f32 to vector<16xf32>
      %add3A_1411 = arith.addf %mul3A_1408, %add3A_1410 : vector<16xf32>
      %mul3A_1412 = arith.mulf %mul3A_1401, %add3A_1411 : vector<16xf32>
      %add3A_1413 = arith.constant 0.333333343 : f32
      %add3A_1414 = vector.broadcast %add3A_1413 : f32 to vector<16xf32>
      %add3A_1415 = arith.addf %mul3A_1412, %add3A_1414 : vector<16xf32>
      %mul3A_1416 = arith.mulf %mul3A_1401, %add3A_1415 : vector<16xf32>
      %add3A_1417 = arith.constant 1.000000e+00 : f32
      %add3A_1418 = vector.broadcast %add3A_1417 : f32 to vector<16xf32>
      %add3A_1419 = arith.addf %mul3A_1416, %add3A_1418 : vector<16xf32>
      %mul3A_1420 = arith.mulf %div3A_1400, %add3A_1419 : vector<16xf32>
      %max3A_1421 = arith.constant 0.000000e+00 : f32
      %max3A_1422 = vector.broadcast %max3A_1421 : f32 to vector<16xf32>
      %max3A_1423 = arith.maximumf %parallel_loop3A_1105#7, %max3A_1422 : vector<16xf32>
      %add3A_1424 = arith.addf %mul3A_1420, %mul3A_1420 : vector<16xf32>
      %add3A_1425 = arith.addf %max3A_1423, %add3A_1424 : vector<16xf32>
      %add3A_1426 = arith.addf %add3A_1391, %add3A_1425 : vector<16xf32>
      %abs3A_1427 = math.absf %parallel_loop3A_1105#8 : vector<16xf32>
      %neg3A_1428 = arith.constant 0.000000e+00 : f32
      %neg3A_1429 = vector.broadcast %neg3A_1428 : f32 to vector<16xf32>
      %neg3A_1430 = arith.subf %neg3A_1429, %abs3A_1427 : vector<16xf32>
      %exp3A_1431 = math.exp %neg3A_1430 : vector<16xf32>
      %add3A_1432 = arith.constant 2.000000e+00 : f32
      %add3A_1433 = vector.broadcast %add3A_1432 : f32 to vector<16xf32>
      %add3A_1434 = arith.addf %exp3A_1431, %add3A_1433 : vector<16xf32>
      %div3A_1435 = arith.divf %exp3A_1431, %add3A_1434 : vector<16xf32>
      %mul3A_1436 = arith.mulf %div3A_1435, %div3A_1435 : vector<16xf32>
      %mul3A_1437 = arith.constant 0.111111112 : f32
      %mul3A_1438 = vector.broadcast %mul3A_1437 : f32 to vector<16xf32>
      %mul3A_1439 = arith.mulf %mul3A_1436, %mul3A_1438 : vector<16xf32>
      %add3A_1440 = arith.constant 0.142857149 : f32
      %add3A_1441 = vector.broadcast %add3A_1440 : f32 to vector<16xf32>
      %add3A_1442 = arith.addf %mul3A_1439, %add3A_1441 : vector<16xf32>
      %mul3A_1443 = arith.mulf %mul3A_1436, %add3A_1442 : vector<16xf32>
      %add3A_1444 = arith.constant 2.000000e-01 : f32
      %add3A_1445 = vector.broadcast %add3A_1444 : f32 to vector<16xf32>
      %add3A_1446 = arith.addf %mul3A_1443, %add3A_1445 : vector<16xf32>
      %mul3A_1447 = arith.mulf %mul3A_1436, %add3A_1446 : vector<16xf32>
      %add3A_1448 = arith.constant 0.333333343 : f32
      %add3A_1449 = vector.broadcast %add3A_1448 : f32 to vector<16xf32>
      %add3A_1450 = arith.addf %mul3A_1447, %add3A_1449 : vector<16xf32>
      %mul3A_1451 = arith.mulf %mul3A_1436, %add3A_1450 : vector<16xf32>
      %add3A_1452 = arith.constant 1.000000e+00 : f32
      %add3A_1453 = vector.broadcast %add3A_1452 : f32 to vector<16xf32>
      %add3A_1454 = arith.addf %mul3A_1451, %add3A_1453 : vector<16xf32>
      %mul3A_1455 = arith.mulf %div3A_1435, %add3A_1454 : vector<16xf32>
      %max3A_1456 = arith.constant 0.000000e+00 : f32
      %max3A_1457 = vector.broadcast %max3A_1456 : f32 to vector<16xf32>
      %max3A_1458 = arith.maximumf %parallel_loop3A_1105#8, %max3A_1457 : vector<16xf32>
      %add3A_1459 = arith.addf %mul3A_1455, %mul3A_1455 : vector<16xf32>
      %add3A_1460 = arith.addf %max3A_1458, %add3A_1459 : vector<16xf32>
      %add3A_1461 = arith.addf %add3A_1426, %add3A_1460 : vector<16xf32>
      %abs3A_1462 = math.absf %parallel_loop3A_1105#9 : vector<16xf32>
      %neg3A_1463 = arith.constant 0.000000e+00 : f32
      %neg3A_1464 = vector.broadcast %neg3A_1463 : f32 to vector<16xf32>
      %neg3A_1465 = arith.subf %neg3A_1464, %abs3A_1462 : vector<16xf32>
      %exp3A_1466 = math.exp %neg3A_1465 : vector<16xf32>
      %add3A_1467 = arith.constant 2.000000e+00 : f32
      %add3A_1468 = vector.broadcast %add3A_1467 : f32 to vector<16xf32>
      %add3A_1469 = arith.addf %exp3A_1466, %add3A_1468 : vector<16xf32>
      %div3A_1470 = arith.divf %exp3A_1466, %add3A_1469 : vector<16xf32>
      %mul3A_1471 = arith.mulf %div3A_1470, %div3A_1470 : vector<16xf32>
      %mul3A_1472 = arith.constant 0.111111112 : f32
      %mul3A_1473 = vector.broadcast %mul3A_1472 : f32 to vector<16xf32>
      %mul3A_1474 = arith.mulf %mul3A_1471, %mul3A_1473 : vector<16xf32>
      %add3A_1475 = arith.constant 0.142857149 : f32
      %add3A_1476 = vector.broadcast %add3A_1475 : f32 to vector<16xf32>
      %add3A_1477 = arith.addf %mul3A_1474, %add3A_1476 : vector<16xf32>
      %mul3A_1478 = arith.mulf %mul3A_1471, %add3A_1477 : vector<16xf32>
      %add3A_1479 = arith.constant 2.000000e-01 : f32
      %add3A_1480 = vector.broadcast %add3A_1479 : f32 to vector<16xf32>
      %add3A_1481 = arith.addf %mul3A_1478, %add3A_1480 : vector<16xf32>
      %mul3A_1482 = arith.mulf %mul3A_1471, %add3A_1481 : vector<16xf32>
      %add3A_1483 = arith.constant 0.333333343 : f32
      %add3A_1484 = vector.broadcast %add3A_1483 : f32 to vector<16xf32>
      %add3A_1485 = arith.addf %mul3A_1482, %add3A_1484 : vector<16xf32>
      %mul3A_1486 = arith.mulf %mul3A_1471, %add3A_1485 : vector<16xf32>
      %add3A_1487 = arith.constant 1.000000e+00 : f32
      %add3A_1488 = vector.broadcast %add3A_1487 : f32 to vector<16xf32>
      %add3A_1489 = arith.addf %mul3A_1486, %add3A_1488 : vector<16xf32>
      %mul3A_1490 = arith.mulf %div3A_1470, %add3A_1489 : vector<16xf32>
      %max3A_1491 = arith.constant 0.000000e+00 : f32
      %max3A_1492 = vector.broadcast %max3A_1491 : f32 to vector<16xf32>
      %max3A_1493 = arith.maximumf %parallel_loop3A_1105#9, %max3A_1492 : vector<16xf32>
      %add3A_1494 = arith.addf %mul3A_1490, %mul3A_1490 : vector<16xf32>
      %add3A_1495 = arith.addf %max3A_1493, %add3A_1494 : vector<16xf32>
      %add3A_1496 = arith.addf %add3A_1461, %add3A_1495 : vector<16xf32>
      %abs3A_1497 = math.absf %parallel_loop3A_1105#10 : vector<16xf32>
      %neg3A_1498 = arith.constant 0.000000e+00 : f32
      %neg3A_1499 = vector.broadcast %neg3A_1498 : f32 to vector<16xf32>
      %neg3A_1500 = arith.subf %neg3A_1499, %abs3A_1497 : vector<16xf32>
      %exp3A_1501 = math.exp %neg3A_1500 : vector<16xf32>
      %add3A_1502 = arith.constant 2.000000e+00 : f32
      %add3A_1503 = vector.broadcast %add3A_1502 : f32 to vector<16xf32>
      %add3A_1504 = arith.addf %exp3A_1501, %add3A_1503 : vector<16xf32>
      %div3A_1505 = arith.divf %exp3A_1501, %add3A_1504 : vector<16xf32>
      %mul3A_1506 = arith.mulf %div3A_1505, %div3A_1505 : vector<16xf32>
      %mul3A_1507 = arith.constant 0.111111112 : f32
      %mul3A_1508 = vector.broadcast %mul3A_1507 : f32 to vector<16xf32>
      %mul3A_1509 = arith.mulf %mul3A_1506, %mul3A_1508 : vector<16xf32>
      %add3A_1510 = arith.constant 0.142857149 : f32
      %add3A_1511 = vector.broadcast %add3A_1510 : f32 to vector<16xf32>
      %add3A_1512 = arith.addf %mul3A_1509, %add3A_1511 : vector<16xf32>
      %mul3A_1513 = arith.mulf %mul3A_1506, %add3A_1512 : vector<16xf32>
      %add3A_1514 = arith.constant 2.000000e-01 : f32
      %add3A_1515 = vector.broadcast %add3A_1514 : f32 to vector<16xf32>
      %add3A_1516 = arith.addf %mul3A_1513, %add3A_1515 : vector<16xf32>
      %mul3A_1517 = arith.mulf %mul3A_1506, %add3A_1516 : vector<16xf32>
      %add3A_1518 = arith.constant 0.333333343 : f32
      %add3A_1519 = vector.broadcast %add3A_1518 : f32 to vector<16xf32>
      %add3A_1520 = arith.addf %mul3A_1517, %add3A_1519 : vector<16xf32>
      %mul3A_1521 = arith.mulf %mul3A_1506, %add3A_1520 : vector<16xf32>
      %add3A_1522 = arith.constant 1.000000e+00 : f32
      %add3A_1523 = vector.broadcast %add3A_1522 : f32 to vector<16xf32>
      %add3A_1524 = arith.addf %mul3A_1521, %add3A_1523 : vector<16xf32>
      %mul3A_1525 = arith.mulf %div3A_1505, %add3A_1524 : vector<16xf32>
      %max3A_1526 = arith.constant 0.000000e+00 : f32
      %max3A_1527 = vector.broadcast %max3A_1526 : f32 to vector<16xf32>
      %max3A_1528 = arith.maximumf %parallel_loop3A_1105#10, %max3A_1527 : vector<16xf32>
      %add3A_1529 = arith.addf %mul3A_1525, %mul3A_1525 : vector<16xf32>
      %add3A_1530 = arith.addf %max3A_1528, %add3A_1529 : vector<16xf32>
      %add3A_1531 = arith.addf %add3A_1496, %add3A_1530 : vector<16xf32>
      %abs3A_1532 = math.absf %parallel_loop3A_1143#0 : vector<16xf32>
      %neg3A_1533 = arith.constant 0.000000e+00 : f32
      %neg3A_1534 = vector.broadcast %neg3A_1533 : f32 to vector<16xf32>
      %neg3A_1535 = arith.subf %neg3A_1534, %abs3A_1532 : vector<16xf32>
      %exp3A_1536 = math.exp %neg3A_1535 : vector<16xf32>
      %add3A_1537 = arith.constant 2.000000e+00 : f32
      %add3A_1538 = vector.broadcast %add3A_1537 : f32 to vector<16xf32>
      %add3A_1539 = arith.addf %exp3A_1536, %add3A_1538 : vector<16xf32>
      %div3A_1540 = arith.divf %exp3A_1536, %add3A_1539 : vector<16xf32>
      %mul3A_1541 = arith.mulf %div3A_1540, %div3A_1540 : vector<16xf32>
      %mul3A_1542 = arith.constant 0.111111112 : f32
      %mul3A_1543 = vector.broadcast %mul3A_1542 : f32 to vector<16xf32>
      %mul3A_1544 = arith.mulf %mul3A_1541, %mul3A_1543 : vector<16xf32>
      %add3A_1545 = arith.constant 0.142857149 : f32
      %add3A_1546 = vector.broadcast %add3A_1545 : f32 to vector<16xf32>
      %add3A_1547 = arith.addf %mul3A_1544, %add3A_1546 : vector<16xf32>
      %mul3A_1548 = arith.mulf %mul3A_1541, %add3A_1547 : vector<16xf32>
      %add3A_1549 = arith.constant 2.000000e-01 : f32
      %add3A_1550 = vector.broadcast %add3A_1549 : f32 to vector<16xf32>
      %add3A_1551 = arith.addf %mul3A_1548, %add3A_1550 : vector<16xf32>
      %mul3A_1552 = arith.mulf %mul3A_1541, %add3A_1551 : vector<16xf32>
      %add3A_1553 = arith.constant 0.333333343 : f32
      %add3A_1554 = vector.broadcast %add3A_1553 : f32 to vector<16xf32>
      %add3A_1555 = arith.addf %mul3A_1552, %add3A_1554 : vector<16xf32>
      %mul3A_1556 = arith.mulf %mul3A_1541, %add3A_1555 : vector<16xf32>
      %add3A_1557 = arith.constant 1.000000e+00 : f32
      %add3A_1558 = vector.broadcast %add3A_1557 : f32 to vector<16xf32>
      %add3A_1559 = arith.addf %mul3A_1556, %add3A_1558 : vector<16xf32>
      %mul3A_1560 = arith.mulf %div3A_1540, %add3A_1559 : vector<16xf32>
      %max3A_1561 = arith.constant 0.000000e+00 : f32
      %max3A_1562 = vector.broadcast %max3A_1561 : f32 to vector<16xf32>
      %max3A_1563 = arith.maximumf %parallel_loop3A_1143#0, %max3A_1562 : vector<16xf32>
      %add3A_1564 = arith.addf %mul3A_1560, %mul3A_1560 : vector<16xf32>
      %add3A_1565 = arith.addf %max3A_1563, %add3A_1564 : vector<16xf32>
      %add3A_1566 = arith.addf %add3A_1531, %add3A_1565 : vector<16xf32>
      %abs3A_1567 = math.absf %parallel_loop3A_1143#1 : vector<16xf32>
      %neg3A_1568 = arith.constant 0.000000e+00 : f32
      %neg3A_1569 = vector.broadcast %neg3A_1568 : f32 to vector<16xf32>
      %neg3A_1570 = arith.subf %neg3A_1569, %abs3A_1567 : vector<16xf32>
      %exp3A_1571 = math.exp %neg3A_1570 : vector<16xf32>
      %add3A_1572 = arith.constant 2.000000e+00 : f32
      %add3A_1573 = vector.broadcast %add3A_1572 : f32 to vector<16xf32>
      %add3A_1574 = arith.addf %exp3A_1571, %add3A_1573 : vector<16xf32>
      %div3A_1575 = arith.divf %exp3A_1571, %add3A_1574 : vector<16xf32>
      %mul3A_1576 = arith.mulf %div3A_1575, %div3A_1575 : vector<16xf32>
      %mul3A_1577 = arith.constant 0.111111112 : f32
      %mul3A_1578 = vector.broadcast %mul3A_1577 : f32 to vector<16xf32>
      %mul3A_1579 = arith.mulf %mul3A_1576, %mul3A_1578 : vector<16xf32>
      %add3A_1580 = arith.constant 0.142857149 : f32
      %add3A_1581 = vector.broadcast %add3A_1580 : f32 to vector<16xf32>
      %add3A_1582 = arith.addf %mul3A_1579, %add3A_1581 : vector<16xf32>
      %mul3A_1583 = arith.mulf %mul3A_1576, %add3A_1582 : vector<16xf32>
      %add3A_1584 = arith.constant 2.000000e-01 : f32
      %add3A_1585 = vector.broadcast %add3A_1584 : f32 to vector<16xf32>
      %add3A_1586 = arith.addf %mul3A_1583, %add3A_1585 : vector<16xf32>
      %mul3A_1587 = arith.mulf %mul3A_1576, %add3A_1586 : vector<16xf32>
      %add3A_1588 = arith.constant 0.333333343 : f32
      %add3A_1589 = vector.broadcast %add3A_1588 : f32 to vector<16xf32>
      %add3A_1590 = arith.addf %mul3A_1587, %add3A_1589 : vector<16xf32>
      %mul3A_1591 = arith.mulf %mul3A_1576, %add3A_1590 : vector<16xf32>
      %add3A_1592 = arith.constant 1.000000e+00 : f32
      %add3A_1593 = vector.broadcast %add3A_1592 : f32 to vector<16xf32>
      %add3A_1594 = arith.addf %mul3A_1591, %add3A_1593 : vector<16xf32>
      %mul3A_1595 = arith.mulf %div3A_1575, %add3A_1594 : vector<16xf32>
      %max3A_1596 = arith.constant 0.000000e+00 : f32
      %max3A_1597 = vector.broadcast %max3A_1596 : f32 to vector<16xf32>
      %max3A_1598 = arith.maximumf %parallel_loop3A_1143#1, %max3A_1597 : vector<16xf32>
      %add3A_1599 = arith.addf %mul3A_1595, %mul3A_1595 : vector<16xf32>
      %add3A_1600 = arith.addf %max3A_1598, %add3A_1599 : vector<16xf32>
      %add3A_1601 = arith.addf %add3A_1566, %add3A_1600 : vector<16xf32>
      %abs3A_1602 = math.absf %parallel_loop3A_1143#2 : vector<16xf32>
      %neg3A_1603 = arith.constant 0.000000e+00 : f32
      %neg3A_1604 = vector.broadcast %neg3A_1603 : f32 to vector<16xf32>
      %neg3A_1605 = arith.subf %neg3A_1604, %abs3A_1602 : vector<16xf32>
      %exp3A_1606 = math.exp %neg3A_1605 : vector<16xf32>
      %add3A_1607 = arith.constant 2.000000e+00 : f32
      %add3A_1608 = vector.broadcast %add3A_1607 : f32 to vector<16xf32>
      %add3A_1609 = arith.addf %exp3A_1606, %add3A_1608 : vector<16xf32>
      %div3A_1610 = arith.divf %exp3A_1606, %add3A_1609 : vector<16xf32>
      %mul3A_1611 = arith.mulf %div3A_1610, %div3A_1610 : vector<16xf32>
      %mul3A_1612 = arith.constant 0.111111112 : f32
      %mul3A_1613 = vector.broadcast %mul3A_1612 : f32 to vector<16xf32>
      %mul3A_1614 = arith.mulf %mul3A_1611, %mul3A_1613 : vector<16xf32>
      %add3A_1615 = arith.constant 0.142857149 : f32
      %add3A_1616 = vector.broadcast %add3A_1615 : f32 to vector<16xf32>
      %add3A_1617 = arith.addf %mul3A_1614, %add3A_1616 : vector<16xf32>
      %mul3A_1618 = arith.mulf %mul3A_1611, %add3A_1617 : vector<16xf32>
      %add3A_1619 = arith.constant 2.000000e-01 : f32
      %add3A_1620 = vector.broadcast %add3A_1619 : f32 to vector<16xf32>
      %add3A_1621 = arith.addf %mul3A_1618, %add3A_1620 : vector<16xf32>
      %mul3A_1622 = arith.mulf %mul3A_1611, %add3A_1621 : vector<16xf32>
      %add3A_1623 = arith.constant 0.333333343 : f32
      %add3A_1624 = vector.broadcast %add3A_1623 : f32 to vector<16xf32>
      %add3A_1625 = arith.addf %mul3A_1622, %add3A_1624 : vector<16xf32>
      %mul3A_1626 = arith.mulf %mul3A_1611, %add3A_1625 : vector<16xf32>
      %add3A_1627 = arith.constant 1.000000e+00 : f32
      %add3A_1628 = vector.broadcast %add3A_1627 : f32 to vector<16xf32>
      %add3A_1629 = arith.addf %mul3A_1626, %add3A_1628 : vector<16xf32>
      %mul3A_1630 = arith.mulf %div3A_1610, %add3A_1629 : vector<16xf32>
      %max3A_1631 = arith.constant 0.000000e+00 : f32
      %max3A_1632 = vector.broadcast %max3A_1631 : f32 to vector<16xf32>
      %max3A_1633 = arith.maximumf %parallel_loop3A_1143#2, %max3A_1632 : vector<16xf32>
      %add3A_1634 = arith.addf %mul3A_1630, %mul3A_1630 : vector<16xf32>
      %add3A_1635 = arith.addf %max3A_1633, %add3A_1634 : vector<16xf32>
      %add3A_1636 = arith.addf %add3A_1601, %add3A_1635 : vector<16xf32>
      %abs3A_1637 = math.absf %parallel_loop3A_1143#3 : vector<16xf32>
      %neg3A_1638 = arith.constant 0.000000e+00 : f32
      %neg3A_1639 = vector.broadcast %neg3A_1638 : f32 to vector<16xf32>
      %neg3A_1640 = arith.subf %neg3A_1639, %abs3A_1637 : vector<16xf32>
      %exp3A_1641 = math.exp %neg3A_1640 : vector<16xf32>
      %add3A_1642 = arith.constant 2.000000e+00 : f32
      %add3A_1643 = vector.broadcast %add3A_1642 : f32 to vector<16xf32>
      %add3A_1644 = arith.addf %exp3A_1641, %add3A_1643 : vector<16xf32>
      %div3A_1645 = arith.divf %exp3A_1641, %add3A_1644 : vector<16xf32>
      %mul3A_1646 = arith.mulf %div3A_1645, %div3A_1645 : vector<16xf32>
      %mul3A_1647 = arith.constant 0.111111112 : f32
      %mul3A_1648 = vector.broadcast %mul3A_1647 : f32 to vector<16xf32>
      %mul3A_1649 = arith.mulf %mul3A_1646, %mul3A_1648 : vector<16xf32>
      %add3A_1650 = arith.constant 0.142857149 : f32
      %add3A_1651 = vector.broadcast %add3A_1650 : f32 to vector<16xf32>
      %add3A_1652 = arith.addf %mul3A_1649, %add3A_1651 : vector<16xf32>
      %mul3A_1653 = arith.mulf %mul3A_1646, %add3A_1652 : vector<16xf32>
      %add3A_1654 = arith.constant 2.000000e-01 : f32
      %add3A_1655 = vector.broadcast %add3A_1654 : f32 to vector<16xf32>
      %add3A_1656 = arith.addf %mul3A_1653, %add3A_1655 : vector<16xf32>
      %mul3A_1657 = arith.mulf %mul3A_1646, %add3A_1656 : vector<16xf32>
      %add3A_1658 = arith.constant 0.333333343 : f32
      %add3A_1659 = vector.broadcast %add3A_1658 : f32 to vector<16xf32>
      %add3A_1660 = arith.addf %mul3A_1657, %add3A_1659 : vector<16xf32>
      %mul3A_1661 = arith.mulf %mul3A_1646, %add3A_1660 : vector<16xf32>
      %add3A_1662 = arith.constant 1.000000e+00 : f32
      %add3A_1663 = vector.broadcast %add3A_1662 : f32 to vector<16xf32>
      %add3A_1664 = arith.addf %mul3A_1661, %add3A_1663 : vector<16xf32>
      %mul3A_1665 = arith.mulf %div3A_1645, %add3A_1664 : vector<16xf32>
      %max3A_1666 = arith.constant 0.000000e+00 : f32
      %max3A_1667 = vector.broadcast %max3A_1666 : f32 to vector<16xf32>
      %max3A_1668 = arith.maximumf %parallel_loop3A_1143#3, %max3A_1667 : vector<16xf32>
      %add3A_1669 = arith.addf %mul3A_1665, %mul3A_1665 : vector<16xf32>
      %add3A_1670 = arith.addf %max3A_1668, %add3A_1669 : vector<16xf32>
      %add3A_1671 = arith.addf %add3A_1636, %add3A_1670 : vector<16xf32>
      %abs3A_1672 = math.absf %parallel_loop3A_1143#4 : vector<16xf32>
      %neg3A_1673 = arith.constant 0.000000e+00 : f32
      %neg3A_1674 = vector.broadcast %neg3A_1673 : f32 to vector<16xf32>
      %neg3A_1675 = arith.subf %neg3A_1674, %abs3A_1672 : vector<16xf32>
      %exp3A_1676 = math.exp %neg3A_1675 : vector<16xf32>
      %add3A_1677 = arith.constant 2.000000e+00 : f32
      %add3A_1678 = vector.broadcast %add3A_1677 : f32 to vector<16xf32>
      %add3A_1679 = arith.addf %exp3A_1676, %add3A_1678 : vector<16xf32>
      %div3A_1680 = arith.divf %exp3A_1676, %add3A_1679 : vector<16xf32>
      %mul3A_1681 = arith.mulf %div3A_1680, %div3A_1680 : vector<16xf32>
      %mul3A_1682 = arith.constant 0.111111112 : f32
      %mul3A_1683 = vector.broadcast %mul3A_1682 : f32 to vector<16xf32>
      %mul3A_1684 = arith.mulf %mul3A_1681, %mul3A_1683 : vector<16xf32>
      %add3A_1685 = arith.constant 0.142857149 : f32
      %add3A_1686 = vector.broadcast %add3A_1685 : f32 to vector<16xf32>
      %add3A_1687 = arith.addf %mul3A_1684, %add3A_1686 : vector<16xf32>
      %mul3A_1688 = arith.mulf %mul3A_1681, %add3A_1687 : vector<16xf32>
      %add3A_1689 = arith.constant 2.000000e-01 : f32
      %add3A_1690 = vector.broadcast %add3A_1689 : f32 to vector<16xf32>
      %add3A_1691 = arith.addf %mul3A_1688, %add3A_1690 : vector<16xf32>
      %mul3A_1692 = arith.mulf %mul3A_1681, %add3A_1691 : vector<16xf32>
      %add3A_1693 = arith.constant 0.333333343 : f32
      %add3A_1694 = vector.broadcast %add3A_1693 : f32 to vector<16xf32>
      %add3A_1695 = arith.addf %mul3A_1692, %add3A_1694 : vector<16xf32>
      %mul3A_1696 = arith.mulf %mul3A_1681, %add3A_1695 : vector<16xf32>
      %add3A_1697 = arith.constant 1.000000e+00 : f32
      %add3A_1698 = vector.broadcast %add3A_1697 : f32 to vector<16xf32>
      %add3A_1699 = arith.addf %mul3A_1696, %add3A_1698 : vector<16xf32>
      %mul3A_1700 = arith.mulf %div3A_1680, %add3A_1699 : vector<16xf32>
      %max3A_1701 = arith.constant 0.000000e+00 : f32
      %max3A_1702 = vector.broadcast %max3A_1701 : f32 to vector<16xf32>
      %max3A_1703 = arith.maximumf %parallel_loop3A_1143#4, %max3A_1702 : vector<16xf32>
      %add3A_1704 = arith.addf %mul3A_1700, %mul3A_1700 : vector<16xf32>
      %add3A_1705 = arith.addf %max3A_1703, %add3A_1704 : vector<16xf32>
      %add3A_1706 = arith.addf %add3A_1671, %add3A_1705 : vector<16xf32>
      %abs3A_1707 = math.absf %parallel_loop3A_1143#5 : vector<16xf32>
      %neg3A_1708 = arith.constant 0.000000e+00 : f32
      %neg3A_1709 = vector.broadcast %neg3A_1708 : f32 to vector<16xf32>
      %neg3A_1710 = arith.subf %neg3A_1709, %abs3A_1707 : vector<16xf32>
      %exp3A_1711 = math.exp %neg3A_1710 : vector<16xf32>
      %add3A_1712 = arith.constant 2.000000e+00 : f32
      %add3A_1713 = vector.broadcast %add3A_1712 : f32 to vector<16xf32>
      %add3A_1714 = arith.addf %exp3A_1711, %add3A_1713 : vector<16xf32>
      %div3A_1715 = arith.divf %exp3A_1711, %add3A_1714 : vector<16xf32>
      %mul3A_1716 = arith.mulf %div3A_1715, %div3A_1715 : vector<16xf32>
      %mul3A_1717 = arith.constant 0.111111112 : f32
      %mul3A_1718 = vector.broadcast %mul3A_1717 : f32 to vector<16xf32>
      %mul3A_1719 = arith.mulf %mul3A_1716, %mul3A_1718 : vector<16xf32>
      %add3A_1720 = arith.constant 0.142857149 : f32
      %add3A_1721 = vector.broadcast %add3A_1720 : f32 to vector<16xf32>
      %add3A_1722 = arith.addf %mul3A_1719, %add3A_1721 : vector<16xf32>
      %mul3A_1723 = arith.mulf %mul3A_1716, %add3A_1722 : vector<16xf32>
      %add3A_1724 = arith.constant 2.000000e-01 : f32
      %add3A_1725 = vector.broadcast %add3A_1724 : f32 to vector<16xf32>
      %add3A_1726 = arith.addf %mul3A_1723, %add3A_1725 : vector<16xf32>
      %mul3A_1727 = arith.mulf %mul3A_1716, %add3A_1726 : vector<16xf32>
      %add3A_1728 = arith.constant 0.333333343 : f32
      %add3A_1729 = vector.broadcast %add3A_1728 : f32 to vector<16xf32>
      %add3A_1730 = arith.addf %mul3A_1727, %add3A_1729 : vector<16xf32>
      %mul3A_1731 = arith.mulf %mul3A_1716, %add3A_1730 : vector<16xf32>
      %add3A_1732 = arith.constant 1.000000e+00 : f32
      %add3A_1733 = vector.broadcast %add3A_1732 : f32 to vector<16xf32>
      %add3A_1734 = arith.addf %mul3A_1731, %add3A_1733 : vector<16xf32>
      %mul3A_1735 = arith.mulf %div3A_1715, %add3A_1734 : vector<16xf32>
      %max3A_1736 = arith.constant 0.000000e+00 : f32
      %max3A_1737 = vector.broadcast %max3A_1736 : f32 to vector<16xf32>
      %max3A_1738 = arith.maximumf %parallel_loop3A_1143#5, %max3A_1737 : vector<16xf32>
      %add3A_1739 = arith.addf %mul3A_1735, %mul3A_1735 : vector<16xf32>
      %add3A_1740 = arith.addf %max3A_1738, %add3A_1739 : vector<16xf32>
      %add3A_1741 = arith.addf %add3A_1706, %add3A_1740 : vector<16xf32>
      %abs3A_1742 = math.absf %parallel_loop3A_1143#6 : vector<16xf32>
      %neg3A_1743 = arith.constant 0.000000e+00 : f32
      %neg3A_1744 = vector.broadcast %neg3A_1743 : f32 to vector<16xf32>
      %neg3A_1745 = arith.subf %neg3A_1744, %abs3A_1742 : vector<16xf32>
      %exp3A_1746 = math.exp %neg3A_1745 : vector<16xf32>
      %add3A_1747 = arith.constant 2.000000e+00 : f32
      %add3A_1748 = vector.broadcast %add3A_1747 : f32 to vector<16xf32>
      %add3A_1749 = arith.addf %exp3A_1746, %add3A_1748 : vector<16xf32>
      %div3A_1750 = arith.divf %exp3A_1746, %add3A_1749 : vector<16xf32>
      %mul3A_1751 = arith.mulf %div3A_1750, %div3A_1750 : vector<16xf32>
      %mul3A_1752 = arith.constant 0.111111112 : f32
      %mul3A_1753 = vector.broadcast %mul3A_1752 : f32 to vector<16xf32>
      %mul3A_1754 = arith.mulf %mul3A_1751, %mul3A_1753 : vector<16xf32>
      %add3A_1755 = arith.constant 0.142857149 : f32
      %add3A_1756 = vector.broadcast %add3A_1755 : f32 to vector<16xf32>
      %add3A_1757 = arith.addf %mul3A_1754, %add3A_1756 : vector<16xf32>
      %mul3A_1758 = arith.mulf %mul3A_1751, %add3A_1757 : vector<16xf32>
      %add3A_1759 = arith.constant 2.000000e-01 : f32
      %add3A_1760 = vector.broadcast %add3A_1759 : f32 to vector<16xf32>
      %add3A_1761 = arith.addf %mul3A_1758, %add3A_1760 : vector<16xf32>
      %mul3A_1762 = arith.mulf %mul3A_1751, %add3A_1761 : vector<16xf32>
      %add3A_1763 = arith.constant 0.333333343 : f32
      %add3A_1764 = vector.broadcast %add3A_1763 : f32 to vector<16xf32>
      %add3A_1765 = arith.addf %mul3A_1762, %add3A_1764 : vector<16xf32>
      %mul3A_1766 = arith.mulf %mul3A_1751, %add3A_1765 : vector<16xf32>
      %add3A_1767 = arith.constant 1.000000e+00 : f32
      %add3A_1768 = vector.broadcast %add3A_1767 : f32 to vector<16xf32>
      %add3A_1769 = arith.addf %mul3A_1766, %add3A_1768 : vector<16xf32>
      %mul3A_1770 = arith.mulf %div3A_1750, %add3A_1769 : vector<16xf32>
      %max3A_1771 = arith.constant 0.000000e+00 : f32
      %max3A_1772 = vector.broadcast %max3A_1771 : f32 to vector<16xf32>
      %max3A_1773 = arith.maximumf %parallel_loop3A_1143#6, %max3A_1772 : vector<16xf32>
      %add3A_1774 = arith.addf %mul3A_1770, %mul3A_1770 : vector<16xf32>
      %add3A_1775 = arith.addf %max3A_1773, %add3A_1774 : vector<16xf32>
      %add3A_1776 = arith.addf %add3A_1741, %add3A_1775 : vector<16xf32>
      %abs3A_1777 = math.absf %parallel_loop3A_1143#7 : vector<16xf32>
      %neg3A_1778 = arith.constant 0.000000e+00 : f32
      %neg3A_1779 = vector.broadcast %neg3A_1778 : f32 to vector<16xf32>
      %neg3A_1780 = arith.subf %neg3A_1779, %abs3A_1777 : vector<16xf32>
      %exp3A_1781 = math.exp %neg3A_1780 : vector<16xf32>
      %add3A_1782 = arith.constant 2.000000e+00 : f32
      %add3A_1783 = vector.broadcast %add3A_1782 : f32 to vector<16xf32>
      %add3A_1784 = arith.addf %exp3A_1781, %add3A_1783 : vector<16xf32>
      %div3A_1785 = arith.divf %exp3A_1781, %add3A_1784 : vector<16xf32>
      %mul3A_1786 = arith.mulf %div3A_1785, %div3A_1785 : vector<16xf32>
      %mul3A_1787 = arith.constant 0.111111112 : f32
      %mul3A_1788 = vector.broadcast %mul3A_1787 : f32 to vector<16xf32>
      %mul3A_1789 = arith.mulf %mul3A_1786, %mul3A_1788 : vector<16xf32>
      %add3A_1790 = arith.constant 0.142857149 : f32
      %add3A_1791 = vector.broadcast %add3A_1790 : f32 to vector<16xf32>
      %add3A_1792 = arith.addf %mul3A_1789, %add3A_1791 : vector<16xf32>
      %mul3A_1793 = arith.mulf %mul3A_1786, %add3A_1792 : vector<16xf32>
      %add3A_1794 = arith.constant 2.000000e-01 : f32
      %add3A_1795 = vector.broadcast %add3A_1794 : f32 to vector<16xf32>
      %add3A_1796 = arith.addf %mul3A_1793, %add3A_1795 : vector<16xf32>
      %mul3A_1797 = arith.mulf %mul3A_1786, %add3A_1796 : vector<16xf32>
      %add3A_1798 = arith.constant 0.333333343 : f32
      %add3A_1799 = vector.broadcast %add3A_1798 : f32 to vector<16xf32>
      %add3A_1800 = arith.addf %mul3A_1797, %add3A_1799 : vector<16xf32>
      %mul3A_1801 = arith.mulf %mul3A_1786, %add3A_1800 : vector<16xf32>
      %add3A_1802 = arith.constant 1.000000e+00 : f32
      %add3A_1803 = vector.broadcast %add3A_1802 : f32 to vector<16xf32>
      %add3A_1804 = arith.addf %mul3A_1801, %add3A_1803 : vector<16xf32>
      %mul3A_1805 = arith.mulf %div3A_1785, %add3A_1804 : vector<16xf32>
      %max3A_1806 = arith.constant 0.000000e+00 : f32
      %max3A_1807 = vector.broadcast %max3A_1806 : f32 to vector<16xf32>
      %max3A_1808 = arith.maximumf %parallel_loop3A_1143#7, %max3A_1807 : vector<16xf32>
      %add3A_1809 = arith.addf %mul3A_1805, %mul3A_1805 : vector<16xf32>
      %add3A_1810 = arith.addf %max3A_1808, %add3A_1809 : vector<16xf32>
      %add3A_1811 = arith.addf %add3A_1776, %add3A_1810 : vector<16xf32>
      %abs3A_1812 = math.absf %parallel_loop3A_1143#8 : vector<16xf32>
      %neg3A_1813 = arith.constant 0.000000e+00 : f32
      %neg3A_1814 = vector.broadcast %neg3A_1813 : f32 to vector<16xf32>
      %neg3A_1815 = arith.subf %neg3A_1814, %abs3A_1812 : vector<16xf32>
      %exp3A_1816 = math.exp %neg3A_1815 : vector<16xf32>
      %add3A_1817 = arith.constant 2.000000e+00 : f32
      %add3A_1818 = vector.broadcast %add3A_1817 : f32 to vector<16xf32>
      %add3A_1819 = arith.addf %exp3A_1816, %add3A_1818 : vector<16xf32>
      %div3A_1820 = arith.divf %exp3A_1816, %add3A_1819 : vector<16xf32>
      %mul3A_1821 = arith.mulf %div3A_1820, %div3A_1820 : vector<16xf32>
      %mul3A_1822 = arith.constant 0.111111112 : f32
      %mul3A_1823 = vector.broadcast %mul3A_1822 : f32 to vector<16xf32>
      %mul3A_1824 = arith.mulf %mul3A_1821, %mul3A_1823 : vector<16xf32>
      %add3A_1825 = arith.constant 0.142857149 : f32
      %add3A_1826 = vector.broadcast %add3A_1825 : f32 to vector<16xf32>
      %add3A_1827 = arith.addf %mul3A_1824, %add3A_1826 : vector<16xf32>
      %mul3A_1828 = arith.mulf %mul3A_1821, %add3A_1827 : vector<16xf32>
      %add3A_1829 = arith.constant 2.000000e-01 : f32
      %add3A_1830 = vector.broadcast %add3A_1829 : f32 to vector<16xf32>
      %add3A_1831 = arith.addf %mul3A_1828, %add3A_1830 : vector<16xf32>
      %mul3A_1832 = arith.mulf %mul3A_1821, %add3A_1831 : vector<16xf32>
      %add3A_1833 = arith.constant 0.333333343 : f32
      %add3A_1834 = vector.broadcast %add3A_1833 : f32 to vector<16xf32>
      %add3A_1835 = arith.addf %mul3A_1832, %add3A_1834 : vector<16xf32>
      %mul3A_1836 = arith.mulf %mul3A_1821, %add3A_1835 : vector<16xf32>
      %add3A_1837 = arith.constant 1.000000e+00 : f32
      %add3A_1838 = vector.broadcast %add3A_1837 : f32 to vector<16xf32>
      %add3A_1839 = arith.addf %mul3A_1836, %add3A_1838 : vector<16xf32>
      %mul3A_1840 = arith.mulf %div3A_1820, %add3A_1839 : vector<16xf32>
      %max3A_1841 = arith.constant 0.000000e+00 : f32
      %max3A_1842 = vector.broadcast %max3A_1841 : f32 to vector<16xf32>
      %max3A_1843 = arith.maximumf %parallel_loop3A_1143#8, %max3A_1842 : vector<16xf32>
      %add3A_1844 = arith.addf %mul3A_1840, %mul3A_1840 : vector<16xf32>
      %add3A_1845 = arith.addf %max3A_1843, %add3A_1844 : vector<16xf32>
      %add3A_1846 = arith.addf %add3A_1811, %add3A_1845 : vector<16xf32>
      %abs3A_1847 = math.absf %parallel_loop3A_1143#9 : vector<16xf32>
      %neg3A_1848 = arith.constant 0.000000e+00 : f32
      %neg3A_1849 = vector.broadcast %neg3A_1848 : f32 to vector<16xf32>
      %neg3A_1850 = arith.subf %neg3A_1849, %abs3A_1847 : vector<16xf32>
      %exp3A_1851 = math.exp %neg3A_1850 : vector<16xf32>
      %add3A_1852 = arith.constant 2.000000e+00 : f32
      %add3A_1853 = vector.broadcast %add3A_1852 : f32 to vector<16xf32>
      %add3A_1854 = arith.addf %exp3A_1851, %add3A_1853 : vector<16xf32>
      %div3A_1855 = arith.divf %exp3A_1851, %add3A_1854 : vector<16xf32>
      %mul3A_1856 = arith.mulf %div3A_1855, %div3A_1855 : vector<16xf32>
      %mul3A_1857 = arith.constant 0.111111112 : f32
      %mul3A_1858 = vector.broadcast %mul3A_1857 : f32 to vector<16xf32>
      %mul3A_1859 = arith.mulf %mul3A_1856, %mul3A_1858 : vector<16xf32>
      %add3A_1860 = arith.constant 0.142857149 : f32
      %add3A_1861 = vector.broadcast %add3A_1860 : f32 to vector<16xf32>
      %add3A_1862 = arith.addf %mul3A_1859, %add3A_1861 : vector<16xf32>
      %mul3A_1863 = arith.mulf %mul3A_1856, %add3A_1862 : vector<16xf32>
      %add3A_1864 = arith.constant 2.000000e-01 : f32
      %add3A_1865 = vector.broadcast %add3A_1864 : f32 to vector<16xf32>
      %add3A_1866 = arith.addf %mul3A_1863, %add3A_1865 : vector<16xf32>
      %mul3A_1867 = arith.mulf %mul3A_1856, %add3A_1866 : vector<16xf32>
      %add3A_1868 = arith.constant 0.333333343 : f32
      %add3A_1869 = vector.broadcast %add3A_1868 : f32 to vector<16xf32>
      %add3A_1870 = arith.addf %mul3A_1867, %add3A_1869 : vector<16xf32>
      %mul3A_1871 = arith.mulf %mul3A_1856, %add3A_1870 : vector<16xf32>
      %add3A_1872 = arith.constant 1.000000e+00 : f32
      %add3A_1873 = vector.broadcast %add3A_1872 : f32 to vector<16xf32>
      %add3A_1874 = arith.addf %mul3A_1871, %add3A_1873 : vector<16xf32>
      %mul3A_1875 = arith.mulf %div3A_1855, %add3A_1874 : vector<16xf32>
      %max3A_1876 = arith.constant 0.000000e+00 : f32
      %max3A_1877 = vector.broadcast %max3A_1876 : f32 to vector<16xf32>
      %max3A_1878 = arith.maximumf %parallel_loop3A_1143#9, %max3A_1877 : vector<16xf32>
      %add3A_1879 = arith.addf %mul3A_1875, %mul3A_1875 : vector<16xf32>
      %add3A_1880 = arith.addf %max3A_1878, %add3A_1879 : vector<16xf32>
      %add3A_1881 = arith.addf %add3A_1846, %add3A_1880 : vector<16xf32>
      scf.yield %add3A_1881 : vector<16xf32>
    }
    %scan3A_62 = arith.constant 16 : i32
    %swap3A = arith.constant 0 : index
    %swap3A_63 = tpu.vector_load %arg14[%swap3A] {strides = array<i32>} : memref<16xf32, #tpu.memory_space<vmem>>, vector<16xf32>,
    tpu.vector_store %arg14[%swap3A], %scan3A_61 {strides = array<i32>} : memref<16xf32, #tpu.memory_space<vmem>>, vector<16xf32>,
    "tpu.region"() ({
      %run_scoped3A = tpu.sem_alloc : memref<!tpu.dma_semaphore, #tpu.memory_space<semaphore_mem>>
      %dma_start3A_64 = arith.constant 0 : i32
      %dma_start3A_65 = tpu.memref_slice %arg7[%add3A, %dma_start3A_64] : memref<32x16xf32, #tpu.memory_space<hbm>> -> memref<1x16xf32, #tpu.memory_space<hbm>>
      %dma_start3A_66 = tpu.memref_squeeze %dma_start3A_65 : memref<1x16xf32, #tpu.memory_space<hbm>> -> memref<16xf32, #tpu.memory_space<hbm>>
      %dma_start3A_67 = arith.constant 0 : i32
      %dma_start3A_68 = tpu.memref_slice %arg7[%add3A, %dma_start3A_67] : memref<32x16xf32, #tpu.memory_space<hbm>> -> memref<1x16xf32, #tpu.memory_space<hbm>>
      %dma_start3A_69 = tpu.memref_squeeze %dma_start3A_68 : memref<1x16xf32, #tpu.memory_space<hbm>> -> memref<16xf32, #tpu.memory_space<hbm>>
      tpu.enqueue_dma source(%arg14 : memref<16xf32, #tpu.memory_space<vmem>>) target(%dma_start3A_69 : memref<16xf32, #tpu.memory_space<hbm>>) target_semaphore(%run_scoped3A : memref<!tpu.dma_semaphore, #tpu.memory_space<semaphore_mem>>)
      %dma_wait3A = arith.constant 0 : i32
      %dma_wait3A_70 = tpu.memref_slice %arg7[%add3A, %dma_wait3A] : memref<32x16xf32, #tpu.memory_space<hbm>> -> memref<1x16xf32, #tpu.memory_space<hbm>>
      %dma_wait3A_71 = tpu.memref_squeeze %dma_wait3A_70 : memref<1x16xf32, #tpu.memory_space<hbm>> -> memref<16xf32, #tpu.memory_space<hbm>>
      %dma_wait3A_72 = arith.constant 0 : i32
      %dma_wait3A_73 = tpu.memref_slice %arg7[%add3A, %dma_wait3A_72] : memref<32x16xf32, #tpu.memory_space<hbm>> -> memref<1x16xf32, #tpu.memory_space<hbm>>
      %dma_wait3A_74 = tpu.memref_squeeze %dma_wait3A_73 : memref<1x16xf32, #tpu.memory_space<hbm>> -> memref<16xf32, #tpu.memory_space<hbm>>
      tpu.wait_dma2 semaphore(%run_scoped3A : memref<!tpu.dma_semaphore, #tpu.memory_space<semaphore_mem>>) src(%arg14 : memref<16xf32, #tpu.memory_space<vmem>>) dst(%dma_wait3A_74 : memref<16xf32, #tpu.memory_space<hbm>>)
      tpu.yield
    }) : () -> ()
    return
  }
}

module attributes {stable_mosaic.version = 14 : i64} {
  func.func @_xpose_body(%arg0: i32, %arg1: memref<64x2048xf32, #tpu.memory_space<vmem>>, %arg2: memref<2048x128xf32, #tpu.memory_space<vmem>>) attributes {dimension_semantics = [#tpu.dimension_semantics<arbitrary>], iteration_bounds = array<i64: 489>, scalar_prefetch = 0 : i64, scratch_operands = 0 : i64, tpu.core_type = #tpu.core_type<tc>, window_params = [{transform_indices = @transform_0, window_bounds = array<i64: 64, 2048>}, {transform_indices = @transform_1, window_bounds = array<i64: 2048, 128>}]} {
    %get3A = arith.constant 0 : index
    %get3A_0 = arith.constant 0 : index
    %get3A_1 = vector.load %arg1[%get3A, %get3A_0] : memref<64x2048xf32, #tpu.memory_space<vmem>>, vector<64x2048xf32>
    %transpose3A = tpu.transpose %get3A_1, [1, 0] : vector<64x2048xf32> -> vector<2048x64xf32>
    %swap3A = arith.constant 0 : index
    %swap3A_2 = arith.constant 0 : index
    %swap3A_3 = vector.load %arg2[%swap3A, %swap3A_2] : memref<2048x128xf32, #tpu.memory_space<vmem>>, vector<2048x64xf32>
    tpu.vector_store %arg2[%swap3A, %swap3A_2], %transpose3A {strides = array<i32>} : memref<2048x128xf32, #tpu.memory_space<vmem>>, vector<2048x64xf32>,
    return
  }
  func.func @transform_0(%arg0: i32) -> (i32, i32) {
    %c0_i32 = arith.constant 0 : i32
    %c0_i32_0 = arith.constant 0 : i32
    return %c0_i32, %arg0 : i32, i32
  }
  func.func @transform_1(%arg0: i32) -> (i32, i32) {
    %c0_i32 = arith.constant 0 : i32
    %c0_i32_0 = arith.constant 0 : i32
    return %arg0, %c0_i32 : i32, i32
  }
}

</mosaic_0001>

<sc_bundles>
// kernel: kernel.5.cloned.1.call-start
scs
__scs_entry_jumppad:
0x0: {  	(pc) =	sbr.rel $0x88, $3  }
0x1: {  	(tag) =	ssettag $0x0;
	lr =	simm.s32 $0x1  }
0x2: {  	[smem:$0x3F9C] =	sst lr;
	_ =	strace $0xD0000000  }
0x3: {  	_ = 	snop  }
0x4: {  	_ = 	snop  }
0x5: {  	_ = 	snop  }
0x6: {  	_ = 	snop  }
0x7: {  	_ = 	snop  }
__scs_overlays_trampoline_lowered:
0x8: {  	[smem:$0x3FAB] =	sst s0  }
0x9: {  	[smem:$0x3FAC] =	sst s1  }
0xa: {  	[smem:$0x3FAD] =	sst s2  }
0xb: {  	[smem:$0x3FAE] =	sst s3  }
0xc: {  	[smem:$0x3FAF] =	sst s4  }
0xd: {  	[smem:$0x3FB0] =	sst s5  }
0xe: {  	[smem:$0x3FB1] =	sst s6  }
0xf: {  	[smem:$0x3FB2] =	sst s7  }
0x10: {  	[smem:$0x3FB3] =	sst s8  }
0x11: {  	[smem:$0x3FB4] =	sst s9;
	s0 =	simm.s32 @!p0 $0x0  }
0x12: {  	s1 =	sld [smem:$0x3F9A];
	s0 =	simm.s32 @p0 $0x1  }
0x13: {  	[smem:$0x3FB5] =	sst s0;
	s0 =	simm.s32 @!p1 $0x0  }
0x14: {  	s2 =	sld [smem:$0x3F99];
	s0 =	simm.s32 @p1 $0x1  }
0x15: {  	[smem:$0x3FB6] =	sst s0;
	s0 =	simm.s32 @!p2 $0x0  }
0x16: {  	s3 =	sld [smem:$0x3FDB];
	s0 =	simm.s32 @p2 $0x1  }
0x17: {  	s4 =	simm.s32 $0x1BF5;
	[smem:$0x3FB8] =	sst s0  }
0x18: {  	s0 =	sld [smem:$0x3F9B];
	_ =	swait.ge [sflag:s4], $0x0  }
0x19: {  	s7 =	sld [smem:$0x3F9C]  }
0x1a: {  	s8 =	sadd.s32 $0xFFFFE003, lr  }
0x1b: {  	s9 =	sadd.s32 $0xFFFFFEF7, lr;
	s5 =	simm.s32 $0xFFFFFFFF;
	p2 =	slt.u32 s8, $0xFFFFF086  }
0x1c: {  	p1 =	slt.u32 s9, $0xF7A;
	s5 =	simm.s32 @!p2 $0x0  }
0x1d: {  	s5 =	simm.s32 @p1 $0x1;
	p0 =	seq.s32 s7, s2  }
0x1e: {  	s7 =	smul.u32 @!p0 $0xF7A, s2;
	p2 =	seq.s32 @!p0 s5, $0x0  }
0x1f: {  	s9 =	smul.u32 $0xF7A, s1;
	s8 =	simm.s32 @!p0 $0x1BF5;
	p2 =	por !p2, p0  }
0x20: {  	[sflag:s8] =	ssyncset.s32 @!p0 $0xFFFFF086;
	s6 =	sadd.s32 @!p0 s3, s7;
	s7 =	simm.s32 @!p0 $0x108  }
0x21: {  	s3 =	sadd.s32 s3, s9;
	s6 =	sadd.s32 @!p0 $0x88, s6;
	s7 =	simm.s32 @p2 $0x1082  }
0x22: {  	[simem:s7], [sflag:s8] =	dma.local @!p0 [hbm:s6], $0xF7A  }
0x23: {  	s9 =	sor.u32 $0xD0000000, s2;
	s6 =	simm.s32 $0x108;
	_ =	swait.ge @!p0 [sflag:s8], $0x0  }
0x24: {  	s3 =	sadd.s32 $0x88, s3;
	s6 =	simm.s32 @!p1 $0x1082;
	[sflag:s4] =	ssyncset.s32 $0xFFFFF086  }
0x25: {  	[simem:s6], [sflag:s4] =	dma.local [hbm:s3], $0xF7A  }
0x26: {  	[smem:$0x3F9C] =	sst s1;
	(tag) =	ssettag s2;
	_ =	strace s9  }
0x27: {  	s1 =	sld [smem:$0x3FAC]  }
0x28: {  	s2 =	sld [smem:$0x3FAD]  }
0x29: {  	s4 =	sld [smem:$0x3FAF]  }
0x2a: {  	p0 =	seq.s32 s5, $0x0;
	s5 =	sld [smem:$0x3FB0]  }
0x2b: {  	s6 =	sld [smem:$0x3FB1]  }
0x2c: {  	s7 =	sld [smem:$0x3FB2]  }
0x2d: {  	s3 =	simm.s32 $0x108;
	s8 =	sld [smem:$0x3FB3]  }
0x2e: {  	s3 =	simm.s32 @!p0 $0x1082;
	s9 =	sld [smem:$0x3FB4]  }
0x2f: {  	lr =	sadd.s32 s0, s3;
	s0 =	sld [smem:$0x3FAB]  }
0x30: {  	s3 =	sld [smem:$0x3FAE]  }
0x31: {  	[smem:$0x3FB7] =	sst s10  }
0x32: {  	s10 =	sld [smem:$0x3FB5];
	_ =	sdelay $0x3  }
0x33: {  	p0 =	seq.s32 s10, $0x1;
	s10 =	sld [smem:$0x3FB7];
	_ =	sdelay $0x3  }
0x34: {  	[smem:$0x3FB7] =	sst s10  }
0x35: {  	s10 =	sld [smem:$0x3FB6];
	_ =	sdelay $0x3  }
0x36: {  	p1 =	seq.s32 s10, $0x1;
	s10 =	sld [smem:$0x3FB7];
	_ =	sdelay $0x3  }
0x37: {  	[smem:$0x3FB7] =	sst s10  }
0x38: {  	s10 =	sld [smem:$0x3FB8]  }
0x39: {  	_ = 	snop;
	(pc) =	sbr.ind lr, $3  }
0x3a: {  	_ = 	snop  }
0x3b: {  	_ = 	snop  }
0x3c: {  	p2 =	seq.s32 s10, $0x1;
	s10 =	sld [smem:$0x3FB7]  }
0x3d: {  	_ =	shalt  }
0x3e: {  	_ =	shalt  }
0x3f: {  	_ =	shalt  }
0x40: {  	_ =	shalt  }
0x41: {  	_ =	shalt  }
0x42: {  	_ =	shalt  }
0x43: {  	_ =	shalt  }
0x44: {  	_ =	shalt  }
0x45: {  	_ =	shalt  }
0x46: {  	_ =	shalt  }
0x47: {  	_ =	shalt  }
0x48: {  	_ =	shalt  }
0x49: {  	_ =	shalt  }
0x4a: {  	_ =	shalt  }
0x4b: {  	_ =	shalt  }
0x4c: {  	_ =	shalt  }
0x4d: {  	_ =	shalt  }
0x4e: {  	_ =	shalt  }
0x4f: {  	_ =	shalt  }
0x50: {  	_ =	shalt  }
0x51: {  	_ =	shalt  }
0x52: {  	_ =	shalt  }
0x53: {  	_ =	shalt  }
0x54: {  	_ =	shalt  }
0x55: {  	_ =	shalt  }
0x56: {  	_ =	shalt  }
0x57: {  	_ =	shalt  }
0x58: {  	_ =	shalt  }
0x59: {  	_ =	shalt  }
0x5a: {  	_ =	shalt  }
0x5b: {  	_ =	shalt  }
0x5c: {  	_ =	shalt  }
0x5d: {  	_ =	shalt  }
0x5e: {  	_ =	shalt  }
0x5f: {  	_ =	shalt  }
0x60: {  	_ =	shalt  }
0x61: {  	_ =	shalt  }
0x62: {  	_ =	shalt  }
0x63: {  	_ =	shalt  }
0x64: {  	_ =	shalt  }
0x65: {  	_ =	shalt  }
0x66: {  	_ =	shalt  }
0x67: {  	_ =	shalt  }
0x68: {  	_ =	shalt  }
0x69: {  	_ =	shalt  }
0x6a: {  	_ =	shalt  }
0x6b: {  	_ =	shalt  }
0x6c: {  	_ =	shalt  }
0x6d: {  	_ =	shalt  }
0x6e: {  	_ =	shalt  }
0x6f: {  	_ =	shalt  }
0x70: {  	_ =	shalt  }
0x71: {  	_ =	shalt  }
0x72: {  	_ =	shalt  }
0x73: {  	_ =	shalt  }
0x74: {  	_ =	shalt  }
0x75: {  	_ =	shalt  }
0x76: {  	_ =	shalt  }
0x77: {  	_ =	shalt  }
0x78: {  	_ =	shalt  }
0x79: {  	_ =	shalt  }
0x7a: {  	_ =	shalt  }
0x7b: {  	_ =	shalt  }
0x7c: {  	_ =	shalt  }
0x7d: {  	_ =	shalt  }
0x7e: {  	_ =	shalt  }
0x7f: {  	_ =	shalt  }
0x80: {  	_ =	shalt  }
0x81: {  	_ =	shalt  }
0x82: {  	_ =	shalt  }
0x83: {  	_ =	shalt  }
0x84: {  	_ =	shalt  }
0x85: {  	_ =	shalt  }
0x86: {  	_ =	shalt  }
0x87: {  	_ =	shalt  }
.Lfunc_end0:
.L_simem_size_0:
called_computation_lowered:
.L_overlay_start_0:
0x88: {  	s2 =	sld [smem:$0x3FD9]  }
0x89: {  	s3 =	sld [smem:$0x3FFE];
	_ =	sdelay $0x1  }
0x8a: {  	s1 =	srdreg.scid  }
0x8b: {  	s0 =	sand.u32 $0x1, s1  }
0x8c: {  	s17 =	sshll.u32 s0, $0xA;
	s2 =	sadd.s32 s3, s2  }
0x8d: {  	s2 =	sadd.s32 s2, s17  }
0x8e: {  	[smem:$0x3FC3] =	sst s2  }
0x8f: {  	_ = 	snop  }
0x90: {  	s2 =	sld [smem:$0x3FC9]  }
0x91: {  	s18 =	sld [smem:$0x3FC8];
	(tm) =	ssettm $0x1  }
0x92: {  	s4 =	sld [smem:$0x3FFB];
	_ =	sdelay $0x3  }
0x93: {  	_ =	strace s4  }
0x94: {  	s4 =	sld [smem:$0x3FFC];
	_ =	sdelay $0x3  }
0x95: {  	_ =	strace s4  }
0x96: {  	s4 =	sld [smem:$0x3FFD];
	_ =	sdelay $0x3  }
0x97: {  	_ =	strace s4  }
0x98: {  	_ =	strace $0x8FFFFFFF  }
0x99: {  	s19 =	sld [smem:$0x3FDB];
	_ =	sdelay $0x1  }
0x9a: {  	s5 =	simm.s32 $_scs_section_size  }
0x9b: {  	s6 =	simm.s32 $_size__tile_overlayer_lowered;
	s7 =	simm.s32 $_tile_overlayer_lowered  }
0x9c: {  	s22 =	simm.s32 $0x1BFF;
	s21 =	sshll.u32 s7, $0x1;
	s4 =	sadd.s32 s5, s19  }
0x9d: {  	s8 =	simm.s32 $0x0;
	s20 =	sshll.u32 s6, $0x1;
	s6 =	sadd.s32 s21, s4  }
0x9e: {  	[timem:s8], [sflag:s22] =	dma.local [hbm:s6], s20  }
0x9f: {  	_ =	swait.ge [sflag:s22], s20  }
0xa0: {  	s5 =	ssub.s32 $0x0, s20;
	[sflag:s22] =	ssyncset.done $0x0  }
0xa1: {  	[sflag:s22] =	ssyncadd.s32 s5;
	_ =	sdelay $0x1  }
0xa2: {  	s23 =	simm.s32 $0x1B8B  }
0xa3: {  	_ =	swait.ge [sflag:s23], $0x1  }
0xa4: {  	[sflag:s23] =	ssyncset.done $0x0  }
0xa5: {  	s25 =	simm.s32 $0x1B8E;
	s24 =	sld [smem:$0x3FFE];
	[sflag:s23] =	ssyncadd.s32 $0xFFFFFFFF  }
0xa6: {  	s26 =	simm.s32 $execute0_lowered;
	[smem:$0x3FD2] =	sst s25  }
0xa7: {  	s6 =	sshll.u32 s26, $0x1;
	_ =	strace $0x80000046;
	[dreg:$0x1] =	wrdreg $0xFFFFFFFF  }
0xa8: {  	s28 =	simm.s32 $_size_execute0_lowered;
	s4 =	sadd.s32 s4, s6;
	[dreg:$0x0] =	wrdreg $0x0  }
0xa9: {  	s6 =	sshll.u32 s28, $0x1;
	[dreg:$0x2] =	wrdreg s4  }
0xaa: {  	[dreg:$0x3] =	wrdreg s6  }
0xab: {  	[dreg:$0x4] =	wrdreg $0xC0  }
0xac: {  	_ =	task [dreg:s8], $0x5FFFF  }
0xad: {  	[dreg:$0x1] =	wrdreg $0xFFFFFFFF  }
0xae: {  	[dreg:$0x0] =	wrdreg $0x60  }
0xaf: {  	[dreg:$0x2] =	wrdreg s2  }
0xb0: {  	[dreg:$0x3] =	wrdreg s18  }
0xb1: {  	[dreg:$0x4] =	wrdreg s24  }
0xb2: {  	[dreg:$0x5] =	wrdreg $0x9  }
0xb3: {  	_ =	task.clear_ibuf [dreg:s8], $0x6FFFF;
	_ =	strace $0x90000046  }
0xb4: {  	s29 =	simm.s32 $0x9;
	_ =	strace $0x80000048  }
0xb5: {  	_ =	swait.ge [sflag:s29], $0x1  }
0xb6: {  	[sflag:s29] =	ssyncadd.s32 $0xFFFFFFFF  }
0xb7: {  	_ =	strace $0x90000048  }
0xb8: {  	_ =	sfence  }
0xb9: {  	s30 =	sld [smem:$0x0];
	_ =	sdelay $0x2  }
0xba: {  	s31 =	sshll.u32 s1, $0xD;
	s1 =	sshrl.u32 s1, $0x2  }
0xbb: {  	s3 =	sand.u32 $0x4000, s31;
	s1 =	sadd.s32 s1, s30  }
0xbc: {  	s0 =	sor.u32 s3, s0;
	s1 =	sshll.u32 s1, $0x11  }
0xbd: {  	s0 =	sor.u32 s1, s0  }
0xbe: {  	s0 =	sadd.s32 $0x8F2B, s0  }
0xbf: {  	[sflag:s0] =	ssyncadd.remote.s32 $0x1  }
0xc0: {  	_ =	sfence.sel $0xFFFF  }
0xc1: {  	[dreg:$0x0] =	wrdreg $0xFFFFFFFF;
	(pc) =	sbr.abs _section_cstart, $3  }
0xc2: {  	[dreg:$0x1] =	wrdreg $0xFFFFFFFF  }
0xc3: {  	_ =	task.clear_ibuf [dreg:s8], $0x2FFFF;
	_ =	strace $0x9FFFFFFF  }
0xc4: {  	(tm) =	ssettm $0x7FFFFFFF  }
0xc5: {  	_ =	shalt  }
tec
execute0_lowered:
.L_overlay_start_1:
0x0: {  	(tag) =	ssettag $0x1  }
0x1: {  	s0 =	rddreg [dreg:$0x0];
	v0 =	vlaneseq.u32  }
0x2: {  	s1 =	rddreg [dreg:$0x1];
	s2 =	simm.s32 $0x0;
	v38 =	vmul.u32 $0xA00, v0  }
0x3: {  	[smem:$0x7FF] =	sst s2;
	v1 =	vmul.u32 $0x80, v0  }
0x4: {  	s7 =	rddreg [dreg:$0x2];
	_ =	strace $0x80000047;
	[tilespmem:$0x1FEF0] =	vst v38  }
0x5: {  	v0 =	vadd.s32 $0x700, v38;
	[tilespmem:$0x1FFF0] =	vst v1  }
0x6: {  	v18 =	vor.u32 $0x80, v38;
	[tilespmem:$0x1FEB0] =	vst v0  }
0x7: {  	v19 =	vor.u32 $0x100, v38;
	[tilespmem:$0x1FF00] =	vst v18  }
0x8: {  	v20 =	vor.u32 $0x180, v38;
	[tilespmem:$0x1FF10] =	vst v19  }
0x9: {  	v23 =	vadd.s32 $0x200, v38;
	[tilespmem:$0x1FF20] =	vst v20  }
0xa: {  	v33 =	vadd.s32 $0x280, v38;
	[tilespmem:$0x1FF30] =	vst v23  }
0xb: {  	v24 =	vadd.s32 $0x300, v38;
	[tilespmem:$0x1FF40] =	vst v33  }
0xc: {  	v25 =	vadd.s32 $0x380, v38;
	[tilespmem:$0x1FF50] =	vst v24  }
0xd: {  	s4 =	srdreg.scid;
	s6 =	stileid.u32;
	v27 =	vadd.s32 $0x400, v38;
	[tilespmem:$0x1FF60] =	vst v25  }
0xe: {  	s12 =	simm.s32 $0x400;
	s13 =	simm.s32 $0x10;
	s14 =	simm.s32 $0x2C00;
	v32 =	vadd.s32 $0x480, v38;
	[tilespmem:$0x1FF70] =	vst v27  }
0xf: {  	s15 =	simm.s32 $0x3C00;
	s16 =	simm.s32 $0x80;
	s17 =	simm.s32 $0x4C00;
	v47 =	vadd.s32 $0x500, v38;
	[tilespmem:$0x1FF80] =	vst v32  }
0x10: {  	s20 =	simm.s32 $0x40;
	s23 =	simm.s32 $0x1;
	s24 =	simm.s32 $0x3400;
	v43 =	vadd.s32 $0x580, v38;
	[tilespmem:$0x1FF90] =	vst v47  }
0x11: {  	s25 =	simm.s32 $0x4400;
	s26 =	simm.s32 $0xEC00;
	s28 =	simm.s32 $0x12C00;
	v44 =	vadd.s32 $0x600, v38;
	[tilespmem:$0x1FFA0] =	vst v43  }
0x12: {  	s29 =	simm.s32 $0x16C00;
	s5 =	sand.u32 $0x1, s4;
	s6 =	sshll.u32 s6, $0x1;
	v35 =	vadd.s32 $0x680, v38;
	[tilespmem:$0x1FFB0] =	vst v44  }
0x13: {  	s30 =	simm.s32 $0x2;
	s3 =	sadd.s32 $0xA000, s7;
	s6 =	sor.u32 s5, s6;
	v41 =	vadd.s32 $0x800, v38;
	[tilespmem:$0x1FFC0] =	vst v35  }
0x14: {  	s4 =	sadd.s32 $0xF4C400, s7;
	s5 =	ssub.s32 $0x2, s5;
	s8 =	sshll.u32 s6, $0x1;
	v42 =	vadd.s32 $0x900, v38;
	[tilespmem:$0x1FFD0] =	vst v41  }
0x15: {  	s9 =	sshrl.u32 s5, $0x1;
	s10 =	smul.u32 $0x500, s6;
	s6 =	sshll.u32 s6, $0x6;
	v0 =	vadd.s32 $0x780, v38;
	[tilespmem:$0x1FFE0] =	vst v42  }
0x16: {  	s8 =	sadd.s32 s8, s7;
	s9 =	ssub.s32 s5, s9;
	s5 =	sadd.s32 s0, s6;
	[tilespmem:$0x1FEC0] =	vst v0;
	v0 =	vadd.s32 $0x880, v38  }
0x17: {  	s6 =	sadd.s32 s1, s6;
	s0 =	simm.s32 $0x0;
	s7 =	sadd.s32 s7, s10;
	[tilespmem:$0x1FED0] =	vst v0;
	v0 =	vadd.s32 $0x980, v38  }
0x18: {  	s8 =	sadd.s32 $0x1E8E800, s8;
	s9 =	smax.u32 s9, $0x1;
	s10 =	simm.s32 $0x3;
	[tilespmem:$0x1FEE0] =	vst v0  }
.LBB2_1:
0x19: {  	[tilespmem:s2], [sflag:$0x3] =	stream.linear.gather [hbm4b:s5+s2], $0x200, $0x38;
	[tilespmem:$0x18C10] =	vst v63  }
0x1a: {  	_ =	swait.ge [sflag:s10], $0x200  }
0x1b: {  	[sflag:s10] =	ssyncset.done $0x0  }
0x1c: {  	s1 =	simm.s32 $0x200;
	[sflag:s10] =	ssyncadd.s32 $0xFFFFFE00  }
0x1d: {  	[tilespmem:s1], [sflag:$0x3] =	stream.linear.gather [hbm4b:s6+s2], $0x200, $0x38;
	[tilespmem:$0x18C10] =	vst v63  }
0x1e: {  	_ =	swait.ge [sflag:s10], $0x200  }
0x1f: {  	[sflag:s10] =	ssyncset.done $0x0  }
0x20: {  	[sflag:s10] =	ssyncadd.s32 $0xFFFFFE00  }
0x21: {  	[tilespmem:s12], [sflag:$0x3] =	stream.linear.gather [hbm4b:s7+s2], $0x2800, $0x38;
	[tilespmem:$0x18C10] =	vst v63  }
0x22: {  	_ =	swait.ge [sflag:s10], $0x2800  }
0x23: {  	[sflag:s10] =	ssyncset.done $0x0  }
0x24: {  	[sflag:s10] =	ssyncadd.s32 $0xFFFFD800  }
0x25: {  	[tilespmem:s14], [sflag:$0x1] =	stream.indirect.gather [hbm4b:s3+s13], $0x80, s2, s13, $0xb8;
	[tilespmem:$0x18C10] =	vst v63  }
0x26: {  	_ = 	snop  }
0x27: {  	[tilespmem:s15], [sflag:$0x1] =	stream.indirect.gather [hbm4b:s4+s13], $0x80, s1, s13, $0xb8;
	[tilespmem:$0x18C10] =	vst v63  }
0x28: {  	_ = 	snop  }
0x29: {  	[tilespmem:s17], [sflag:$0x1] =	stream.indirect.gather [hbm4b:s4+s16], $0x80, s12, s16, $0xb8;
	[tilespmem:$0x18C10] =	vst v63  }
0x2a: {  	s21 =	simm.s32 $0x480;
	s11 =	simm.s32 $0x8C00  }
0x2b: {  	[tilespmem:s11], [sflag:$0x1] =	stream.indirect.gather [hbm4b:s4+s16], $0x80, s21, s16, $0xb8;
	[tilespmem:$0x18C10] =	vst v63  }
0x2c: {  	s22 =	simm.s32 $0x500;
	s31 =	simm.s32 $0xCC00;
	s1 =	simm.s32 $0x0  }
0x2d: {  	v0 =	vimm.f32 $0.0e+00;
	[tilespmem:s31], [sflag:$0x1] =	stream.indirect.gather [hbm4b:s4+s20], $0x80, s22, s20, $0xb8;
	[tilespmem:$0x18C10] =	vst v63  }
.LBB2_2:
0x2e: {  	[tilespmem:$0x1FD80] =	vst v0  }
0x2f: {  	_ =	swait.ge [sflag:s23], $0x800  }
0x30: {  	[sflag:s23] =	ssyncset.done $0x0  }
0x31: {  	[sflag:s23] =	ssyncadd.s32 $0xFFFFF800  }
0x32: {  	_ =	swait.ge [sflag:s23], $0x800  }
0x33: {  	[sflag:s23] =	ssyncset.done $0x0  }
0x34: {  	[sflag:s23] =	ssyncadd.s32 $0xFFFFF800  }
0x35: {  	_ =	swait.ge [sflag:s23], $0x4000  }
0x36: {  	[sflag:s23] =	ssyncset.done $0x0  }
0x37: {  	[sflag:s23] =	ssyncadd.s32 $0xFFFFC000  }
0x38: {  	_ =	swait.ge [sflag:s23], $0x4000  }
0x39: {  	[sflag:s23] =	ssyncset.done $0x0  }
0x3a: {  	[sflag:s23] =	ssyncadd.s32 $0xFFFFC000  }
0x3b: {  	_ =	swait.ge [sflag:s23], $0x2000  }
0x3c: {  	s18 =	sshllo.u32 s1, $0x1;
	s21 =	simm.s32 $0x3;
	[sflag:s23] =	ssyncset.done $0x0  }
0x3d: {  	s19 =	sshll.u32 s18, $0x4;
	s18 =	smul.u32 $0x500, s18;
	[sflag:s23] =	ssyncadd.s32 $0xFFFFE000  }
0x3e: {  	v2 =	vmov s21;
	[tilespmem:s24], [sflag:$0x2] =	stream.indirect.gather [hbm4b:s3+s13], $0x80, s19, s13, $0xb8;
	[tilespmem:$0x18C10] =	vst v63  }
0x3f: {  	v3 =	vand.u32 $0x3F, v2;
	s18 =	sshra.s32 s18, $0x2;
	s19 =	sadd.s32 $0x200, s19  }
0x40: {  	v28 =	vbroadcast v3, $0x0;
	[tilespmem:s25], [sflag:$0x2] =	stream.indirect.gather [hbm4b:s4+s13], $0x80, s19, s13, $0xb8;
	[tilespmem:$0x18C10] =	vst v63  }
0x41: {  	s31 =	simm.s32 $0x2;
	s21 =	sadd.s32 $0x400, s18;
	[tilespmem:$0x1FD90] =	vst v3  }
0x42: {  	v3 =	vor.u32 v18, v28;
	[tilespmem:s26], [sflag:$0x2] =	stream.indirect.gather [hbm4b:s4+s16], $0x80, s21, s16, $0xb8;
	[tilespmem:$0x18C10] =	vst v63  }
0x43: {  	s11 =	simm.s32 $0x1;
	v0 =	vmov s31;
	s22 =	sadd.s32 $0x480, s18  }
0x44: {  	v0 =	vand.u32 $0x3E, v0;
	v2 =	vmov s11;
	[tilespmem:s28], [sflag:$0x2] =	stream.indirect.gather [hbm4b:s4+s16], $0x80, s22, s16, $0xb8;
	[tilespmem:$0x18C10] =	vst v63  }
0x45: {  	v0 =	vbroadcast v0, $0x0;
	v2 =	vand.u32 $0x3D, v2;
	s18 =	sadd.s32 $0x500, s18  }
0x46: {  	v35 =	vbroadcast v2, $0x0;
	[tilespmem:s29], [sflag:$0x2] =	stream.indirect.gather [hbm4b:s4+s20], $0x80, s18, s20, $0xb8;
	[tilespmem:$0x18C10] =	vst v63  }
0x47: {  	v2 =	vor.u32 v32, v0;
	v3 =	vld.idx.msk [tilespmem:v3+s17+$0x0], $0xffff  }
0x48: {  	v9 =	vor.u32 v1, v35  }
0x49: {  	v4 =	vor.u32 v33, v35  }
0x4a: {  	v5 =	vor.u32 v38, v35  }
0x4b: {  	v6 =	vor.u32 v32, v35  }
0x4c: {  	v7 =	vld.idx.msk [tilespmem:v2+s17+$0x0], $0xffff;
	v2 =	vor.u32 v25, v35;
	[tilespmem:$0x1FDA0] =	vst v3  }
0x4d: {  	v29 =	vld.idx.msk [tilespmem:v9+s14+$0x0], $0xffff  }
0x4e: {  	v3 =	vor.u32 v1, v0;
	v4 =	vld.idx.msk [tilespmem:v4+s17+$0x0], $0xffff  }
0x4f: {  	v5 =	vld.idx.msk [tilespmem:v5+s17+$0x0], $0xffff  }
0x50: {  	v8 =	vor.u32 v23, v0;
	v10 =	vld.idx.msk [tilespmem:v6+s17+$0x0], $0xffff  }
0x51: {  	v42 =	vld.idx.msk [tilespmem:v2+s17+$0x0], $0xffff;
	v2 =	vor.u32 v23, v35;
	[tilespmem:$0x1FDB0] =	vst v9  }
0x52: {  	v11 =	vor.u32 v18, v0;
	v9 =	vld.idx.msk [tilespmem:v9+s15+$0x0], $0xffff  }
0x53: {  	v6 =	vor.u32 v19, v0;
	v30 =	vld.idx.msk [tilespmem:v3+s14+$0x0], $0xffff  }
0x54: {  	s31 =	simm.s32 $0x0;
	v12 =	vld.idx.msk [tilespmem:v3+s15+$0x0], $0xffff;
	v3 =	vor.u32 v27, v35  }
0x55: {  	v14 =	vmov s31;
	v15 =	vld.idx.msk [tilespmem:v8+s17+$0x0], $0xffff  }
0x56: {  	v17 =	vld.idx.msk [tilespmem:v2+s17+$0x0], $0xffff;
	v2 =	vand.u32 $0x3C, v14  }
0x57: {  	v11 =	vld.idx.msk [tilespmem:v11+s17+$0x0], $0xffff;
	v34 =	vbroadcast v2, $0x0;
	v2 =	vor.u32 v33, v28  }
0x58: {  	v13 =	vor.u32 v33, v0;
	v6 =	vld.idx.msk [tilespmem:v6+s17+$0x0], $0xffff;
	[tilespmem:$0x1FDC0] =	vst v2  }
0x59: {  	v8 =	vor.u32 v25, v0;
	v3 =	vld.idx.msk [tilespmem:v3+s17+$0x0], $0xffff  }
0x5a: {  	v16 =	vor.u32 v24, v0  }
0x5b: {  	v14 =	vor.u32 v27, v0  }
0x5c: {  	v21 =	vor.u32 v38, v0  }
0x5d: {  	v22 =	vld.idx.msk [tilespmem:v13+s17+$0x0], $0xffff;
	v13 =	vor.u32 v23, v34  }
0x5e: {  	v8 =	vld.idx.msk [tilespmem:v8+s17+$0x0], $0xffff;
	v3 =	vmul.f32 v3, v29  }
0x5f: {  	v1 =	vor.u32 v1, v34;
	v44 =	vld.idx.msk [tilespmem:v16+s17+$0x0], $0xffff  }
0x60: {  	v4 =	vmul.f32 v4, v29;
	v14 =	vld.idx.msk [tilespmem:v14+s17+$0x0], $0xffff;
	[tilespmem:$0x1FDD0] =	vst v3  }
0x61: {  	v3 =	vld.idx.msk [tilespmem:v21+s17+$0x0], $0xffff  }
0x62: {  	v58 =	vmul.f32 v5, v29;
	v5 =	vld.idx.msk [tilespmem:v13+s17+$0x0], $0xffff;
	[tilespmem:$0x1FDE0] =	vst v4;
	v4 =	vmul.f32 v11, v30  }
0x63: {  	[tilespmem:$0x1FDF0] =	vst v34  }
0x64: {  	v26 =	vor.u32 v20, v35;
	v21 =	vld.idx.msk [tilespmem:v1+s14+$0x0], $0xffff;
	[tilespmem:$0x1FE00] =	vst v4;
	v4 =	vmul.f32 v8, v30  }
0x65: {  	[tilespmem:$0x1FE20] =	vst v1  }
0x66: {  	v37 =	vor.u32 v19, v35;
	[tilespmem:$0x1FE10] =	vst v4  }
0x67: {  	v11 =	vld.idx.msk [tilespmem:v1+s15+$0x0], $0xffff;
	v1 =	vmul.f32 v14, v30  }
0x68: {  	v41 =	vor.u32 v23, v28  }
0x69: {  	v57 =	vimm.f32 $0.0e+00;
	v23 =	vor.u32 v38, v34;
	v8 =	vld.idx.msk [tilespmem:v26+s17+$0x0], $0xffff;
	[tilespmem:$0x1FE30] =	vst v1;
	v1 =	vmul.f32 v22, v30  }
0x6a: {  	v56 =	vimm.f32 $0.0e+00;
	v49 =	vor.u32 v20, v0;
	v31 =	vor.u32 v18, v34;
	[tilespmem:$0x1FE40] =	vst v35  }
0x6b: {  	v55 =	vimm.f32 $0.0e+00;
	v48 =	vor.u32 v24, v35;
	v13 =	vld.idx.msk [tilespmem:v37+s17+$0x0], $0xffff;
	[tilespmem:$0x1FE50] =	vst v1;
	v1 =	vmul.f32 v3, v30  }
0x6c: {  	v50 =	vor.u32 v27, v28;
	v47 =	vor.u32 v38, v28;
	v62 =	vor.u32 v24, v28  }
0x6d: {  	v59 =	vor.u32 v20, v28;
	v61 =	vor.u32 v32, v28;
	v36 =	vor.u32 v19, v34;
	[tilespmem:$0x1FE60] =	vst v1  }
0x6e: {  	v46 =	vor.u32 v33, v34;
	v52 =	vmul.f32 v6, v30;
	v1 =	vmul.f32 v12, v30;
	v6 =	vld.idx.msk [tilespmem:v23+s17+$0x0], $0xffff  }
0x6f: {  	v63 =	vor.u32 v18, v35;
	v53 =	vmul.f32 v10, v29;
	v43 =	vor.u32 v20, v34;
	v51 =	vld.idx.msk [tilespmem:v31+s17+$0x0], $0xffff  }
0x70: {  	v10 =	vimm.f32 $0.0e+00;
	v0 =	vmul.f32 v9, v29;
	v39 =	vmul.f32 v7, v30;
	v7 =	vld.idx.msk [tilespmem:v48+s17+$0x0], $0xffff;
	[tilespmem:$0x1FE70] =	vst v1  }
0x71: {  	v2 =	vor.u32 v24, v34;
	v60 =	vor.u32 v25, v34;
	v9 =	vor.u32 v32, v34;
	v14 =	vld.idx.msk [tilespmem:v50+s17+$0x0], $0xffff  }
0x72: {  	v16 =	vor.u32 v27, v34;
	v32 =	vor.u32 v25, v28;
	v45 =	vmul.f32 v17, v29;
	v17 =	vld.idx.msk [tilespmem:v36+s17+$0x0], $0xffff  }
0x73: {  	v54 =	vmul.f32 v15, v30;
	v15 =	vimm.f32 $0.0e+00;
	v1 =	vimm.f32 $0.0e+00;
	v36 =	vld.idx.msk [tilespmem:v46+s17+$0x0], $0xffff  }
0x74: {  	v44 =	vmul.f32 v44, v30;
	v4 =	vor.u32 v19, v28;
	v23 =	vld.idx.msk [tilespmem:v43+s17+$0x0], $0xffff;
	[tilespmem:$0x1FE80] =	vst v1;
	v1 =	vimm.f32 $0.0e+00  }
0x75: {  	v3 =	vmul.f32 v5, v21;
	v5 =	vimm.f32 $0.0e+00;
	[tilespmem:$0x1FE90] =	vst v1;
	v1 =	vimm.f32 $0.0e+00  }
0x76: {  	s19 =	simm.s32 $0x4;
	s18 =	sshll.u32 s1, $0x1;
	v22 =	vmul.f32 v11, v21;
	v11 =	vimm.f32 $0.0e+00;
	v12 =	vimm.f32 $0.0e+00;
	v46 =	vmovc v24;
	v50 =	vmovc v27;
	[tilespmem:$0x1FEA0] =	vst v1  }
.LBB2_3:
0x77: {  	v60 =	vld.idx.msk [tilespmem:v60+s17+$0x0], $0xffff  }
0x78: {  	v38 =	vld [tilespmem:$0x1FFF0]  }
0x79: {  	v63 =	vld.idx.msk [tilespmem:v63+s17+$0x0], $0xffff  }
0x7a: {  	v18 =	vld.idx.msk [tilespmem:v16+s17+$0x0], $0xffff  }
0x7b: {  	v9 =	vld.idx.msk [tilespmem:v9+s17+$0x0], $0xffff  }
0x7c: {  	v40 =	vld [tilespmem:$0x1FF80]  }
0x7d: {  	v37 =	vld [tilespmem:$0x1FF00]  }
0x7e: {  	s11 =	sadd.s32 $0x3, s19;
	v49 =	vld.idx.msk [tilespmem:v49+s17+$0x0], $0xffff  }
0x7f: {  	v2 =	vld.idx.msk [tilespmem:v2+s17+$0x0], $0xffff;
	v34 =	vmov s11  }
0x80: {  	s31 =	sadd.s32 $0x2, s19;
	v1 =	vmul.f32 v42, v29;
	v43 =	vld [tilespmem:$0x1FEF0];
	v34 =	vand.u32 $0x3F, v34;
	v48 =	vmul.f32 v6, v21  }
0x81: {  	[tilespmem:$0x1FD40] =	vst v32;
	s21 =	smov.u32 s19;
	v23 =	vmul.f32 v23, v21;
	v6 =	vld [tilespmem:$0x1FF60];
	v42 =	vor.u32 v38, v28;
	v28 =	vmov s31  }
0x82: {  	s31 =	sadd.s32 $0x1, s21;
	v18 =	vmul.f32 v18, v21;
	v32 =	vadd.f32 v48, v10;
	v10 =	vadd.f32 v22, v12;
	v22 =	vld.idx.msk [tilespmem:v61+s17+$0x0], $0xffff  }
0x83: {  	v28 =	vand.u32 $0x3E, v28;
	v12 =	vmov s31;
	v48 =	vmul.f32 v36, v21;
	v36 =	vld.idx.msk [tilespmem:v4+s17+$0x0], $0xffff  }
0x84: {  	v11 =	vadd.f32 v23, v11;
	v23 =	vld.idx.msk [tilespmem:v41+s17+$0x0], $0xffff;
	v19 =	vbroadcast v28, $0x0;
	v28 =	vbroadcast v34, $0x0  }
0x85: {  	v4 =	vand.u32 $0x3D, v12;
	v18 =	vadd.f32 v18, v56;
	v56 =	vld.idx.msk [tilespmem:v59+s17+$0x0], $0xffff;
	v10 =	vadd.f32 v0, v10  }
0x86: {  	v58 =	vadd.f32 v58, v32;
	v4 =	vbroadcast v4, $0x0;
	v32 =	vor.u32 v40, v19;
	v0 =	vld.idx.msk [tilespmem:v42+s15+$0x0], $0xffff  }
0x87: {  	v61 =	vor.u32 v37, v28;
	v12 =	vld.idx.msk [tilespmem:v42+s14+$0x0], $0xffff  }
0x88: {  	v2 =	vmul.f32 v2, v21;
	v42 =	vor.u32 v33, v4;
	v26 =	vor.u32 v6, v4;
	v6 =	vld [tilespmem:$0x1FDA0]  }
0x89: {  	v8 =	vmul.f32 v8, v29;
	v34 =	vadd.f32 v48, v57;
	v48 =	vmovc v47;
	v47 =	vmov v44;
	v44 =	vld [tilespmem:$0x1FF30]  }
0x8a: {  	v2 =	vadd.f32 v2, v5;
	v5 =	vld [tilespmem:$0x1FE80]  }
0x8b: {  	v8 =	vadd.f32 v8, v11;
	v11 =	vmul.f32 v49, v30;
	v49 =	vor.u32 v38, v19;
	v59 =	vld.idx.msk [tilespmem:v32+s17+$0x0], $0xffff  }
0x8c: {  	v17 =	vmul.f32 v17, v21;
	v32 =	vld.idx.msk [tilespmem:v61+s17+$0x0], $0xffff  }
0x8d: {  	v9 =	vmul.f32 v9, v21;
	v31 =	vmul.f32 v6, v12;
	v6 =	vld.idx.msk [tilespmem:v42+s17+$0x0], $0xffff  }
0x8e: {  	v7 =	vmul.f32 v7, v29;
	v17 =	vadd.f32 v17, v55;
	v55 =	vor.u32 v44, v19;
	v42 =	vld.idx.msk [tilespmem:v26+s17+$0x0], $0xffff  }
0x8f: {  	v13 =	vmul.f32 v13, v29;
	v5 =	vadd.f32 v9, v5;
	v26 =	vld [tilespmem:$0x1FE90]  }
0x90: {  	v63 =	vmul.f32 v63, v29;
	v2 =	vadd.f32 v7, v2;
	v7 =	vld.idx.msk [tilespmem:v49+s15+$0x0], $0xffff  }
0x91: {  	v13 =	vadd.f32 v13, v17;
	v16 =	vor.u32 v25, v19;
	v5 =	vadd.f32 v53, v5;
	v53 =	vld [tilespmem:$0x1FF20]  }
0x92: {  	[tilespmem:$0x1FD50] =	vst v1;
	v1 =	vor.u32 v33, v19;
	v17 =	vor.u32 v37, v19;
	v27 =	vmul.f32 v14, v12;
	v14 =	vld [tilespmem:$0x1FF10]  }
0x93: {  	v30 =	vor.u32 v33, v28;
	v41 =	vor.u32 v40, v4;
	v8 =	vadd.f32 v11, v8;
	v55 =	vld.idx.msk [tilespmem:v55+s17+$0x0], $0xffff  }
0x94: {  	v57 =	vor.u32 v38, v4;
	v9 =	vadd.f32 v52, v13;
	v3 =	vadd.f32 v3, v26;
	v26 =	vld [tilespmem:$0x1FDD0]  }
0x95: {  	v29 =	vld [tilespmem:$0x1FDC0];
	[tilespmem:$0x1FDC0] =	vst v30;
	v20 =	vor.u32 v44, v28;
	v13 =	vmul.f32 v36, v12;
	v11 =	vmul.f32 v22, v12  }
0x96: {  	v30 =	vld.idx.msk [tilespmem:v49+s14+$0x0], $0xffff;
	v22 =	vor.u32 v43, v19;
	v5 =	vadd.f32 v39, v5;
	v39 =	vmul.f32 v0, v12  }
0x97: {  	[tilespmem:$0x1FD60] =	vst v7;
	v7 =	vor.u32 v50, v19;
	v49 =	vor.u32 v53, v19;
	v35 =	vor.u32 v14, v19  }
0x98: {  	v61 =	vld.idx.msk [tilespmem:v41+s17+$0x0], $0xffff;
	v0 =	vmovc v32;
	[tilespmem:$0x1FD70] =	vst v55;
	v55 =	vadd.f32 v13, v9;
	v13 =	vor.u32 v46, v19;
	v19 =	vmov s21  }
0x99: {  	[tilespmem:$0x1FDA0] =	vst v0;
	v18 =	vadd.f32 v26, v18;
	v26 =	vmul.f32 v56, v12;
	v56 =	vld [tilespmem:$0x1FEA0];
	v0 =	vand.u32 $0x3C, v19  }
0x9a: {  	v41 =	vmov v20;
	v20 =	vbroadcast v0, $0x0;
	v0 =	vld [tilespmem:$0x1FDE0]  }
0x9b: {  	v9 =	vor.u32 v50, v4  }
0x9c: {  	v60 =	vmul.f32 v60, v21;
	v21 =	vmul.f32 v51, v21  }
0x9d: {  	v29 =	vld.idx.msk [tilespmem:v29+s17+$0x0], $0xffff  }
0x9e: {  	v15 =	vadd.f32 v60, v15;
	v60 =	vld.idx.msk [tilespmem:v57+s14+$0x0], $0xffff;
	v21 =	vadd.f32 v21, v56  }
0x9f: {  	v36 =	vld.idx.msk [tilespmem:v57+s15+$0x0], $0xffff;
	v57 =	vadd.f32 v0, v34  }
0xa0: {  	v0 =	vadd.f32 v11, v5;
	v5 =	vadd.f32 v63, v21;
	v21 =	vld.idx.msk [tilespmem:v9+s17+$0x0], $0xffff  }
0xa1: {  	v9 =	vld [tilespmem:$0x1FE50];
	_ =	sdelay $0x4  }
0xa2: {  	v19 =	vadd.f32 v47, v2;
	v2 =	vmul.f32 v29, v12;
	v9 =	vadd.f32 v9, v57  }
0xa3: {  	v29 =	vmov v60;
	v60 =	vld [tilespmem:$0x1FE00]  }
0xa4: {  	v57 =	vadd.f32 v2, v9;
	v9 =	vld [tilespmem:$0x1FF60];
	_ =	sdelay $0x2  }
0xa5: {  	v3 =	vadd.f32 v45, v3  }
0xa6: {  	v23 =	vmul.f32 v23, v12  }
0xa7: {  	v3 =	vadd.f32 v54, v3;
	v5 =	vadd.f32 v60, v5;
	v60 =	vor.u32 v9, v20;
	v9 =	vld [tilespmem:$0x1FE60];
	_ =	sdelay $0x1  }
0xa8: {  	v62 =	vld.idx.msk [tilespmem:v62+s17+$0x0], $0xffff;
	v3 =	vadd.f32 v23, v3  }
0xa9: {  	v24 =	vor.u32 v43, v4;
	v17 =	vld.idx.msk [tilespmem:v17+s17+$0x0], $0xffff;
	v25 =	vor.u32 v44, v4  }
0xaa: {  	[tilespmem:$0x1FE90] =	vst v3;
	v3 =	vor.u32 v38, v20;
	v38 =	vor.u32 v44, v20;
	v44 =	vld.idx.msk [tilespmem:v16+s17+$0x0], $0xffff  }
0xab: {  	v5 =	vadd.f32 v31, v5;
	v31 =	vadd.f32 v9, v58;
	v9 =	vld [tilespmem:$0x1FD40]  }
0xac: {  	v16 =	vld [tilespmem:$0x1FE30]  }
0xad: {  	v1 =	vld.idx.msk [tilespmem:v1+s17+$0x0], $0xffff  }
0xae: {  	v24 =	vld.idx.msk [tilespmem:v24+s17+$0x0], $0xffff  }
0xaf: {  	v25 =	vld.idx.msk [tilespmem:v25+s17+$0x0], $0xffff  }
0xb0: {  	v7 =	vld.idx.msk [tilespmem:v7+s17+$0x0], $0xffff;
	v6 =	vmul.f32 v6, v29  }
0xb1: {  	v45 =	vld.idx.msk [tilespmem:v35+s17+$0x0], $0xffff;
	v23 =	vor.u32 v43, v20;
	v32 =	vor.u32 v37, v20;
	v16 =	vadd.f32 v16, v18  }
0xb2: {  	v11 =	vld.idx.msk [tilespmem:v48+s17+$0x0], $0xffff;
	v34 =	vor.u32 v53, v20;
	v48 =	vor.u32 v33, v20;
	[tilespmem:$0x1FE80] =	vst v0  }
0xb3: {  	v0 =	vmul.f32 v36, v29;
	v36 =	vor.u32 v14, v20;
	v56 =	vadd.f32 v27, v16;
	v63 =	vld.idx.msk [tilespmem:v9+s17+$0x0], $0xffff  }
0xb4: {  	v16 =	vor.u32 v50, v20;
	v2 =	vor.u32 v46, v20;
	v9 =	vor.u32 v40, v20;
	v20 =	vld.idx.msk [tilespmem:v22+s17+$0x0], $0xffff  }
0xb5: {  	[tilespmem:$0x1FDE0] =	vst v6;
	v6 =	vld [tilespmem:$0x1FE10];
	v18 =	vmul.f32 v21, v29  }
0xb6: {  	v54 =	vld.idx.msk [tilespmem:v13+s17+$0x0], $0xffff  }
0xb7: {  	v1 =	vmul.f32 v1, v30;
	[tilespmem:$0x1FDD0] =	vst v18;
	v18 =	vmul.f32 v11, v12;
	v11 =	vadd.f32 v26, v8;
	v8 =	vld [tilespmem:$0x1FD50]  }
0xb8: {  	v52 =	vmul.f32 v45, v30;
	v45 =	vmul.f32 v25, v29;
	v25 =	vld [tilespmem:$0x1FF60]  }
0xb9: {  	[tilespmem:$0x1FE50] =	vst v1;
	v35 =	vld.idx.msk [tilespmem:v3+s15+$0x0], $0xffff;
	v1 =	vmul.f32 v20, v30  }
0xba: {  	v21 =	vld.idx.msk [tilespmem:v3+s14+$0x0], $0xffff  }
0xbb: {  	v3 =	vmul.f32 v17, v30;
	[tilespmem:$0x1FE60] =	vst v1;
	v1 =	vld [tilespmem:$0x1FD60]  }
0xbc: {  	v13 =	vor.u32 v53, v4;
	v15 =	vadd.f32 v8, v15;
	v8 =	vld [tilespmem:$0x1FE70]  }
0xbd: {  	v26 =	vld.idx.msk [tilespmem:v38+s17+$0x0], $0xffff;
	[tilespmem:$0x1FE00] =	vst v3;
	v3 =	vmul.f32 v44, v30  }
0xbe: {  	v62 =	vmul.f32 v62, v12;
	v51 =	vld.idx.msk [tilespmem:v32+s17+$0x0], $0xffff;
	[tilespmem:$0x1FEA0] =	vst v5;
	v5 =	vor.u32 v14, v4  }
0xbf: {  	v38 =	vor.u32 v46, v4;
	v17 =	vld.idx.msk [tilespmem:v36+s17+$0x0], $0xffff;
	[tilespmem:$0x1FE10] =	vst v3;
	v3 =	vmul.f32 v7, v30  }
0xc0: {  	v47 =	vor.u32 v43, v28;
	v32 =	vor.u32 v25, v28;
	v36 =	vld.idx.msk [tilespmem:v48+s17+$0x0], $0xffff;
	v1 =	vmul.f32 v1, v30  }
0xc1: {  	v44 =	vmul.f32 v54, v30;
	[tilespmem:$0x1FE30] =	vst v3;
	v22 =	vadd.f32 v8, v10;
	v8 =	vld.idx.msk [tilespmem:v13+s17+$0x0], $0xffff  }
0xc2: {  	p0 =	slt.u32 s19, $0x3C;
	v3 =	vmul.f32 v26, v21;
	v10 =	vadd.f32 v18, v31;
	v18 =	vor.u32 v50, v28;
	[tilespmem:$0x1FE70] =	vst v1;
	v1 =	vld [tilespmem:$0x1FD70]  }
.Ltmp0:
0xc3: {  	v15 =	vadd.f32 v6, v15;
	v58 =	vmul.f32 v24, v29;
	v13 =	vld.idx.msk [tilespmem:v5+s17+$0x0], $0xffff;
	v5 =	vadd.f32 v62, v19;
	(pc) =	sbr.rel @p0 .LBB2_3-.Ltmp0, $4  }
0xc4: {  	v7 =	vld.idx.msk [tilespmem:v38+s17+$0x0], $0xffff;
	v62 =	vor.u32 v46, v28;
	v24 =	vmul.f32 v63, v12;
	v12 =	vadd.f32 v39, v22  }
0xc5: {  	v6 =	vld.idx.msk [tilespmem:v23+s17+$0x0], $0xffff;
	v39 =	vmul.f32 v59, v30;
	v63 =	vor.u32 v37, v4;
	v4 =	vor.u32 v14, v28  }
0xc6: {  	s22 =	sadd.s32 $0x4, s19;
	v23 =	vld.idx.msk [tilespmem:v34+s17+$0x0], $0xffff;
	v59 =	vor.u32 v53, v28;
	v53 =	vmul.f32 v61, v29;
	v61 =	vor.u32 v40, v28  }
0xc7: {  	s19 =	smov.u32 s22;
	v14 =	vld.idx.msk [tilespmem:v18+s17+$0x0], $0xffff;
	v22 =	vmul.f32 v35, v21;
	v15 =	vadd.f32 v24, v15;
	v54 =	vmul.f32 v1, v30  }
0xc8: {  	_ =	sdelay $0x3  }
0xc9: {  	v1 =	vld.idx.msk [tilespmem:v60+s17+$0x0], $0xffff  }
0xca: {  	v35 =	vld [tilespmem:$0x1FFF0]  }
0xcb: {  	v19 =	vld.idx.msk [tilespmem:v63+s17+$0x0], $0xffff  }
0xcc: {  	v16 =	vld.idx.msk [tilespmem:v16+s17+$0x0], $0xffff  }
0xcd: {  	v20 =	vld.idx.msk [tilespmem:v61+s17+$0x0], $0xffff  }
0xce: {  	v9 =	vld.idx.msk [tilespmem:v9+s17+$0x0], $0xffff  }
0xcf: {  	v24 =	vld.idx.msk [tilespmem:v49+s17+$0x0], $0xffff;
	v12 =	vadd.f32 v22, v12  }
0xd0: {  	v2 =	vld.idx.msk [tilespmem:v2+s17+$0x0], $0xffff  }
0xd1: {  	v25 =	vld.idx.msk [tilespmem:v62+s17+$0x0], $0xffff;
	v12 =	vadd.f32 v0, v12;
	v0 =	vmul.f32 v23, v21  }
0xd2: {  	v4 =	vld.idx.msk [tilespmem:v4+s17+$0x0], $0xffff  }
0xd3: {  	v11 =	vadd.f32 v0, v11;
	v0 =	vld [tilespmem:$0x1FD90]  }
0xd4: {  	v38 =	vld [tilespmem:$0x1FF90]  }
0xd5: {  	v17 =	vmul.f32 v17, v21;
	v43 =	vld [tilespmem:$0x1FEE0]  }
0xd6: {  	v26 =	vld.idx.msk [tilespmem:v59+s17+$0x0], $0xffff  }
0xd7: {  	v13 =	vmul.f32 v13, v29;
	v40 =	vld [tilespmem:$0x1FFE0];
	v17 =	vadd.f32 v17, v55  }
0xd8: {  	v8 =	vmul.f32 v8, v29;
	v37 =	vld [tilespmem:$0x1FE40];
	v0 =	vbroadcast v0, $0x0  }
0xd9: {  	v13 =	vadd.f32 v13, v17;
	v17 =	vld.idx.msk [tilespmem:v47+s17+$0x0], $0xffff;
	v18 =	vor.u32 v35, v28;
	v2 =	vmul.f32 v2, v21  }
0xda: {  	v8 =	vadd.f32 v8, v11;
	v11 =	vmul.f32 v24, v30;
	v30 =	vld [tilespmem:$0x1FDC0];
	v28 =	vor.u32 v43, v0  }
0xdb: {  	v47 =	vld [tilespmem:$0x1FFD0];
	v1 =	vmul.f32 v1, v21  }
0xdc: {  	v2 =	vadd.f32 v2, v5;
	v5 =	vld [tilespmem:$0x1FE80]  }
0xdd: {  	v1 =	vadd.f32 v1, v15;
	v15 =	vld.idx.msk [tilespmem:v41+s17+$0x0], $0xffff  }
0xde: {  	v23 =	vld.idx.msk [tilespmem:v18+s14+$0x0], $0xffff;
	v24 =	vor.u32 v38, v0  }
0xdf: {  	v9 =	vmul.f32 v9, v21;
	v28 =	vld.idx.msk [tilespmem:v28+s17+$0x0], $0xffff  }
0xe0: {  	v18 =	vld.idx.msk [tilespmem:v18+s15+$0x0], $0xffff  }
0xe1: {  	v5 =	vadd.f32 v9, v5;
	v9 =	vld.idx.msk [tilespmem:v32+s17+$0x0], $0xffff  }
0xe2: {  	v30 =	vld.idx.msk [tilespmem:v30+s17+$0x0], $0xffff  }
0xe3: {  	v55 =	vld.idx.msk [tilespmem:v24+s17+$0x0], $0xffff  }
0xe4: {  	v31 =	vor.u32 v40, v37;
	[tilespmem:$0x1FC00] =	vst v28;
	v28 =	vld [tilespmem:$0x1FE90];
	_ =	sdelay $0x1  }
0xe5: {  	v22 =	vmul.f32 v42, v29;
	v13 =	vadd.f32 v52, v13;
	v52 =	vld [tilespmem:$0x1FFC0];
	v4 =	vmul.f32 v4, v23  }
0xe6: {  	v27 =	vld [tilespmem:$0x1FDA0];
	v7 =	vmul.f32 v7, v29;
	v6 =	vmul.f32 v6, v21  }
0xe7: {  	s11 =	simm.s32 $0x2;
	v19 =	vmul.f32 v19, v29;
	v29 =	vor.u32 v47, v0;
	v4 =	vadd.f32 v4, v13;
	v13 =	vld [tilespmem:$0x1FDB0]  }
0xe8: {  	v33 =	vmov s11;
	v61 =	vor.u32 v43, v37;
	v3 =	vadd.f32 v3, v28;
	v28 =	vld.idx.msk [tilespmem:v31+s17+$0x0], $0xffff  }
0xe9: {  	v33 =	vand.u32 $0x3E, v33;
	v6 =	vadd.f32 v6, v10;
	v34 =	vor.u32 v38, v37;
	v31 =	vld [tilespmem:$0x1FDD0]  }
0xea: {  	v62 =	vld [tilespmem:$0x1FE50];
	v10 =	vmul.f32 v36, v21;
	v16 =	vmul.f32 v16, v21;
	v24 =	vor.u32 v52, v0  }
0xeb: {  	v46 =	vbroadcast v33, $0x0;
	v41 =	vld [tilespmem:$0x1FED0]  }
0xec: {  	v10 =	vadd.f32 v10, v57;
	v16 =	vadd.f32 v16, v56;
	v57 =	vld.idx.msk [tilespmem:v29+s17+$0x0], $0xffff  }
0xed: {  	v8 =	vadd.f32 v11, v8;
	v11 =	vmul.f32 v20, v23;
	v20 =	vld.idx.msk [tilespmem:v61+s17+$0x0], $0xffff;
	v29 =	vor.u32 v40, v46  }
0xee: {  	v32 =	vld.idx.msk [tilespmem:v34+s17+$0x0], $0xffff;
	v16 =	vadd.f32 v31, v16;
	v31 =	vor.u32 v47, v37  }
0xef: {  	v3 =	vadd.f32 v45, v3;
	v45 =	vld.idx.msk [tilespmem:v24+s17+$0x0], $0xffff  }
0xf0: {  	v2 =	vadd.f32 v7, v2;
	v7 =	vor.u32 v52, v46;
	v24 =	vld [tilespmem:$0x1FEA0];
	[tilespmem:$0x1FC10] =	vst v4  }
0xf1: {  	v33 =	vor.u32 v35, v46;
	v13 =	vld.idx.msk [tilespmem:v13+s14+$0x0], $0xffff  }
0xf2: {  	v5 =	vadd.f32 v53, v5;
	v29 =	vld.idx.msk [tilespmem:v29+s17+$0x0], $0xffff  }
0xf3: {  	v36 =	vld.idx.msk [tilespmem:v31+s17+$0x0], $0xffff  }
0xf4: {  	v5 =	vadd.f32 v39, v5;
	v31 =	vld [tilespmem:$0x1FDE0]  }
0xf5: {  	v15 =	vmul.f32 v15, v23;
	v7 =	vld.idx.msk [tilespmem:v7+s17+$0x0], $0xffff;
	v3 =	vadd.f32 v54, v3  }
0xf6: {  	v5 =	vadd.f32 v11, v5;
	v33 =	vld.idx.msk [tilespmem:v33+s14+$0x0], $0xffff  }
0xf7: {  	v21 =	vmul.f32 v51, v21;
	v4 =	vor.u32 v41, v37;
	v3 =	vadd.f32 v15, v3;
	v15 =	vld [tilespmem:$0x1FE30]  }
0xf8: {  	[tilespmem:$0x1FC20] =	vst v5;
	v5 =	vld [tilespmem:$0x1FE00]  }
0xf9: {  	v53 =	vld [tilespmem:$0x1FEB0];
	v21 =	vadd.f32 v21, v24;
	v10 =	vadd.f32 v31, v10  }
0xfa: {  	v30 =	vmul.f32 v30, v23;
	v54 =	vld [tilespmem:$0x1FFB0]  }
0xfb: {  	v24 =	vor.u32 v38, v46;
	v19 =	vadd.f32 v19, v21;
	v10 =	vadd.f32 v62, v10  }
0xfc: {  	v27 =	vmul.f32 v27, v23;
	v14 =	vmul.f32 v14, v23;
	v4 =	vld.idx.msk [tilespmem:v4+s17+$0x0], $0xffff;
	v15 =	vadd.f32 v15, v16  }
0xfd: {  	v48 =	vld [tilespmem:$0x1FFA0];
	[tilespmem:$0x1FC30] =	vst v3;
	v31 =	vor.u32 v47, v46;
	v5 =	vadd.f32 v5, v19;
	v3 =	vadd.f32 v30, v10  }
0xfe: {  	v2 =	vadd.f32 v44, v2;
	v44 =	vld [tilespmem:$0x1FEC0];
	v26 =	vmul.f32 v26, v23;
	v21 =	vor.u32 v53, v37  }
0xff: {  	v63 =	vor.u32 v54, v37;
	v14 =	vadd.f32 v14, v15;
	v15 =	vld [tilespmem:$0x1FE10];
	v5 =	vadd.f32 v27, v5;
	[tilespmem:$0x1FC40] =	vst v3  }
0x100: {  	v10 =	vld.idx.msk [tilespmem:v24+s17+$0x0], $0xffff  }
0x101: {  	v8 =	vadd.f32 v26, v8;
	[tilespmem:$0x1FC50] =	vst v5;
	v5 =	vld [tilespmem:$0x1FE60]  }
0x102: {  	v39 =	vld.idx.msk [tilespmem:v31+s17+$0x0], $0xffff  }
0x103: {  	v16 =	vmul.f32 v17, v23;
	v17 =	vld.idx.msk [tilespmem:v21+s17+$0x0], $0xffff;
	[tilespmem:$0x1FC60] =	vst v8  }
0x104: {  	v21 =	vld.idx.msk [tilespmem:v63+s17+$0x0], $0xffff  }
0x105: {  	v3 =	vor.u32 v44, v0;
	[tilespmem:$0x1FC70] =	vst v14;
	v14 =	vld [tilespmem:$0x1FE70]  }
0x106: {  	v6 =	vadd.f32 v58, v6  }
0x107: {  	v1 =	vadd.f32 v22, v1;
	v11 =	vor.u32 v48, v37  }
0x108: {  	v25 =	vmul.f32 v25, v23;
	v5 =	vadd.f32 v5, v6  }
0x109: {  	v22 =	vld [tilespmem:$0x1FDF0];
	v18 =	vmul.f32 v18, v23;
	v9 =	vmul.f32 v9, v23;
	v1 =	vadd.f32 v15, v1  }
0x10a: {  	v61 =	vld.idx.msk [tilespmem:v3+s17+$0x0], $0xffff;
	v6 =	vor.u32 v41, v0;
	v12 =	vadd.f32 v14, v12;
	v3 =	vadd.f32 v16, v5  }
0x10b: {  	v2 =	vadd.f32 v25, v2;
	v19 =	vor.u32 v54, v0;
	v1 =	vadd.f32 v9, v1  }
0x10c: {  	v8 =	vor.u32 v40, v0;
	v11 =	vld.idx.msk [tilespmem:v11+s17+$0x0], $0xffff;
	[tilespmem:$0x1FC80] =	vst v3;
	v3 =	vadd.f32 v18, v12  }
0x10d: {  	v24 =	vor.u32 v48, v46;
	v14 =	vor.u32 v35, v0;
	v12 =	vmul.f32 v29, v33  }
0x10e: {  	v29 =	vor.u32 v48, v22;
	[tilespmem:$0x1FC90] =	vst v3;
	v3 =	vor.u32 v48, v0;
	v48 =	vmul.f32 v7, v33;
	v7 =	vld [tilespmem:$0x1FE20]  }
0x10f: {  	v15 =	vor.u32 v44, v37;
	v58 =	vld.idx.msk [tilespmem:v6+s17+$0x0], $0xffff;
	[tilespmem:$0x1FCA0] =	vst v2  }
0x110: {  	v9 =	vor.u32 v40, v22;
	[tilespmem:$0x1FCB0] =	vst v1  }
0x111: {  	v5 =	vld.idx.msk [tilespmem:v8+s17+$0x0], $0xffff  }
0x112: {  	v50 =	vld.idx.msk [tilespmem:v14+s14+$0x0], $0xffff  }
0x113: {  	v1 =	vor.u32 v52, v37;
	v2 =	vld.idx.msk [tilespmem:v19+s17+$0x0], $0xffff;
	[tilespmem:$0x1FCC0] =	vst v12  }
0x114: {  	v8 =	vor.u32 v38, v22;
	v14 =	vld.idx.msk [tilespmem:v15+s17+$0x0], $0xffff  }
0x115: {  	v18 =	vld.idx.msk [tilespmem:v9+s17+$0x0], $0xffff  }
0x116: {  	v40 =	vld.idx.msk [tilespmem:v7+s14+$0x0], $0xffff;
	v7 =	vmul.f32 v28, v13  }
0x117: {  	v23 =	vor.u32 v53, v0;
	v19 =	vor.u32 v47, v22;
	v31 =	vld.idx.msk [tilespmem:v3+s17+$0x0], $0xffff;
	v0 =	vmul.f32 v5, v50  }
0x118: {  	v63 =	vmul.f32 v11, v13;
	v1 =	vld.idx.msk [tilespmem:v1+s17+$0x0], $0xffff;
	[tilespmem:$0x1FCD0] =	vst v7  }
0x119: {  	v3 =	vor.u32 v41, v22;
	v11 =	vld.idx.msk [tilespmem:v8+s17+$0x0], $0xffff;
	[tilespmem:$0x1FCE0] =	vst v0;
	v0 =	vmul.f32 v14, v13  }
0x11a: {  	v60 =	vimm.f32 $0.0e+00;
	v42 =	vimm.f32 $0.0e+00;
	v12 =	vor.u32 v54, v22  }
0x11b: {  	v26 =	vor.u32 v44, v22;
	v15 =	vor.u32 v52, v22;
	[tilespmem:$0x1FCF0] =	vst v0;
	v0 =	vmul.f32 v4, v13  }
0x11c: {  	v49 =	vmul.f32 v17, v13;
	v17 =	vor.u32 v53, v22;
	v27 =	vld.idx.msk [tilespmem:v19+s17+$0x0], $0xffff;
	v19 =	vmul.f32 v45, v50  }
0x11d: {  	v6 =	vor.u32 v44, v46;
	v45 =	vmul.f32 v1, v13;
	v1 =	vmul.f32 v57, v50;
	[tilespmem:$0x1FD00] =	vst v0  }
0x11e: {  	v56 =	vmul.f32 v20, v13;
	v62 =	vimm.f32 $0.0e+00;
	v16 =	vor.u32 v53, v46;
	v47 =	vld.idx.msk [tilespmem:v3+s17+$0x0], $0xffff  }
0x11f: {  	v30 =	vimm.f32 $0.0e+00;
	v10 =	vmul.f32 v10, v33;
	v35 =	vor.u32 v43, v46;
	v14 =	vld.idx.msk [tilespmem:v12+s17+$0x0], $0xffff;
	[tilespmem:$0x1FD10] =	vst v1  }
0x120: {  	v25 =	vmul.f32 v21, v13;
	v53 =	vor.u32 v41, v46;
	v21 =	vimm.f32 $0.0e+00;
	v12 =	vld.idx.msk [tilespmem:v15+s17+$0x0], $0xffff  }
0x121: {  	v52 =	vmul.f32 v36, v13;
	v9 =	vor.u32 v43, v22;
	v22 =	vimm.f32 $0.0e+00;
	v3 =	vld.idx.msk [tilespmem:v17+s17+$0x0], $0xffff  }
0x122: {  	v5 =	vmul.f32 v18, v40;
	v18 =	vmul.f32 v55, v50;
	v1 =	vimm.f32 $0.0e+00;
	v55 =	vld.idx.msk [tilespmem:v6+s17+$0x0], $0xffff  }
0x123: {  	v51 =	vmul.f32 v2, v50;
	v28 =	vmul.f32 v32, v13;
	v2 =	vld.idx.msk [tilespmem:v16+s17+$0x0], $0xffff;
	[tilespmem:$0x1FD20] =	vst v1;
	v1 =	vimm.f32 $0.0e+00  }
0x124: {  	s19 =	simm.s32 $0x4;
	v4 =	vimm.f32 $0.0e+00;
	v57 =	vimm.f32 $0.0e+00;
	v0 =	vor.u32 v54, v46;
	[tilespmem:$0x1FD30] =	vst v1  }
.LBB2_5:
0x125: {  	v1 =	vld.idx.msk [tilespmem:v29+s17+$0x0], $0xffff  }
0x126: {  	v17 =	vld.idx.msk [tilespmem:v24+s17+$0x0], $0xffff  }
0x127: {  	[tilespmem:$0x1FB80] =	vst v48;
	s11 =	sadd.s32 $0x3, s19;
	v54 =	vld [tilespmem:$0x1FEE0];
	v6 =	vmov v10  }
0x128: {  	v48 =	vld [tilespmem:$0x1FFD0];
	[tilespmem:$0x1FBA0] =	vst v6;
	v6 =	vmov s11  }
0x129: {  	v7 =	vmul.f32 v61, v50;
	v20 =	vld.idx.msk [tilespmem:v26+s17+$0x0], $0xffff;
	v13 =	vand.u32 $0x3F, v6  }
0x12a: {  	v10 =	vmul.f32 v12, v40;
	v12 =	vld.idx.msk [tilespmem:v9+s17+$0x0], $0xffff;
	v9 =	vbroadcast v13, $0x0  }
0x12b: {  	v0 =	vld.idx.msk [tilespmem:v0+s17+$0x0], $0xffff  }
0x12c: {  	s21 =	smov.u32 s19;
	[tilespmem:$0x1FB90] =	vst v7;
	v7 =	vld [tilespmem:$0x1FC00];
	v29 =	vor.u32 v54, v9  }
0x12d: {  	v46 =	vld [tilespmem:$0x1FFC0];
	s22 =	sadd.s32 $0x1, s21;
	v43 =	vor.u32 v48, v9  }
0x12e: {  	[tilespmem:$0x1FBC0] =	vst v18;
	v32 =	vld [tilespmem:$0x1FFF0];
	v18 =	vmov s22  }
0x12f: {  	v16 =	vmul.f32 v14, v40;
	v13 =	vand.u32 $0x3D, v18;
	v18 =	vld.idx.msk [tilespmem:v23+s17+$0x0], $0xffff  }
0x130: {  	[tilespmem:$0x1FBB0] =	vst v19;
	v19 =	vmul.f32 v11, v40;
	v11 =	vadd.f32 v5, v42;
	v5 =	vmov v45;
	v45 =	vld [tilespmem:$0x1FF90]  }
0x131: {  	v23 =	vbroadcast v13, $0x0;
	v14 =	vmul.f32 v7, v50;
	v7 =	vld.idx.msk [tilespmem:v29+s17+$0x0], $0xffff  }
0x132: {  	v15 =	vmul.f32 v31, v50;
	v29 =	vmul.f32 v2, v33;
	v2 =	vld.idx.msk [tilespmem:v43+s17+$0x0], $0xffff  }
0x133: {  	v31 =	vld.idx.msk [tilespmem:v53+s17+$0x0], $0xffff;
	v6 =	vmul.f32 v58, v50;
	v24 =	vmul.f32 v27, v40;
	v58 =	vor.u32 v32, v23  }
0x134: {  	v53 =	vld [tilespmem:$0x1FFE0];
	s31 =	sadd.s32 $0x2, s21;
	v59 =	vmul.f32 v3, v40;
	v3 =	vmul.f32 v12, v40  }
0x135: {  	v26 =	vmov s31;
	v22 =	vadd.f32 v24, v22;
	v24 =	vld.idx.msk [tilespmem:v35+s17+$0x0], $0xffff;
	v13 =	vor.u32 v45, v9  }
0x136: {  	[tilespmem:$0x1FBE0] =	vst v6;
	v12 =	vadd.f32 v16, v30;
	v16 =	vand.u32 $0x3E, v26;
	v26 =	vadd.f32 v3, v62;
	v3 =	vld [tilespmem:$0x1FFB0]  }
0x137: {  	v6 =	vmul.f32 v55, v33;
	v34 =	vor.u32 v46, v9;
	[tilespmem:$0x1FBD0] =	vst v2;
	v2 =	vld [tilespmem:$0x1FEB0]  }
0x138: {  	v0 =	vmul.f32 v0, v33;
	v37 =	vbroadcast v16, $0x0;
	v25 =	vadd.f32 v25, v12;
	v16 =	vld.idx.msk [tilespmem:v58+s14+$0x0], $0xffff  }
0x139: {  	v35 =	vor.u32 v45, v23;
	v58 =	vld [tilespmem:$0x1FFA0]  }
0x13a: {  	[tilespmem:$0x1FB70] =	vst v6;
	v25 =	vadd.f32 v0, v25;
	v0 =	vor.u32 v48, v37;
	v6 =	vld.idx.msk [tilespmem:v13+s17+$0x0], $0xffff  }
0x13b: {  	v38 =	vor.u32 v53, v23  }
0x13c: {  	v42 =	vor.u32 v46, v23;
	v62 =	vmul.f32 v17, v33;
	v17 =	vld.idx.msk [tilespmem:v34+s17+$0x0], $0xffff;
	v34 =	vor.u32 v2, v23  }
0x13d: {  	v61 =	vor.u32 v54, v23;
	v8 =	vor.u32 v44, v23;
	v18 =	vmul.f32 v18, v50  }
0x13e: {  	v50 =	vadd.f32 v59, v57;
	v26 =	vadd.f32 v56, v26;
	v55 =	vld.idx.msk [tilespmem:v35+s17+$0x0], $0xffff;
	v35 =	vor.u32 v41, v23  }
0x13f: {  	v57 =	vor.u32 v3, v23;
	v56 =	vor.u32 v58, v23;
	v59 =	vld.idx.msk [tilespmem:v0+s17+$0x0], $0xffff;
	[tilespmem:$0x1FBF0] =	vst v6  }
0x140: {  	v6 =	vld.idx.msk [tilespmem:v38+s17+$0x0], $0xffff;
	v38 =	vor.u32 v48, v23;
	v23 =	vadd.f32 v49, v50;
	v49 =	vor.u32 v58, v9  }
0x141: {  	v0 =	vld.idx.msk [tilespmem:v34+s17+$0x0], $0xffff;
	_ =	sdelay $0x1  }
0x142: {  	v12 =	vmul.f32 v31, v33;
	v31 =	vmul.f32 v24, v33;
	_ =	sdelay $0x1  }
0x143: {  	v26 =	vadd.f32 v31, v26;
	v31 =	vld.idx.msk [tilespmem:v49+s17+$0x0], $0xffff  }
0x144: {  	v49 =	vmul.f32 v0, v16;
	v0 =	vld [tilespmem:$0x1FCD0]  }
0x145: {  	v24 =	vor.u32 v46, v37  }
0x146: {  	v1 =	vmul.f32 v1, v40;
	_ =	sdelay $0x1  }
0x147: {  	v1 =	vadd.f32 v1, v21  }
0x148: {  	v27 =	vor.u32 v41, v9;
	v4 =	vadd.f32 v19, v4;
	v11 =	vadd.f32 v0, v11;
	v0 =	vld [tilespmem:$0x1FED0]  }
0x149: {  	v30 =	vmul.f32 v39, v33;
	v1 =	vadd.f32 v63, v1;
	v21 =	vld.idx.msk [tilespmem:v24+s17+$0x0], $0xffff;
	v24 =	vmov s21  }
0x14a: {  	v43 =	vor.u32 v53, v37;
	v23 =	vadd.f32 v29, v23;
	v29 =	vand.u32 $0x3C, v24  }
0x14b: {  	v4 =	vadd.f32 v28, v4;
	v33 =	vor.u32 v32, v37;
	v28 =	vbroadcast v29, $0x0  }
0x14c: {  	v39 =	vor.u32 v45, v37;
	v1 =	vadd.f32 v62, v1;
	v41 =	vor.u32 v53, v9  }
0x14d: {  	v62 =	vadd.f32 v14, v26;
	v14 =	vor.u32 v53, v28;
	v53 =	vor.u32 v0, v37;
	v0 =	vld [tilespmem:$0x1FD20]  }
0x14e: {  	v36 =	vld.idx.msk [tilespmem:v61+s17+$0x0], $0xffff  }
0x14f: {  	v61 =	vld.idx.msk [tilespmem:v43+s17+$0x0], $0xffff  }
0x150: {  	v20 =	vmul.f32 v20, v40;
	v33 =	vld.idx.msk [tilespmem:v33+s14+$0x0], $0xffff  }
0x151: {  	v63 =	vld.idx.msk [tilespmem:v39+s17+$0x0], $0xffff  }
0x152: {  	v60 =	vadd.f32 v10, v60;
	v10 =	vadd.f32 v20, v0;
	v20 =	vld [tilespmem:$0x1FD10]  }
0x153: {  	v22 =	vadd.f32 v52, v22;
	v19 =	vld.idx.msk [tilespmem:v35+s17+$0x0], $0xffff;
	v35 =	vor.u32 v44, v9  }
0x154: {  	v39 =	vld.idx.msk [tilespmem:v57+s17+$0x0], $0xffff;
	v50 =	vor.u32 v32, v9;
	v57 =	vadd.f32 v18, v23  }
0x155: {  	v23 =	vor.u32 v2, v9;
	v34 =	vor.u32 v3, v9;
	v9 =	vadd.f32 v30, v22;
	_ =	sdelay $0x1  }
0x156: {  	v22 =	vadd.f32 v20, v9;
	v20 =	vld [tilespmem:$0x1FCF0]  }
0x157: {  	v40 =	vmul.f32 v47, v40;
	v47 =	vor.u32 v32, v28;
	v32 =	vmul.f32 v61, v33;
	v61 =	vld.idx.msk [tilespmem:v35+s17+$0x0], $0xffff  }
0x158: {  	v43 =	vor.u32 v2, v37;
	v35 =	vor.u32 v2, v28;
	v2 =	vld [tilespmem:$0x1FB70];
	_ =	sdelay $0x1  }
0x159: {  	v8 =	vld.idx.msk [tilespmem:v8+s17+$0x0], $0xffff;
	v13 =	vor.u32 v54, v37  }
0x15a: {  	[tilespmem:$0x1FC00] =	vst v7;
	v7 =	vor.u32 v44, v37;
	v44 =	vld.idx.msk [tilespmem:v56+s17+$0x0], $0xffff;
	v20 =	vadd.f32 v20, v10  }
0x15b: {  	v24 =	vor.u32 v58, v37;
	v18 =	vor.u32 v46, v28;
	v46 =	vmul.f32 v21, v33;
	v21 =	vld [tilespmem:$0x1FED0]  }
0x15c: {  	v0 =	vor.u32 v3, v37;
	v37 =	vadd.f32 v5, v60;
	v5 =	vadd.f32 v2, v20;
	v2 =	vld [tilespmem:$0x1FB80]  }
0x15d: {  	v29 =	vor.u32 v58, v28;
	v58 =	vld.idx.msk [tilespmem:v27+s17+$0x0], $0xffff  }
0x15e: {  	v50 =	vld.idx.msk [tilespmem:v50+s14+$0x0], $0xffff  }
0x15f: {  	v52 =	vor.u32 v45, v28;
	v30 =	vadd.f32 v51, v25;
	v25 =	vld [tilespmem:$0x1FCC0]  }
0x160: {  	v27 =	vor.u32 v48, v28;
	v48 =	vor.u32 v21, v28;
	v21 =	vadd.f32 v15, v1;
	v1 =	vld.idx.msk [tilespmem:v42+s17+$0x0], $0xffff  }
0x161: {  	v45 =	vor.u32 v3, v28;
	v15 =	vld.idx.msk [tilespmem:v34+s17+$0x0], $0xffff;
	v20 =	vadd.f32 v2, v37;
	v2 =	vmul.f32 v6, v16  }
0x162: {  	v9 =	vld [tilespmem:$0x1FEC0]  }
0x163: {  	[tilespmem:$0x1FCD0] =	vst v2;
	v2 =	vld [tilespmem:$0x1FB90]  }
0x164: {  	v34 =	vld.idx.msk [tilespmem:v41+s17+$0x0], $0xffff  }
0x165: {  	v56 =	vmul.f32 v36, v16;
	v36 =	vld.idx.msk [tilespmem:v14+s17+$0x0], $0xffff  }
0x166: {  	v14 =	vld.idx.msk [tilespmem:v45+s17+$0x0], $0xffff  }
0x167: {  	v45 =	vmul.f32 v1, v16;
	v1 =	vld [tilespmem:$0x1FBD0]  }
0x168: {  	v26 =	vor.u32 v9, v28;
	v9 =	vld [tilespmem:$0x1FD30];
	v2 =	vadd.f32 v2, v5  }
0x169: {  	v3 =	vld [tilespmem:$0x1FCE0]  }
0x16a: {  	v51 =	vadd.f32 v25, v11;
	v25 =	vld [tilespmem:$0x1FD00];
	[tilespmem:$0x1FD20] =	vst v2;
	v2 =	vmul.f32 v8, v16;
	_ =	sdelay $0x1  }
0x16b: {  	v1 =	vmul.f32 v1, v50;
	[tilespmem:$0x1FCF0] =	vst v2;
	v2 =	vld [tilespmem:$0x1FBA0]  }
0x16c: {  	v38 =	vld.idx.msk [tilespmem:v38+s17+$0x0], $0xffff;
	v9 =	vadd.f32 v40, v9  }
0x16d: {  	[tilespmem:$0x1FD10] =	vst v1;
	v1 =	vld [tilespmem:$0x1FBE0];
	v42 =	vadd.f32 v3, v51;
	v3 =	vmul.f32 v34, v50  }
0x16e: {  	v27 =	vld.idx.msk [tilespmem:v27+s17+$0x0], $0xffff;
	v9 =	vadd.f32 v25, v9  }
0x16f: {  	v41 =	vld [tilespmem:$0x1FED0];
	[tilespmem:$0x1FCE0] =	vst v3;
	v3 =	vmul.f32 v19, v16  }
0x170: {  	v25 =	vmul.f32 v39, v16;
	v39 =	vmovc v59;
	v59 =	vadd.f32 v12, v9;
	v4 =	vadd.f32 v2, v4;
	v2 =	vld [tilespmem:$0x1FBB0]  }
0x171: {  	v11 =	vld.idx.msk [tilespmem:v52+s17+$0x0], $0xffff  }
0x172: {  	[tilespmem:$0x1FD00] =	vst v3;
	v3 =	vld.idx.msk [tilespmem:v35+s17+$0x0], $0xffff;
	v1 =	vadd.f32 v1, v59  }
0x173: {  	v40 =	vld.idx.msk [tilespmem:v47+s14+$0x0], $0xffff  }
0x174: {  	[tilespmem:$0x1FD30] =	vst v1;
	v1 =	vld [tilespmem:$0x1FBF0]  }
0x175: {  	p0 =	slt.u32 s19, $0x3C;
	v60 =	vadd.f32 v2, v20;
	v2 =	vld [tilespmem:$0x1FBC0]  }
.Ltmp1:
0x176: {  	v10 =	vmul.f32 v63, v33;
	v63 =	vmul.f32 v44, v16;
	v44 =	vld [tilespmem:$0x1FEC0];
	(pc) =	sbr.rel @p0 .LBB2_5-.Ltmp1, $4  }
0x177: {  	v52 =	vmul.f32 v38, v16;
	v47 =	vld.idx.msk [tilespmem:v48+s17+$0x0], $0xffff  }
0x178: {  	v51 =	vmul.f32 v15, v50;
	v19 =	vmul.f32 v17, v50;
	v12 =	vld.idx.msk [tilespmem:v18+s17+$0x0], $0xffff;
	v9 =	vor.u32 v54, v28  }
0x179: {  	v35 =	vmovc v13;
	v28 =	vmul.f32 v55, v16;
	v55 =	vld.idx.msk [tilespmem:v7+s17+$0x0], $0xffff;
	v18 =	vmul.f32 v1, v50;
	v1 =	vmov v32  }
0x17a: {  	s19 =	sadd.s32 $0x4, s19;
	v48 =	vmov v46;
	v5 =	vmul.f32 v36, v40;
	[tilespmem:$0x1FCC0] =	vst v1;
	v4 =	vadd.f32 v2, v4;
	v2 =	vld.idx.msk [tilespmem:v43+s17+$0x0], $0xffff  }
0x17b: {  	v1 =	vld [tilespmem:$0x1FC90];
	_ =	sdelay $0x4  }
0x17c: {  	v1 =	vsub.f32 $0.0e+00, v1;
	_ =	sdelay $0x1  }
0x17d: {  	[tilespmem:$0x1F9A0] =	vst v1;
	v1 =	vand.u32 $0x7FFFFFFF, v1  }
0x17e: {  	v1 =	vsub.f32 $0.0e+00, v1;
	_ =	sdelay $0x1  }
0x17f: {  	v1 =	vmul.f32 $1.442695020e+00, v1;
	_ =	sdelay $0x1  }
0x180: {  	(erf) = vpow2.f32 v1;
	_ =	sdelay $0x2  }
0x181: {  	v38 =	vld [tilespmem:$0x1FC80];
	_ =	sdelay $0x4  }
0x182: {  	v1 =	vand.u32 $0x7FFFFFFF, v38  }
0x183: {  	v1 =	vsub.f32 $0.0e+00, v1;
	v6 =	vpop (erf)  }
0x184: {  	v7 =	vadd.f32 $2.000000000e+00, v6  }
0x185: {  	v1 =	vmul.f32 $1.442695020e+00, v1  }
0x186: {  	(erf) = vrcp.f32 v7  }
0x187: {  	(erf) = vpow2.f32 v1;
	_ =	sdelay $0x5  }
0x188: {  	v54 =	vld [tilespmem:$0x1FC50];
	_ =	sdelay $0x1  }
0x189: {  	v16 =	vpop (erf)  }
0x18a: {  	v7 =	vpop (erf)  }
0x18b: {  	v8 =	vadd.f32 $2.000000000e+00, v7  }
0x18c: {  	v1 =	vand.u32 $0x7FFFFFFF, v54  }
0x18d: {  	v1 =	vsub.f32 $0.0e+00, v1;
	(erf) = vrcp.f32 v8;
	_ =	sdelay $0x1  }
0x18e: {  	v1 =	vmul.f32 $1.442695020e+00, v1;
	_ =	sdelay $0x1  }
0x18f: {  	(erf) = vpow2.f32 v1  }
0x190: {  	v44 =	vld [tilespmem:$0x1FC10];
	_ =	sdelay $0x3  }
0x191: {  	v1 =	vpop (erf)  }
0x192: {  	[tilespmem:$0x1F960] =	vst v1;
	v1 =	vand.u32 $0x7FFFFFFF, v44;
	_ =	sdelay $0x2  }
0x193: {  	v8 =	vsub.f32 $0.0e+00, v1;
	v1 =	vpop (erf)  }
0x194: {  	v13 =	vadd.f32 $2.000000000e+00, v1;
	_ =	sdelay $0x1  }
0x195: {  	v8 =	vmul.f32 $1.442695020e+00, v8;
	(erf) = vrcp.f32 v13;
	_ =	sdelay $0x1  }
0x196: {  	(erf) = vpow2.f32 v8;
	_ =	sdelay $0x2  }
0x197: {  	v46 =	vld [tilespmem:$0x1FC60];
	_ =	sdelay $0x3  }
0x198: {  	v8 =	vpop (erf)  }
0x199: {  	[tilespmem:$0x1F970] =	vst v8;
	v8 =	vand.u32 $0x7FFFFFFF, v46  }
0x19a: {  	v13 =	vpop (erf);
	v8 =	vsub.f32 $0.0e+00, v8  }
0x19b: {  	v15 =	vadd.f32 $2.000000000e+00, v13  }
0x19c: {  	v8 =	vmul.f32 $1.442695020e+00, v8  }
0x19d: {  	(erf) = vrcp.f32 v15  }
0x19e: {  	(erf) = vpow2.f32 v8;
	_ =	sdelay $0x3  }
0x19f: {  	v20 =	vld [tilespmem:$0x1FC30];
	_ =	sdelay $0x3  }
0x1a0: {  	v8 =	vpop (erf)  }
0x1a1: {  	[tilespmem:$0x1F980] =	vst v8;
	v8 =	vand.u32 $0x7FFFFFFF, v20;
	v15 =	vpop (erf)  }
0x1a2: {  	v8 =	vsub.f32 $0.0e+00, v8;
	v17 =	vadd.f32 $2.000000000e+00, v15;
	_ =	sdelay $0x1  }
0x1a3: {  	v8 =	vmul.f32 $1.442695020e+00, v8;
	(erf) = vrcp.f32 v17;
	_ =	sdelay $0x1  }
0x1a4: {  	(erf) = vpow2.f32 v8;
	_ =	sdelay $0x2  }
0x1a5: {  	v37 =	vld [tilespmem:$0x1FC40];
	_ =	sdelay $0x3  }
0x1a6: {  	v8 =	vpop (erf)  }
0x1a7: {  	[tilespmem:$0x1F990] =	vst v8;
	v8 =	vand.u32 $0x7FFFFFFF, v37  }
0x1a8: {  	v32 =	vpop (erf);
	v8 =	vsub.f32 $0.0e+00, v8  }
0x1a9: {  	v17 =	vadd.f32 $2.000000000e+00, v32  }
0x1aa: {  	v8 =	vmul.f32 $1.442695020e+00, v8  }
0x1ab: {  	(erf) = vrcp.f32 v17  }
0x1ac: {  	(erf) = vpow2.f32 v8;
	_ =	sdelay $0x3  }
0x1ad: {  	v41 =	vld [tilespmem:$0x1FCA0];
	_ =	sdelay $0x3  }
0x1ae: {  	v8 =	vpop (erf)  }
0x1af: {  	[tilespmem:$0x1F9B0] =	vst v8;
	v8 =	vand.u32 $0x7FFFFFFF, v41;
	v59 =	vpop (erf)  }
0x1b0: {  	v8 =	vsub.f32 $0.0e+00, v8;
	v17 =	vadd.f32 $2.000000000e+00, v59;
	_ =	sdelay $0x1  }
0x1b1: {  	v8 =	vmul.f32 $1.442695020e+00, v8;
	(erf) = vrcp.f32 v17;
	_ =	sdelay $0x1  }
0x1b2: {  	(erf) = vpow2.f32 v8;
	_ =	sdelay $0x2  }
0x1b3: {  	v36 =	vld [tilespmem:$0x1FCB0];
	_ =	sdelay $0x3  }
0x1b4: {  	v8 =	vpop (erf)  }
0x1b5: {  	[tilespmem:$0x1F9C0] =	vst v8;
	v8 =	vand.u32 $0x7FFFFFFF, v36  }
0x1b6: {  	v17 =	vpop (erf);
	v8 =	vsub.f32 $0.0e+00, v8  }
0x1b7: {  	[tilespmem:$0x1F9E0] =	vst v17;
	v17 =	vadd.f32 $2.000000000e+00, v17  }
0x1b8: {  	v8 =	vmul.f32 $1.442695020e+00, v8  }
0x1b9: {  	(erf) = vrcp.f32 v17  }
0x1ba: {  	(erf) = vpow2.f32 v8;
	_ =	sdelay $0x3  }
0x1bb: {  	v34 =	vld [tilespmem:$0x1FC70];
	_ =	sdelay $0x3  }
0x1bc: {  	v8 =	vpop (erf)  }
0x1bd: {  	[tilespmem:$0x1F9D0] =	vst v8;
	v8 =	vand.u32 $0x7FFFFFFF, v34;
	v17 =	vpop (erf)  }
0x1be: {  	v8 =	vsub.f32 $0.0e+00, v8;
	[tilespmem:$0x1F9F0] =	vst v17;
	v17 =	vadd.f32 $2.000000000e+00, v17;
	_ =	sdelay $0x1  }
0x1bf: {  	v8 =	vmul.f32 $1.442695020e+00, v8;
	(erf) = vrcp.f32 v17;
	_ =	sdelay $0x1  }
0x1c0: {  	(erf) = vpow2.f32 v8;
	_ =	sdelay $0x2  }
0x1c1: {  	v43 =	vld [tilespmem:$0x1FC20];
	_ =	sdelay $0x3  }
0x1c2: {  	v8 =	vpop (erf)  }
0x1c3: {  	[tilespmem:$0x1FA00] =	vst v8;
	v8 =	vand.u32 $0x7FFFFFFF, v43  }
0x1c4: {  	v17 =	vpop (erf);
	v8 =	vsub.f32 $0.0e+00, v8  }
0x1c5: {  	[tilespmem:$0x1FA10] =	vst v17;
	v17 =	vadd.f32 $2.000000000e+00, v17  }
0x1c6: {  	v11 =	vmul.f32 v11, v40;
	v8 =	vmul.f32 $1.442695020e+00, v8  }
0x1c7: {  	(erf) = vrcp.f32 v17  }
0x1c8: {  	v4 =	vadd.f32 v11, v4;
	(erf) = vpow2.f32 v8;
	_ =	sdelay $0x1  }
0x1c9: {  	v4 =	vadd.f32 v28, v4;
	_ =	sdelay $0x1  }
0x1ca: {  	v4 =	vadd.f32 v10, v4;
	_ =	sdelay $0x1  }
0x1cb: {  	v28 =	vadd.f32 v18, v4;
	v4 =	vld.idx.msk [tilespmem:v29+s17+$0x0], $0xffff;
	_ =	sdelay $0x1  }
0x1cc: {  	v8 =	vpop (erf)  }
0x1cd: {  	[tilespmem:$0x1FA20] =	vst v8;
	v8 =	vand.u32 $0x7FFFFFFF, v28;
	v29 =	vpop (erf)  }
0x1ce: {  	v8 =	vsub.f32 $0.0e+00, v8;
	v10 =	vld.idx.msk [tilespmem:v24+s17+$0x0], $0xffff;
	v11 =	vadd.f32 $2.000000000e+00, v29  }
0x1cf: {  	v4 =	vmul.f32 v4, v40  }
0x1d0: {  	v8 =	vmul.f32 $1.442695020e+00, v8;
	(erf) = vrcp.f32 v11  }
0x1d1: {  	v4 =	vadd.f32 v4, v21  }
0x1d2: {  	(erf) = vpow2.f32 v8  }
0x1d3: {  	v4 =	vadd.f32 v63, v4;
	v8 =	vmul.f32 v10, v33;
	_ =	sdelay $0x1  }
0x1d4: {  	v4 =	vadd.f32 v8, v4  }
0x1d5: {  	v8 =	vmul.f32 v31, v50;
	_ =	sdelay $0x1  }
0x1d6: {  	v31 =	vadd.f32 v8, v4  }
0x1d7: {  	v4 =	vpop (erf)  }
0x1d8: {  	[tilespmem:$0x1FA30] =	vst v4;
	v4 =	vand.u32 $0x7FFFFFFF, v31  }
0x1d9: {  	v63 =	vpop (erf);
	v4 =	vsub.f32 $0.0e+00, v4  }
0x1da: {  	v0 =	vld.idx.msk [tilespmem:v0+s17+$0x0], $0xffff;
	v8 =	vadd.f32 $2.000000000e+00, v63  }
0x1db: {  	v10 =	vmul.f32 v14, v40;
	v4 =	vmul.f32 $1.442695020e+00, v4  }
0x1dc: {  	(erf) = vrcp.f32 v8  }
0x1dd: {  	v8 =	vadd.f32 v10, v30;
	(erf) = vpow2.f32 v4;
	_ =	sdelay $0x1  }
0x1de: {  	v4 =	vadd.f32 v25, v8;
	v0 =	vmul.f32 v0, v33;
	_ =	sdelay $0x1  }
0x1df: {  	v0 =	vadd.f32 v0, v4;
	_ =	sdelay $0x1  }
0x1e0: {  	v51 =	vadd.f32 v51, v0;
	_ =	sdelay $0x1  }
0x1e1: {  	v30 =	vpop (erf);
	v0 =	vand.u32 $0x7FFFFFFF, v51  }
0x1e2: {  	v0 =	vsub.f32 $0.0e+00, v0;
	v25 =	vpop (erf)  }
0x1e3: {  	v4 =	vadd.f32 $2.000000000e+00, v25  }
0x1e4: {  	v0 =	vmul.f32 $1.442695020e+00, v0  }
0x1e5: {  	(erf) = vrcp.f32 v4  }
0x1e6: {  	v8 =	vmul.f32 v12, v40;
	(erf) = vpow2.f32 v0;
	_ =	sdelay $0x1  }
0x1e7: {  	v4 =	vadd.f32 v8, v60;
	_ =	sdelay $0x1  }
0x1e8: {  	v0 =	vadd.f32 v45, v4;
	_ =	sdelay $0x1  }
0x1e9: {  	v0 =	vadd.f32 v48, v0;
	_ =	sdelay $0x1  }
0x1ea: {  	v45 =	vadd.f32 v19, v0;
	v48 =	vpop (erf)  }
0x1eb: {  	v24 =	vpop (erf)  }
0x1ec: {  	v0 =	vand.u32 $0x7FFFFFFF, v45;
	v4 =	vadd.f32 $2.000000000e+00, v24  }
0x1ed: {  	v3 =	vmul.f32 v3, v40;
	v8 =	vld.idx.msk [tilespmem:v9+s17+$0x0], $0xffff;
	v0 =	vsub.f32 $0.0e+00, v0  }
0x1ee: {  	(erf) = vrcp.f32 v4;
	v4 =	vld.idx.msk [tilespmem:v23+s17+$0x0], $0xffff  }
0x1ef: {  	v3 =	vadd.f32 v3, v57;
	v0 =	vmul.f32 $1.442695020e+00, v0;
	_ =	sdelay $0x1  }
0x1f0: {  	v2 =	vmul.f32 v2, v33;
	(erf) = vpow2.f32 v0;
	v0 =	vadd.f32 v49, v3  }
0x1f1: {  	v3 =	vmul.f32 v16, v6  }
0x1f2: {  	v6 =	vmul.f32 v8, v40;
	v0 =	vadd.f32 v2, v0;
	v2 =	vld.idx.msk [tilespmem:v35+s17+$0x0], $0xffff;
	v4 =	vmul.f32 v4, v50;
	_ =	sdelay $0x1  }
0x1f3: {  	v6 =	vadd.f32 v6, v62;
	v62 =	vadd.f32 v4, v0;
	_ =	sdelay $0x1  }
0x1f4: {  	v14 =	vand.u32 $0x7FFFFFFF, v62  }
0x1f5: {  	v6 =	vadd.f32 v56, v6;
	v2 =	vmul.f32 v2, v33;
	v14 =	vsub.f32 $0.0e+00, v14;
	_ =	sdelay $0x1  }
0x1f6: {  	v2 =	vadd.f32 v2, v6;
	v6 =	vmul.f32 $1.442695020e+00, v14;
	v14 =	vld [tilespmem:$0x1F970];
	_ =	sdelay $0x2  }
0x1f7: {  	v4 =	vld.idx.msk [tilespmem:v26+s17+$0x0], $0xffff;
	_ =	sdelay $0x1  }
0x1f8: {  	v8 =	vmul.f32 v3, v3;
	v1 =	vmul.f32 v14, v1;
	v14 =	vld [tilespmem:$0x1FD20]  }
0x1f9: {  	v16 =	vld [tilespmem:$0x1F960]  }
0x1fa: {  	v11 =	vmul.f32 $1.111111120e-01, v8;
	v0 =	vld [tilespmem:$0x1FC00]  }
0x1fb: {  	v4 =	vmul.f32 v4, v40  }
0x1fc: {  	v10 =	vmul.f32 v27, v40;
	v11 =	vadd.f32 $1.428571490e-01, v11  }
0x1fd: {  	v23 =	vpop (erf);
	v4 =	vadd.f32 v4, v14;
	v14 =	vld [tilespmem:$0x1FCD0]  }
0x1fe: {  	v10 =	vadd.f32 v10, v22;
	v11 =	vmul.f32 v11, v8;
	v22 =	vpop (erf)  }
0x1ff: {  	v7 =	vmul.f32 v16, v7;
	v16 =	vadd.f32 $2.000000000e+00, v22;
	v0 =	vmul.f32 v0, v50  }
0x200: {  	v5 =	vadd.f32 v5, v42;
	v11 =	vadd.f32 $2.000000030e-01, v11  }
0x201: {  	v10 =	vadd.f32 v52, v10;
	(erf) = vrcp.f32 v16;
	v56 =	vadd.f32 v0, v2;
	v0 =	vld [tilespmem:$0x1FD10]  }
0x202: {  	v11 =	vmul.f32 v11, v8;
	v5 =	vadd.f32 v14, v5;
	v14 =	vmul.f32 v39, v33  }
0x203: {  	(erf) = vpow2.f32 v6  }
0x204: {  	v16 =	vld [tilespmem:$0x1FCF0];
	v6 =	vmul.f32 v7, v7;
	v11 =	vadd.f32 $3.333333430e-01, v11;
	v10 =	vadd.f32 v14, v10;
	_ =	sdelay $0x1  }
0x205: {  	v18 =	vmul.f32 $1.111111120e-01, v6;
	v57 =	vadd.f32 v0, v10;
	v0 =	vmul.f32 v11, v8;
	_ =	sdelay $0x1  }
0x206: {  	v14 =	vadd.f32 $1.428571490e-01, v18;
	v0 =	vadd.f32 $1.000000000e+00, v0  }
0x207: {  	v4 =	vadd.f32 v16, v4;
	v16 =	vmul.f32 v55, v33  }
0x208: {  	v2 =	vmul.f32 v14, v6;
	v3 =	vmul.f32 v0, v3;
	v0 =	vld [tilespmem:$0x1F980]  }
0x209: {  	v17 =	vld.idx.msk [tilespmem:v53+s17+$0x0], $0xffff  }
0x20a: {  	v9 =	vmul.f32 v61, v50;
	v4 =	vadd.f32 v16, v4;
	_ =	sdelay $0x1  }
0x20b: {  	v12 =	vmul.f32 v58, v50;
	v58 =	vadd.f32 v9, v4;
	v9 =	vld [tilespmem:$0x1FD30];
	v10 =	vadd.f32 $2.000000030e-01, v2;
	v2 =	vpop (erf)  }
0x20c: {  	v13 =	vmul.f32 v0, v13;
	v0 =	vpop (erf)  }
0x20d: {  	v16 =	vmul.f32 v1, v1;
	v8 =	vmul.f32 v17, v33;
	v17 =	vld [tilespmem:$0x1FD00];
	v14 =	vadd.f32 $2.000000000e+00, v0  }
0x20e: {  	v19 =	vmul.f32 v47, v40  }
0x20f: {  	v4 =	vmul.f32 $1.111111120e-01, v16;
	(erf) = vrcp.f32 v14;
	v14 =	vld [tilespmem:$0x1FCC0]  }
0x210: {  	v9 =	vadd.f32 v19, v9  }
0x211: {  	v4 =	vadd.f32 $1.428571490e-01, v4  }
0x212: {  	v9 =	vadd.f32 v17, v9;
	v17 =	vmul.f32 v13, v13  }
0x213: {  	v11 =	vand.u32 $0x7FFFFFFF, v58;
	v4 =	vmul.f32 v4, v16;
	v10 =	vmul.f32 v10, v6  }
0x214: {  	v11 =	vsub.f32 $0.0e+00, v11;
	v5 =	vadd.f32 v14, v5;
	v14 =	vmul.f32 $1.111111120e-01, v17  }
0x215: {  	v4 =	vadd.f32 $2.000000030e-01, v4;
	v10 =	vadd.f32 $3.333333430e-01, v10  }
0x216: {  	v11 =	vmul.f32 $1.442695020e+00, v11;
	v8 =	vadd.f32 v8, v9;
	v9 =	vadd.f32 $1.428571490e-01, v14;
	v14 =	vld [tilespmem:$0x1FCE0]  }
0x217: {  	v4 =	vmul.f32 v4, v16;
	v6 =	vmul.f32 v10, v6;
	v10 =	vld [tilespmem:$0x1F990]  }
0x218: {  	(erf) = vpow2.f32 v11;
	v11 =	vld [tilespmem:$0x1F9A0]  }
0x219: {  	v4 =	vadd.f32 $3.333333430e-01, v4;
	v6 =	vadd.f32 $1.000000000e+00, v6;
	_ =	sdelay $0x1  }
0x21a: {  	v4 =	vmul.f32 v4, v16;
	v60 =	vadd.f32 v14, v5;
	v5 =	vmul.f32 v6, v7;
	v6 =	vld [tilespmem:$0x1FD80]  }
0x21b: {  	v3 =	vadd.f32 v3, v3;
	v10 =	vmul.f32 v10, v15  }
0x21c: {  	v4 =	vadd.f32 $1.000000000e+00, v4;
	v11 =	vmax.f32 v11, $0.0e+00  }
0x21d: {  	v3 =	vadd.f32 v3, v11;
	v11 =	vmul.f32 v10, v10;
	v9 =	vmul.f32 v9, v17  }
0x21e: {  	v1 =	vmul.f32 v4, v1;
	v4 =	vld [tilespmem:$0x1F9B0]  }
0x21f: {  	v7 =	vmul.f32 $1.111111120e-01, v11;
	v3 =	vadd.f32 v3, v6;
	v6 =	vadd.f32 $2.000000030e-01, v9;
	_ =	sdelay $0x1  }
0x220: {  	v15 =	vand.u32 $0x7FFFFFFF, v57;
	v7 =	vadd.f32 $1.428571490e-01, v7;
	v6 =	vmul.f32 v6, v17  }
0x221: {  	v15 =	vsub.f32 $0.0e+00, v15;
	v14 =	vadd.f32 v5, v5;
	v5 =	vpop (erf)  }
0x222: {  	v16 =	vmul.f32 v4, v32;
	v7 =	vmul.f32 v7, v11;
	v4 =	vpop (erf);
	v6 =	vadd.f32 $3.333333430e-01, v6  }
0x223: {  	v15 =	vmul.f32 $1.442695020e+00, v15;
	v9 =	vmax.f32 v38, $0.0e+00;
	v18 =	vadd.f32 $2.000000000e+00, v4  }
0x224: {  	v9 =	vadd.f32 v14, v9;
	v7 =	vadd.f32 $2.000000030e-01, v7;
	v6 =	vmul.f32 v6, v17  }
0x225: {  	v1 =	vadd.f32 v1, v1;
	v14 =	vmul.f32 v16, v16;
	(erf) = vrcp.f32 v18  }
0x226: {  	v3 =	vadd.f32 v3, v9;
	v7 =	vmul.f32 v7, v11;
	v6 =	vadd.f32 $1.000000000e+00, v6  }
0x227: {  	v9 =	vmul.f32 $1.111111120e-01, v14;
	(erf) = vpow2.f32 v15;
	v15 =	vmax.f32 v54, $0.0e+00  }
0x228: {  	v1 =	vadd.f32 v1, v15;
	v7 =	vadd.f32 $3.333333430e-01, v7;
	v6 =	vmul.f32 v6, v13  }
0x229: {  	v21 =	vadd.f32 v12, v8;
	v9 =	vadd.f32 $1.428571490e-01, v9  }
0x22a: {  	v12 =	vld [tilespmem:$0x1F9E0];
	v1 =	vadd.f32 v3, v1;
	v3 =	vadd.f32 v6, v6;
	v6 =	vmul.f32 v7, v11  }
0x22b: {  	v17 =	vld [tilespmem:$0x1F9C0];
	v8 =	vmul.f32 v9, v14;
	v7 =	vmax.f32 v44, $0.0e+00  }
0x22c: {  	v7 =	vadd.f32 v3, v7;
	v3 =	vadd.f32 $1.000000000e+00, v6;
	v6 =	vld [tilespmem:$0x1F9D0]  }
0x22d: {  	v8 =	vadd.f32 $2.000000030e-01, v8;
	_ =	sdelay $0x2  }
0x22e: {  	v17 =	vmul.f32 v17, v59  }
0x22f: {  	v13 =	vand.u32 $0x7FFFFFFF, v21;
	v12 =	vmul.f32 v6, v12;
	v6 =	vmul.f32 v8, v14;
	v8 =	vpop (erf)  }
0x230: {  	v13 =	vsub.f32 $0.0e+00, v13;
	v10 =	vmul.f32 v3, v10;
	v3 =	vpop (erf)  }
0x231: {  	v9 =	vmul.f32 v17, v17;
	v18 =	vadd.f32 $2.000000000e+00, v3  }
0x232: {  	v13 =	vmul.f32 $1.442695020e+00, v13;
	v6 =	vadd.f32 $3.333333430e-01, v6  }
0x233: {  	v11 =	vmul.f32 $1.111111120e-01, v9;
	v10 =	vadd.f32 v10, v10;
	(erf) = vrcp.f32 v18  }
0x234: {  	v6 =	vmul.f32 v6, v14;
	v14 =	vld [tilespmem:$0x1FA00];
	(erf) = vpow2.f32 v13;
	v13 =	vmax.f32 v46, $0.0e+00  }
0x235: {  	v10 =	vadd.f32 v10, v13;
	v13 =	vld [tilespmem:$0x1F9F0]  }
0x236: {  	v11 =	vadd.f32 $1.428571490e-01, v11;
	v15 =	vmul.f32 v12, v12  }
0x237: {  	v6 =	vadd.f32 $1.000000000e+00, v6  }
0x238: {  	v1 =	vadd.f32 v1, v7;
	v11 =	vmul.f32 v11, v9;
	v7 =	vmul.f32 $1.111111120e-01, v15  }
0x239: {  	v6 =	vmul.f32 v6, v16;
	v16 =	vld [tilespmem:$0x1FA20]  }
0x23a: {  	v11 =	vadd.f32 $2.000000030e-01, v11;
	v7 =	vadd.f32 $1.428571490e-01, v7;
	v13 =	vmul.f32 v14, v13;
	v14 =	vld [tilespmem:$0x1FA10];
	_ =	sdelay $0x1  }
0x23b: {  	v11 =	vmul.f32 v11, v9;
	v7 =	vmul.f32 v7, v15;
	_ =	sdelay $0x1  }
0x23c: {  	v11 =	vadd.f32 $3.333333430e-01, v11;
	v7 =	vadd.f32 $2.000000030e-01, v7  }
0x23d: {  	v27 =	vld [tilespmem:$0x1FA30];
	v1 =	vadd.f32 v1, v10;
	v10 =	vmul.f32 v13, v13;
	v14 =	vmul.f32 v16, v14  }
0x23e: {  	v9 =	vmul.f32 v11, v9;
	v6 =	vadd.f32 v6, v6;
	v7 =	vmul.f32 v7, v15  }
0x23f: {  	v18 =	vmul.f32 $1.111111120e-01, v10;
	v16 =	vmax.f32 v20, $0.0e+00;
	v11 =	vmul.f32 v14, v14  }
0x240: {  	v16 =	vadd.f32 v6, v16;
	v6 =	vadd.f32 $1.000000000e+00, v9  }
0x241: {  	v18 =	vadd.f32 $1.428571490e-01, v18;
	v9 =	vmul.f32 $1.111111120e-01, v11  }
0x242: {  	v27 =	vmul.f32 v27, v29;
	v19 =	vadd.f32 $3.333333430e-01, v7  }
0x243: {  	v7 =	vpop (erf);
	v20 =	vand.u32 $0x7FFFFFFF, v60;
	v18 =	vmul.f32 v18, v10;
	v9 =	vadd.f32 $1.428571490e-01, v9  }
0x244: {  	v15 =	vmul.f32 v19, v15;
	v20 =	vsub.f32 $0.0e+00, v20;
	v17 =	vmul.f32 v6, v17;
	v6 =	vpop (erf)  }
0x245: {  	v18 =	vadd.f32 $2.000000030e-01, v18;
	v19 =	vadd.f32 $2.000000000e+00, v6;
	v9 =	vmul.f32 v9, v11  }
0x246: {  	v26 =	vmax.f32 v37, $0.0e+00;
	v20 =	vmul.f32 $1.442695020e+00, v20;
	v17 =	vadd.f32 v17, v17  }
0x247: {  	v18 =	vmul.f32 v18, v10;
	(erf) = vrcp.f32 v19;
	v9 =	vadd.f32 $2.000000030e-01, v9  }
0x248: {  	v15 =	vadd.f32 $1.000000000e+00, v15;
	v19 =	vmul.f32 v27, v27;
	(erf) = vpow2.f32 v20  }
0x249: {  	v1 =	vadd.f32 v1, v16;
	v16 =	vadd.f32 v17, v26;
	v9 =	vmul.f32 v9, v11  }
0x24a: {  	v12 =	vmul.f32 v15, v12;
	v15 =	vadd.f32 $3.333333430e-01, v18;
	v17 =	vmul.f32 $1.111111120e-01, v19  }
0x24b: {  	v1 =	vadd.f32 v1, v16;
	v16 =	vmul.f32 v30, v63;
	v9 =	vadd.f32 $3.333333430e-01, v9  }
0x24c: {  	v12 =	vadd.f32 v12, v12;
	v10 =	vmul.f32 v15, v10;
	v15 =	vadd.f32 $1.428571490e-01, v17  }
0x24d: {  	v17 =	vmax.f32 v41, $0.0e+00;
	v9 =	vmul.f32 v9, v11;
	v11 =	vmul.f32 v16, v16  }
0x24e: {  	v12 =	vadd.f32 v12, v17;
	v17 =	vadd.f32 $1.000000000e+00, v10;
	v15 =	vmul.f32 v15, v19  }
0x24f: {  	v18 =	vadd.f32 $1.000000000e+00, v9;
	v20 =	vmul.f32 $1.111111120e-01, v11  }
0x250: {  	v26 =	vand.u32 $0x7FFFFFFF, v56;
	v13 =	vmul.f32 v17, v13;
	v15 =	vadd.f32 $2.000000030e-01, v15;
	v10 =	vpop (erf)  }
0x251: {  	v17 =	vsub.f32 $0.0e+00, v26;
	v9 =	vpop (erf);
	v14 =	vmul.f32 v18, v14;
	v18 =	vadd.f32 $1.428571490e-01, v20  }
0x252: {  	v1 =	vadd.f32 v1, v12;
	v15 =	vmul.f32 v15, v19;
	v20 =	vadd.f32 $2.000000000e+00, v9  }
0x253: {  	v17 =	vmul.f32 $1.442695020e+00, v17;
	v13 =	vadd.f32 v13, v13;
	v12 =	vmul.f32 v18, v11  }
0x254: {  	v15 =	vadd.f32 $3.333333430e-01, v15;
	v18 =	vmul.f32 v48, v25;
	(erf) = vrcp.f32 v20  }
0x255: {  	(erf) = vpow2.f32 v17;
	v17 =	vmax.f32 v36, $0.0e+00;
	v12 =	vadd.f32 $2.000000030e-01, v12  }
0x256: {  	v14 =	vadd.f32 v14, v14;
	v13 =	vadd.f32 v13, v17;
	v17 =	vmul.f32 v18, v18  }
0x257: {  	v15 =	vmul.f32 v15, v19;
	v20 =	vmax.f32 v34, $0.0e+00;
	v12 =	vmul.f32 v12, v11  }
0x258: {  	v1 =	vadd.f32 v1, v13;
	v13 =	vadd.f32 v14, v20;
	v14 =	vmul.f32 $1.111111120e-01, v17  }
0x259: {  	v19 =	vmul.f32 v23, v24;
	v15 =	vadd.f32 $1.000000000e+00, v15  }
0x25a: {  	v12 =	vadd.f32 $3.333333430e-01, v12;
	v14 =	vadd.f32 $1.428571490e-01, v14  }
0x25b: {  	v20 =	vmul.f32 v19, v19;
	v1 =	vadd.f32 v1, v13;
	v13 =	vmul.f32 v15, v27  }
0x25c: {  	v11 =	vmul.f32 v12, v11;
	v14 =	vmul.f32 v14, v17  }
0x25d: {  	v2 =	vmul.f32 v2, v22;
	v15 =	vmax.f32 v43, $0.0e+00;
	v13 =	vadd.f32 v13, v13  }
0x25e: {  	v23 =	vmul.f32 $1.111111120e-01, v20;
	v11 =	vadd.f32 $1.000000000e+00, v11;
	v14 =	vadd.f32 $2.000000030e-01, v14  }
0x25f: {  	v0 =	vmul.f32 v5, v0;
	v12 =	vpop (erf);
	v13 =	vadd.f32 v13, v15;
	v15 =	vmul.f32 v2, v2  }
0x260: {  	v22 =	vpop (erf);
	v11 =	vmul.f32 v11, v16;
	v16 =	vadd.f32 $1.428571490e-01, v23;
	v14 =	vmul.f32 v14, v17  }
0x261: {  	v4 =	vmul.f32 v8, v4;
	v24 =	vadd.f32 $2.000000000e+00, v22;
	v23 =	vmul.f32 $1.111111120e-01, v15  }
0x262: {  	v1 =	vadd.f32 v1, v13;
	v13 =	vmul.f32 v16, v20;
	v5 =	vadd.f32 $3.333333430e-01, v14  }
0x263: {  	(erf) = vrcp.f32 v24;
	v16 =	vmul.f32 v0, v0;
	v14 =	vadd.f32 $1.428571490e-01, v23  }
0x264: {  	v11 =	vadd.f32 v11, v11;
	v13 =	vadd.f32 $2.000000030e-01, v13;
	v5 =	vmul.f32 v5, v17  }
0x265: {  	v8 =	vmax.f32 v28, $0.0e+00;
	v14 =	vmul.f32 v14, v15;
	v17 =	vmul.f32 $1.111111120e-01, v16  }
0x266: {  	v8 =	vadd.f32 v11, v8;
	v11 =	vmul.f32 v13, v20;
	v13 =	vmul.f32 v4, v4  }
0x267: {  	v14 =	vadd.f32 $2.000000030e-01, v14;
	v17 =	vadd.f32 $1.428571490e-01, v17  }
0x268: {  	v5 =	vadd.f32 $1.000000000e+00, v5;
	v11 =	vadd.f32 $3.333333430e-01, v11;
	v23 =	vmul.f32 $1.111111120e-01, v13  }
0x269: {  	v1 =	vadd.f32 v8, v1;
	v8 =	vmul.f32 v14, v15;
	v14 =	vmul.f32 v17, v16  }
0x26a: {  	v5 =	vmul.f32 v5, v18;
	v11 =	vmul.f32 v11, v20;
	v18 =	vadd.f32 $1.428571490e-01, v23  }
0x26b: {  	v8 =	vadd.f32 $3.333333430e-01, v8;
	v14 =	vadd.f32 $2.000000030e-01, v14  }
0x26c: {  	v5 =	vadd.f32 v5, v5;
	v11 =	vadd.f32 $1.000000000e+00, v11;
	v18 =	vmul.f32 v18, v13  }
0x26d: {  	v20 =	vmax.f32 v31, $0.0e+00;
	v17 =	vpop (erf);
	v8 =	vmul.f32 v8, v15;
	v14 =	vmul.f32 v14, v16  }
0x26e: {  	_ =	swait.ge [sflag:s30], $0x800;
	v5 =	vadd.f32 v5, v20;
	v11 =	vmul.f32 v11, v19;
	v15 =	vadd.f32 $2.000000030e-01, v18  }
0x26f: {  	[sflag:s30] =	ssyncset.done $0x0;
	v8 =	vadd.f32 $1.000000000e+00, v8;
	v14 =	vadd.f32 $3.333333430e-01, v14  }
0x270: {  	[sflag:s30] =	ssyncadd.s32 $0xFFFFF800;
	v1 =	vadd.f32 v5, v1;
	v5 =	vadd.f32 v11, v11;
	v11 =	vmul.f32 v15, v13  }
0x271: {  	_ =	swait.ge [sflag:s30], $0x800;
	v2 =	vmul.f32 v8, v2;
	v8 =	vmul.f32 v14, v16  }
0x272: {  	[sflag:s30] =	ssyncset.done $0x0;
	v11 =	vadd.f32 $3.333333430e-01, v11  }
0x273: {  	v15 =	vmax.f32 v51, $0.0e+00;
	[sflag:s30] =	ssyncadd.s32 $0xFFFFF800;
	v8 =	vadd.f32 $1.000000000e+00, v8  }
0x274: {  	v3 =	vmul.f32 v7, v3;
	_ =	swait.ge [sflag:s30], $0x4000;
	v5 =	vadd.f32 v5, v15;
	v7 =	vmul.f32 v11, v13  }
0x275: {  	[sflag:s30] =	ssyncset.done $0x0;
	v2 =	vadd.f32 v2, v2;
	v0 =	vmul.f32 v8, v0  }
0x276: {  	[sflag:s30] =	ssyncadd.s32 $0xFFFFC000;
	v1 =	vadd.f32 v5, v1;
	v5 =	vmax.f32 v45, $0.0e+00;
	v7 =	vadd.f32 $1.000000000e+00, v7  }
0x277: {  	_ =	swait.ge [sflag:s30], $0x4000;
	v2 =	vadd.f32 v2, v5;
	v0 =	vadd.f32 v0, v0  }
0x278: {  	v6 =	vmul.f32 v10, v6;
	v8 =	vmax.f32 v62, $0.0e+00;
	[sflag:s30] =	ssyncset.done $0x0;
	v4 =	vmul.f32 v7, v4  }
0x279: {  	v5 =	vmul.f32 v3, v3;
	[sflag:s30] =	ssyncadd.s32 $0xFFFFC000;
	v1 =	vadd.f32 v2, v1;
	v0 =	vadd.f32 v0, v8  }
0x27a: {  	p0 =	seq.s32 s1, $0xF;
	_ =	swait.ge [sflag:s30], $0x2000;
	v7 =	vmul.f32 v6, v6;
	v4 =	vadd.f32 v4, v4  }
0x27b: {  	s11 =	sadd.s32 @!p0 $0x2, s18;
	s19 =	simm.s32 @!p0 $0x10;
	v2 =	vmul.f32 $1.111111120e-01, v5;
	[sflag:s30] =	ssyncset.done $0x0;
	v0 =	vadd.f32 v0, v1;
	v1 =	vmax.f32 v58, $0.0e+00  }
0x27c: {  	s21 =	simm.s32 @!p0 $0x2C00;
	s18 =	sshll.u32 @!p0 s11, $0x4;
	v10 =	vmul.f32 v17, v22;
	[sflag:s30] =	ssyncadd.s32 $0xFFFFE000;
	v1 =	vadd.f32 v4, v1;
	v4 =	vmul.f32 $1.111111120e-01, v7  }
0x27d: {  	v2 =	vadd.f32 $1.428571490e-01, v2;
	v8 =	vmul.f32 v12, v9;
	[tilespmem:s21], [sflag:$0x1] =	stream.indirect.gather @!p0 [hbm4b:s3+s19], $0x80, s18, s19, $0xb8;
	[tilespmem:$0x18C10] =	vst v63  }
0x27e: {  	v12 =	vmul.f32 v10, v10;
	s18 =	sadd.s32 @!p0 $0x200, s18;
	s21 =	simm.s32 @!p0 $0x3C00;
	v0 =	vadd.f32 v1, v0;
	v1 =	vadd.f32 $1.428571490e-01, v4  }
0x27f: {  	v2 =	vmul.f32 v2, v5;
	v9 =	vmul.f32 v8, v8;
	[tilespmem:s21], [sflag:$0x1] =	stream.indirect.gather @!p0 [hbm4b:s4+s19], $0x80, s18, s19, $0xb8;
	[tilespmem:$0x18C10] =	vst v63  }
0x280: {  	v13 =	vmul.f32 $1.111111120e-01, v12;
	s21 =	simm.s32 $0x3;
	v1 =	vmul.f32 v1, v7  }
0x281: {  	s11 =	smul.u32 @!p0 $0x500, s11;
	v29 =	vld [tilespmem:$0x1FF50];
	v2 =	vadd.f32 $2.000000030e-01, v2;
	v4 =	vmul.f32 $1.111111120e-01, v9;
	v11 =	vmov s21  }
0x282: {  	s22 =	simm.s32 $0x2;
	v37 =	vld [tilespmem:$0x1FF20];
	v13 =	vadd.f32 $1.428571490e-01, v13;
	v11 =	vand.u32 $0x3F, v11;
	v1 =	vadd.f32 $2.000000030e-01, v1  }
0x283: {  	v62 =	vld [tilespmem:$0x1FEF0];
	v4 =	vadd.f32 $1.428571490e-01, v4;
	v26 =	vbroadcast v11, $0x0;
	v11 =	vmov s22;
	s22 =	simm.s32 $0x1  }
0x284: {  	s11 =	sshra.s32 @!p0 s11, $0x2;
	v38 =	vld [tilespmem:$0x1FF00];
	v2 =	vmul.f32 v2, v5;
	v15 =	vmov s22;
	v1 =	vmul.f32 v1, v7  }
0x285: {  	v31 =	vld [tilespmem:$0x1FF30];
	s18 =	sadd.s32 @!p0 $0x400, s11;
	s19 =	simm.s32 @!p0 $0x80;
	s21 =	simm.s32 @!p0 $0x4C00;
	v13 =	vmul.f32 v13, v12;
	v4 =	vmul.f32 v4, v9;
	v15 =	vand.u32 $0x3D, v15  }
0x286: {  	v41 =	vld [tilespmem:$0x1FF80];
	[tilespmem:s21], [sflag:$0x1] =	stream.indirect.gather @!p0 [hbm4b:s4+s19], $0x80, s18, s19, $0xb8;
	v14 =	vor.u32 v29, v26;
	v27 =	vbroadcast v15, $0x0;
	v1 =	vadd.f32 $3.333333430e-01, v1  }
0x287: {  	v45 =	vld [tilespmem:$0x1FFF0];
	s21 =	sadd.s32 @!p0 $0x480, s11;
	s18 =	simm.s32 @!p0 $0x8C00;
	v2 =	vadd.f32 $3.333333430e-01, v2;
	v11 =	vand.u32 $0x3E, v11;
	v16 =	vor.u32 v37, v26  }
0x288: {  	v61 =	vld [tilespmem:$0x1FF40];
	[tilespmem:s18], [sflag:$0x1] =	stream.indirect.gather @!p0 [hbm4b:s4+s19], $0x80, s21, s19, $0xb8;
	v4 =	vadd.f32 $2.000000030e-01, v4;
	v1 =	vmul.f32 v1, v7;
	v7 =	vor.u32 v62, v27  }
0x289: {  	v63 =	vld [tilespmem:$0x1FF60];
	s11 =	sadd.s32 @!p0 $0x500, s11;
	s18 =	simm.s32 @!p0 $0x40;
	s19 =	simm.s32 @!p0 $0xCC00;
	v11 =	vbroadcast v11, $0x0;
	v17 =	vor.u32 v38, v26;
	v2 =	vmul.f32 v2, v5  }
0x28a: {  	v46 =	vld [tilespmem:$0x1FF10];
	v13 =	vadd.f32 $2.000000030e-01, v13;
	v18 =	vor.u32 v31, v26;
	[tilespmem:s19], [sflag:$0x1] =	stream.indirect.gather @!p0 [hbm4b:s4+s18], $0x80, s11, s18, $0xb8;
	v4 =	vmul.f32 v4, v9  }
0x28b: {  	v15 =	vor.u32 v41, v11;
	v2 =	vadd.f32 $1.000000000e+00, v2;
	v5 =	vld.idx.msk [tilespmem:v14+s26+$0x0], $0xffff  }
0x28c: {  	v13 =	vmul.f32 v13, v12;
	v23 =	vor.u32 v45, v27;
	v16 =	vld.idx.msk [tilespmem:v16+s26+$0x0], $0xffff;
	v4 =	vadd.f32 $3.333333430e-01, v4  }
0x28d: {  	v14 =	vor.u32 v61, v27;
	v2 =	vmul.f32 v2, v3;
	v1 =	vadd.f32 $1.000000000e+00, v1;
	v7 =	vld.idx.msk [tilespmem:v7+s26+$0x0], $0xffff  }
0x28e: {  	v20 =	vmax.f32 v57, $0.0e+00;
	v17 =	vld.idx.msk [tilespmem:v17+s26+$0x0], $0xffff;
	v4 =	vmul.f32 v4, v9;
	v9 =	vadd.f32 $3.333333430e-01, v13  }
0x28f: {  	v19 =	vor.u32 v41, v27;
	v18 =	vld.idx.msk [tilespmem:v18+s26+$0x0], $0xffff;
	v2 =	vadd.f32 v2, v2;
	v1 =	vmul.f32 v1, v6  }
0x290: {  	v3 =	vor.u32 v63, v27;
	v15 =	vld.idx.msk [tilespmem:v15+s26+$0x0], $0xffff;
	v4 =	vadd.f32 $1.000000000e+00, v4;
	v9 =	vmul.f32 v9, v12  }
0x291: {  	v13 =	vor.u32 v41, v26;
	v22 =	vld.idx.msk [tilespmem:v23+s24+$0x0], $0xffff;
	v2 =	vadd.f32 v2, v20;
	v1 =	vadd.f32 v1, v1  }
0x292: {  	v6 =	vld.idx.msk [tilespmem:v14+s26+$0x0], $0xffff;
	v4 =	vmul.f32 v4, v8;
	v8 =	vadd.f32 $1.000000000e+00, v9;
	[tilespmem:$0x1FA40] =	vst v7;
	v7 =	vmax.f32 v21, $0.0e+00  }
0x293: {  	v40 =	vld [tilespmem:$0x1FF70];
	v12 =	vor.u32 v45, v11;
	v0 =	vadd.f32 v2, v0;
	v1 =	vadd.f32 v1, v7  }
0x294: {  	v25 =	vor.u32 v45, v26;
	v2 =	vadd.f32 v4, v4;
	v4 =	vmul.f32 v8, v10;
	v14 =	vld.idx.msk [tilespmem:v19+s26+$0x0], $0xffff  }
0x295: {  	v9 =	vor.u32 v46, v11;
	v3 =	vld.idx.msk [tilespmem:v3+s26+$0x0], $0xffff;
	v0 =	vadd.f32 v1, v0;
	v1 =	vmax.f32 v60, $0.0e+00  }
0x296: {  	v19 =	vld.idx.msk [tilespmem:v13+s26+$0x0], $0xffff;
	[tilespmem:$0x1FA50] =	vst v23;
	v1 =	vadd.f32 v2, v1;
	v2 =	vadd.f32 v4, v4  }
0x297: {  	v7 =	vor.u32 v38, v11;
	v13 =	vmax.f32 v56, $0.0e+00;
	v8 =	vld.idx.msk [tilespmem:v23+s25+$0x0], $0xffff  }
0x298: {  	v10 =	vor.u32 v61, v11;
	v20 =	vld.idx.msk [tilespmem:v12+s24+$0x0], $0xffff;
	v0 =	vadd.f32 v1, v0;
	v1 =	vadd.f32 v2, v13  }
0x299: {  	v12 =	vld.idx.msk [tilespmem:v12+s25+$0x0], $0xffff;
	v4 =	vor.u32 v63, v11  }
0x29a: {  	v21 =	vor.u32 v37, v11;
	v9 =	vld.idx.msk [tilespmem:v9+s26+$0x0], $0xffff;
	v0 =	vadd.f32 v1, v0  }
0x29b: {  	v42 =	vld.idx.msk [tilespmem:v25+s24+$0x0], $0xffff;
	v2 =	vor.u32 v29, v11  }
0x29c: {  	v13 =	vor.u32 v46, v26;
	v7 =	vld.idx.msk [tilespmem:v7+s26+$0x0], $0xffff;
	[tilespmem:$0x1FA60] =	vst v0  }
0x29d: {  	v1 =	vor.u32 v62, v26;
	v24 =	vld.idx.msk [tilespmem:v10+s26+$0x0], $0xffff  }
0x29e: {  	s31 =	simm.s32 $0x0;
	v10 =	vor.u32 v40, v11;
	v4 =	vld.idx.msk [tilespmem:v4+s26+$0x0], $0xffff  }
0x29f: {  	v30 =	vor.u32 v63, v26;
	v56 =	vmul.f32 v6, v22;
	v0 =	vmov s31;
	v33 =	vld.idx.msk [tilespmem:v21+s26+$0x0], $0xffff  }
0x2a0: {  	v43 =	vmul.f32 v14, v22;
	v8 =	vmul.f32 v8, v22;
	v0 =	vand.u32 $0x3C, v0;
	v39 =	vld.idx.msk [tilespmem:v2+s26+$0x0], $0xffff;
	[tilespmem:$0x1FA70] =	vst v26  }
0x2a1: {  	v32 =	vor.u32 v40, v26;
	v5 =	vmul.f32 v5, v42;
	v28 =	vbroadcast v0, $0x0;
	v6 =	vld.idx.msk [tilespmem:v13+s26+$0x0], $0xffff  }
0x2a2: {  	v3 =	vmul.f32 v3, v22;
	v0 =	vor.u32 v62, v11;
	v1 =	vld.idx.msk [tilespmem:v1+s26+$0x0], $0xffff;
	[tilespmem:$0x1FA80] =	vst v8  }
0x2a3: {  	v2 =	vor.u32 v61, v26;
	v26 =	vor.u32 v45, v28;
	v14 =	vld.idx.msk [tilespmem:v10+s26+$0x0], $0xffff;
	[tilespmem:$0x1FA90] =	vst v5  }
0x2a4: {  	v49 =	vld.idx.msk [tilespmem:v30+s26+$0x0], $0xffff;
	[tilespmem:$0x1FAA0] =	vst v3;
	v3 =	vmul.f32 v4, v20  }
0x2a5: {  	v35 =	vor.u32 v31, v11;
	v11 =	vor.u32 v62, v28  }
0x2a6: {  	v5 =	vor.u32 v61, v28;
	[tilespmem:$0x1FAB0] =	vst v3;
	v3 =	vmul.f32 v6, v42  }
0x2a7: {  	v4 =	vld.idx.msk [tilespmem:v0+s26+$0x0], $0xffff  }
0x2a8: {  	v55 =	vld.idx.msk [tilespmem:v26+s24+$0x0], $0xffff;
	[tilespmem:$0x1FAC0] =	vst v3  }
0x2a9: {  	v62 =	vmul.f32 v9, v20;
	v9 =	vld.idx.msk [tilespmem:v2+s26+$0x0], $0xffff;
	v2 =	vmul.f32 v15, v20  }
0x2aa: {  	v21 =	vmul.f32 v16, v42;
	v34 =	vmul.f32 v7, v20;
	v8 =	vor.u32 v37, v28;
	v16 =	vld.idx.msk [tilespmem:v11+s26+$0x0], $0xffff  }
0x2ab: {  	v10 =	vor.u32 v46, v28;
	v6 =	vor.u32 v63, v28;
	v7 =	vld.idx.msk [tilespmem:v5+s26+$0x0], $0xffff;
	[tilespmem:$0x1FAD0] =	vst v2  }
0x2ac: {  	v59 =	vmul.f32 v33, v20;
	v63 =	vor.u32 v46, v27;
	v2 =	vmul.f32 v24, v20;
	v15 =	vld.idx.msk [tilespmem:v35+s26+$0x0], $0xffff  }
0x2ad: {  	v46 =	vmul.f32 v1, v42;
	v33 =	vld.idx.msk [tilespmem:v32+s26+$0x0], $0xffff;
	[tilespmem:$0x1FAE0] =	vst v28;
	v1 =	vmul.f32 v4, v20  }
0x2ae: {  	v51 =	vor.u32 v31, v27;
	v53 =	vor.u32 v31, v28;
	v31 =	vmul.f32 v18, v42;
	[tilespmem:$0x1FAF0] =	vst v2  }
0x2af: {  	v58 =	vimm.f32 $0.0e+00;
	v18 =	vor.u32 v40, v28;
	v3 =	vmul.f32 v14, v20;
	v14 =	vld.idx.msk [tilespmem:v8+s26+$0x0], $0xffff;
	[tilespmem:$0x1FB00] =	vst v1  }
0x2b0: {  	v47 =	vor.u32 v40, v27;
	v23 =	vimm.f32 $0.0e+00;
	v4 =	vmul.f32 v9, v42;
	v8 =	vld.idx.msk [tilespmem:v6+s26+$0x0], $0xffff;
	[tilespmem:$0x1FB10] =	vst v27  }
0x2b1: {  	v60 =	vimm.f32 $0.0e+00;
	v48 =	vmul.f32 v17, v42;
	v57 =	vmul.f32 v12, v20;
	[tilespmem:$0x1FB30] =	vst v26  }
0x2b2: {  	v52 =	vmul.f32 v19, v42;
	v13 =	vor.u32 v37, v27;
	v50 =	vor.u32 v38, v28;
	[tilespmem:$0x1FB20] =	vst v4  }
0x2b3: {  	v54 =	vmul.f32 v39, v20;
	v61 =	vimm.f32 $0.0e+00;
	v1 =	vmul.f32 v16, v55;
	v17 =	vld.idx.msk [tilespmem:v26+s25+$0x0], $0xffff  }
0x2b4: {  	v0 =	vor.u32 v29, v28;
	v5 =	vmul.f32 v49, v42;
	v35 =	vmul.f32 v7, v55;
	v7 =	vld.idx.msk [tilespmem:v18+s26+$0x0], $0xffff  }
0x2b5: {  	v2 =	vor.u32 v38, v27;
	v32 =	vadd.f32 v1, v23;
	v1 =	vimm.f32 $0.0e+00;
	v12 =	vld.idx.msk [tilespmem:v53+s26+$0x0], $0xffff  }
0x2b6: {  	v11 =	vor.u32 v41, v28;
	v49 =	vimm.f32 $0.0e+00;
	v39 =	vld.idx.msk [tilespmem:v47+s26+$0x0], $0xffff;
	[tilespmem:$0x1FB40] =	vst v1;
	v1 =	vimm.f32 $0.0e+00  }
0x2b7: {  	v24 =	vor.u32 v29, v27;
	v6 =	vimm.f32 $0.0e+00;
	[tilespmem:$0x1FB50] =	vst v1;
	v1 =	vimm.f32 $0.0e+00  }
0x2b8: {  	s21 =	simm.s32 $0x4;
	v4 =	vimm.f32 $0.0e+00;
	v9 =	vmul.f32 v15, v20;
	v53 =	vimm.f32 $0.0e+00;
	v16 =	vld.idx.msk [tilespmem:v50+s26+$0x0], $0xffff;
	[tilespmem:$0x1FB60] =	vst v1  }
.LBB2_7:
0x2b9: {  	v1 =	vadd.f32 v35, v6  }
0x2ba: {  	v15 =	vld.idx.msk [tilespmem:v2+s26+$0x0], $0xffff  }
0x2bb: {  	s11 =	sadd.s32 $0x2, s21;
	v19 =	vld.idx.msk [tilespmem:v10+s26+$0x0], $0xffff;
	[tilespmem:$0x1F8F0] =	vst v1;
	v1 =	vmul.f32 v8, v55  }
0x2bc: {  	[tilespmem:$0x1F920] =	vst v46;
	v2 =	vmov v5;
	s19 =	smov.u32 s21;
	v46 =	vld [tilespmem:$0x1FEF0];
	v5 =	vmov s11  }
0x2bd: {  	s31 =	sadd.s32 $0x1, s19;
	v5 =	vand.u32 $0x3E, v5;
	[tilespmem:$0x1F8D0] =	vst v1;
	v1 =	vld [tilespmem:$0x1FA40]  }
0x2be: {  	s22 =	sadd.s32 $0x3, s21;
	v47 =	vld [tilespmem:$0x1FF20];
	v7 =	vmul.f32 v7, v55;
	v20 =	vbroadcast v5, $0x0;
	v5 =	vmov s31  }
0x2bf: {  	v50 =	vld [tilespmem:$0x1FF00];
	v18 =	vmov s22;
	v5 =	vand.u32 $0x3D, v5  }
0x2c0: {  	v24 =	vld.idx.msk [tilespmem:v24+s26+$0x0], $0xffff;
	v18 =	vand.u32 $0x3F, v18;
	v4 =	vadd.f32 v7, v4;
	v7 =	vbroadcast v5, $0x0  }
0x2c1: {  	v11 =	vld.idx.msk [tilespmem:v11+s26+$0x0], $0xffff;
	v18 =	vbroadcast v18, $0x0  }
0x2c2: {  	[tilespmem:$0x1F8E0] =	vst v53;
	v53 =	vld [tilespmem:$0x1FF80];
	v30 =	vor.u32 v46, v7;
	v1 =	vmul.f32 v1, v22  }
0x2c3: {  	v35 =	vmul.f32 v17, v55;
	v17 =	vld.idx.msk [tilespmem:v63+s26+$0x0], $0xffff;
	v29 =	vmul.f32 v39, v22;
	v5 =	vor.u32 v47, v18  }
0x2c4: {  	v23 =	vor.u32 v50, v18;
	v10 =	vadd.f32 v1, v32;
	v1 =	vld.idx.msk [tilespmem:v13+s26+$0x0], $0xffff  }
0x2c5: {  	v4 =	vadd.f32 v29, v4;
	v13 =	vld.idx.msk [tilespmem:v51+s26+$0x0], $0xffff  }
0x2c6: {  	v8 =	vld [tilespmem:$0x1FF50];
	v19 =	vmul.f32 v19, v55  }
0x2c7: {  	v12 =	vmul.f32 v12, v55;
	v3 =	vadd.f32 v3, v4;
	v4 =	vld.idx.msk [tilespmem:v30+s26+$0x0], $0xffff  }
0x2c8: {  	v38 =	vmul.f32 v15, v22;
	v19 =	vadd.f32 v19, v60;
	v15 =	vmul.f32 v17, v22;
	v39 =	vld.idx.msk [tilespmem:v5+s26+$0x0], $0xffff  }
0x2c9: {  	v17 =	vadd.f32 v12, v61;
	v5 =	vld.idx.msk [tilespmem:v23+s26+$0x0], $0xffff;
	v23 =	vmul.f32 v24, v22  }
0x2ca: {  	v15 =	vadd.f32 v15, v19;
	v1 =	vmul.f32 v1, v22;
	v13 =	vmul.f32 v13, v22;
	v22 =	vld [tilespmem:$0x1FB40]  }
0x2cb: {  	v44 =	vld [tilespmem:$0x1FF30];
	v27 =	vor.u32 v8, v18  }
0x2cc: {  	[tilespmem:$0x1FA40] =	vst v4;
	v4 =	vadd.f32 v13, v17;
	v13 =	vadd.f32 v62, v15;
	v15 =	vld [tilespmem:$0x1FB50]  }
0x2cd: {  	v28 =	vld.idx.msk [tilespmem:v25+s25+$0x0], $0xffff;
	v14 =	vmul.f32 v14, v55  }
0x2ce: {  	[tilespmem:$0x1F900] =	vst v56;
	v56 =	vld [tilespmem:$0x1FF40]  }
0x2cf: {  	v0 =	vld.idx.msk [tilespmem:v0+s26+$0x0], $0xffff;
	v16 =	vmul.f32 v16, v55;
	v14 =	vadd.f32 v14, v22  }
0x2d0: {  	v60 =	vor.u32 v53, v18;
	v6 =	vld.idx.msk [tilespmem:v27+s26+$0x0], $0xffff  }
0x2d1: {  	v1 =	vadd.f32 v1, v14;
	v14 =	vor.u32 v44, v20;
	v16 =	vadd.f32 v16, v15;
	v15 =	vld [tilespmem:$0x1FAC0]  }
0x2d2: {  	v27 =	vld [tilespmem:$0x1FF10]  }
0x2d3: {  	[tilespmem:$0x1F910] =	vst v57;
	v57 =	vld [tilespmem:$0x1FF70];
	v25 =	vor.u32 v56, v7  }
0x2d4: {  	v61 =	vor.u32 v53, v7;
	v51 =	vld [tilespmem:$0x1FF60]  }
0x2d5: {  	v36 =	vor.u32 v45, v7;
	v9 =	vadd.f32 v9, v4;
	v4 =	vld.idx.msk [tilespmem:v60+s26+$0x0], $0xffff  }
0x2d6: {  	v60 =	vadd.f32 v15, v13;
	v13 =	vadd.f32 v38, v16;
	v38 =	vld.idx.msk [tilespmem:v14+s26+$0x0], $0xffff  }
0x2d7: {  	v41 =	vor.u32 v27, v20;
	v14 =	vld [tilespmem:$0x1FB60]  }
0x2d8: {  	v19 =	vmul.f32 v33, v42;
	v33 =	vld.idx.msk [tilespmem:v25+s26+$0x0], $0xffff;
	v25 =	vor.u32 v45, v18  }
0x2d9: {  	v17 =	vld.idx.msk [tilespmem:v61+s26+$0x0], $0xffff  }
0x2da: {  	v0 =	vmul.f32 v0, v55;
	v11 =	vmul.f32 v11, v55;
	v22 =	vld.idx.msk [tilespmem:v36+s24+$0x0], $0xffff  }
0x2db: {  	[tilespmem:$0x1F950] =	vst v4;
	v4 =	vadd.f32 v19, v3;
	v3 =	vld.idx.msk [tilespmem:v36+s25+$0x0], $0xffff  }
0x2dc: {  	v0 =	vadd.f32 v0, v58;
	v11 =	vadd.f32 v11, v14;
	v14 =	vld.idx.msk [tilespmem:v41+s26+$0x0], $0xffff  }
0x2dd: {  	v41 =	vld.idx.msk [tilespmem:v25+s24+$0x0], $0xffff  }
0x2de: {  	v0 =	vadd.f32 v23, v0;
	v1 =	vadd.f32 v59, v1;
	v59 =	vmov s19  }
0x2df: {  	v24 =	vor.u32 v51, v7;
	v23 =	vand.u32 $0x3C, v59;
	v16 =	vmul.f32 v17, v22  }
0x2e0: {  	[tilespmem:$0x1F940] =	vst v2;
	v26 =	vor.u32 v44, v18;
	v32 =	vor.u32 v57, v18;
	v23 =	vbroadcast v23, $0x0  }
0x2e1: {  	v2 =	vor.u32 v56, v20;
	v12 =	vor.u32 v44, v7;
	v15 =	vmovc v16;
	v16 =	vmul.f32 v3, v22  }
0x2e2: {  	v3 =	vadd.f32 v54, v0;
	v54 =	vor.u32 v44, v23;
	v44 =	vmul.f32 v6, v41;
	v6 =	vld [tilespmem:$0x1FA90];
	_ =	sdelay $0x1  }
0x2e3: {  	v24 =	vld.idx.msk [tilespmem:v24+s26+$0x0], $0xffff  }
0x2e4: {  	v28 =	vmul.f32 v28, v42;
	v36 =	vmul.f32 v33, v22;
	v33 =	vld.idx.msk [tilespmem:v32+s26+$0x0], $0xffff  }
0x2e5: {  	v62 =	vor.u32 v27, v18;
	v61 =	vadd.f32 v31, v9;
	v31 =	vor.u32 v57, v20;
	v32 =	vld.idx.msk [tilespmem:v2+s26+$0x0], $0xffff  }
0x2e6: {  	v19 =	vor.u32 v51, v18;
	v13 =	vadd.f32 v34, v13;
	v58 =	vadd.f32 v6, v3;
	v6 =	vld [tilespmem:$0x1FA80]  }
0x2e7: {  	v2 =	vadd.f32 v35, v49;
	v1 =	vadd.f32 v21, v1;
	v21 =	vor.u32 v56, v18;
	v0 =	vld [tilespmem:$0x1FAD0]  }
0x2e8: {  	v26 =	vld.idx.msk [tilespmem:v26+s26+$0x0], $0xffff;
	v18 =	vor.u32 v46, v18;
	v17 =	vor.u32 v47, v20;
	v13 =	vadd.f32 v48, v13  }
0x2e9: {  	[tilespmem:$0x1FB40] =	vst v1;
	v1 =	vor.u32 v46, v20;
	v42 =	vor.u32 v46, v23;
	v46 =	vor.u32 v47, v23  }
0x2ea: {  	[tilespmem:$0x1FB50] =	vst v13;
	v13 =	vor.u32 v47, v7;
	v47 =	vmul.f32 v24, v22;
	v24 =	vld [tilespmem:$0x1F8E0];
	v11 =	vadd.f32 v43, v11  }
0x2eb: {  	v2 =	vadd.f32 v6, v2;
	v6 =	vld [tilespmem:$0x1F8D0]  }
0x2ec: {  	v0 =	vadd.f32 v0, v11  }
0x2ed: {  	v37 =	vor.u32 v53, v20;
	v40 =	vor.u32 v45, v20;
	v29 =	vmov v45  }
0x2ee: {  	v30 =	vor.u32 v50, v20;
	v35 =	vor.u32 v45, v23;
	v45 =	vld.idx.msk [tilespmem:v31+s26+$0x0], $0xffff;
	v0 =	vadd.f32 v52, v0  }
0x2ef: {  	v63 =	vor.u32 v51, v20;
	v20 =	vor.u32 v8, v20;
	v31 =	vmul.f32 v26, v41;
	v26 =	vld [tilespmem:$0x1F900]  }
0x2f0: {  	[tilespmem:$0x1FB60] =	vst v0;
	v0 =	vor.u32 v8, v23;
	v6 =	vadd.f32 v6, v24;
	v24 =	vor.u32 v8, v7;
	v8 =	vld [tilespmem:$0x1F8F0];
	_ =	sdelay $0x4  }
0x2f1: {  	v8 =	vadd.f32 v26, v8;
	v26 =	vld.idx.msk [tilespmem:v21+s26+$0x0], $0xffff  }
0x2f2: {  	v21 =	vld [tilespmem:$0x1FAA0];
	_ =	sdelay $0x1  }
0x2f3: {  	v9 =	vld.idx.msk [tilespmem:v40+s24+$0x0], $0xffff  }
0x2f4: {  	v34 =	vld.idx.msk [tilespmem:v62+s26+$0x0], $0xffff  }
0x2f5: {  	v62 =	vld [tilespmem:$0x1FAF0]  }
0x2f6: {  	v6 =	vadd.f32 v21, v6;
	v21 =	vld [tilespmem:$0x1F910]  }
0x2f7: {  	v11 =	vld [tilespmem:$0x1FB00]  }
0x2f8: {  	v49 =	vld.idx.msk [tilespmem:v63+s26+$0x0], $0xffff;
	_ =	sdelay $0x2  }
0x2f9: {  	[tilespmem:$0x1F930] =	vst v5;
	v5 =	vld.idx.msk [tilespmem:v37+s26+$0x0], $0xffff;
	v63 =	vor.u32 v27, v7;
	v2 =	vadd.f32 v21, v2  }
0x2fa: {  	v48 =	vadd.f32 v11, v10;
	v8 =	vadd.f32 v62, v8;
	v62 =	vmul.f32 v14, v9;
	v14 =	vld [tilespmem:$0x1FAB0]  }
0x2fb: {  	v10 =	vor.u32 v27, v23;
	v27 =	vmul.f32 v49, v9;
	v49 =	vadd.f32 v28, v2;
	v2 =	vld [tilespmem:$0x1FB20];
	_ =	sdelay $0x1  }
0x2fc: {  	v21 =	vmul.f32 v34, v41;
	_ =	sdelay $0x1  }
0x2fd: {  	[tilespmem:$0x1FAC0] =	vst v21;
	v21 =	vmul.f32 v39, v41  }
0x2fe: {  	v39 =	vld.idx.msk [tilespmem:v42+s26+$0x0], $0xffff;
	v42 =	vadd.f32 v14, v6;
	v6 =	vadd.f32 v2, v8;
	v2 =	vmul.f32 v5, v9  }
0x2ff: {  	v19 =	vld.idx.msk [tilespmem:v19+s26+$0x0], $0xffff  }
0x300: {  	[tilespmem:$0x1FAD0] =	vst v2;
	v2 =	vld [tilespmem:$0x1F920];
	_ =	sdelay $0x3  }
0x301: {  	v1 =	vld.idx.msk [tilespmem:v1+s26+$0x0], $0xffff  }
0x302: {  	v5 =	vmul.f32 v19, v41;
	v19 =	vadd.f32 v2, v48;
	v2 =	vld [tilespmem:$0x1F930]  }
0x303: {  	v37 =	vld.idx.msk [tilespmem:v40+s25+$0x0], $0xffff  }
0x304: {  	v30 =	vld.idx.msk [tilespmem:v30+s26+$0x0], $0xffff  }
0x305: {  	v18 =	vld.idx.msk [tilespmem:v18+s26+$0x0], $0xffff;
	v3 =	vor.u32 v56, v23  }
0x306: {  	v55 =	vld.idx.msk [tilespmem:v35+s24+$0x0], $0xffff  }
0x307: {  	v51 =	vor.u32 v51, v23;
	v1 =	vmul.f32 v1, v9;
	v48 =	vmul.f32 v2, v41;
	v2 =	vld [tilespmem:$0x1F940]  }
0x308: {  	v17 =	vld.idx.msk [tilespmem:v17+s26+$0x0], $0xffff  }
0x309: {  	v20 =	vld.idx.msk [tilespmem:v20+s26+$0x0], $0xffff;
	[tilespmem:$0x1FB00] =	vst v1;
	v1 =	vmul.f32 v26, v41  }
0x30a: {  	v43 =	vor.u32 v50, v23;
	v11 =	vor.u32 v53, v23;
	v28 =	vld.idx.msk [tilespmem:v3+s26+$0x0], $0xffff  }
0x30b: {  	v23 =	vor.u32 v57, v23;
	v14 =	vld.idx.msk [tilespmem:v46+s26+$0x0], $0xffff;
	[tilespmem:$0x1FB20] =	vst v1;
	v1 =	vmul.f32 v39, v55  }
0x30c: {  	v40 =	vor.u32 v57, v7;
	v46 =	vmul.f32 v18, v41;
	v8 =	vld.idx.msk [tilespmem:v51+s26+$0x0], $0xffff;
	v53 =	vadd.f32 v2, v42  }
0x30d: {  	p0 =	slt.u32 s21, $0x3C;
	v18 =	vmovc v47;
	v2 =	vor.u32 v50, v7;
	v7 =	vmul.f32 v32, v9;
	v32 =	vadd.f32 v1, v19;
	v1 =	vld [tilespmem:$0x1F950]  }
.Ltmp2:
0x30e: {  	[tilespmem:$0x1FAA0] =	vst v18;
	v51 =	vmov v12;
	v12 =	vld.idx.msk [tilespmem:v54+s26+$0x0], $0xffff;
	v54 =	vmul.f32 v20, v9;
	v20 =	vmov v44;
	(pc) =	sbr.rel @p0 .LBB2_7-.Ltmp2, $4  }
0x30f: {  	v59 =	vmul.f32 v17, v9;
	v17 =	vld.idx.msk [tilespmem:v35+s25+$0x0], $0xffff;
	v56 =	vmov v36;
	v57 =	vmul.f32 v37, v9;
	[tilespmem:$0x1FA90] =	vst v20  }
0x310: {  	v34 =	vmul.f32 v30, v9;
	v3 =	vmul.f32 v45, v9;
	[tilespmem:$0x1FAF0] =	vst v7;
	v7 =	vld.idx.msk [tilespmem:v23+s26+$0x0], $0xffff;
	v23 =	vmov v16  }
0x311: {  	s18 =	sadd.s32 $0x4, s21;
	v45 =	vmovc v29;
	v35 =	vmul.f32 v28, v55;
	v39 =	vld.idx.msk [tilespmem:v40+s26+$0x0], $0xffff;
	v42 =	vmov v41;
	v16 =	vmov v27;
	[tilespmem:$0x1FA80] =	vst v23  }
0x312: {  	s21 =	smov.u32 s18;
	v9 =	vmul.f32 v38, v9;
	[tilespmem:$0x1FAB0] =	vst v16;
	v16 =	vld.idx.msk [tilespmem:v43+s26+$0x0], $0xffff;
	v43 =	vmov v15;
	v52 =	vmul.f32 v1, v42  }
0x313: {  	_ =	sdelay $0x3  }
0x314: {  	v1 =	vld.idx.msk [tilespmem:v10+s26+$0x0], $0xffff  }
0x315: {  	v18 =	vld.idx.msk [tilespmem:v51+s26+$0x0], $0xffff  }
0x316: {  	v36 =	vld [tilespmem:$0x1FA70]  }
0x317: {  	v40 =	vld [tilespmem:$0x1FEE0]  }
0x318: {  	v2 =	vld.idx.msk [tilespmem:v2+s26+$0x0], $0xffff  }
0x319: {  	v10 =	vld.idx.msk [tilespmem:v63+s26+$0x0], $0xffff  }
0x31a: {  	v15 =	vld [tilespmem:$0x1FA40]  }
0x31b: {  	v47 =	vld [tilespmem:$0x1FF90]  }
0x31c: {  	v23 =	vor.u32 v40, v36;
	v29 =	vmul.f32 v18, v22;
	v18 =	vld [tilespmem:$0x1FB40]  }
0x31d: {  	v13 =	vld.idx.msk [tilespmem:v13+s26+$0x0], $0xffff  }
0x31e: {  	v20 =	vld.idx.msk [tilespmem:v24+s26+$0x0], $0xffff  }
0x31f: {  	v14 =	vmul.f32 v14, v55;
	v11 =	vld.idx.msk [tilespmem:v11+s26+$0x0], $0xffff  }
0x320: {  	v63 =	vld [tilespmem:$0x1FFE0];
	v51 =	vor.u32 v47, v36  }
0x321: {  	v14 =	vadd.f32 v14, v18;
	v18 =	vld.idx.msk [tilespmem:v23+s26+$0x0], $0xffff  }
0x322: {  	v37 =	vld [tilespmem:$0x1FB10]  }
0x323: {  	v25 =	vld.idx.msk [tilespmem:v25+s25+$0x0], $0xffff;
	v7 =	vmul.f32 v7, v55  }
0x324: {  	v0 =	vld.idx.msk [tilespmem:v0+s26+$0x0], $0xffff  }
0x325: {  	v4 =	vadd.f32 v7, v4;
	v7 =	vmul.f32 v12, v55;
	v12 =	vmul.f32 v16, v55;
	v16 =	vld.idx.msk [tilespmem:v51+s26+$0x0], $0xffff  }
0x326: {  	[tilespmem:$0x1F750] =	vst v18;
	v18 =	vld [tilespmem:$0x1FB50]  }
0x327: {  	v41 =	vld [tilespmem:$0x1FFD0]  }
0x328: {  	v19 =	vmul.f32 v39, v22  }
0x329: {  	v15 =	vmul.f32 v15, v22;
	v1 =	vmul.f32 v1, v55  }
0x32a: {  	v6 =	vadd.f32 v35, v6;
	v35 =	vld [tilespmem:$0x1FFC0];
	v2 =	vmul.f32 v2, v22;
	v10 =	vmul.f32 v10, v22  }
0x32b: {  	v13 =	vmul.f32 v13, v22;
	v24 =	vor.u32 v63, v37;
	v12 =	vadd.f32 v12, v18  }
0x32c: {  	v20 =	vmul.f32 v20, v22;
	v22 =	vor.u32 v41, v36;
	v7 =	vadd.f32 v7, v61  }
0x32d: {  	v4 =	vadd.f32 v19, v4;
	v19 =	vor.u32 v40, v37;
	v2 =	vadd.f32 v2, v12;
	v12 =	vld [tilespmem:$0x1FA50]  }
0x32e: {  	v27 =	vmul.f32 v33, v42;
	v26 =	vor.u32 v47, v37;
	v1 =	vadd.f32 v1, v60  }
0x32f: {  	s11 =	simm.s32 $0x2;
	v28 =	vor.u32 v35, v36;
	v7 =	vadd.f32 v29, v7;
	v13 =	vadd.f32 v13, v14  }
0x330: {  	v3 =	vadd.f32 v3, v4;
	v1 =	vadd.f32 v10, v1;
	v10 =	vmov s11;
	v4 =	vld.idx.msk [tilespmem:v24+s26+$0x0], $0xffff  }
0x331: {  	v10 =	vand.u32 $0x3E, v10;
	v7 =	vadd.f32 v9, v7;
	v13 =	vadd.f32 v59, v13;
	v33 =	vld.idx.msk [tilespmem:v22+s26+$0x0], $0xffff  }
0x332: {  	v3 =	vadd.f32 v27, v3;
	v14 =	vbroadcast v10, $0x0;
	v10 =	vor.u32 v41, v37;
	v30 =	vld.idx.msk [tilespmem:v19+s26+$0x0], $0xffff  }
0x333: {  	v23 =	vld.idx.msk [tilespmem:v26+s26+$0x0], $0xffff;
	v13 =	vadd.f32 v21, v13  }
0x334: {  	v7 =	vadd.f32 v31, v7;
	v26 =	vld.idx.msk [tilespmem:v28+s26+$0x0], $0xffff;
	[tilespmem:$0x1F760] =	vst v3  }
0x335: {  	v12 =	vld.idx.msk [tilespmem:v12+s24+$0x0], $0xffff;
	[tilespmem:$0x1F770] =	vst v13  }
0x336: {  	v18 =	vld [tilespmem:$0x1FAC0];
	[tilespmem:$0x1F780] =	vst v7  }
0x337: {  	v13 =	vld.idx.msk [tilespmem:v10+s26+$0x0], $0xffff  }
0x338: {  	v10 =	vld [tilespmem:$0x1FB60]  }
0x339: {  	v39 =	vld [tilespmem:$0x1FED0]  }
0x33a: {  	v22 =	vor.u32 v63, v14  }
0x33b: {  	v44 =	vld [tilespmem:$0x1FFB0];
	v11 =	vmul.f32 v11, v55;
	v1 =	vadd.f32 v62, v1;
	v9 =	vor.u32 v35, v14  }
0x33c: {  	v51 =	vld [tilespmem:$0x1FEC0];
	v24 =	vor.u32 v45, v14;
	v2 =	vadd.f32 v34, v2  }
0x33d: {  	v31 =	vld [tilespmem:$0x1FEB0];
	v1 =	vadd.f32 v18, v1;
	v10 =	vadd.f32 v11, v10;
	v11 =	vor.u32 v41, v14  }
0x33e: {  	v3 =	vor.u32 v39, v37;
	v18 =	vld [tilespmem:$0x1FAD0];
	v2 =	vadd.f32 v48, v2  }
0x33f: {  	v21 =	vld.idx.msk [tilespmem:v22+s26+$0x0], $0xffff;
	[tilespmem:$0x1F790] =	vst v1  }
0x340: {  	v9 =	vld.idx.msk [tilespmem:v9+s26+$0x0], $0xffff;
	[tilespmem:$0x1F7A0] =	vst v2  }
0x341: {  	v7 =	vor.u32 v47, v14;
	v27 =	vld.idx.msk [tilespmem:v24+s24+$0x0], $0xffff  }
0x342: {  	v2 =	vadd.f32 v43, v10;
	v11 =	vld.idx.msk [tilespmem:v11+s26+$0x0], $0xffff  }
0x343: {  	v3 =	vld.idx.msk [tilespmem:v3+s26+$0x0], $0xffff  }
0x344: {  	v2 =	vadd.f32 v18, v2;
	v18 =	vld [tilespmem:$0x1FB00]  }
0x345: {  	v43 =	vld [tilespmem:$0x1FFA0]  }
0x346: {  	v0 =	vmul.f32 v0, v55;
	v7 =	vld.idx.msk [tilespmem:v7+s26+$0x0], $0xffff  }
0x347: {  	v15 =	vadd.f32 v15, v32;
	[tilespmem:$0x1F7B0] =	vst v11;
	v11 =	vld [tilespmem:$0x1FA80]  }
0x348: {  	v17 =	vmul.f32 v17, v55;
	v0 =	vadd.f32 v0, v58;
	v1 =	vor.u32 v31, v37  }
0x349: {  	v10 =	vor.u32 v44, v37;
	v15 =	vadd.f32 v18, v15;
	v18 =	vld [tilespmem:$0x1FA90]  }
0x34a: {  	v17 =	vadd.f32 v17, v49;
	v0 =	vadd.f32 v20, v0;
	v22 =	vor.u32 v43, v37  }
0x34b: {  	v2 =	vadd.f32 v52, v2  }
0x34c: {  	v0 =	vadd.f32 v54, v0;
	v24 =	vor.u32 v51, v36;
	v11 =	vadd.f32 v11, v17  }
0x34d: {  	v1 =	vld.idx.msk [tilespmem:v1+s26+$0x0], $0xffff;
	[tilespmem:$0x1F7C0] =	vst v2  }
0x34e: {  	v20 =	vmul.f32 v25, v42;
	v28 =	vld.idx.msk [tilespmem:v10+s26+$0x0], $0xffff;
	v0 =	vadd.f32 v18, v0;
	v10 =	vadd.f32 v57, v11  }
0x34f: {  	v22 =	vld.idx.msk [tilespmem:v22+s26+$0x0], $0xffff  }
0x350: {  	[tilespmem:$0x1F7D0] =	vst v0;
	v11 =	vld [tilespmem:$0x1FAF0];
	v10 =	vadd.f32 v20, v10  }
0x351: {  	v49 =	vld.idx.msk [tilespmem:v24+s26+$0x0], $0xffff  }
0x352: {  	[tilespmem:$0x1F7E0] =	vst v10;
	v10 =	vld [tilespmem:$0x1FB20]  }
0x353: {  	v6 =	vadd.f32 v56, v6;
	_ =	sdelay $0x1  }
0x354: {  	v25 =	vor.u32 v39, v36;
	v2 =	vld [tilespmem:$0x1FAA0];
	v6 =	vadd.f32 v11, v6  }
0x355: {  	v8 =	vmul.f32 v8, v55  }
0x356: {  	v0 =	vld [tilespmem:$0x1FAB0];
	v6 =	vadd.f32 v10, v6  }
0x357: {  	v8 =	vadd.f32 v8, v53  }
0x358: {  	[tilespmem:$0x1F7F0] =	vst v6  }
0x359: {  	v2 =	vadd.f32 v2, v8;
	v6 =	vld.idx.msk [tilespmem:v25+s26+$0x0], $0xffff;
	_ =	sdelay $0x1  }
0x35a: {  	v0 =	vadd.f32 v0, v2  }
0x35b: {  	v38 =	vor.u32 v44, v36  }
0x35c: {  	v8 =	vor.u32 v63, v36;
	v0 =	vadd.f32 v5, v0  }
0x35d: {  	v11 =	vor.u32 v45, v36;
	[tilespmem:$0x1F800] =	vst v6;
	v6 =	vadd.f32 v46, v15  }
0x35e: {  	[tilespmem:$0x1F820] =	vst v0  }
0x35f: {  	v2 =	vor.u32 v51, v37;
	[tilespmem:$0x1F810] =	vst v6;
	v6 =	vor.u32 v40, v14  }
0x360: {  	v0 =	vor.u32 v35, v37;
	v5 =	vld.idx.msk [tilespmem:v38+s26+$0x0], $0xffff;
	[tilespmem:$0x1F830] =	vst v6;
	v6 =	vmul.f32 v21, v27  }
0x361: {  	v8 =	vld.idx.msk [tilespmem:v8+s26+$0x0], $0xffff  }
0x362: {  	v38 =	vld.idx.msk [tilespmem:v11+s24+$0x0], $0xffff;
	[tilespmem:$0x1F840] =	vst v6;
	v6 =	vmul.f32 v9, v27  }
0x363: {  	v19 =	vld [tilespmem:$0x1FAE0]  }
0x364: {  	v2 =	vld.idx.msk [tilespmem:v2+s26+$0x0], $0xffff;
	[tilespmem:$0x1F850] =	vst v6  }
0x365: {  	v18 =	vld.idx.msk [tilespmem:v0+s26+$0x0], $0xffff  }
0x366: {  	v0 =	vld [tilespmem:$0x1FB30];
	_ =	sdelay $0x3  }
0x367: {  	v10 =	vor.u32 v43, v36  }
0x368: {  	v29 =	vor.u32 v63, v19;
	_ =	sdelay $0x1  }
0x369: {  	v20 =	vor.u32 v47, v19  }
0x36a: {  	v48 =	vld.idx.msk [tilespmem:v0+s24+$0x0], $0xffff;
	v0 =	vmul.f32 v4, v12  }
0x36b: {  	v57 =	vld.idx.msk [tilespmem:v10+s26+$0x0], $0xffff  }
0x36c: {  	v29 =	vld.idx.msk [tilespmem:v29+s26+$0x0], $0xffff;
	[tilespmem:$0x1F860] =	vst v0;
	v0 =	vmul.f32 v8, v38  }
0x36d: {  	v50 =	vmul.f32 v1, v12;
	v9 =	vor.u32 v41, v19  }
0x36e: {  	v1 =	vor.u32 v39, v19;
	v11 =	vld.idx.msk [tilespmem:v20+s26+$0x0], $0xffff;
	[tilespmem:$0x1F870] =	vst v0;
	v0 =	vmul.f32 v2, v12;
	_ =	sdelay $0x1  }
0x36f: {  	v62 =	vmul.f32 v22, v12;
	[tilespmem:$0x1F880] =	vst v0;
	v0 =	vmul.f32 v3, v12  }
0x370: {  	v22 =	vor.u32 v31, v36;
	v46 =	vor.u32 v31, v14;
	v21 =	vor.u32 v44, v19  }
0x371: {  	v60 =	vimm.f32 $0.0e+00;
	v10 =	vmul.f32 v7, v27;
	v7 =	vor.u32 v31, v19;
	v31 =	vld.idx.msk [tilespmem:v9+s26+$0x0], $0xffff;
	[tilespmem:$0x1F890] =	vst v0  }
0x372: {  	v61 =	vor.u32 v39, v14;
	v6 =	vor.u32 v35, v19;
	v55 =	vld.idx.msk [tilespmem:v1+s26+$0x0], $0xffff;
	v1 =	vmul.f32 v26, v38  }
0x373: {  	v59 =	vimm.f32 $0.0e+00;
	v58 =	vmul.f32 v30, v12;
	v30 =	vor.u32 v51, v19  }
0x374: {  	v54 =	vmul.f32 v13, v12;
	v15 =	vor.u32 v51, v14;
	[tilespmem:$0x1F8A0] =	vst v1;
	v1 =	vmul.f32 v33, v38  }
0x375: {  	v34 =	vor.u32 v43, v19;
	v24 =	vor.u32 v43, v14;
	v25 =	vmul.f32 v28, v12  }
0x376: {  	v42 =	vmovc v63;
	v63 =	vimm.f32 $0.0e+00;
	v28 =	vmul.f32 v23, v12;
	v0 =	vor.u32 v44, v14;
	v14 =	vld.idx.msk [tilespmem:v21+s26+$0x0], $0xffff;
	[tilespmem:$0x1F8B0] =	vst v1  }
0x377: {  	v23 =	vimm.f32 $0.0e+00;
	v52 =	vmul.f32 v5, v38;
	v53 =	vmul.f32 v18, v12;
	v12 =	vld.idx.msk [tilespmem:v6+s26+$0x0], $0xffff  }
0x378: {  	v56 =	vmul.f32 v16, v38;
	v4 =	vimm.f32 $0.0e+00;
	v8 =	vor.u32 v40, v19;
	v5 =	vld.idx.msk [tilespmem:v7+s26+$0x0], $0xffff  }
0x379: {  	v20 =	vimm.f32 $0.0e+00;
	v9 =	vmul.f32 v29, v48;
	v1 =	vimm.f32 $0.0e+00;
	v36 =	vld.idx.msk [tilespmem:v15+s26+$0x0], $0xffff  }
0x37a: {  	s18 =	simm.s32 $0x4;
	v29 =	vimm.f32 $0.0e+00;
	v26 =	vimm.f32 $0.0e+00;
	v21 =	vimm.f32 $0.0e+00;
	v2 =	vld.idx.msk [tilespmem:v46+s26+$0x0], $0xffff;
	[tilespmem:$0x1F8C0] =	vst v1  }
.LBB2_9:
0x37b: {  	v6 =	vmul.f32 v49, v38;
	_ =	sdelay $0x1  }
0x37c: {  	[tilespmem:$0x1F710] =	vst v6;
	v6 =	vld [tilespmem:$0x1F750];
	_ =	sdelay $0x3  }
0x37d: {  	s11 =	sadd.s32 $0x3, s18;
	v3 =	vmov v10  }
0x37e: {  	[tilespmem:$0x1F720] =	vst v3;
	v3 =	vmov s11;
	v16 =	vmul.f32 v14, v48;
	v14 =	vmul.f32 v6, v38;
	v6 =	vld [tilespmem:$0x1F830]  }
0x37f: {  	v13 =	vand.u32 $0x3F, v3  }
0x380: {  	v10 =	vmul.f32 v12, v48;
	v12 =	vbroadcast v13, $0x0;
	_ =	sdelay $0x1  }
0x381: {  	v19 =	vmul.f32 v11, v48;
	v11 =	vadd.f32 v9, v23;
	v9 =	vor.u32 v47, v12;
	_ =	sdelay $0x3  }
0x382: {  	v32 =	vld.idx.msk [tilespmem:v6+s26+$0x0], $0xffff  }
0x383: {  	v6 =	vld.idx.msk [tilespmem:v9+s26+$0x0], $0xffff  }
0x384: {  	s19 =	smov.u32 s18  }
0x385: {  	s22 =	sadd.s32 $0x1, s19  }
0x386: {  	v18 =	vld.idx.msk [tilespmem:v8+s26+$0x0], $0xffff;
	v8 =	vmov s22  }
0x387: {  	v17 =	vld.idx.msk [tilespmem:v24+s26+$0x0], $0xffff;
	v13 =	vand.u32 $0x3D, v8  }
0x388: {  	v24 =	vbroadcast v13, $0x0;
	v13 =	vmul.f32 v31, v48;
	v31 =	vor.u32 v40, v12;
	[tilespmem:$0x1F740] =	vst v6;
	v6 =	vld [tilespmem:$0x1F7B0];
	_ =	sdelay $0x2  }
0x389: {  	v1 =	vld.idx.msk [tilespmem:v34+s26+$0x0], $0xffff  }
0x38a: {  	v34 =	vld.idx.msk [tilespmem:v61+s26+$0x0], $0xffff  }
0x38b: {  	v9 =	vadd.f32 v16, v29;
	v29 =	vmul.f32 v6, v27;
	v6 =	vld.idx.msk [tilespmem:v31+s26+$0x0], $0xffff  }
0x38c: {  	v61 =	vmul.f32 v5, v48;
	v5 =	vld [tilespmem:$0x1FEE0]  }
0x38d: {  	v0 =	vld.idx.msk [tilespmem:v0+s26+$0x0], $0xffff  }
0x38e: {  	v40 =	vor.u32 v42, v24  }
0x38f: {  	v3 =	vld [tilespmem:$0x1F800]  }
0x390: {  	s31 =	sadd.s32 $0x2, s19;
	[tilespmem:$0x1F750] =	vst v6;
	v6 =	vld [tilespmem:$0x1FFC0]  }
0x391: {  	[tilespmem:$0x1F700] =	vst v20;
	v20 =	vld.idx.msk [tilespmem:v30+s26+$0x0], $0xffff;
	v23 =	vmov s31;
	v33 =	vor.u32 v5, v24;
	v5 =	vmul.f32 v18, v48  }
0x392: {  	v45 =	vld [tilespmem:$0x1FFF0];
	v0 =	vmul.f32 v0, v27;
	v42 =	vand.u32 $0x3E, v23;
	v25 =	vadd.f32 v25, v9  }
0x393: {  	v21 =	vadd.f32 v5, v21;
	v5 =	vld.idx.msk [tilespmem:v40+s26+$0x0], $0xffff;
	v40 =	vbroadcast v42, $0x0  }
0x394: {  	v37 =	vor.u32 v41, v12;
	v3 =	vmul.f32 v3, v38;
	v25 =	vadd.f32 v0, v25;
	v0 =	vld [tilespmem:$0x1FFD0]  }
0x395: {  	v15 =	vmul.f32 v57, v38;
	v57 =	vor.u32 v6, v40;
	v6 =	vld [tilespmem:$0x1FFE0]  }
0x396: {  	v31 =	vmul.f32 v2, v27;
	v2 =	vld [tilespmem:$0x1FFD0]  }
0x397: {  	v22 =	vld.idx.msk [tilespmem:v22+s26+$0x0], $0xffff;
	v8 =	vmul.f32 v36, v27;
	v1 =	vmul.f32 v1, v48  }
0x398: {  	v36 =	vor.u32 v35, v24;
	v35 =	vor.u32 v35, v12;
	[tilespmem:$0x1F730] =	vst v3;
	v3 =	vmovc v53;
	v53 =	vmov v52;
	v52 =	vld [tilespmem:$0x1FED0]  }
0x399: {  	v26 =	vadd.f32 v13, v26;
	v49 =	vor.u32 v45, v24;
	v13 =	vld.idx.msk [tilespmem:v37+s26+$0x0], $0xffff  }
0x39a: {  	v1 =	vadd.f32 v1, v63;
	v0 =	vor.u32 v0, v40;
	v46 =	vor.u32 v6, v40;
	v6 =	vld [tilespmem:$0x1FEE0]  }
0x39b: {  	v42 =	vor.u32 v2, v24;
	v2 =	vld [tilespmem:$0x1FEB0]  }
0x39c: {  	v41 =	vmul.f32 v17, v27;
	v1 =	vadd.f32 v62, v1;
	v37 =	vld [tilespmem:$0x1FFA0]  }
0x39d: {  	v22 =	vmul.f32 v22, v38;
	v38 =	vor.u32 v43, v24;
	v17 =	vld.idx.msk [tilespmem:v35+s26+$0x0], $0xffff  }
0x39e: {  	v18 =	vor.u32 v47, v24;
	v1 =	vadd.f32 v41, v1;
	v21 =	vadd.f32 v58, v21;
	v16 =	vld.idx.msk [tilespmem:v49+s24+$0x0], $0xffff  }
0x39f: {  	v58 =	vor.u32 v51, v24;
	v39 =	vor.u32 v47, v40;
	v0 =	vld.idx.msk [tilespmem:v0+s26+$0x0], $0xffff;
	v6 =	vor.u32 v6, v40  }
0x3a0: {  	v49 =	vor.u32 v44, v24;
	v35 =	vor.u32 v2, v24;
	[tilespmem:$0x1F830] =	vst v6;
	v6 =	vor.u32 v52, v24;
	v24 =	vld [tilespmem:$0x1FFE0]  }
0x3a1: {  	v63 =	vadd.f32 v15, v1;
	v1 =	vld.idx.msk [tilespmem:v36+s26+$0x0], $0xffff  }
0x3a2: {  	v33 =	vld.idx.msk [tilespmem:v33+s26+$0x0], $0xffff  }
0x3a3: {  	v23 =	vmul.f32 v34, v27;
	v9 =	vld.idx.msk [tilespmem:v18+s26+$0x0], $0xffff;
	v34 =	vmul.f32 v32, v27;
	v27 =	vadd.f32 v61, v59  }
0x3a4: {  	v4 =	vadd.f32 v19, v4;
	v44 =	vor.u32 v45, v12;
	v62 =	vld.idx.msk [tilespmem:v39+s26+$0x0], $0xffff;
	v59 =	vmov s19  }
0x3a5: {  	[tilespmem:$0x1F7B0] =	vst v0;
	v0 =	vld.idx.msk [tilespmem:v35+s26+$0x0], $0xffff;
	v43 =	vor.u32 v24, v12;
	v24 =	vadd.f32 v50, v27;
	v50 =	vand.u32 $0x3C, v59  }
0x3a6: {  	v4 =	vadd.f32 v28, v4;
	v28 =	vbroadcast v50, $0x0;
	v50 =	vld [tilespmem:$0x1FFB0]  }
0x3a7: {  	v39 =	vld.idx.msk [tilespmem:v38+s26+$0x0], $0xffff  }
0x3a8: {  	v41 =	vld.idx.msk [tilespmem:v49+s26+$0x0], $0xffff  }
0x3a9: {  	v49 =	vld [tilespmem:$0x1FFA0]  }
0x3aa: {  	v26 =	vadd.f32 v54, v26;
	v30 =	vor.u32 v52, v12;
	v18 =	vor.u32 v45, v40;
	v38 =	vld.idx.msk [tilespmem:v44+s24+$0x0], $0xffff  }
0x3ab: {  	v54 =	vor.u32 v45, v28;
	v45 =	vor.u32 v50, v28;
	v50 =	vmul.f32 v0, v16;
	v0 =	vld [tilespmem:$0x1F860]  }
0x3ac: {  	v44 =	vld [tilespmem:$0x1FFB0]  }
0x3ad: {  	v7 =	vld.idx.msk [tilespmem:v42+s26+$0x0], $0xffff;
	v31 =	vadd.f32 v31, v24  }
0x3ae: {  	v57 =	vld.idx.msk [tilespmem:v57+s26+$0x0], $0xffff  }
0x3af: {  	v59 =	vadd.f32 v22, v31;
	v22 =	vld.idx.msk [tilespmem:v30+s26+$0x0], $0xffff  }
0x3b0: {  	v11 =	vadd.f32 v0, v11;
	v0 =	vld [tilespmem:$0x1FFE0]  }
0x3b1: {  	v32 =	vld.idx.msk [tilespmem:v46+s26+$0x0], $0xffff  }
0x3b2: {  	v46 =	vld [tilespmem:$0x1FFB0]  }
0x3b3: {  	v21 =	vadd.f32 v34, v21;
	v61 =	vor.u32 v37, v12;
	v27 =	vld.idx.msk [tilespmem:v18+s24+$0x0], $0xffff  }
0x3b4: {  	[tilespmem:$0x1F800] =	vst v22;
	v22 =	vld [tilespmem:$0x1FFD0]  }
0x3b5: {  	v21 =	vadd.f32 v14, v21;
	v14 =	vor.u32 v0, v28;
	v0 =	vld [tilespmem:$0x1F8C0]  }
0x3b6: {  	v20 =	vmul.f32 v20, v48;
	v19 =	vor.u32 v51, v12;
	v6 =	vld.idx.msk [tilespmem:v6+s26+$0x0], $0xffff  }
0x3b7: {  	v48 =	vmul.f32 v55, v48;
	v35 =	vor.u32 v46, v12;
	v18 =	vor.u32 v2, v40;
	v24 =	vld [tilespmem:$0x1FFA0]  }
0x3b8: {  	v55 =	vor.u32 v47, v28;
	v46 =	vor.u32 v2, v28;
	v47 =	vmul.f32 v57, v27;
	v57 =	vld.idx.msk [tilespmem:v61+s26+$0x0], $0xffff  }
0x3b9: {  	v37 =	vor.u32 v52, v28;
	v31 =	vor.u32 v22, v28;
	v22 =	vor.u32 v2, v12;
	v2 =	vld [tilespmem:$0x1F700]  }
0x3ba: {  	v61 =	vor.u32 v52, v40;
	v52 =	vadd.f32 v10, v60;
	v10 =	vadd.f32 v20, v0;
	v20 =	vld [tilespmem:$0x1F8B0]  }
0x3bb: {  	v34 =	vor.u32 v49, v28;
	v49 =	vld.idx.msk [tilespmem:v19+s26+$0x0], $0xffff  }
0x3bc: {  	v19 =	vld [tilespmem:$0x1FFC0]  }
0x3bd: {  	v15 =	vld.idx.msk [tilespmem:v35+s26+$0x0], $0xffff;
	v12 =	vadd.f32 v29, v26  }
0x3be: {  	v0 =	vld [tilespmem:$0x1FFB0]  }
0x3bf: {  	v26 =	vadd.f32 v20, v12;
	v20 =	vadd.f32 v48, v2;
	v48 =	vld.idx.msk [tilespmem:v54+s24+$0x0], $0xffff  }
0x3c0: {  	v54 =	vld [tilespmem:$0x1F840]  }
0x3c1: {  	v35 =	vld.idx.msk [tilespmem:v43+s26+$0x0], $0xffff  }
0x3c2: {  	v43 =	vld [tilespmem:$0x1FFA0]  }
0x3c3: {  	v60 =	vld [tilespmem:$0x1F850]  }
0x3c4: {  	v5 =	vmul.f32 v5, v16;
	v42 =	vor.u32 v51, v40;
	v29 =	vadd.f32 v53, v25;
	v25 =	vld [tilespmem:$0x1F880]  }
0x3c5: {  	v24 =	vor.u32 v24, v40;
	v0 =	vor.u32 v0, v40;
	v40 =	vadd.f32 v54, v11;
	v11 =	vld.idx.msk [tilespmem:v55+s26+$0x0], $0xffff  }
0x3c6: {  	v55 =	vld [tilespmem:$0x1F890]  }
0x3c7: {  	[tilespmem:$0x1F860] =	vst v5;
	v5 =	vld [tilespmem:$0x1F870];
	v53 =	vmul.f32 v1, v16;
	v1 =	vmul.f32 v13, v38  }
0x3c8: {  	v31 =	vld.idx.msk [tilespmem:v31+s26+$0x0], $0xffff  }
0x3c9: {  	[tilespmem:$0x1F8B0] =	vst v1;
	v1 =	vld [tilespmem:$0x1F730]  }
0x3ca: {  	v25 =	vadd.f32 v25, v10;
	v2 =	vld [tilespmem:$0x1F710]  }
0x3cb: {  	v10 =	vmul.f32 v62, v27;
	v62 =	vmul.f32 v39, v16;
	v39 =	vld.idx.msk [tilespmem:v14+s26+$0x0], $0xffff;
	v20 =	vadd.f32 v55, v20  }
0x3cc: {  	v36 =	vadd.f32 v3, v52;
	v8 =	vadd.f32 v8, v25;
	v12 =	vld.idx.msk [tilespmem:v58+s26+$0x0], $0xffff  }
0x3cd: {  	v14 =	vld.idx.msk [tilespmem:v45+s26+$0x0], $0xffff;
	v20 =	vadd.f32 v23, v20;
	v23 =	vadd.f32 v5, v40;
	v5 =	vmul.f32 v35, v38  }
0x3ce: {  	v25 =	vmul.f32 v41, v16;
	v41 =	vld [tilespmem:$0x1FFD0];
	v58 =	vmul.f32 v33, v16  }
0x3cf: {  	v33 =	vadd.f32 v60, v36;
	v36 =	vld.idx.msk [tilespmem:v42+s26+$0x0], $0xffff;
	[tilespmem:$0x1F870] =	vst v5;
	v5 =	vadd.f32 v2, v8  }
0x3d0: {  	v42 =	vld [tilespmem:$0x1FFE0]  }
0x3d1: {  	v55 =	vld.idx.msk [tilespmem:v37+s26+$0x0], $0xffff;
	[tilespmem:$0x1F8C0] =	vst v5;
	v5 =	vmul.f32 v12, v16  }
0x3d2: {  	v19 =	vor.u32 v19, v28;
	v2 =	vld [tilespmem:$0x1F720]  }
0x3d3: {  	v40 =	vld [tilespmem:$0x1FEE0];
	[tilespmem:$0x1F880] =	vst v5;
	v5 =	vmul.f32 v6, v16  }
0x3d4: {  	v32 =	vmul.f32 v32, v27;
	v20 =	vadd.f32 v1, v20;
	v1 =	vld [tilespmem:$0x1F740]  }
0x3d5: {  	p0 =	slt.u32 s18, $0x3C;
	[tilespmem:$0x1F890] =	vst v5;
	v5 =	vld [tilespmem:$0x1F8A0]  }
.Ltmp3:
0x3d6: {  	v30 =	vor.u32 v51, v28;
	v3 =	vmov v32;
	v52 =	vmul.f32 v15, v38;
	v35 =	vld [tilespmem:$0x1FFC0];
	(pc) =	sbr.rel @p0 .LBB2_9-.Ltmp3, $4  }
0x3d7: {  	[tilespmem:$0x1F840] =	vst v3;
	v12 =	vld.idx.msk [tilespmem:v19+s26+$0x0], $0xffff;
	v6 =	vmul.f32 v17, v38;
	v4 =	vadd.f32 v2, v4  }
0x3d8: {  	v54 =	vmul.f32 v7, v16;
	v8 =	vor.u32 v40, v28;
	v28 =	vmul.f32 v9, v16;
	v2 =	vld.idx.msk [tilespmem:v18+s26+$0x0], $0xffff  }
0x3d9: {  	[tilespmem:$0x1F8A0] =	vst v6;
	v4 =	vadd.f32 v56, v4;
	v56 =	vmul.f32 v1, v38;
	v1 =	vmov v47;
	v47 =	vld [tilespmem:$0x1FF90]  }
0x3da: {  	s18 =	sadd.s32 $0x4, s18;
	v9 =	vmul.f32 v39, v48;
	[tilespmem:$0x1F850] =	vst v1;
	v60 =	vadd.f32 v5, v33;
	v5 =	vld.idx.msk [tilespmem:v46+s26+$0x0], $0xffff  }
0x3db: {  	v1 =	vld [tilespmem:$0x1F7E0];
	_ =	sdelay $0x4  }
0x3dc: {  	v1 =	vsub.f32 $0.0e+00, v1;
	_ =	sdelay $0x1  }
0x3dd: {  	[tilespmem:$0x1F670] =	vst v1;
	v1 =	vand.u32 $0x7FFFFFFF, v1  }
0x3de: {  	v1 =	vsub.f32 $0.0e+00, v1;
	_ =	sdelay $0x1  }
0x3df: {  	v1 =	vmul.f32 $1.442695020e+00, v1;
	_ =	sdelay $0x1  }
0x3e0: {  	(erf) = vpow2.f32 v1;
	_ =	sdelay $0x2  }
0x3e1: {  	v33 =	vld [tilespmem:$0x1F810];
	_ =	sdelay $0x4  }
0x3e2: {  	v1 =	vand.u32 $0x7FFFFFFF, v33  }
0x3e3: {  	v1 =	vsub.f32 $0.0e+00, v1;
	v3 =	vpop (erf)  }
0x3e4: {  	v6 =	vadd.f32 $2.000000000e+00, v3  }
0x3e5: {  	v1 =	vmul.f32 $1.442695020e+00, v1  }
0x3e6: {  	(erf) = vrcp.f32 v6  }
0x3e7: {  	(erf) = vpow2.f32 v1;
	_ =	sdelay $0x2  }
0x3e8: {  	v37 =	vld [tilespmem:$0x1F7A0];
	_ =	sdelay $0x4  }
0x3e9: {  	v1 =	vand.u32 $0x7FFFFFFF, v37;
	v16 =	vpop (erf)  }
0x3ea: {  	v1 =	vsub.f32 $0.0e+00, v1;
	v17 =	vpop (erf)  }
0x3eb: {  	v32 =	vadd.f32 $2.000000000e+00, v17  }
0x3ec: {  	v1 =	vmul.f32 $1.442695020e+00, v1  }
0x3ed: {  	(erf) = vrcp.f32 v32  }
0x3ee: {  	(erf) = vpow2.f32 v1;
	_ =	sdelay $0x3  }
0x3ef: {  	v39 =	vld [tilespmem:$0x1F790];
	_ =	sdelay $0x3  }
0x3f0: {  	v7 =	vpop (erf)  }
0x3f1: {  	v1 =	vand.u32 $0x7FFFFFFF, v39;
	v15 =	vpop (erf)  }
0x3f2: {  	v1 =	vsub.f32 $0.0e+00, v1;
	v35 =	vadd.f32 $2.000000000e+00, v15;
	_ =	sdelay $0x1  }
0x3f3: {  	v1 =	vmul.f32 $1.442695020e+00, v1;
	(erf) = vrcp.f32 v35;
	_ =	sdelay $0x1  }
0x3f4: {  	(erf) = vpow2.f32 v1;
	_ =	sdelay $0x2  }
0x3f5: {  	v45 =	vld [tilespmem:$0x1F770];
	_ =	sdelay $0x3  }
0x3f6: {  	v1 =	vpop (erf)  }
0x3f7: {  	[tilespmem:$0x1F640] =	vst v1;
	v1 =	vand.u32 $0x7FFFFFFF, v45  }
0x3f8: {  	v32 =	vpop (erf);
	v40 =	vsub.f32 $0.0e+00, v1  }
0x3f9: {  	v13 =	vadd.f32 $2.000000000e+00, v32  }
0x3fa: {  	v6 =	vmul.f32 $1.442695020e+00, v40  }
0x3fb: {  	(erf) = vrcp.f32 v13  }
0x3fc: {  	(erf) = vpow2.f32 v6;
	_ =	sdelay $0x2  }
0x3fd: {  	v40 =	vld [tilespmem:$0x1F780];
	_ =	sdelay $0x4  }
0x3fe: {  	v41 =	vand.u32 $0x7FFFFFFF, v40;
	v1 =	vpop (erf)  }
0x3ff: {  	v42 =	vsub.f32 $0.0e+00, v41;
	v6 =	vpop (erf)  }
0x400: {  	v18 =	vadd.f32 $2.000000000e+00, v6  }
0x401: {  	v13 =	vmul.f32 $1.442695020e+00, v42  }
0x402: {  	(erf) = vrcp.f32 v18  }
0x403: {  	(erf) = vpow2.f32 v13;
	_ =	sdelay $0x2  }
0x404: {  	v46 =	vld [tilespmem:$0x1F7F0];
	_ =	sdelay $0x4  }
0x405: {  	v43 =	vand.u32 $0x7FFFFFFF, v46;
	[tilespmem:$0x1F650] =	vst v1;
	v1 =	vpop (erf)  }
0x406: {  	v18 =	vsub.f32 $0.0e+00, v43;
	v13 =	vpop (erf)  }
0x407: {  	v19 =	vadd.f32 $2.000000000e+00, v13  }
0x408: {  	v18 =	vmul.f32 $1.442695020e+00, v18  }
0x409: {  	(erf) = vrcp.f32 v19  }
0x40a: {  	(erf) = vpow2.f32 v18;
	_ =	sdelay $0x7  }
0x40b: {  	[tilespmem:$0x1F660] =	vst v1;
	v1 =	vpop (erf)  }
0x40c: {  	v51 =	vld [tilespmem:$0x1F7D0];
	[tilespmem:$0x1F680] =	vst v1;
	v1 =	vpop (erf)  }
0x40d: {  	v19 =	vadd.f32 $2.000000000e+00, v1;
	_ =	sdelay $0x1  }
0x40e: {  	(erf) = vrcp.f32 v19;
	_ =	sdelay $0x1  }
0x40f: {  	v18 =	vand.u32 $0x7FFFFFFF, v51  }
0x410: {  	v18 =	vsub.f32 $0.0e+00, v18;
	_ =	sdelay $0x1  }
0x411: {  	v18 =	vmul.f32 $1.442695020e+00, v18;
	_ =	sdelay $0x1  }
0x412: {  	(erf) = vpow2.f32 v18;
	_ =	sdelay $0x1  }
0x413: {  	[tilespmem:$0x1F690] =	vst v1;
	v1 =	vpop (erf)  }
0x414: {  	[tilespmem:$0x1F6A0] =	vst v1;
	v1 =	vld [tilespmem:$0x1F820];
	_ =	sdelay $0x4  }
0x415: {  	v18 =	vand.u32 $0x7FFFFFFF, v1  }
0x416: {  	v1 =	vpop (erf);
	v18 =	vsub.f32 $0.0e+00, v18  }
0x417: {  	v19 =	vadd.f32 $2.000000000e+00, v1  }
0x418: {  	v18 =	vmul.f32 $1.442695020e+00, v18  }
0x419: {  	(erf) = vrcp.f32 v19  }
0x41a: {  	(erf) = vpow2.f32 v18;
	_ =	sdelay $0x2  }
0x41b: {  	v18 =	vld [tilespmem:$0x1F760];
	_ =	sdelay $0x4  }
0x41c: {  	[tilespmem:$0x1F6B0] =	vst v1;
	v18 =	vand.u32 $0x7FFFFFFF, v18;
	v1 =	vpop (erf)  }
0x41d: {  	v18 =	vsub.f32 $0.0e+00, v18;
	[tilespmem:$0x1F6C0] =	vst v1;
	v1 =	vpop (erf)  }
0x41e: {  	v19 =	vadd.f32 $2.000000000e+00, v1  }
0x41f: {  	v18 =	vmul.f32 $1.442695020e+00, v18  }
0x420: {  	(erf) = vrcp.f32 v19  }
0x421: {  	(erf) = vpow2.f32 v18;
	_ =	sdelay $0x2  }
0x422: {  	v18 =	vld [tilespmem:$0x1F7C0];
	_ =	sdelay $0x4  }
0x423: {  	[tilespmem:$0x1F6D0] =	vst v1;
	v18 =	vand.u32 $0x7FFFFFFF, v18;
	v1 =	vpop (erf)  }
0x424: {  	v18 =	vsub.f32 $0.0e+00, v18;
	[tilespmem:$0x1F6E0] =	vst v1;
	v1 =	vpop (erf)  }
0x425: {  	v19 =	vadd.f32 $2.000000000e+00, v1  }
0x426: {  	v11 =	vmul.f32 v11, v48;
	v18 =	vmul.f32 $1.442695020e+00, v18  }
0x427: {  	(erf) = vrcp.f32 v19  }
0x428: {  	v4 =	vadd.f32 v11, v4;
	(erf) = vpow2.f32 v18;
	_ =	sdelay $0x1  }
0x429: {  	v4 =	vadd.f32 v28, v4;
	_ =	sdelay $0x1  }
0x42a: {  	v4 =	vadd.f32 v10, v4  }
0x42b: {  	[tilespmem:$0x1F6F0] =	vst v1  }
0x42c: {  	v56 =	vadd.f32 v56, v4;
	v44 =	vld.idx.msk [tilespmem:v34+s26+$0x0], $0xffff;
	_ =	sdelay $0x1  }
0x42d: {  	v47 =	vand.u32 $0x7FFFFFFF, v56;
	v4 =	vpop (erf)  }
0x42e: {  	v11 =	vsub.f32 $0.0e+00, v47;
	v34 =	vpop (erf)  }
0x42f: {  	v18 =	vld.idx.msk [tilespmem:v24+s26+$0x0], $0xffff;
	v19 =	vadd.f32 $2.000000000e+00, v34  }
0x430: {  	v11 =	vmul.f32 $1.442695020e+00, v11;
	v10 =	vmul.f32 v44, v48  }
0x431: {  	(erf) = vrcp.f32 v19  }
0x432: {  	v10 =	vadd.f32 v10, v63;
	(erf) = vpow2.f32 v11;
	_ =	sdelay $0x1  }
0x433: {  	v63 =	vmul.f32 v18, v27;
	v10 =	vadd.f32 v62, v10;
	_ =	sdelay $0x1  }
0x434: {  	v35 =	vmul.f32 v57, v38;
	v10 =	vadd.f32 v63, v10;
	_ =	sdelay $0x1  }
0x435: {  	v57 =	vadd.f32 v35, v10;
	_ =	sdelay $0x1  }
0x436: {  	v10 =	vand.u32 $0x7FFFFFFF, v57;
	v62 =	vpop (erf)  }
0x437: {  	v10 =	vsub.f32 $0.0e+00, v10;
	v28 =	vpop (erf)  }
0x438: {  	v0 =	vld.idx.msk [tilespmem:v0+s26+$0x0], $0xffff;
	v41 =	vadd.f32 $2.000000000e+00, v28  }
0x439: {  	v14 =	vmul.f32 v14, v48;
	v10 =	vmul.f32 $1.442695020e+00, v10  }
0x43a: {  	(erf) = vrcp.f32 v41  }
0x43b: {  	v42 =	vadd.f32 v14, v29;
	(erf) = vpow2.f32 v10;
	_ =	sdelay $0x1  }
0x43c: {  	v43 =	vadd.f32 v25, v42;
	v0 =	vmul.f32 v0, v27;
	_ =	sdelay $0x1  }
0x43d: {  	v0 =	vadd.f32 v0, v43;
	_ =	sdelay $0x1  }
0x43e: {  	v52 =	vadd.f32 v52, v0;
	_ =	sdelay $0x1  }
0x43f: {  	v0 =	vand.u32 $0x7FFFFFFF, v52;
	v29 =	vpop (erf)  }
0x440: {  	v0 =	vsub.f32 $0.0e+00, v0;
	v24 =	vpop (erf)  }
0x441: {  	v47 =	vmul.f32 v12, v48;
	v44 =	vadd.f32 $2.000000000e+00, v24  }
0x442: {  	v14 =	vmul.f32 v31, v48;
	v31 =	vld [tilespmem:$0x1F850];
	v0 =	vmul.f32 $1.442695020e+00, v0  }
0x443: {  	v8 =	vld.idx.msk [tilespmem:v8+s26+$0x0], $0xffff;
	v63 =	vadd.f32 v47, v60;
	(erf) = vrcp.f32 v44  }
0x444: {  	v41 =	vld [tilespmem:$0x1F8A0];
	(erf) = vpow2.f32 v0;
	v0 =	vmul.f32 v5, v48  }
0x445: {  	v42 =	vld.idx.msk [tilespmem:v22+s26+$0x0], $0xffff;
	v12 =	vadd.f32 v53, v63  }
0x446: {  	v35 =	vld.idx.msk [tilespmem:v30+s26+$0x0], $0xffff;
	v0 =	vadd.f32 v0, v59  }
0x447: {  	v7 =	vmul.f32 v7, v17;
	v5 =	vadd.f32 v31, v12  }
0x448: {  	v2 =	vmul.f32 v2, v27;
	v3 =	vmul.f32 v16, v3;
	v0 =	vadd.f32 v50, v0  }
0x449: {  	v8 =	vmul.f32 v8, v48;
	v43 =	vmul.f32 v7, v7;
	v50 =	vadd.f32 v41, v5  }
0x44a: {  	v5 =	vmul.f32 v42, v38;
	v0 =	vadd.f32 v2, v0;
	v2 =	vmul.f32 v3, v3  }
0x44b: {  	v1 =	vld [tilespmem:$0x1F640];
	v8 =	vadd.f32 v8, v21;
	v17 =	vmul.f32 $1.111111120e-01, v43;
	v11 =	vmul.f32 v35, v48  }
0x44c: {  	v44 =	vmul.f32 v55, v48;
	v16 =	vmul.f32 $1.111111120e-01, v2;
	v48 =	vadd.f32 v5, v0;
	v0 =	vld [tilespmem:$0x1F7B0]  }
0x44d: {  	v17 =	vadd.f32 $1.428571490e-01, v17;
	v47 =	vld [tilespmem:$0x1F860];
	v10 =	vadd.f32 v14, v26;
	v12 =	vand.u32 $0x7FFFFFFF, v50;
	v26 =	vpop (erf)  }
0x44e: {  	v55 =	vld [tilespmem:$0x1F8C0];
	v12 =	vsub.f32 $0.0e+00, v12;
	v25 =	vpop (erf);
	v16 =	vadd.f32 $1.428571490e-01, v16  }
0x44f: {  	v10 =	vadd.f32 v54, v10;
	v54 =	vmul.f32 v17, v43;
	v18 =	vadd.f32 $2.000000000e+00, v25  }
0x450: {  	v9 =	vadd.f32 v9, v23;
	v12 =	vmul.f32 $1.442695020e+00, v12;
	v53 =	vmul.f32 v16, v2  }
0x451: {  	v22 =	vadd.f32 v58, v8;
	(erf) = vrcp.f32 v18;
	v0 =	vmul.f32 v0, v27  }
0x452: {  	v58 =	vld [tilespmem:$0x1F8B0];
	v5 =	vadd.f32 v47, v9;
	(erf) = vpow2.f32 v12;
	v9 =	vadd.f32 $2.000000030e-01, v53  }
0x453: {  	v60 =	vld [tilespmem:$0x1F880];
	v0 =	vadd.f32 v0, v10;
	v10 =	vadd.f32 v11, v55;
	v11 =	vmul.f32 v1, v15  }
0x454: {  	v16 =	vld [tilespmem:$0x1F840];
	v9 =	vmul.f32 v9, v2  }
0x455: {  	v19 =	vand.u32 $0x7FFFFFFF, v48;
	v12 =	vadd.f32 $2.000000030e-01, v54;
	v1 =	vld [tilespmem:$0x1F650];
	v59 =	vmul.f32 v11, v11  }
0x456: {  	v31 =	vsub.f32 $0.0e+00, v19;
	v9 =	vadd.f32 $3.333333430e-01, v9  }
0x457: {  	v12 =	vmul.f32 v12, v43;
	v23 =	vadd.f32 v58, v0;
	v30 =	vmul.f32 $1.111111120e-01, v59  }
0x458: {  	v0 =	vadd.f32 v44, v20;
	v10 =	vadd.f32 v60, v10;
	v9 =	vmul.f32 v9, v2  }
0x459: {  	v17 =	vmul.f32 v36, v27;
	v12 =	vadd.f32 $3.333333430e-01, v12;
	v18 =	vadd.f32 $1.428571490e-01, v30  }
0x45a: {  	v16 =	vadd.f32 v16, v5;
	v44 =	vld [tilespmem:$0x1F670];
	v1 =	vmul.f32 v1, v32;
	v5 =	vpop (erf);
	v9 =	vadd.f32 $1.000000000e+00, v9  }
0x45b: {  	v61 =	vld.idx.msk [tilespmem:v61+s26+$0x0], $0xffff;
	v8 =	vmul.f32 v12, v43;
	v10 =	vadd.f32 v17, v10;
	v2 =	vpop (erf);
	v18 =	vmul.f32 v18, v59  }
0x45c: {  	v41 =	vld [tilespmem:$0x1F660];
	v19 =	vmul.f32 v1, v1;
	v20 =	vadd.f32 $2.000000000e+00, v2;
	v3 =	vmul.f32 v9, v3  }
0x45d: {  	v55 =	vld [tilespmem:$0x1FA60];
	v12 =	vmul.f32 $1.442695020e+00, v31;
	v32 =	vmul.f32 v49, v38;
	v17 =	vadd.f32 $2.000000030e-01, v18  }
0x45e: {  	(erf) = vrcp.f32 v20;
	v18 =	vmul.f32 $1.111111120e-01, v19;
	v3 =	vadd.f32 v3, v3  }
0x45f: {  	v63 =	vld [tilespmem:$0x1F890];
	v8 =	vadd.f32 $1.000000000e+00, v8;
	(erf) = vpow2.f32 v12;
	v12 =	vmax.f32 v44, $0.0e+00  }
0x460: {  	v35 =	vmul.f32 v17, v59;
	v17 =	vadd.f32 $1.428571490e-01, v18;
	v3 =	vadd.f32 v3, v12  }
0x461: {  	v7 =	vmul.f32 v8, v7;
	v9 =	vmul.f32 v41, v6  }
0x462: {  	v15 =	vmul.f32 v61, v27;
	v43 =	vmul.f32 v17, v19;
	v17 =	vadd.f32 v3, v55;
	v3 =	vld [tilespmem:$0x1F680]  }
0x463: {  	v36 =	vadd.f32 v32, v10;
	v7 =	vadd.f32 v7, v7;
	v14 =	vmul.f32 v9, v9  }
0x464: {  	v0 =	vadd.f32 v63, v0;
	v49 =	vmax.f32 v33, $0.0e+00;
	v42 =	vadd.f32 $3.333333430e-01, v35  }
0x465: {  	v7 =	vadd.f32 v7, v49;
	v18 =	vand.u32 $0x7FFFFFFF, v36;
	v54 =	vmul.f32 $1.111111120e-01, v14  }
0x466: {  	v30 =	vld [tilespmem:$0x1F870];
	v18 =	vsub.f32 $0.0e+00, v18;
	v6 =	vmul.f32 v42, v59;
	v47 =	vadd.f32 $2.000000030e-01, v43  }
0x467: {  	v35 =	vld [tilespmem:$0x1F690];
	v59 =	vadd.f32 $1.428571490e-01, v54;
	v7 =	vadd.f32 v17, v7;
	v13 =	vmul.f32 v3, v13  }
0x468: {  	v17 =	vmul.f32 $1.442695020e+00, v18;
	v18 =	vmax.f32 v37, $0.0e+00;
	v37 =	vld [tilespmem:$0x1F6A0];
	v53 =	vadd.f32 $1.000000000e+00, v6  }
0x469: {  	v8 =	vmul.f32 v47, v19;
	v60 =	vmul.f32 v13, v13  }
0x46a: {  	v0 =	vadd.f32 v15, v0;
	v6 =	vpop (erf);
	v58 =	vmul.f32 v53, v11;
	v11 =	vmul.f32 v59, v14  }
0x46b: {  	v41 =	vld [tilespmem:$0x1F6B0];
	v21 =	vadd.f32 v30, v16;
	v8 =	vadd.f32 $3.333333430e-01, v8;
	v3 =	vpop (erf);
	v63 =	vmul.f32 $1.111111120e-01, v60  }
0x46c: {  	v42 =	vld [tilespmem:$0x1F6C0];
	v61 =	vadd.f32 $2.000000000e+00, v3;
	v11 =	vadd.f32 $2.000000030e-01, v11  }
0x46d: {  	v8 =	vmul.f32 v8, v19;
	v16 =	vmul.f32 v37, v35;
	v15 =	vadd.f32 $1.428571490e-01, v63  }
0x46e: {  	v10 =	vadd.f32 v58, v58;
	(erf) = vrcp.f32 v61;
	v31 =	vmul.f32 v11, v14  }
0x46f: {  	v8 =	vadd.f32 $1.000000000e+00, v8;
	(erf) = vpow2.f32 v17;
	v32 =	vmul.f32 v15, v60  }
0x470: {  	v10 =	vadd.f32 v10, v18;
	v49 =	vmul.f32 v16, v16;
	v44 =	vadd.f32 $3.333333430e-01, v31  }
0x471: {  	v20 =	vld [tilespmem:$0x1F800];
	v17 =	vmul.f32 v42, v41;
	v1 =	vmul.f32 v8, v1;
	v47 =	vadd.f32 $2.000000030e-01, v32  }
0x472: {  	v33 =	vadd.f32 v7, v10;
	v53 =	vmul.f32 $1.111111120e-01, v49;
	v7 =	vmul.f32 v44, v14  }
0x473: {  	v18 =	vmul.f32 v17, v17;
	v1 =	vadd.f32 v1, v1;
	v8 =	vmul.f32 v47, v60  }
0x474: {  	v19 =	vmax.f32 v39, $0.0e+00;
	v14 =	vadd.f32 $1.428571490e-01, v53;
	v7 =	vadd.f32 $1.000000000e+00, v7  }
0x475: {  	v43 =	vld [tilespmem:$0x1F750];
	v1 =	vadd.f32 v1, v19;
	v19 =	vmul.f32 $1.111111120e-01, v18;
	v54 =	vadd.f32 $3.333333430e-01, v8  }
0x476: {  	v20 =	vmul.f32 v20, v38;
	v55 =	vand.u32 $0x7FFFFFFF, v23;
	v61 =	vld [tilespmem:$0x1F6E0]  }
0x477: {  	v14 =	vmul.f32 v14, v49;
	v19 =	vadd.f32 $1.428571490e-01, v19;
	v8 =	vpop (erf);
	v12 =	vmul.f32 v54, v60;
	v60 =	vld [tilespmem:$0x1F6D0]  }
0x478: {  	v58 =	vsub.f32 $0.0e+00, v55;
	v9 =	vmul.f32 v7, v9;
	v1 =	vadd.f32 v33, v1;
	v7 =	vpop (erf)  }
0x479: {  	v14 =	vadd.f32 $2.000000030e-01, v14;
	v33 =	vld [tilespmem:$0x1F6F0];
	v19 =	vmul.f32 v19, v18;
	v59 =	vadd.f32 $2.000000000e+00, v7  }
0x47a: {  	v0 =	vadd.f32 v20, v0;
	v30 =	vmul.f32 $1.442695020e+00, v58;
	v10 =	vmul.f32 v43, v38  }
0x47b: {  	v14 =	vmul.f32 v14, v49;
	v19 =	vadd.f32 $2.000000030e-01, v19;
	(erf) = vrcp.f32 v59  }
0x47c: {  	v9 =	vadd.f32 v9, v9;
	v15 =	vmul.f32 v61, v60;
	(erf) = vpow2.f32 v30  }
0x47d: {  	v63 =	vmax.f32 v45, $0.0e+00;
	v37 =	vadd.f32 $3.333333430e-01, v14;
	v19 =	vmul.f32 v19, v18  }
0x47e: {  	v9 =	vadd.f32 v9, v63;
	v4 =	vmul.f32 v4, v33;
	v35 =	vmul.f32 v15, v15  }
0x47f: {  	v12 =	vadd.f32 $1.000000000e+00, v12;
	v39 =	vmul.f32 v37, v49;
	v38 =	vadd.f32 $3.333333430e-01, v19  }
0x480: {  	v1 =	vadd.f32 v1, v9;
	v20 =	vmul.f32 v4, v4;
	v19 =	vmul.f32 $1.111111120e-01, v35  }
0x481: {  	v12 =	vmul.f32 v12, v13;
	v9 =	vadd.f32 $1.000000000e+00, v39;
	v41 =	vmul.f32 v38, v18  }
0x482: {  	v44 =	vand.u32 $0x7FFFFFFF, v0;
	v43 =	vmul.f32 $1.111111120e-01, v20  }
0x483: {  	v47 =	vld [tilespmem:$0x1F830];
	v12 =	vadd.f32 v12, v12;
	v18 =	vmax.f32 v40, $0.0e+00;
	v11 =	vadd.f32 $1.000000000e+00, v41  }
0x484: {  	v16 =	vmul.f32 v9, v16;
	v14 =	vadd.f32 $1.428571490e-01, v43;
	v42 =	vadd.f32 $1.428571490e-01, v19;
	v19 =	vpop (erf)  }
0x485: {  	v12 =	vadd.f32 v12, v18;
	v11 =	vmul.f32 v11, v17;
	v17 =	vsub.f32 $0.0e+00, v44;
	v9 =	vpop (erf)  }
0x486: {  	v18 =	vmul.f32 v62, v34;
	v14 =	vmul.f32 v14, v20;
	v45 =	vadd.f32 $2.000000000e+00, v9  }
0x487: {  	v17 =	vmul.f32 $1.442695020e+00, v17;
	v13 =	vmul.f32 v42, v35  }
0x488: {  	v14 =	vadd.f32 $2.000000030e-01, v14;
	(erf) = vrcp.f32 v45  }
0x489: {  	v13 =	vadd.f32 $2.000000030e-01, v13;
	(erf) = vpow2.f32 v17;
	v17 =	vmul.f32 v18, v18  }
0x48a: {  	v46 =	vmax.f32 v46, $0.0e+00;
	v16 =	vadd.f32 v16, v16;
	v14 =	vmul.f32 v14, v20  }
0x48b: {  	v1 =	vadd.f32 v1, v12;
	v12 =	vld.idx.msk [tilespmem:v47+s26+$0x0], $0xffff;
	v13 =	vmul.f32 v13, v35;
	v49 =	vmul.f32 $1.111111120e-01, v17  }
0x48c: {  	v28 =	vmul.f32 v29, v28;
	v16 =	vadd.f32 v16, v46;
	v14 =	vadd.f32 $3.333333430e-01, v14  }
0x48d: {  	v29 =	vmax.f32 v51, $0.0e+00;
	v13 =	vadd.f32 $3.333333430e-01, v13;
	v53 =	vadd.f32 $1.428571490e-01, v49  }
0x48e: {  	v11 =	vadd.f32 v11, v11;
	v14 =	vmul.f32 v14, v20;
	v20 =	vmul.f32 v28, v28  }
0x48f: {  	v1 =	vadd.f32 v1, v16;
	v13 =	vmul.f32 v13, v35;
	v16 =	vmul.f32 v53, v17  }
0x490: {  	v11 =	vadd.f32 v11, v29;
	v12 =	vmul.f32 v12, v27;
	v27 =	vand.u32 $0x7FFFFFFF, v21  }
0x491: {  	v58 =	vmul.f32 $1.111111120e-01, v20;
	v13 =	vadd.f32 $1.000000000e+00, v13;
	v55 =	vadd.f32 $2.000000030e-01, v16  }
0x492: {  	v24 =	vmul.f32 v26, v24;
	v27 =	vsub.f32 $0.0e+00, v27;
	v54 =	vadd.f32 $1.000000000e+00, v14;
	v59 =	vpop (erf)  }
0x493: {  	v13 =	vmul.f32 v13, v15;
	v15 =	vadd.f32 $1.428571490e-01, v58;
	v29 =	vpop (erf);
	v14 =	vmul.f32 v55, v17  }
0x494: {  	v5 =	vmul.f32 v5, v25;
	v2 =	vmul.f32 v6, v2;
	v16 =	vld [tilespmem:$0x1F820];
	v26 =	vadd.f32 $2.000000000e+00, v29  }
0x495: {  	v27 =	vmul.f32 $1.442695020e+00, v27;
	v15 =	vmul.f32 v15, v20;
	v14 =	vadd.f32 $3.333333430e-01, v14  }
0x496: {  	v3 =	vmul.f32 v8, v3;
	(erf) = vrcp.f32 v26  }
0x497: {  	v15 =	vadd.f32 $2.000000030e-01, v15;
	(erf) = vpow2.f32 v27;
	v14 =	vmul.f32 v14, v17;
	v17 =	vld [tilespmem:$0x1F760]  }
0x498: {  	v38 =	vmul.f32 v3, v3;
	v1 =	vadd.f32 v1, v11;
	v13 =	vadd.f32 v13, v13  }
0x499: {  	v4 =	vmul.f32 v54, v4;
	v16 =	vmax.f32 v16, $0.0e+00;
	v15 =	vmul.f32 v15, v20  }
0x49a: {  	v12 =	vadd.f32 v12, v22;
	v13 =	vadd.f32 v13, v16;
	v16 =	vmul.f32 v24, v24  }
0x49b: {  	v62 =	vmul.f32 v5, v5;
	v4 =	vadd.f32 v4, v4;
	v15 =	vadd.f32 $3.333333430e-01, v15  }
0x49c: {  	v60 =	vmul.f32 $1.111111120e-01, v16;
	v14 =	vadd.f32 $1.000000000e+00, v14;
	v17 =	vmax.f32 v17, $0.0e+00  }
0x49d: {  	v41 =	vmax.f32 v57, $0.0e+00;
	v17 =	vadd.f32 v4, v17;
	v4 =	vadd.f32 v10, v12  }
0x49e: {  	v63 =	vld [tilespmem:$0x1F7C0];
	v7 =	vmul.f32 v19, v7;
	v1 =	vadd.f32 v1, v13;
	v13 =	vadd.f32 $1.428571490e-01, v60  }
0x49f: {  	v22 =	vmul.f32 v2, v2;
	v14 =	vmul.f32 v14, v18;
	v30 =	vpop (erf);
	v18 =	vand.u32 $0x7FFFFFFF, v4  }
0x4a0: {  	v15 =	vmul.f32 v15, v20;
	v61 =	vmul.f32 v13, v16;
	v20 =	vpop (erf);
	v18 =	vsub.f32 $0.0e+00, v18  }
0x4a1: {  	v31 =	vmul.f32 $1.111111120e-01, v22;
	v1 =	vadd.f32 v1, v17;
	v25 =	vadd.f32 $2.000000000e+00, v20  }
0x4a2: {  	v10 =	vadd.f32 $2.000000030e-01, v61;
	v17 =	vmul.f32 $1.111111120e-01, v62;
	v18 =	vmul.f32 $1.442695020e+00, v18  }
0x4a3: {  	v13 =	vmax.f32 v63, $0.0e+00;
	v14 =	vadd.f32 v14, v14;
	(erf) = vrcp.f32 v25  }
0x4a4: {  	v10 =	vmul.f32 v10, v16;
	v17 =	vadd.f32 $1.428571490e-01, v17;
	(erf) = vpow2.f32 v18  }
0x4a5: {  	v42 =	vmul.f32 $1.111111120e-01, v38;
	v32 =	vadd.f32 $1.428571490e-01, v31;
	v13 =	vadd.f32 v14, v13  }
0x4a6: {  	v46 =	vmul.f32 v7, v7;
	v10 =	vadd.f32 $3.333333430e-01, v10;
	v17 =	vmul.f32 v17, v62  }
0x4a7: {  	v9 =	vmul.f32 v59, v9;
	v1 =	vadd.f32 v1, v13;
	v13 =	vmul.f32 v32, v22  }
0x4a8: {  	v15 =	vadd.f32 $1.000000000e+00, v15;
	v10 =	vmul.f32 v10, v16;
	v16 =	vadd.f32 $2.000000030e-01, v17  }
0x4a9: {  	v47 =	vmul.f32 $1.111111120e-01, v46;
	v51 =	vmul.f32 v9, v9;
	v13 =	vadd.f32 $2.000000030e-01, v13  }
0x4aa: {  	v44 =	vadd.f32 $1.428571490e-01, v42;
	v15 =	vmul.f32 v15, v28;
	v34 =	vmul.f32 v16, v62  }
0x4ab: {  	v35 =	vmax.f32 v56, $0.0e+00;
	v13 =	vmul.f32 v13, v22;
	v10 =	vadd.f32 $1.000000000e+00, v10  }
0x4ac: {  	v53 =	vmul.f32 $1.111111120e-01, v51;
	v33 =	vadd.f32 v15, v15;
	v37 =	vadd.f32 $3.333333430e-01, v34;
	v16 =	vpop (erf)  }
0x4ad: {  	v43 =	vadd.f32 $3.333333430e-01, v13;
	v13 =	vmul.f32 v44, v38;
	v10 =	vmul.f32 v10, v24;
	v45 =	vpop (erf)  }
0x4ae: {  	v8 =	vadd.f32 v33, v35;
	v40 =	vmul.f32 v37, v62;
	v17 =	vadd.f32 $2.000000000e+00, v45  }
0x4af: {  	v12 =	vmul.f32 v43, v22;
	v13 =	vadd.f32 $2.000000030e-01, v13;
	v39 =	vadd.f32 v10, v10  }
0x4b0: {  	v1 =	vadd.f32 v8, v1;
	v10 =	vadd.f32 $1.000000000e+00, v40;
	(erf) = vrcp.f32 v17  }
0x4b1: {  	v12 =	vadd.f32 $1.000000000e+00, v12;
	v49 =	vmul.f32 v13, v38;
	v8 =	vadd.f32 v39, v41  }
0x4b2: {  	v6 =	vmul.f32 v30, v29;
	v13 =	vadd.f32 $1.428571490e-01, v53;
	v5 =	vmul.f32 v10, v5  }
0x4b3: {  	v2 =	vmul.f32 v12, v2;
	v11 =	vadd.f32 $3.333333430e-01, v49;
	v1 =	vadd.f32 v8, v1  }
0x4b4: {  	v13 =	vmul.f32 v13, v51;
	v8 =	vadd.f32 $1.428571490e-01, v47;
	v5 =	vadd.f32 v5, v5  }
0x4b5: {  	v2 =	vadd.f32 v2, v2;
	v11 =	vmul.f32 v11, v38;
	v17 =	vmax.f32 v52, $0.0e+00  }
0x4b6: {  	v56 =	vadd.f32 $2.000000030e-01, v13;
	v52 =	vmax.f32 v50, $0.0e+00;
	v5 =	vadd.f32 v5, v17  }
0x4b7: {  	v8 =	vmul.f32 v8, v46;
	v11 =	vadd.f32 $1.000000000e+00, v11;
	v17 =	vmul.f32 v6, v6  }
0x4b8: {  	v54 =	vmul.f32 v16, v20;
	v2 =	vadd.f32 v2, v52;
	v1 =	vadd.f32 v5, v1  }
0x4b9: {  	v8 =	vadd.f32 $2.000000030e-01, v8;
	v3 =	vmul.f32 v11, v3;
	v55 =	vmul.f32 $1.111111120e-01, v17;
	v16 =	vpop (erf)  }
0x4ba: {  	v1 =	vadd.f32 v2, v1;
	v2 =	vmul.f32 v54, v54;
	v14 =	vmul.f32 v16, v45  }
0x4bb: {  	v11 =	vmul.f32 v56, v51;
	v8 =	vmul.f32 v8, v46;
	v15 =	vadd.f32 $1.428571490e-01, v55  }
0x4bc: {  	v16 =	vmul.f32 $1.111111120e-01, v2;
	v18 =	vmul.f32 v14, v14  }
0x4bd: {  	v11 =	vadd.f32 $3.333333430e-01, v11;
	v57 =	vmul.f32 v15, v17  }
0x4be: {  	v8 =	vadd.f32 $3.333333430e-01, v8;
	v58 =	vadd.f32 $1.428571490e-01, v16;
	v59 =	vmul.f32 $1.111111120e-01, v18  }
0x4bf: {  	v3 =	vadd.f32 v3, v3;
	v5 =	vmul.f32 v11, v51;
	v13 =	vadd.f32 $2.000000030e-01, v57  }
0x4c0: {  	v8 =	vmul.f32 v8, v46;
	v10 =	vmul.f32 v58, v2;
	v15 =	vadd.f32 $1.428571490e-01, v59  }
0x4c1: {  	v5 =	vadd.f32 $1.000000000e+00, v5;
	v16 =	vmax.f32 v48, $0.0e+00;
	v13 =	vmul.f32 v13, v17  }
0x4c2: {  	v3 =	vadd.f32 v3, v16;
	v10 =	vadd.f32 $2.000000030e-01, v10;
	v15 =	vmul.f32 v15, v18  }
0x4c3: {  	v8 =	vadd.f32 $1.000000000e+00, v8;
	v60 =	vadd.f32 $3.333333430e-01, v13  }
0x4c4: {  	v1 =	vadd.f32 v3, v1;
	v3 =	vmul.f32 v10, v2;
	v61 =	vadd.f32 $2.000000030e-01, v15  }
0x4c5: {  	v7 =	vmul.f32 v8, v7;
	v8 =	vmul.f32 v60, v17  }
0x4c6: {  	v5 =	vmul.f32 v5, v9;
	v3 =	vadd.f32 $3.333333430e-01, v3;
	v10 =	vmul.f32 v61, v18  }
0x4c7: {  	v62 =	vmax.f32 v36, $0.0e+00;
	v7 =	vadd.f32 v7, v7;
	v8 =	vadd.f32 $1.000000000e+00, v8  }
0x4c8: {  	v5 =	vadd.f32 v5, v5;
	v2 =	vmul.f32 v3, v2;
	v3 =	vadd.f32 $3.333333430e-01, v10  }
0x4c9: {  	v63 =	vmax.f32 v23, $0.0e+00;
	v7 =	vadd.f32 v7, v62;
	v6 =	vmul.f32 v8, v6  }
0x4ca: {  	v5 =	vadd.f32 v5, v63;
	v2 =	vadd.f32 $1.000000000e+00, v2;
	v3 =	vmul.f32 v3, v18  }
0x4cb: {  	v19 =	vld [tilespmem:$0x1FF10];
	v1 =	vadd.f32 v7, v1;
	v6 =	vadd.f32 v6, v6  }
0x4cc: {  	v0 =	vmax.f32 v0, $0.0e+00;
	v27 =	vld [tilespmem:$0x1FF70];
	v2 =	vmul.f32 v2, v54;
	v3 =	vadd.f32 $1.000000000e+00, v3  }
0x4cd: {  	v23 =	vld [tilespmem:$0x1FF30];
	v1 =	vadd.f32 v5, v1;
	v0 =	vadd.f32 v6, v0  }
0x4ce: {  	v32 =	vld [tilespmem:$0x1FF80];
	v2 =	vadd.f32 v2, v2;
	v3 =	vmul.f32 v3, v14  }
0x4cf: {  	s1 =	sadd.s32 $0x1, s1;
	v33 =	vld [tilespmem:$0x1FF40];
	v0 =	vadd.f32 v0, v1;
	v1 =	vmax.f32 v21, $0.0e+00  }
0x4d0: {  	p0 =	sne.s32 s1, $0x10;
	v25 =	vld [tilespmem:$0x1FF60];
	v1 =	vadd.f32 v2, v1;
	v2 =	vadd.f32 v3, v3  }
.Ltmp4:
0x4d1: {  	v24 =	vld [tilespmem:$0x1FF50];
	v3 =	vmax.f32 v4, $0.0e+00;
	(pc) =	sbr.rel @p0 .LBB2_2-.Ltmp4, $4  }
0x4d2: {  	v20 =	vld [tilespmem:$0x1FF20];
	v0 =	vadd.f32 v1, v0;
	v1 =	vadd.f32 v2, v3  }
0x4d3: {  	v38 =	vld [tilespmem:$0x1FEF0]  }
0x4d4: {  	v18 =	vld [tilespmem:$0x1FF00];
	v0 =	vadd.f32 v1, v0  }
0x4d5: {  	v1 =	vld [tilespmem:$0x1FFF0]  }
0x4d6: {  	s0 =	sadd.s32 $0x1, s0  }
0x4d7: {  	p0 =	sne.s32 s0, s9  }
.Ltmp5:
0x4d8: {  	[tilespmem:$0x18C00] =	vst v0;
	s1 =	simm.s32 $0x18C00;
	(pc) =	sbr.rel @p0 .LBB2_1-.Ltmp5, $4  }
0x4d9: {  	[hbm4b:s8+s2] =	stream.linear.scatter [tilespmem:s1], [sflag:$0x3], $0x10, $0x38;
	[tilespmem:$0x18C10] =	vst v63  }
0x4da: {  	_ =	swait.ge [sflag:s10], $0x10  }
0x4db: {  	[sflag:s10] =	ssyncset.done $0x0  }
0x4dc: {  	[sflag:s10] =	ssyncadd.s32 $0xFFFFFFF0  }
0x4dd: {  	_ =	sfence.sel $0x180000  }
0x4de: {  	[bflag:$0x0] =	sbarrier.arrive $0xFFFF  }
0x4df: {  	_ =	strace $0x90000047  }
0x4e0: {  	s0 =	stileid.u32;
	[bflag:$0x2] =	sbarrier.arrive $0xFFFF  }
0x4e1: {  	p0 =	sne.s32 s0, $0x0;
	s0 =	rddreg [dreg:$0x3]  }
0x4e2: {  	s0 =	sadd.s32 @!p0 $0x100000, s0  }
0x4e3: {  	[sflag:s0] =	ssyncadd.tile.s32 @!p0 $0x1;
	_ =	shalt  }
.Lfunc_end2:
_tile_overlayer_lowered:
.L_overlay_start_2:
0x4e4: {  	(tag) =	ssettag $0x2  }
0x4e5: {  	s0 =	rddreg [dreg:$0x0];
	s2 =	stileid.u32  }
0x4e6: {  	s1 =	rddreg [dreg:$0x1];
	p0 =	sne.s32 s2, $0x0  }
0x4e7: {  	s3 =	rddreg [dreg:$0x2];
	[bflag:$0x3] =	sbarrier.arrive $0xFFFF;
	s2 =	simm.s32 @!p0 $0x1C03  }
0x4e8: {  	[timem:s3], [sflag:s2] =	dma.local @!p0 [hbm:s0], s1  }
0x4e9: {  	s0 =	simm.s32 @!p0 $0x3  }
0x4ea: {  	_ =	swait.ge @!p0 [sflag:s0], s1  }
0x4eb: {  	s1 =	ssub.s32 @!p0 $0x0, s1;
	[sflag:s0] =	ssyncset.done @!p0 $0x0  }
0x4ec: {  	[sflag:s0] =	ssyncadd.s32 @!p0 s1  }
0x4ed: {  	[bflag:$0x3] =	sbarrier.arrive $0xFFFF  }
0x4ee: {  	_ =	shalt  }

</sc_bundles>
